<compile_context>
chip_gen: v7x
topology: tpu7x:2x2x1
jax: 0.10.2.dev20260603
libtpu: 0.0.44.dev20260713+nightly
codegen_flags: <defaults>
</compile_context>

<pallas_src>
import functools

import jax
import jax.numpy as jnp
from jax import lax
from jax.experimental import pallas as pl
from jax.experimental.pallas import tpu as pltpu
from jax.experimental.pallas import tpu_sc as plsc

BATCH = 16384
EMBED = 64
NC = 2
NS = 16
NW = NC * NS
LANES = 16
BPW = BATCH // NW
CHUNK = 128
NCHUNK = BPW // CHUNK
NGROUP = BPW // LANES
EPS = 1e-12


def _rsqrt_nr(x):
    i = plsc.bitcast(x, jnp.int32)
    i = jnp.int32(0x5F3759DF) - (i >> 1)
    y = plsc.bitcast(i, jnp.float32)
    for _ in range(2):
        y = y * (1.5 - 0.5 * x * y * y)
    return y


def _body(user_hbm, item_hbm, uemb_hbm, iemb_hbm, out_hbm,
          uidx, iidx, urows, irows, outv, *sems):
    wid = lax.axis_index("s") * NC + lax.axis_index("c")
    base = wid * BPW

    pltpu.sync_copy(user_hbm.at[pl.ds(wid * NCHUNK, NCHUNK)], uidx)
    pltpu.sync_copy(item_hbm.at[pl.ds(wid * NCHUNK, NCHUNK)], iidx)

    copies = []
    for j in range(NCHUNK):
        copies.append((
            pltpu.async_copy(uemb_hbm.at[uidx.at[j]],
                             urows.at[pl.ds(j * CHUNK, CHUNK)], sems[2 * j]),
            pltpu.async_copy(iemb_hbm.at[iidx.at[j]],
                             irows.at[pl.ds(j * CHUNK, CHUNK)], sems[2 * j + 1]),
        ))

    iota = lax.iota(jnp.int32, LANES)

    def group(g, carry):
        rows = g * LANES + iota
        zero = jnp.zeros((LANES,), jnp.float32)
        su = [zero] * 4
        si = [zero] * 4
        dd = [zero] * 4
        for j in range(EMBED):
            cj = jnp.full((LANES,), j, jnp.int32)
            u = plsc.load_gather(urows, [rows, cj])
            v = plsc.load_gather(irows, [rows, cj])
            a = j & 3
            su[a] = su[a] + u * u
            si[a] = si[a] + v * v
            dd[a] = dd[a] + u * v
        su_t = (su[0] + su[1]) + (su[2] + su[3])
        si_t = (si[0] + si[1]) + (si[2] + si[3])
        dd_t = (dd[0] + dd[1]) + (dd[2] + dd[3])

        inv_u = jnp.where(su_t >= EPS * EPS, _rsqrt_nr(su_t), 1.0 / EPS)
        inv_i = jnp.where(si_t >= EPS * EPS, _rsqrt_nr(si_t), 1.0 / EPS)
        t = (su_t * inv_u * inv_u + si_t * inv_i * inv_i
             - 2.0 * dd_t * inv_u * inv_i)
        t = jnp.maximum(t, 0.0)
        dist = -(t * _rsqrt_nr(t))
        outv[pl.ds(g * LANES, LANES)] = dist
        return carry

    gpc = CHUNK // LANES
    for j in range(NCHUNK):
        cu, ci = copies[j]
        cu.wait()
        ci.wait()
        lax.fori_loop(j * gpc, (j + 1) * gpc, group, 0)

    pltpu.sync_copy(outv, out_hbm.at[pl.ds(base, BPW)])


@functools.partial(jax.jit, static_argnames=())
def _run(user2d, item2d, uemb, iemb):
    mesh = plsc.VectorSubcoreMesh(core_axis_name="c", subcore_axis_name="s")
    f = pl.kernel(
        _body,
        out_type=jax.ShapeDtypeStruct((BATCH,), jnp.float32),
        mesh=mesh,
        compiler_params=pltpu.CompilerParams(
            needs_layout_passes=False, use_tc_tiling_on_sc=False),
        scratch_types=[
            pltpu.VMEM((NCHUNK, CHUNK), jnp.int32),
            pltpu.VMEM((NCHUNK, CHUNK), jnp.int32),
            pltpu.VMEM((BPW, EMBED), jnp.float32),
            pltpu.VMEM((BPW, EMBED), jnp.float32),
            pltpu.VMEM((BPW,), jnp.float32),
        ] + [pltpu.SemaphoreType.DMA] * (2 * NCHUNK),
    )
    return f(user2d, item2d, uemb, iemb)


def kernel(user, item, k, user_embeddings, item_embeddings):
    del k
    user2d = user.astype(jnp.int32).reshape(NW * NCHUNK, CHUNK)
    item2d = item.astype(jnp.int32).reshape(NW * NCHUNK, CHUNK)
    return _run(user2d, item2d, user_embeddings, item_embeddings)

# --- scband reference (transcript-rebuilt; emitter-appended) ---
"""Pipeline reference for scband-bprmodel-41145786696060 (READ-ONLY COPY).

The authoritative reference and input builder live on the scoring server;
editing this copy changes nothing except your own understanding.
"""

import jax, jax.numpy as jnp
import numpy as np

NUM_USERS = 1000000
NUM_ITEMS = 100000
EMBED = 64
BATCH = 16384


def setup_inputs(seed: int = 0) -> dict:
    key = jax.random.key(seed)
    k1, k2, k3, k4 = jax.random.split(key, 4)
    user = jax.random.randint(k1, (BATCH,), 0, NUM_USERS)
    item = jax.random.randint(k2, (BATCH,), 0, NUM_ITEMS)
    user_embeddings = jax.random.normal(k3, (NUM_USERS, EMBED), dtype=jnp.float32)
    item_embeddings = jax.random.normal(k4, (NUM_ITEMS, EMBED), dtype=jnp.float32)
    return {
        "user": user,
        "item": item,
        "k": -1,
        "user_embeddings": user_embeddings,
        "item_embeddings": item_embeddings,
    }


def _l2_normalize(x, eps=1e-12):
    # matches torch F.normalize(p=2, dim=1): denom clamped to eps
    n = jnp.linalg.norm(x, ord=2, axis=1, keepdims=True)
    return x / jnp.maximum(n, eps)


def reference(user, item, k, user_embeddings, item_embeddings):
    user_embedding = jnp.take(user_embeddings, user, axis=0)
    item_embedding = jnp.take(item_embeddings, item, axis=0)
    user_embedding_n = _l2_normalize(user_embedding)
    item_embedding_n = _l2_normalize(item_embedding)
    dist_out = -jnp.linalg.norm(user_embedding_n - item_embedding_n, ord=2, axis=1)
    kk = jnp.mod(k, user_embedding.shape[1])
    col_out = jnp.mean(jnp.take(user_embedding, kk, axis=1))
    return jnp.where(k == -1, dist_out, col_out)

if __name__ == "__main__":
    import jax
    _d = setup_inputs()
    print(jax.jit(kernel)(*tuple(_d.values())))

</pallas_src>

<mosaic_0001>
#map = affine_map<(d0, d1) -> (0, 0)>
#map1 = affine_map<(d0, d1) -> (0)>
module attributes {stable_mosaic.version = 14 : i64} {
  func.func @_body(%arg0: i32, %arg1: i32, %arg2: memref<128x128xi32, #tpu.memory_space<hbm>>, %arg3: memref<128x128xi32, #tpu.memory_space<hbm>>, %arg4: memref<1000000x64xf32, #tpu.memory_space<hbm>>, %arg5: memref<100000x64xf32, #tpu.memory_space<hbm>>, %arg6: memref<16384xf32, #tpu.memory_space<hbm>>, %arg7: memref<4x128xi32, #tpu.memory_space<vmem>>, %arg8: memref<4x128xi32, #tpu.memory_space<vmem>>, %arg9: memref<512x64xf32, #tpu.memory_space<vmem>>, %arg10: memref<512x64xf32, #tpu.memory_space<vmem>>, %arg11: memref<512xf32, #tpu.memory_space<vmem>>, %arg12: memref<!tpu.dma_semaphore, #tpu.memory_space<semaphore_mem>>, %arg13: memref<!tpu.dma_semaphore, #tpu.memory_space<semaphore_mem>>, %arg14: memref<!tpu.dma_semaphore, #tpu.memory_space<semaphore_mem>>, %arg15: memref<!tpu.dma_semaphore, #tpu.memory_space<semaphore_mem>>, %arg16: memref<!tpu.dma_semaphore, #tpu.memory_space<semaphore_mem>>, %arg17: memref<!tpu.dma_semaphore, #tpu.memory_space<semaphore_mem>>, %arg18: memref<!tpu.dma_semaphore, #tpu.memory_space<semaphore_mem>>, %arg19: memref<!tpu.dma_semaphore, #tpu.memory_space<semaphore_mem>>) attributes {dimension_semantics = [#tpu.dimension_semantics<core_parallel>, #tpu.dimension_semantics<subcore_parallel>], iteration_bounds = array<i64: 2, 16>, scalar_prefetch = 0 : i64, scratch_operands = 13 : i64, tpu.core_type = #tpu.core_type<sc_vector_subcore>, window_params = [{transform_indices = #map}, {transform_indices = #map}, {transform_indices = #map}, {transform_indices = #map}, {transform_indices = #map1}]} {
    %mul3A = arith.constant 2 : i32
    %mul3A_0 = arith.muli %arg1, %mul3A : i32
    %add3A = arith.addi %mul3A_0, %arg0 : i32
    %mul3A_1 = arith.constant 512 : i32
    %mul3A_2 = arith.muli %add3A, %mul3A_1 : i32
    %mul3A_3 = arith.constant 4 : i32
    %mul3A_4 = arith.muli %add3A, %mul3A_3 : i32
    "tpu.region"() ({
      %run_scoped3A = tpu.sem_alloc : memref<!tpu.dma_semaphore, #tpu.memory_space<semaphore_mem>>
      %dma_start3A_188 = arith.constant 0 : i32
      %dma_start3A_189 = tpu.memref_slice %arg2[%mul3A_4, %dma_start3A_188] : memref<128x128xi32, #tpu.memory_space<hbm>> -> memref<4x128xi32, #tpu.memory_space<hbm>>
      %dma_start3A_190 = arith.constant 0 : i32
      %dma_start3A_191 = tpu.memref_slice %arg2[%mul3A_4, %dma_start3A_190] : memref<128x128xi32, #tpu.memory_space<hbm>> -> memref<4x128xi32, #tpu.memory_space<hbm>>
      tpu.enqueue_dma source(%dma_start3A_191 : memref<4x128xi32, #tpu.memory_space<hbm>>) target(%arg7 : memref<4x128xi32, #tpu.memory_space<vmem>>) target_semaphore(%run_scoped3A : memref<!tpu.dma_semaphore, #tpu.memory_space<semaphore_mem>>)
      %dma_wait3A_192 = arith.constant 0 : i32
      %dma_wait3A_193 = tpu.memref_slice %arg2[%mul3A_4, %dma_wait3A_192] : memref<128x128xi32, #tpu.memory_space<hbm>> -> memref<4x128xi32, #tpu.memory_space<hbm>>
      %dma_wait3A_194 = arith.constant 0 : i32
      %dma_wait3A_195 = tpu.memref_slice %arg2[%mul3A_4, %dma_wait3A_194] : memref<128x128xi32, #tpu.memory_space<hbm>> -> memref<4x128xi32, #tpu.memory_space<hbm>>
      tpu.wait_dma2 semaphore(%run_scoped3A : memref<!tpu.dma_semaphore, #tpu.memory_space<semaphore_mem>>) src(%dma_wait3A_195 : memref<4x128xi32, #tpu.memory_space<hbm>>) dst(%arg7 : memref<4x128xi32, #tpu.memory_space<vmem>>)
      tpu.yield
    }) : () -> ()
    %mul3A_5 = arith.constant 4 : i32
    %mul3A_6 = arith.muli %add3A, %mul3A_5 : i32
    "tpu.region"() ({
      %run_scoped3A = tpu.sem_alloc : memref<!tpu.dma_semaphore, #tpu.memory_space<semaphore_mem>>
      %dma_start3A_188 = arith.constant 0 : i32
      %dma_start3A_189 = tpu.memref_slice %arg3[%mul3A_6, %dma_start3A_188] : memref<128x128xi32, #tpu.memory_space<hbm>> -> memref<4x128xi32, #tpu.memory_space<hbm>>
      %dma_start3A_190 = arith.constant 0 : i32
      %dma_start3A_191 = tpu.memref_slice %arg3[%mul3A_6, %dma_start3A_190] : memref<128x128xi32, #tpu.memory_space<hbm>> -> memref<4x128xi32, #tpu.memory_space<hbm>>
      tpu.enqueue_dma source(%dma_start3A_191 : memref<4x128xi32, #tpu.memory_space<hbm>>) target(%arg8 : memref<4x128xi32, #tpu.memory_space<vmem>>) target_semaphore(%run_scoped3A : memref<!tpu.dma_semaphore, #tpu.memory_space<semaphore_mem>>)
      %dma_wait3A_192 = arith.constant 0 : i32
      %dma_wait3A_193 = tpu.memref_slice %arg3[%mul3A_6, %dma_wait3A_192] : memref<128x128xi32, #tpu.memory_space<hbm>> -> memref<4x128xi32, #tpu.memory_space<hbm>>
      %dma_wait3A_194 = arith.constant 0 : i32
      %dma_wait3A_195 = tpu.memref_slice %arg3[%mul3A_6, %dma_wait3A_194] : memref<128x128xi32, #tpu.memory_space<hbm>> -> memref<4x128xi32, #tpu.memory_space<hbm>>
      tpu.wait_dma2 semaphore(%run_scoped3A : memref<!tpu.dma_semaphore, #tpu.memory_space<semaphore_mem>>) src(%dma_wait3A_195 : memref<4x128xi32, #tpu.memory_space<hbm>>) dst(%arg8 : memref<4x128xi32, #tpu.memory_space<vmem>>)
      tpu.yield
    }) : () -> ()
    %dma_start3A = arith.constant 0 : i32
    %dma_start3A_7 = arith.constant 0 : i32
    %dma_start3A_8 = arith.constant 0 : i32
    %dma_start3A_9 = tpu.memref_slice %arg9[%dma_start3A_7, %dma_start3A_8] : memref<512x64xf32, #tpu.memory_space<vmem>> -> memref<128x64xf32, #tpu.memory_space<vmem>>
    %dma_start3A_10 = arith.constant 0 : i32
    %dma_start3A_11 = tpu.memref_slice %arg7[%dma_start3A, %dma_start3A_10] : memref<4x128xi32, #tpu.memory_space<vmem>> -> memref<1x128xi32, #tpu.memory_space<vmem>>
    %dma_start3A_12 = tpu.memref_squeeze %dma_start3A_11 : memref<1x128xi32, #tpu.memory_space<vmem>> -> memref<128xi32, #tpu.memory_space<vmem>>
    %dma_start3A_13 = arith.constant 0 : i32
    %dma_start3A_14 = arith.constant 0 : i32
    %dma_start3A_15 = tpu.memref_slice %arg4[%dma_start3A_13, %dma_start3A_14] : memref<1000000x64xf32, #tpu.memory_space<hbm>> -> memref<1000000x64xf32, #tpu.memory_space<hbm>>
    tpu.enqueue_indirect_dma source(%dma_start3A_15 : memref<1000000x64xf32, #tpu.memory_space<hbm>>) target(%dma_start3A_9 : memref<128x64xf32, #tpu.memory_space<vmem>>) offsets(%dma_start3A_12 : memref<128xi32, #tpu.memory_space<vmem>>) semaphore(%arg12 : memref<!tpu.dma_semaphore, #tpu.memory_space<semaphore_mem>>)
    %dma_start3A_16 = arith.constant 0 : i32
    %dma_start3A_17 = arith.constant 0 : i32
    %dma_start3A_18 = arith.constant 0 : i32
    %dma_start3A_19 = tpu.memref_slice %arg10[%dma_start3A_17, %dma_start3A_18] : memref<512x64xf32, #tpu.memory_space<vmem>> -> memref<128x64xf32, #tpu.memory_space<vmem>>
    %dma_start3A_20 = arith.constant 0 : i32
    %dma_start3A_21 = tpu.memref_slice %arg8[%dma_start3A_16, %dma_start3A_20] : memref<4x128xi32, #tpu.memory_space<vmem>> -> memref<1x128xi32, #tpu.memory_space<vmem>>
    %dma_start3A_22 = tpu.memref_squeeze %dma_start3A_21 : memref<1x128xi32, #tpu.memory_space<vmem>> -> memref<128xi32, #tpu.memory_space<vmem>>
    %dma_start3A_23 = arith.constant 0 : i32
    %dma_start3A_24 = arith.constant 0 : i32
    %dma_start3A_25 = tpu.memref_slice %arg5[%dma_start3A_23, %dma_start3A_24] : memref<100000x64xf32, #tpu.memory_space<hbm>> -> memref<100000x64xf32, #tpu.memory_space<hbm>>
    tpu.enqueue_indirect_dma source(%dma_start3A_25 : memref<100000x64xf32, #tpu.memory_space<hbm>>) target(%dma_start3A_19 : memref<128x64xf32, #tpu.memory_space<vmem>>) offsets(%dma_start3A_22 : memref<128xi32, #tpu.memory_space<vmem>>) semaphore(%arg13 : memref<!tpu.dma_semaphore, #tpu.memory_space<semaphore_mem>>)
    %dma_start3A_26 = arith.constant 1 : i32
    %dma_start3A_27 = arith.constant 128 : i32
    %dma_start3A_28 = arith.constant 0 : i32
    %dma_start3A_29 = tpu.memref_slice %arg9[%dma_start3A_27, %dma_start3A_28] : memref<512x64xf32, #tpu.memory_space<vmem>> -> memref<128x64xf32, #tpu.memory_space<vmem>>
    %dma_start3A_30 = arith.constant 0 : i32
    %dma_start3A_31 = tpu.memref_slice %arg7[%dma_start3A_26, %dma_start3A_30] : memref<4x128xi32, #tpu.memory_space<vmem>> -> memref<1x128xi32, #tpu.memory_space<vmem>>
    %dma_start3A_32 = tpu.memref_squeeze %dma_start3A_31 : memref<1x128xi32, #tpu.memory_space<vmem>> -> memref<128xi32, #tpu.memory_space<vmem>>
    %dma_start3A_33 = arith.constant 0 : i32
    %dma_start3A_34 = arith.constant 0 : i32
    %dma_start3A_35 = tpu.memref_slice %arg4[%dma_start3A_33, %dma_start3A_34] : memref<1000000x64xf32, #tpu.memory_space<hbm>> -> memref<1000000x64xf32, #tpu.memory_space<hbm>>
    tpu.enqueue_indirect_dma source(%dma_start3A_35 : memref<1000000x64xf32, #tpu.memory_space<hbm>>) target(%dma_start3A_29 : memref<128x64xf32, #tpu.memory_space<vmem>>) offsets(%dma_start3A_32 : memref<128xi32, #tpu.memory_space<vmem>>) semaphore(%arg14 : memref<!tpu.dma_semaphore, #tpu.memory_space<semaphore_mem>>)
    %dma_start3A_36 = arith.constant 1 : i32
    %dma_start3A_37 = arith.constant 128 : i32
    %dma_start3A_38 = arith.constant 0 : i32
    %dma_start3A_39 = tpu.memref_slice %arg10[%dma_start3A_37, %dma_start3A_38] : memref<512x64xf32, #tpu.memory_space<vmem>> -> memref<128x64xf32, #tpu.memory_space<vmem>>
    %dma_start3A_40 = arith.constant 0 : i32
    %dma_start3A_41 = tpu.memref_slice %arg8[%dma_start3A_36, %dma_start3A_40] : memref<4x128xi32, #tpu.memory_space<vmem>> -> memref<1x128xi32, #tpu.memory_space<vmem>>
    %dma_start3A_42 = tpu.memref_squeeze %dma_start3A_41 : memref<1x128xi32, #tpu.memory_space<vmem>> -> memref<128xi32, #tpu.memory_space<vmem>>
    %dma_start3A_43 = arith.constant 0 : i32
    %dma_start3A_44 = arith.constant 0 : i32
    %dma_start3A_45 = tpu.memref_slice %arg5[%dma_start3A_43, %dma_start3A_44] : memref<100000x64xf32, #tpu.memory_space<hbm>> -> memref<100000x64xf32, #tpu.memory_space<hbm>>
    tpu.enqueue_indirect_dma source(%dma_start3A_45 : memref<100000x64xf32, #tpu.memory_space<hbm>>) target(%dma_start3A_39 : memref<128x64xf32, #tpu.memory_space<vmem>>) offsets(%dma_start3A_42 : memref<128xi32, #tpu.memory_space<vmem>>) semaphore(%arg15 : memref<!tpu.dma_semaphore, #tpu.memory_space<semaphore_mem>>)
    %dma_start3A_46 = arith.constant 2 : i32
    %dma_start3A_47 = arith.constant 256 : i32
    %dma_start3A_48 = arith.constant 0 : i32
    %dma_start3A_49 = tpu.memref_slice %arg9[%dma_start3A_47, %dma_start3A_48] : memref<512x64xf32, #tpu.memory_space<vmem>> -> memref<128x64xf32, #tpu.memory_space<vmem>>
    %dma_start3A_50 = arith.constant 0 : i32
    %dma_start3A_51 = tpu.memref_slice %arg7[%dma_start3A_46, %dma_start3A_50] : memref<4x128xi32, #tpu.memory_space<vmem>> -> memref<1x128xi32, #tpu.memory_space<vmem>>
    %dma_start3A_52 = tpu.memref_squeeze %dma_start3A_51 : memref<1x128xi32, #tpu.memory_space<vmem>> -> memref<128xi32, #tpu.memory_space<vmem>>
    %dma_start3A_53 = arith.constant 0 : i32
    %dma_start3A_54 = arith.constant 0 : i32
    %dma_start3A_55 = tpu.memref_slice %arg4[%dma_start3A_53, %dma_start3A_54] : memref<1000000x64xf32, #tpu.memory_space<hbm>> -> memref<1000000x64xf32, #tpu.memory_space<hbm>>
    tpu.enqueue_indirect_dma source(%dma_start3A_55 : memref<1000000x64xf32, #tpu.memory_space<hbm>>) target(%dma_start3A_49 : memref<128x64xf32, #tpu.memory_space<vmem>>) offsets(%dma_start3A_52 : memref<128xi32, #tpu.memory_space<vmem>>) semaphore(%arg16 : memref<!tpu.dma_semaphore, #tpu.memory_space<semaphore_mem>>)
    %dma_start3A_56 = arith.constant 2 : i32
    %dma_start3A_57 = arith.constant 256 : i32
    %dma_start3A_58 = arith.constant 0 : i32
    %dma_start3A_59 = tpu.memref_slice %arg10[%dma_start3A_57, %dma_start3A_58] : memref<512x64xf32, #tpu.memory_space<vmem>> -> memref<128x64xf32, #tpu.memory_space<vmem>>
    %dma_start3A_60 = arith.constant 0 : i32
    %dma_start3A_61 = tpu.memref_slice %arg8[%dma_start3A_56, %dma_start3A_60] : memref<4x128xi32, #tpu.memory_space<vmem>> -> memref<1x128xi32, #tpu.memory_space<vmem>>
    %dma_start3A_62 = tpu.memref_squeeze %dma_start3A_61 : memref<1x128xi32, #tpu.memory_space<vmem>> -> memref<128xi32, #tpu.memory_space<vmem>>
    %dma_start3A_63 = arith.constant 0 : i32
    %dma_start3A_64 = arith.constant 0 : i32
    %dma_start3A_65 = tpu.memref_slice %arg5[%dma_start3A_63, %dma_start3A_64] : memref<100000x64xf32, #tpu.memory_space<hbm>> -> memref<100000x64xf32, #tpu.memory_space<hbm>>
    tpu.enqueue_indirect_dma source(%dma_start3A_65 : memref<100000x64xf32, #tpu.memory_space<hbm>>) target(%dma_start3A_59 : memref<128x64xf32, #tpu.memory_space<vmem>>) offsets(%dma_start3A_62 : memref<128xi32, #tpu.memory_space<vmem>>) semaphore(%arg17 : memref<!tpu.dma_semaphore, #tpu.memory_space<semaphore_mem>>)
    %dma_start3A_66 = arith.constant 3 : i32
    %dma_start3A_67 = arith.constant 384 : i32
    %dma_start3A_68 = arith.constant 0 : i32
    %dma_start3A_69 = tpu.memref_slice %arg9[%dma_start3A_67, %dma_start3A_68] : memref<512x64xf32, #tpu.memory_space<vmem>> -> memref<128x64xf32, #tpu.memory_space<vmem>>
    %dma_start3A_70 = arith.constant 0 : i32
    %dma_start3A_71 = tpu.memref_slice %arg7[%dma_start3A_66, %dma_start3A_70] : memref<4x128xi32, #tpu.memory_space<vmem>> -> memref<1x128xi32, #tpu.memory_space<vmem>>
    %dma_start3A_72 = tpu.memref_squeeze %dma_start3A_71 : memref<1x128xi32, #tpu.memory_space<vmem>> -> memref<128xi32, #tpu.memory_space<vmem>>
    %dma_start3A_73 = arith.constant 0 : i32
    %dma_start3A_74 = arith.constant 0 : i32
    %dma_start3A_75 = tpu.memref_slice %arg4[%dma_start3A_73, %dma_start3A_74] : memref<1000000x64xf32, #tpu.memory_space<hbm>> -> memref<1000000x64xf32, #tpu.memory_space<hbm>>
    tpu.enqueue_indirect_dma source(%dma_start3A_75 : memref<1000000x64xf32, #tpu.memory_space<hbm>>) target(%dma_start3A_69 : memref<128x64xf32, #tpu.memory_space<vmem>>) offsets(%dma_start3A_72 : memref<128xi32, #tpu.memory_space<vmem>>) semaphore(%arg18 : memref<!tpu.dma_semaphore, #tpu.memory_space<semaphore_mem>>)
    %dma_start3A_76 = arith.constant 3 : i32
    %dma_start3A_77 = arith.constant 384 : i32
    %dma_start3A_78 = arith.constant 0 : i32
    %dma_start3A_79 = tpu.memref_slice %arg10[%dma_start3A_77, %dma_start3A_78] : memref<512x64xf32, #tpu.memory_space<vmem>> -> memref<128x64xf32, #tpu.memory_space<vmem>>
    %dma_start3A_80 = arith.constant 0 : i32
    %dma_start3A_81 = tpu.memref_slice %arg8[%dma_start3A_76, %dma_start3A_80] : memref<4x128xi32, #tpu.memory_space<vmem>> -> memref<1x128xi32, #tpu.memory_space<vmem>>
    %dma_start3A_82 = tpu.memref_squeeze %dma_start3A_81 : memref<1x128xi32, #tpu.memory_space<vmem>> -> memref<128xi32, #tpu.memory_space<vmem>>
    %dma_start3A_83 = arith.constant 0 : i32
    %dma_start3A_84 = arith.constant 0 : i32
    %dma_start3A_85 = tpu.memref_slice %arg5[%dma_start3A_83, %dma_start3A_84] : memref<100000x64xf32, #tpu.memory_space<hbm>> -> memref<100000x64xf32, #tpu.memory_space<hbm>>
    tpu.enqueue_indirect_dma source(%dma_start3A_85 : memref<100000x64xf32, #tpu.memory_space<hbm>>) target(%dma_start3A_79 : memref<128x64xf32, #tpu.memory_space<vmem>>) offsets(%dma_start3A_82 : memref<128xi32, #tpu.memory_space<vmem>>) semaphore(%arg19 : memref<!tpu.dma_semaphore, #tpu.memory_space<semaphore_mem>>)
    %iota3A = tpu.iota {dimensions = array<i32: 0>} : vector<16xi32>
    %dma_wait3A = arith.constant 0 : i32
    %dma_wait3A_86 = arith.constant 0 : i32
    %dma_wait3A_87 = arith.constant 0 : i32
    %dma_wait3A_88 = tpu.memref_slice %arg9[%dma_wait3A_86, %dma_wait3A_87] : memref<512x64xf32, #tpu.memory_space<vmem>> -> memref<128x64xf32, #tpu.memory_space<vmem>>
    %dma_wait3A_89 = arith.constant 0 : i32
    %dma_wait3A_90 = tpu.memref_slice %arg7[%dma_wait3A, %dma_wait3A_89] : memref<4x128xi32, #tpu.memory_space<vmem>> -> memref<1x128xi32, #tpu.memory_space<vmem>>
    %dma_wait3A_91 = tpu.memref_squeeze %dma_wait3A_90 : memref<1x128xi32, #tpu.memory_space<vmem>> -> memref<128xi32, #tpu.memory_space<vmem>>
    %dma_wait3A_92 = arith.constant 0 : i32
    %dma_wait3A_93 = arith.constant 0 : i32
    %dma_wait3A_94 = tpu.memref_slice %arg4[%dma_wait3A_92, %dma_wait3A_93] : memref<1000000x64xf32, #tpu.memory_space<hbm>> -> memref<1000000x64xf32, #tpu.memory_space<hbm>>
    tpu.wait_indirect_dma semaphore(%arg12 : memref<!tpu.dma_semaphore, #tpu.memory_space<semaphore_mem>>) src(%dma_wait3A_94 : memref<1000000x64xf32, #tpu.memory_space<hbm>>) dst(%dma_wait3A_88 : memref<128x64xf32, #tpu.memory_space<vmem>>)
    %dma_wait3A_95 = arith.constant 0 : i32
    %dma_wait3A_96 = arith.constant 0 : i32
    %dma_wait3A_97 = arith.constant 0 : i32
    %dma_wait3A_98 = tpu.memref_slice %arg10[%dma_wait3A_96, %dma_wait3A_97] : memref<512x64xf32, #tpu.memory_space<vmem>> -> memref<128x64xf32, #tpu.memory_space<vmem>>
    %dma_wait3A_99 = arith.constant 0 : i32
    %dma_wait3A_100 = tpu.memref_slice %arg8[%dma_wait3A_95, %dma_wait3A_99] : memref<4x128xi32, #tpu.memory_space<vmem>> -> memref<1x128xi32, #tpu.memory_space<vmem>>
    %dma_wait3A_101 = tpu.memref_squeeze %dma_wait3A_100 : memref<1x128xi32, #tpu.memory_space<vmem>> -> memref<128xi32, #tpu.memory_space<vmem>>
    %dma_wait3A_102 = arith.constant 0 : i32
    %dma_wait3A_103 = arith.constant 0 : i32
    %dma_wait3A_104 = tpu.memref_slice %arg5[%dma_wait3A_102, %dma_wait3A_103] : memref<100000x64xf32, #tpu.memory_space<hbm>> -> memref<100000x64xf32, #tpu.memory_space<hbm>>
    tpu.wait_indirect_dma semaphore(%arg13 : memref<!tpu.dma_semaphore, #tpu.memory_space<semaphore_mem>>) src(%dma_wait3A_104 : memref<100000x64xf32, #tpu.memory_space<hbm>>) dst(%dma_wait3A_98 : memref<128x64xf32, #tpu.memory_space<vmem>>)
    %scan3A = arith.constant 0 : i32
    %scan3A_105 = arith.constant 0 : i32
    %scan3A_106 = arith.constant 8 : i32
    %scan3A_107 = arith.addi %scan3A_105, %scan3A_106 : i32
    %scan3A_108 = arith.constant 1 : i32
    scf.for %scan3A_188 = %scan3A_105 to %scan3A_107 step %scan3A_108  : i32 {
      %mul3A_189 = arith.constant 16 : i32
      %mul3A_190 = arith.muli %scan3A_188, %mul3A_189 : i32
      %add3A_191 = vector.broadcast %mul3A_190 : i32 to vector<16xi32>
      %add3A_192 = arith.addi %add3A_191, %iota3A : vector<16xi32>
      %broadcast_in_dim3A = arith.constant 0.000000e+00 : f32
      %broadcast_in_dim3A_193 = vector.broadcast %broadcast_in_dim3A : f32 to vector<16xf32>
      %broadcast_in_dim3A_194 = arith.constant 0 : i32
      %broadcast_in_dim3A_195 = vector.broadcast %broadcast_in_dim3A_194 : i32 to vector<16xi32>
      %gather3A = tpu.vector_load_idx %arg9[%add3A_192, %broadcast_in_dim3A_195] : memref<512x64xf32, #tpu.memory_space<vmem>>[vector<16xi32>, vector<16xi32>], vector<16xf32>,
      %gather3A_196 = tpu.vector_load_idx %arg10[%add3A_192, %broadcast_in_dim3A_195] : memref<512x64xf32, #tpu.memory_space<vmem>>[vector<16xi32>, vector<16xi32>], vector<16xf32>,
      %mul3A_197 = arith.mulf %gather3A, %gather3A : vector<16xf32>
      %add3A_198 = arith.addf %broadcast_in_dim3A_193, %mul3A_197 : vector<16xf32>
      %mul3A_199 = arith.mulf %gather3A_196, %gather3A_196 : vector<16xf32>
      %add3A_200 = arith.addf %broadcast_in_dim3A_193, %mul3A_199 : vector<16xf32>
      %mul3A_201 = arith.mulf %gather3A, %gather3A_196 : vector<16xf32>
      %add3A_202 = arith.addf %broadcast_in_dim3A_193, %mul3A_201 : vector<16xf32>
      %broadcast_in_dim3A_203 = arith.constant 1 : i32
      %broadcast_in_dim3A_204 = vector.broadcast %broadcast_in_dim3A_203 : i32 to vector<16xi32>
      %gather3A_205 = tpu.vector_load_idx %arg9[%add3A_192, %broadcast_in_dim3A_204] : memref<512x64xf32, #tpu.memory_space<vmem>>[vector<16xi32>, vector<16xi32>], vector<16xf32>,
      %gather3A_206 = tpu.vector_load_idx %arg10[%add3A_192, %broadcast_in_dim3A_204] : memref<512x64xf32, #tpu.memory_space<vmem>>[vector<16xi32>, vector<16xi32>], vector<16xf32>,
      %mul3A_207 = arith.mulf %gather3A_205, %gather3A_205 : vector<16xf32>
      %add3A_208 = arith.addf %broadcast_in_dim3A_193, %mul3A_207 : vector<16xf32>
      %mul3A_209 = arith.mulf %gather3A_206, %gather3A_206 : vector<16xf32>
      %add3A_210 = arith.addf %broadcast_in_dim3A_193, %mul3A_209 : vector<16xf32>
      %mul3A_211 = arith.mulf %gather3A_205, %gather3A_206 : vector<16xf32>
      %add3A_212 = arith.addf %broadcast_in_dim3A_193, %mul3A_211 : vector<16xf32>
      %broadcast_in_dim3A_213 = arith.constant 2 : i32
      %broadcast_in_dim3A_214 = vector.broadcast %broadcast_in_dim3A_213 : i32 to vector<16xi32>
      %gather3A_215 = tpu.vector_load_idx %arg9[%add3A_192, %broadcast_in_dim3A_214] : memref<512x64xf32, #tpu.memory_space<vmem>>[vector<16xi32>, vector<16xi32>], vector<16xf32>,
      %gather3A_216 = tpu.vector_load_idx %arg10[%add3A_192, %broadcast_in_dim3A_214] : memref<512x64xf32, #tpu.memory_space<vmem>>[vector<16xi32>, vector<16xi32>], vector<16xf32>,
      %mul3A_217 = arith.mulf %gather3A_215, %gather3A_215 : vector<16xf32>
      %add3A_218 = arith.addf %broadcast_in_dim3A_193, %mul3A_217 : vector<16xf32>
      %mul3A_219 = arith.mulf %gather3A_216, %gather3A_216 : vector<16xf32>
      %add3A_220 = arith.addf %broadcast_in_dim3A_193, %mul3A_219 : vector<16xf32>
      %mul3A_221 = arith.mulf %gather3A_215, %gather3A_216 : vector<16xf32>
      %add3A_222 = arith.addf %broadcast_in_dim3A_193, %mul3A_221 : vector<16xf32>
      %broadcast_in_dim3A_223 = arith.constant 3 : i32
      %broadcast_in_dim3A_224 = vector.broadcast %broadcast_in_dim3A_223 : i32 to vector<16xi32>
      %gather3A_225 = tpu.vector_load_idx %arg9[%add3A_192, %broadcast_in_dim3A_224] : memref<512x64xf32, #tpu.memory_space<vmem>>[vector<16xi32>, vector<16xi32>], vector<16xf32>,
      %gather3A_226 = tpu.vector_load_idx %arg10[%add3A_192, %broadcast_in_dim3A_224] : memref<512x64xf32, #tpu.memory_space<vmem>>[vector<16xi32>, vector<16xi32>], vector<16xf32>,
      %mul3A_227 = arith.mulf %gather3A_225, %gather3A_225 : vector<16xf32>
      %add3A_228 = arith.addf %broadcast_in_dim3A_193, %mul3A_227 : vector<16xf32>
      %mul3A_229 = arith.mulf %gather3A_226, %gather3A_226 : vector<16xf32>
      %add3A_230 = arith.addf %broadcast_in_dim3A_193, %mul3A_229 : vector<16xf32>
      %mul3A_231 = arith.mulf %gather3A_225, %gather3A_226 : vector<16xf32>
      %add3A_232 = arith.addf %broadcast_in_dim3A_193, %mul3A_231 : vector<16xf32>
      %broadcast_in_dim3A_233 = arith.constant 4 : i32
      %broadcast_in_dim3A_234 = vector.broadcast %broadcast_in_dim3A_233 : i32 to vector<16xi32>
      %gather3A_235 = tpu.vector_load_idx %arg9[%add3A_192, %broadcast_in_dim3A_234] : memref<512x64xf32, #tpu.memory_space<vmem>>[vector<16xi32>, vector<16xi32>], vector<16xf32>,
      %gather3A_236 = tpu.vector_load_idx %arg10[%add3A_192, %broadcast_in_dim3A_234] : memref<512x64xf32, #tpu.memory_space<vmem>>[vector<16xi32>, vector<16xi32>], vector<16xf32>,
      %mul3A_237 = arith.mulf %gather3A_235, %gather3A_235 : vector<16xf32>
      %add3A_238 = arith.addf %add3A_198, %mul3A_237 : vector<16xf32>
      %mul3A_239 = arith.mulf %gather3A_236, %gather3A_236 : vector<16xf32>
      %add3A_240 = arith.addf %add3A_200, %mul3A_239 : vector<16xf32>
      %mul3A_241 = arith.mulf %gather3A_235, %gather3A_236 : vector<16xf32>
      %add3A_242 = arith.addf %add3A_202, %mul3A_241 : vector<16xf32>
      %broadcast_in_dim3A_243 = arith.constant 5 : i32
      %broadcast_in_dim3A_244 = vector.broadcast %broadcast_in_dim3A_243 : i32 to vector<16xi32>
      %gather3A_245 = tpu.vector_load_idx %arg9[%add3A_192, %broadcast_in_dim3A_244] : memref<512x64xf32, #tpu.memory_space<vmem>>[vector<16xi32>, vector<16xi32>], vector<16xf32>,
      %gather3A_246 = tpu.vector_load_idx %arg10[%add3A_192, %broadcast_in_dim3A_244] : memref<512x64xf32, #tpu.memory_space<vmem>>[vector<16xi32>, vector<16xi32>], vector<16xf32>,
      %mul3A_247 = arith.mulf %gather3A_245, %gather3A_245 : vector<16xf32>
      %add3A_248 = arith.addf %add3A_208, %mul3A_247 : vector<16xf32>
      %mul3A_249 = arith.mulf %gather3A_246, %gather3A_246 : vector<16xf32>
      %add3A_250 = arith.addf %add3A_210, %mul3A_249 : vector<16xf32>
      %mul3A_251 = arith.mulf %gather3A_245, %gather3A_246 : vector<16xf32>
      %add3A_252 = arith.addf %add3A_212, %mul3A_251 : vector<16xf32>
      %broadcast_in_dim3A_253 = arith.constant 6 : i32
      %broadcast_in_dim3A_254 = vector.broadcast %broadcast_in_dim3A_253 : i32 to vector<16xi32>
      %gather3A_255 = tpu.vector_load_idx %arg9[%add3A_192, %broadcast_in_dim3A_254] : memref<512x64xf32, #tpu.memory_space<vmem>>[vector<16xi32>, vector<16xi32>], vector<16xf32>,
      %gather3A_256 = tpu.vector_load_idx %arg10[%add3A_192, %broadcast_in_dim3A_254] : memref<512x64xf32, #tpu.memory_space<vmem>>[vector<16xi32>, vector<16xi32>], vector<16xf32>,
      %mul3A_257 = arith.mulf %gather3A_255, %gather3A_255 : vector<16xf32>
      %add3A_258 = arith.addf %add3A_218, %mul3A_257 : vector<16xf32>
      %mul3A_259 = arith.mulf %gather3A_256, %gather3A_256 : vector<16xf32>
      %add3A_260 = arith.addf %add3A_220, %mul3A_259 : vector<16xf32>
      %mul3A_261 = arith.mulf %gather3A_255, %gather3A_256 : vector<16xf32>
      %add3A_262 = arith.addf %add3A_222, %mul3A_261 : vector<16xf32>
      %broadcast_in_dim3A_263 = arith.constant 7 : i32
      %broadcast_in_dim3A_264 = vector.broadcast %broadcast_in_dim3A_263 : i32 to vector<16xi32>
      %gather3A_265 = tpu.vector_load_idx %arg9[%add3A_192, %broadcast_in_dim3A_264] : memref<512x64xf32, #tpu.memory_space<vmem>>[vector<16xi32>, vector<16xi32>], vector<16xf32>,
      %gather3A_266 = tpu.vector_load_idx %arg10[%add3A_192, %broadcast_in_dim3A_264] : memref<512x64xf32, #tpu.memory_space<vmem>>[vector<16xi32>, vector<16xi32>], vector<16xf32>,
      %mul3A_267 = arith.mulf %gather3A_265, %gather3A_265 : vector<16xf32>
      %add3A_268 = arith.addf %add3A_228, %mul3A_267 : vector<16xf32>
      %mul3A_269 = arith.mulf %gather3A_266, %gather3A_266 : vector<16xf32>
      %add3A_270 = arith.addf %add3A_230, %mul3A_269 : vector<16xf32>
      %mul3A_271 = arith.mulf %gather3A_265, %gather3A_266 : vector<16xf32>
      %add3A_272 = arith.addf %add3A_232, %mul3A_271 : vector<16xf32>
      %broadcast_in_dim3A_273 = arith.constant 8 : i32
      %broadcast_in_dim3A_274 = vector.broadcast %broadcast_in_dim3A_273 : i32 to vector<16xi32>
      %gather3A_275 = tpu.vector_load_idx %arg9[%add3A_192, %broadcast_in_dim3A_274] : memref<512x64xf32, #tpu.memory_space<vmem>>[vector<16xi32>, vector<16xi32>], vector<16xf32>,
      %gather3A_276 = tpu.vector_load_idx %arg10[%add3A_192, %broadcast_in_dim3A_274] : memref<512x64xf32, #tpu.memory_space<vmem>>[vector<16xi32>, vector<16xi32>], vector<16xf32>,
      %mul3A_277 = arith.mulf %gather3A_275, %gather3A_275 : vector<16xf32>
      %add3A_278 = arith.addf %add3A_238, %mul3A_277 : vector<16xf32>
      %mul3A_279 = arith.mulf %gather3A_276, %gather3A_276 : vector<16xf32>
      %add3A_280 = arith.addf %add3A_240, %mul3A_279 : vector<16xf32>
      %mul3A_281 = arith.mulf %gather3A_275, %gather3A_276 : vector<16xf32>
      %add3A_282 = arith.addf %add3A_242, %mul3A_281 : vector<16xf32>
      %broadcast_in_dim3A_283 = arith.constant 9 : i32
      %broadcast_in_dim3A_284 = vector.broadcast %broadcast_in_dim3A_283 : i32 to vector<16xi32>
      %gather3A_285 = tpu.vector_load_idx %arg9[%add3A_192, %broadcast_in_dim3A_284] : memref<512x64xf32, #tpu.memory_space<vmem>>[vector<16xi32>, vector<16xi32>], vector<16xf32>,
      %gather3A_286 = tpu.vector_load_idx %arg10[%add3A_192, %broadcast_in_dim3A_284] : memref<512x64xf32, #tpu.memory_space<vmem>>[vector<16xi32>, vector<16xi32>], vector<16xf32>,
      %mul3A_287 = arith.mulf %gather3A_285, %gather3A_285 : vector<16xf32>
      %add3A_288 = arith.addf %add3A_248, %mul3A_287 : vector<16xf32>
      %mul3A_289 = arith.mulf %gather3A_286, %gather3A_286 : vector<16xf32>
      %add3A_290 = arith.addf %add3A_250, %mul3A_289 : vector<16xf32>
      %mul3A_291 = arith.mulf %gather3A_285, %gather3A_286 : vector<16xf32>
      %add3A_292 = arith.addf %add3A_252, %mul3A_291 : vector<16xf32>
      %broadcast_in_dim3A_293 = arith.constant 10 : i32
      %broadcast_in_dim3A_294 = vector.broadcast %broadcast_in_dim3A_293 : i32 to vector<16xi32>
      %gather3A_295 = tpu.vector_load_idx %arg9[%add3A_192, %broadcast_in_dim3A_294] : memref<512x64xf32, #tpu.memory_space<vmem>>[vector<16xi32>, vector<16xi32>], vector<16xf32>,
      %gather3A_296 = tpu.vector_load_idx %arg10[%add3A_192, %broadcast_in_dim3A_294] : memref<512x64xf32, #tpu.memory_space<vmem>>[vector<16xi32>, vector<16xi32>], vector<16xf32>,
      %mul3A_297 = arith.mulf %gather3A_295, %gather3A_295 : vector<16xf32>
      %add3A_298 = arith.addf %add3A_258, %mul3A_297 : vector<16xf32>
      %mul3A_299 = arith.mulf %gather3A_296, %gather3A_296 : vector<16xf32>
      %add3A_300 = arith.addf %add3A_260, %mul3A_299 : vector<16xf32>
      %mul3A_301 = arith.mulf %gather3A_295, %gather3A_296 : vector<16xf32>
      %add3A_302 = arith.addf %add3A_262, %mul3A_301 : vector<16xf32>
      %broadcast_in_dim3A_303 = arith.constant 11 : i32
      %broadcast_in_dim3A_304 = vector.broadcast %broadcast_in_dim3A_303 : i32 to vector<16xi32>
      %gather3A_305 = tpu.vector_load_idx %arg9[%add3A_192, %broadcast_in_dim3A_304] : memref<512x64xf32, #tpu.memory_space<vmem>>[vector<16xi32>, vector<16xi32>], vector<16xf32>,
      %gather3A_306 = tpu.vector_load_idx %arg10[%add3A_192, %broadcast_in_dim3A_304] : memref<512x64xf32, #tpu.memory_space<vmem>>[vector<16xi32>, vector<16xi32>], vector<16xf32>,
      %mul3A_307 = arith.mulf %gather3A_305, %gather3A_305 : vector<16xf32>
      %add3A_308 = arith.addf %add3A_268, %mul3A_307 : vector<16xf32>
      %mul3A_309 = arith.mulf %gather3A_306, %gather3A_306 : vector<16xf32>
      %add3A_310 = arith.addf %add3A_270, %mul3A_309 : vector<16xf32>
      %mul3A_311 = arith.mulf %gather3A_305, %gather3A_306 : vector<16xf32>
      %add3A_312 = arith.addf %add3A_272, %mul3A_311 : vector<16xf32>
      %broadcast_in_dim3A_313 = arith.constant 12 : i32
      %broadcast_in_dim3A_314 = vector.broadcast %broadcast_in_dim3A_313 : i32 to vector<16xi32>
      %gather3A_315 = tpu.vector_load_idx %arg9[%add3A_192, %broadcast_in_dim3A_314] : memref<512x64xf32, #tpu.memory_space<vmem>>[vector<16xi32>, vector<16xi32>], vector<16xf32>,
      %gather3A_316 = tpu.vector_load_idx %arg10[%add3A_192, %broadcast_in_dim3A_314] : memref<512x64xf32, #tpu.memory_space<vmem>>[vector<16xi32>, vector<16xi32>], vector<16xf32>,
      %mul3A_317 = arith.mulf %gather3A_315, %gather3A_315 : vector<16xf32>
      %add3A_318 = arith.addf %add3A_278, %mul3A_317 : vector<16xf32>
      %mul3A_319 = arith.mulf %gather3A_316, %gather3A_316 : vector<16xf32>
      %add3A_320 = arith.addf %add3A_280, %mul3A_319 : vector<16xf32>
      %mul3A_321 = arith.mulf %gather3A_315, %gather3A_316 : vector<16xf32>
      %add3A_322 = arith.addf %add3A_282, %mul3A_321 : vector<16xf32>
      %broadcast_in_dim3A_323 = arith.constant 13 : i32
      %broadcast_in_dim3A_324 = vector.broadcast %broadcast_in_dim3A_323 : i32 to vector<16xi32>
      %gather3A_325 = tpu.vector_load_idx %arg9[%add3A_192, %broadcast_in_dim3A_324] : memref<512x64xf32, #tpu.memory_space<vmem>>[vector<16xi32>, vector<16xi32>], vector<16xf32>,
      %gather3A_326 = tpu.vector_load_idx %arg10[%add3A_192, %broadcast_in_dim3A_324] : memref<512x64xf32, #tpu.memory_space<vmem>>[vector<16xi32>, vector<16xi32>], vector<16xf32>,
      %mul3A_327 = arith.mulf %gather3A_325, %gather3A_325 : vector<16xf32>
      %add3A_328 = arith.addf %add3A_288, %mul3A_327 : vector<16xf32>
      %mul3A_329 = arith.mulf %gather3A_326, %gather3A_326 : vector<16xf32>
      %add3A_330 = arith.addf %add3A_290, %mul3A_329 : vector<16xf32>
      %mul3A_331 = arith.mulf %gather3A_325, %gather3A_326 : vector<16xf32>
      %add3A_332 = arith.addf %add3A_292, %mul3A_331 : vector<16xf32>
      %broadcast_in_dim3A_333 = arith.constant 14 : i32
      %broadcast_in_dim3A_334 = vector.broadcast %broadcast_in_dim3A_333 : i32 to vector<16xi32>
      %gather3A_335 = tpu.vector_load_idx %arg9[%add3A_192, %broadcast_in_dim3A_334] : memref<512x64xf32, #tpu.memory_space<vmem>>[vector<16xi32>, vector<16xi32>], vector<16xf32>,
      %gather3A_336 = tpu.vector_load_idx %arg10[%add3A_192, %broadcast_in_dim3A_334] : memref<512x64xf32, #tpu.memory_space<vmem>>[vector<16xi32>, vector<16xi32>], vector<16xf32>,
      %mul3A_337 = arith.mulf %gather3A_335, %gather3A_335 : vector<16xf32>
      %add3A_338 = arith.addf %add3A_298, %mul3A_337 : vector<16xf32>
      %mul3A_339 = arith.mulf %gather3A_336, %gather3A_336 : vector<16xf32>
      %add3A_340 = arith.addf %add3A_300, %mul3A_339 : vector<16xf32>
      %mul3A_341 = arith.mulf %gather3A_335, %gather3A_336 : vector<16xf32>
      %add3A_342 = arith.addf %add3A_302, %mul3A_341 : vector<16xf32>
      %broadcast_in_dim3A_343 = arith.constant 15 : i32
      %broadcast_in_dim3A_344 = vector.broadcast %broadcast_in_dim3A_343 : i32 to vector<16xi32>
      %gather3A_345 = tpu.vector_load_idx %arg9[%add3A_192, %broadcast_in_dim3A_344] : memref<512x64xf32, #tpu.memory_space<vmem>>[vector<16xi32>, vector<16xi32>], vector<16xf32>,
      %gather3A_346 = tpu.vector_load_idx %arg10[%add3A_192, %broadcast_in_dim3A_344] : memref<512x64xf32, #tpu.memory_space<vmem>>[vector<16xi32>, vector<16xi32>], vector<16xf32>,
      %mul3A_347 = arith.mulf %gather3A_345, %gather3A_345 : vector<16xf32>
      %add3A_348 = arith.addf %add3A_308, %mul3A_347 : vector<16xf32>
      %mul3A_349 = arith.mulf %gather3A_346, %gather3A_346 : vector<16xf32>
      %add3A_350 = arith.addf %add3A_310, %mul3A_349 : vector<16xf32>
      %mul3A_351 = arith.mulf %gather3A_345, %gather3A_346 : vector<16xf32>
      %add3A_352 = arith.addf %add3A_312, %mul3A_351 : vector<16xf32>
      %broadcast_in_dim3A_353 = arith.constant 16 : i32
      %broadcast_in_dim3A_354 = vector.broadcast %broadcast_in_dim3A_353 : i32 to vector<16xi32>
      %gather3A_355 = tpu.vector_load_idx %arg9[%add3A_192, %broadcast_in_dim3A_354] : memref<512x64xf32, #tpu.memory_space<vmem>>[vector<16xi32>, vector<16xi32>], vector<16xf32>,
      %gather3A_356 = tpu.vector_load_idx %arg10[%add3A_192, %broadcast_in_dim3A_354] : memref<512x64xf32, #tpu.memory_space<vmem>>[vector<16xi32>, vector<16xi32>], vector<16xf32>,
      %mul3A_357 = arith.mulf %gather3A_355, %gather3A_355 : vector<16xf32>
      %add3A_358 = arith.addf %add3A_318, %mul3A_357 : vector<16xf32>
      %mul3A_359 = arith.mulf %gather3A_356, %gather3A_356 : vector<16xf32>
      %add3A_360 = arith.addf %add3A_320, %mul3A_359 : vector<16xf32>
      %mul3A_361 = arith.mulf %gather3A_355, %gather3A_356 : vector<16xf32>
      %add3A_362 = arith.addf %add3A_322, %mul3A_361 : vector<16xf32>
      %broadcast_in_dim3A_363 = arith.constant 17 : i32
      %broadcast_in_dim3A_364 = vector.broadcast %broadcast_in_dim3A_363 : i32 to vector<16xi32>
      %gather3A_365 = tpu.vector_load_idx %arg9[%add3A_192, %broadcast_in_dim3A_364] : memref<512x64xf32, #tpu.memory_space<vmem>>[vector<16xi32>, vector<16xi32>], vector<16xf32>,
      %gather3A_366 = tpu.vector_load_idx %arg10[%add3A_192, %broadcast_in_dim3A_364] : memref<512x64xf32, #tpu.memory_space<vmem>>[vector<16xi32>, vector<16xi32>], vector<16xf32>,
      %mul3A_367 = arith.mulf %gather3A_365, %gather3A_365 : vector<16xf32>
      %add3A_368 = arith.addf %add3A_328, %mul3A_367 : vector<16xf32>
      %mul3A_369 = arith.mulf %gather3A_366, %gather3A_366 : vector<16xf32>
      %add3A_370 = arith.addf %add3A_330, %mul3A_369 : vector<16xf32>
      %mul3A_371 = arith.mulf %gather3A_365, %gather3A_366 : vector<16xf32>
      %add3A_372 = arith.addf %add3A_332, %mul3A_371 : vector<16xf32>
      %broadcast_in_dim3A_373 = arith.constant 18 : i32
      %broadcast_in_dim3A_374 = vector.broadcast %broadcast_in_dim3A_373 : i32 to vector<16xi32>
      %gather3A_375 = tpu.vector_load_idx %arg9[%add3A_192, %broadcast_in_dim3A_374] : memref<512x64xf32, #tpu.memory_space<vmem>>[vector<16xi32>, vector<16xi32>], vector<16xf32>,
      %gather3A_376 = tpu.vector_load_idx %arg10[%add3A_192, %broadcast_in_dim3A_374] : memref<512x64xf32, #tpu.memory_space<vmem>>[vector<16xi32>, vector<16xi32>], vector<16xf32>,
      %mul3A_377 = arith.mulf %gather3A_375, %gather3A_375 : vector<16xf32>
      %add3A_378 = arith.addf %add3A_338, %mul3A_377 : vector<16xf32>
      %mul3A_379 = arith.mulf %gather3A_376, %gather3A_376 : vector<16xf32>
      %add3A_380 = arith.addf %add3A_340, %mul3A_379 : vector<16xf32>
      %mul3A_381 = arith.mulf %gather3A_375, %gather3A_376 : vector<16xf32>
      %add3A_382 = arith.addf %add3A_342, %mul3A_381 : vector<16xf32>
      %broadcast_in_dim3A_383 = arith.constant 19 : i32
      %broadcast_in_dim3A_384 = vector.broadcast %broadcast_in_dim3A_383 : i32 to vector<16xi32>
      %gather3A_385 = tpu.vector_load_idx %arg9[%add3A_192, %broadcast_in_dim3A_384] : memref<512x64xf32, #tpu.memory_space<vmem>>[vector<16xi32>, vector<16xi32>], vector<16xf32>,
      %gather3A_386 = tpu.vector_load_idx %arg10[%add3A_192, %broadcast_in_dim3A_384] : memref<512x64xf32, #tpu.memory_space<vmem>>[vector<16xi32>, vector<16xi32>], vector<16xf32>,
      %mul3A_387 = arith.mulf %gather3A_385, %gather3A_385 : vector<16xf32>
      %add3A_388 = arith.addf %add3A_348, %mul3A_387 : vector<16xf32>
      %mul3A_389 = arith.mulf %gather3A_386, %gather3A_386 : vector<16xf32>
      %add3A_390 = arith.addf %add3A_350, %mul3A_389 : vector<16xf32>
      %mul3A_391 = arith.mulf %gather3A_385, %gather3A_386 : vector<16xf32>
      %add3A_392 = arith.addf %add3A_352, %mul3A_391 : vector<16xf32>
      %broadcast_in_dim3A_393 = arith.constant 20 : i32
      %broadcast_in_dim3A_394 = vector.broadcast %broadcast_in_dim3A_393 : i32 to vector<16xi32>
      %gather3A_395 = tpu.vector_load_idx %arg9[%add3A_192, %broadcast_in_dim3A_394] : memref<512x64xf32, #tpu.memory_space<vmem>>[vector<16xi32>, vector<16xi32>], vector<16xf32>,
      %gather3A_396 = tpu.vector_load_idx %arg10[%add3A_192, %broadcast_in_dim3A_394] : memref<512x64xf32, #tpu.memory_space<vmem>>[vector<16xi32>, vector<16xi32>], vector<16xf32>,
      %mul3A_397 = arith.mulf %gather3A_395, %gather3A_395 : vector<16xf32>
      %add3A_398 = arith.addf %add3A_358, %mul3A_397 : vector<16xf32>
      %mul3A_399 = arith.mulf %gather3A_396, %gather3A_396 : vector<16xf32>
      %add3A_400 = arith.addf %add3A_360, %mul3A_399 : vector<16xf32>
      %mul3A_401 = arith.mulf %gather3A_395, %gather3A_396 : vector<16xf32>
      %add3A_402 = arith.addf %add3A_362, %mul3A_401 : vector<16xf32>
      %broadcast_in_dim3A_403 = arith.constant 21 : i32
      %broadcast_in_dim3A_404 = vector.broadcast %broadcast_in_dim3A_403 : i32 to vector<16xi32>
      %gather3A_405 = tpu.vector_load_idx %arg9[%add3A_192, %broadcast_in_dim3A_404] : memref<512x64xf32, #tpu.memory_space<vmem>>[vector<16xi32>, vector<16xi32>], vector<16xf32>,
      %gather3A_406 = tpu.vector_load_idx %arg10[%add3A_192, %broadcast_in_dim3A_404] : memref<512x64xf32, #tpu.memory_space<vmem>>[vector<16xi32>, vector<16xi32>], vector<16xf32>,
      %mul3A_407 = arith.mulf %gather3A_405, %gather3A_405 : vector<16xf32>
      %add3A_408 = arith.addf %add3A_368, %mul3A_407 : vector<16xf32>
      %mul3A_409 = arith.mulf %gather3A_406, %gather3A_406 : vector<16xf32>
      %add3A_410 = arith.addf %add3A_370, %mul3A_409 : vector<16xf32>
      %mul3A_411 = arith.mulf %gather3A_405, %gather3A_406 : vector<16xf32>
      %add3A_412 = arith.addf %add3A_372, %mul3A_411 : vector<16xf32>
      %broadcast_in_dim3A_413 = arith.constant 22 : i32
      %broadcast_in_dim3A_414 = vector.broadcast %broadcast_in_dim3A_413 : i32 to vector<16xi32>
      %gather3A_415 = tpu.vector_load_idx %arg9[%add3A_192, %broadcast_in_dim3A_414] : memref<512x64xf32, #tpu.memory_space<vmem>>[vector<16xi32>, vector<16xi32>], vector<16xf32>,
      %gather3A_416 = tpu.vector_load_idx %arg10[%add3A_192, %broadcast_in_dim3A_414] : memref<512x64xf32, #tpu.memory_space<vmem>>[vector<16xi32>, vector<16xi32>], vector<16xf32>,
      %mul3A_417 = arith.mulf %gather3A_415, %gather3A_415 : vector<16xf32>
      %add3A_418 = arith.addf %add3A_378, %mul3A_417 : vector<16xf32>
      %mul3A_419 = arith.mulf %gather3A_416, %gather3A_416 : vector<16xf32>
      %add3A_420 = arith.addf %add3A_380, %mul3A_419 : vector<16xf32>
      %mul3A_421 = arith.mulf %gather3A_415, %gather3A_416 : vector<16xf32>
      %add3A_422 = arith.addf %add3A_382, %mul3A_421 : vector<16xf32>
      %broadcast_in_dim3A_423 = arith.constant 23 : i32
      %broadcast_in_dim3A_424 = vector.broadcast %broadcast_in_dim3A_423 : i32 to vector<16xi32>
      %gather3A_425 = tpu.vector_load_idx %arg9[%add3A_192, %broadcast_in_dim3A_424] : memref<512x64xf32, #tpu.memory_space<vmem>>[vector<16xi32>, vector<16xi32>], vector<16xf32>,
      %gather3A_426 = tpu.vector_load_idx %arg10[%add3A_192, %broadcast_in_dim3A_424] : memref<512x64xf32, #tpu.memory_space<vmem>>[vector<16xi32>, vector<16xi32>], vector<16xf32>,
      %mul3A_427 = arith.mulf %gather3A_425, %gather3A_425 : vector<16xf32>
      %add3A_428 = arith.addf %add3A_388, %mul3A_427 : vector<16xf32>
      %mul3A_429 = arith.mulf %gather3A_426, %gather3A_426 : vector<16xf32>
      %add3A_430 = arith.addf %add3A_390, %mul3A_429 : vector<16xf32>
      %mul3A_431 = arith.mulf %gather3A_425, %gather3A_426 : vector<16xf32>
      %add3A_432 = arith.addf %add3A_392, %mul3A_431 : vector<16xf32>
      %broadcast_in_dim3A_433 = arith.constant 24 : i32
      %broadcast_in_dim3A_434 = vector.broadcast %broadcast_in_dim3A_433 : i32 to vector<16xi32>
      %gather3A_435 = tpu.vector_load_idx %arg9[%add3A_192, %broadcast_in_dim3A_434] : memref<512x64xf32, #tpu.memory_space<vmem>>[vector<16xi32>, vector<16xi32>], vector<16xf32>,
      %gather3A_436 = tpu.vector_load_idx %arg10[%add3A_192, %broadcast_in_dim3A_434] : memref<512x64xf32, #tpu.memory_space<vmem>>[vector<16xi32>, vector<16xi32>], vector<16xf32>,
      %mul3A_437 = arith.mulf %gather3A_435, %gather3A_435 : vector<16xf32>
      %add3A_438 = arith.addf %add3A_398, %mul3A_437 : vector<16xf32>
      %mul3A_439 = arith.mulf %gather3A_436, %gather3A_436 : vector<16xf32>
      %add3A_440 = arith.addf %add3A_400, %mul3A_439 : vector<16xf32>
      %mul3A_441 = arith.mulf %gather3A_435, %gather3A_436 : vector<16xf32>
      %add3A_442 = arith.addf %add3A_402, %mul3A_441 : vector<16xf32>
      %broadcast_in_dim3A_443 = arith.constant 25 : i32
      %broadcast_in_dim3A_444 = vector.broadcast %broadcast_in_dim3A_443 : i32 to vector<16xi32>
      %gather3A_445 = tpu.vector_load_idx %arg9[%add3A_192, %broadcast_in_dim3A_444] : memref<512x64xf32, #tpu.memory_space<vmem>>[vector<16xi32>, vector<16xi32>], vector<16xf32>,
      %gather3A_446 = tpu.vector_load_idx %arg10[%add3A_192, %broadcast_in_dim3A_444] : memref<512x64xf32, #tpu.memory_space<vmem>>[vector<16xi32>, vector<16xi32>], vector<16xf32>,
      %mul3A_447 = arith.mulf %gather3A_445, %gather3A_445 : vector<16xf32>
      %add3A_448 = arith.addf %add3A_408, %mul3A_447 : vector<16xf32>
      %mul3A_449 = arith.mulf %gather3A_446, %gather3A_446 : vector<16xf32>
      %add3A_450 = arith.addf %add3A_410, %mul3A_449 : vector<16xf32>
      %mul3A_451 = arith.mulf %gather3A_445, %gather3A_446 : vector<16xf32>
      %add3A_452 = arith.addf %add3A_412, %mul3A_451 : vector<16xf32>
      %broadcast_in_dim3A_453 = arith.constant 26 : i32
      %broadcast_in_dim3A_454 = vector.broadcast %broadcast_in_dim3A_453 : i32 to vector<16xi32>
      %gather3A_455 = tpu.vector_load_idx %arg9[%add3A_192, %broadcast_in_dim3A_454] : memref<512x64xf32, #tpu.memory_space<vmem>>[vector<16xi32>, vector<16xi32>], vector<16xf32>,
      %gather3A_456 = tpu.vector_load_idx %arg10[%add3A_192, %broadcast_in_dim3A_454] : memref<512x64xf32, #tpu.memory_space<vmem>>[vector<16xi32>, vector<16xi32>], vector<16xf32>,
      %mul3A_457 = arith.mulf %gather3A_455, %gather3A_455 : vector<16xf32>
      %add3A_458 = arith.addf %add3A_418, %mul3A_457 : vector<16xf32>
      %mul3A_459 = arith.mulf %gather3A_456, %gather3A_456 : vector<16xf32>
      %add3A_460 = arith.addf %add3A_420, %mul3A_459 : vector<16xf32>
      %mul3A_461 = arith.mulf %gather3A_455, %gather3A_456 : vector<16xf32>
      %add3A_462 = arith.addf %add3A_422, %mul3A_461 : vector<16xf32>
      %broadcast_in_dim3A_463 = arith.constant 27 : i32
      %broadcast_in_dim3A_464 = vector.broadcast %broadcast_in_dim3A_463 : i32 to vector<16xi32>
      %gather3A_465 = tpu.vector_load_idx %arg9[%add3A_192, %broadcast_in_dim3A_464] : memref<512x64xf32, #tpu.memory_space<vmem>>[vector<16xi32>, vector<16xi32>], vector<16xf32>,
      %gather3A_466 = tpu.vector_load_idx %arg10[%add3A_192, %broadcast_in_dim3A_464] : memref<512x64xf32, #tpu.memory_space<vmem>>[vector<16xi32>, vector<16xi32>], vector<16xf32>,
      %mul3A_467 = arith.mulf %gather3A_465, %gather3A_465 : vector<16xf32>
      %add3A_468 = arith.addf %add3A_428, %mul3A_467 : vector<16xf32>
      %mul3A_469 = arith.mulf %gather3A_466, %gather3A_466 : vector<16xf32>
      %add3A_470 = arith.addf %add3A_430, %mul3A_469 : vector<16xf32>
      %mul3A_471 = arith.mulf %gather3A_465, %gather3A_466 : vector<16xf32>
      %add3A_472 = arith.addf %add3A_432, %mul3A_471 : vector<16xf32>
      %broadcast_in_dim3A_473 = arith.constant 28 : i32
      %broadcast_in_dim3A_474 = vector.broadcast %broadcast_in_dim3A_473 : i32 to vector<16xi32>
      %gather3A_475 = tpu.vector_load_idx %arg9[%add3A_192, %broadcast_in_dim3A_474] : memref<512x64xf32, #tpu.memory_space<vmem>>[vector<16xi32>, vector<16xi32>], vector<16xf32>,
      %gather3A_476 = tpu.vector_load_idx %arg10[%add3A_192, %broadcast_in_dim3A_474] : memref<512x64xf32, #tpu.memory_space<vmem>>[vector<16xi32>, vector<16xi32>], vector<16xf32>,
      %mul3A_477 = arith.mulf %gather3A_475, %gather3A_475 : vector<16xf32>
      %add3A_478 = arith.addf %add3A_438, %mul3A_477 : vector<16xf32>
      %mul3A_479 = arith.mulf %gather3A_476, %gather3A_476 : vector<16xf32>
      %add3A_480 = arith.addf %add3A_440, %mul3A_479 : vector<16xf32>
      %mul3A_481 = arith.mulf %gather3A_475, %gather3A_476 : vector<16xf32>
      %add3A_482 = arith.addf %add3A_442, %mul3A_481 : vector<16xf32>
      %broadcast_in_dim3A_483 = arith.constant 29 : i32
      %broadcast_in_dim3A_484 = vector.broadcast %broadcast_in_dim3A_483 : i32 to vector<16xi32>
      %gather3A_485 = tpu.vector_load_idx %arg9[%add3A_192, %broadcast_in_dim3A_484] : memref<512x64xf32, #tpu.memory_space<vmem>>[vector<16xi32>, vector<16xi32>], vector<16xf32>,
      %gather3A_486 = tpu.vector_load_idx %arg10[%add3A_192, %broadcast_in_dim3A_484] : memref<512x64xf32, #tpu.memory_space<vmem>>[vector<16xi32>, vector<16xi32>], vector<16xf32>,
      %mul3A_487 = arith.mulf %gather3A_485, %gather3A_485 : vector<16xf32>
      %add3A_488 = arith.addf %add3A_448, %mul3A_487 : vector<16xf32>
      %mul3A_489 = arith.mulf %gather3A_486, %gather3A_486 : vector<16xf32>
      %add3A_490 = arith.addf %add3A_450, %mul3A_489 : vector<16xf32>
      %mul3A_491 = arith.mulf %gather3A_485, %gather3A_486 : vector<16xf32>
      %add3A_492 = arith.addf %add3A_452, %mul3A_491 : vector<16xf32>
      %broadcast_in_dim3A_493 = arith.constant 30 : i32
      %broadcast_in_dim3A_494 = vector.broadcast %broadcast_in_dim3A_493 : i32 to vector<16xi32>
      %gather3A_495 = tpu.vector_load_idx %arg9[%add3A_192, %broadcast_in_dim3A_494] : memref<512x64xf32, #tpu.memory_space<vmem>>[vector<16xi32>, vector<16xi32>], vector<16xf32>,
      %gather3A_496 = tpu.vector_load_idx %arg10[%add3A_192, %broadcast_in_dim3A_494] : memref<512x64xf32, #tpu.memory_space<vmem>>[vector<16xi32>, vector<16xi32>], vector<16xf32>,
      %mul3A_497 = arith.mulf %gather3A_495, %gather3A_495 : vector<16xf32>
      %add3A_498 = arith.addf %add3A_458, %mul3A_497 : vector<16xf32>
      %mul3A_499 = arith.mulf %gather3A_496, %gather3A_496 : vector<16xf32>
      %add3A_500 = arith.addf %add3A_460, %mul3A_499 : vector<16xf32>
      %mul3A_501 = arith.mulf %gather3A_495, %gather3A_496 : vector<16xf32>
      %add3A_502 = arith.addf %add3A_462, %mul3A_501 : vector<16xf32>
      %broadcast_in_dim3A_503 = arith.constant 31 : i32
      %broadcast_in_dim3A_504 = vector.broadcast %broadcast_in_dim3A_503 : i32 to vector<16xi32>
      %gather3A_505 = tpu.vector_load_idx %arg9[%add3A_192, %broadcast_in_dim3A_504] : memref<512x64xf32, #tpu.memory_space<vmem>>[vector<16xi32>, vector<16xi32>], vector<16xf32>,
      %gather3A_506 = tpu.vector_load_idx %arg10[%add3A_192, %broadcast_in_dim3A_504] : memref<512x64xf32, #tpu.memory_space<vmem>>[vector<16xi32>, vector<16xi32>], vector<16xf32>,
      %mul3A_507 = arith.mulf %gather3A_505, %gather3A_505 : vector<16xf32>
      %add3A_508 = arith.addf %add3A_468, %mul3A_507 : vector<16xf32>
      %mul3A_509 = arith.mulf %gather3A_506, %gather3A_506 : vector<16xf32>
      %add3A_510 = arith.addf %add3A_470, %mul3A_509 : vector<16xf32>
      %mul3A_511 = arith.mulf %gather3A_505, %gather3A_506 : vector<16xf32>
      %add3A_512 = arith.addf %add3A_472, %mul3A_511 : vector<16xf32>
      %broadcast_in_dim3A_513 = arith.constant 32 : i32
      %broadcast_in_dim3A_514 = vector.broadcast %broadcast_in_dim3A_513 : i32 to vector<16xi32>
      %gather3A_515 = tpu.vector_load_idx %arg9[%add3A_192, %broadcast_in_dim3A_514] : memref<512x64xf32, #tpu.memory_space<vmem>>[vector<16xi32>, vector<16xi32>], vector<16xf32>,
      %gather3A_516 = tpu.vector_load_idx %arg10[%add3A_192, %broadcast_in_dim3A_514] : memref<512x64xf32, #tpu.memory_space<vmem>>[vector<16xi32>, vector<16xi32>], vector<16xf32>,
      %mul3A_517 = arith.mulf %gather3A_515, %gather3A_515 : vector<16xf32>
      %add3A_518 = arith.addf %add3A_478, %mul3A_517 : vector<16xf32>
      %mul3A_519 = arith.mulf %gather3A_516, %gather3A_516 : vector<16xf32>
      %add3A_520 = arith.addf %add3A_480, %mul3A_519 : vector<16xf32>
      %mul3A_521 = arith.mulf %gather3A_515, %gather3A_516 : vector<16xf32>
      %add3A_522 = arith.addf %add3A_482, %mul3A_521 : vector<16xf32>
      %broadcast_in_dim3A_523 = arith.constant 33 : i32
      %broadcast_in_dim3A_524 = vector.broadcast %broadcast_in_dim3A_523 : i32 to vector<16xi32>
      %gather3A_525 = tpu.vector_load_idx %arg9[%add3A_192, %broadcast_in_dim3A_524] : memref<512x64xf32, #tpu.memory_space<vmem>>[vector<16xi32>, vector<16xi32>], vector<16xf32>,
      %gather3A_526 = tpu.vector_load_idx %arg10[%add3A_192, %broadcast_in_dim3A_524] : memref<512x64xf32, #tpu.memory_space<vmem>>[vector<16xi32>, vector<16xi32>], vector<16xf32>,
      %mul3A_527 = arith.mulf %gather3A_525, %gather3A_525 : vector<16xf32>
      %add3A_528 = arith.addf %add3A_488, %mul3A_527 : vector<16xf32>
      %mul3A_529 = arith.mulf %gather3A_526, %gather3A_526 : vector<16xf32>
      %add3A_530 = arith.addf %add3A_490, %mul3A_529 : vector<16xf32>
      %mul3A_531 = arith.mulf %gather3A_525, %gather3A_526 : vector<16xf32>
      %add3A_532 = arith.addf %add3A_492, %mul3A_531 : vector<16xf32>
      %broadcast_in_dim3A_533 = arith.constant 34 : i32
      %broadcast_in_dim3A_534 = vector.broadcast %broadcast_in_dim3A_533 : i32 to vector<16xi32>
      %gather3A_535 = tpu.vector_load_idx %arg9[%add3A_192, %broadcast_in_dim3A_534] : memref<512x64xf32, #tpu.memory_space<vmem>>[vector<16xi32>, vector<16xi32>], vector<16xf32>,
      %gather3A_536 = tpu.vector_load_idx %arg10[%add3A_192, %broadcast_in_dim3A_534] : memref<512x64xf32, #tpu.memory_space<vmem>>[vector<16xi32>, vector<16xi32>], vector<16xf32>,
      %mul3A_537 = arith.mulf %gather3A_535, %gather3A_535 : vector<16xf32>
      %add3A_538 = arith.addf %add3A_498, %mul3A_537 : vector<16xf32>
      %mul3A_539 = arith.mulf %gather3A_536, %gather3A_536 : vector<16xf32>
      %add3A_540 = arith.addf %add3A_500, %mul3A_539 : vector<16xf32>
      %mul3A_541 = arith.mulf %gather3A_535, %gather3A_536 : vector<16xf32>
      %add3A_542 = arith.addf %add3A_502, %mul3A_541 : vector<16xf32>
      %broadcast_in_dim3A_543 = arith.constant 35 : i32
      %broadcast_in_dim3A_544 = vector.broadcast %broadcast_in_dim3A_543 : i32 to vector<16xi32>
      %gather3A_545 = tpu.vector_load_idx %arg9[%add3A_192, %broadcast_in_dim3A_544] : memref<512x64xf32, #tpu.memory_space<vmem>>[vector<16xi32>, vector<16xi32>], vector<16xf32>,
      %gather3A_546 = tpu.vector_load_idx %arg10[%add3A_192, %broadcast_in_dim3A_544] : memref<512x64xf32, #tpu.memory_space<vmem>>[vector<16xi32>, vector<16xi32>], vector<16xf32>,
      %mul3A_547 = arith.mulf %gather3A_545, %gather3A_545 : vector<16xf32>
      %add3A_548 = arith.addf %add3A_508, %mul3A_547 : vector<16xf32>
      %mul3A_549 = arith.mulf %gather3A_546, %gather3A_546 : vector<16xf32>
      %add3A_550 = arith.addf %add3A_510, %mul3A_549 : vector<16xf32>
      %mul3A_551 = arith.mulf %gather3A_545, %gather3A_546 : vector<16xf32>
      %add3A_552 = arith.addf %add3A_512, %mul3A_551 : vector<16xf32>
      %broadcast_in_dim3A_553 = arith.constant 36 : i32
      %broadcast_in_dim3A_554 = vector.broadcast %broadcast_in_dim3A_553 : i32 to vector<16xi32>
      %gather3A_555 = tpu.vector_load_idx %arg9[%add3A_192, %broadcast_in_dim3A_554] : memref<512x64xf32, #tpu.memory_space<vmem>>[vector<16xi32>, vector<16xi32>], vector<16xf32>,
      %gather3A_556 = tpu.vector_load_idx %arg10[%add3A_192, %broadcast_in_dim3A_554] : memref<512x64xf32, #tpu.memory_space<vmem>>[vector<16xi32>, vector<16xi32>], vector<16xf32>,
      %mul3A_557 = arith.mulf %gather3A_555, %gather3A_555 : vector<16xf32>
      %add3A_558 = arith.addf %add3A_518, %mul3A_557 : vector<16xf32>
      %mul3A_559 = arith.mulf %gather3A_556, %gather3A_556 : vector<16xf32>
      %add3A_560 = arith.addf %add3A_520, %mul3A_559 : vector<16xf32>
      %mul3A_561 = arith.mulf %gather3A_555, %gather3A_556 : vector<16xf32>
      %add3A_562 = arith.addf %add3A_522, %mul3A_561 : vector<16xf32>
      %broadcast_in_dim3A_563 = arith.constant 37 : i32
      %broadcast_in_dim3A_564 = vector.broadcast %broadcast_in_dim3A_563 : i32 to vector<16xi32>
      %gather3A_565 = tpu.vector_load_idx %arg9[%add3A_192, %broadcast_in_dim3A_564] : memref<512x64xf32, #tpu.memory_space<vmem>>[vector<16xi32>, vector<16xi32>], vector<16xf32>,
      %gather3A_566 = tpu.vector_load_idx %arg10[%add3A_192, %broadcast_in_dim3A_564] : memref<512x64xf32, #tpu.memory_space<vmem>>[vector<16xi32>, vector<16xi32>], vector<16xf32>,
      %mul3A_567 = arith.mulf %gather3A_565, %gather3A_565 : vector<16xf32>
      %add3A_568 = arith.addf %add3A_528, %mul3A_567 : vector<16xf32>
      %mul3A_569 = arith.mulf %gather3A_566, %gather3A_566 : vector<16xf32>
      %add3A_570 = arith.addf %add3A_530, %mul3A_569 : vector<16xf32>
      %mul3A_571 = arith.mulf %gather3A_565, %gather3A_566 : vector<16xf32>
      %add3A_572 = arith.addf %add3A_532, %mul3A_571 : vector<16xf32>
      %broadcast_in_dim3A_573 = arith.constant 38 : i32
      %broadcast_in_dim3A_574 = vector.broadcast %broadcast_in_dim3A_573 : i32 to vector<16xi32>
      %gather3A_575 = tpu.vector_load_idx %arg9[%add3A_192, %broadcast_in_dim3A_574] : memref<512x64xf32, #tpu.memory_space<vmem>>[vector<16xi32>, vector<16xi32>], vector<16xf32>,
      %gather3A_576 = tpu.vector_load_idx %arg10[%add3A_192, %broadcast_in_dim3A_574] : memref<512x64xf32, #tpu.memory_space<vmem>>[vector<16xi32>, vector<16xi32>], vector<16xf32>,
      %mul3A_577 = arith.mulf %gather3A_575, %gather3A_575 : vector<16xf32>
      %add3A_578 = arith.addf %add3A_538, %mul3A_577 : vector<16xf32>
      %mul3A_579 = arith.mulf %gather3A_576, %gather3A_576 : vector<16xf32>
      %add3A_580 = arith.addf %add3A_540, %mul3A_579 : vector<16xf32>
      %mul3A_581 = arith.mulf %gather3A_575, %gather3A_576 : vector<16xf32>
      %add3A_582 = arith.addf %add3A_542, %mul3A_581 : vector<16xf32>
      %broadcast_in_dim3A_583 = arith.constant 39 : i32
      %broadcast_in_dim3A_584 = vector.broadcast %broadcast_in_dim3A_583 : i32 to vector<16xi32>
      %gather3A_585 = tpu.vector_load_idx %arg9[%add3A_192, %broadcast_in_dim3A_584] : memref<512x64xf32, #tpu.memory_space<vmem>>[vector<16xi32>, vector<16xi32>], vector<16xf32>,
      %gather3A_586 = tpu.vector_load_idx %arg10[%add3A_192, %broadcast_in_dim3A_584] : memref<512x64xf32, #tpu.memory_space<vmem>>[vector<16xi32>, vector<16xi32>], vector<16xf32>,
      %mul3A_587 = arith.mulf %gather3A_585, %gather3A_585 : vector<16xf32>
      %add3A_588 = arith.addf %add3A_548, %mul3A_587 : vector<16xf32>
      %mul3A_589 = arith.mulf %gather3A_586, %gather3A_586 : vector<16xf32>
      %add3A_590 = arith.addf %add3A_550, %mul3A_589 : vector<16xf32>
      %mul3A_591 = arith.mulf %gather3A_585, %gather3A_586 : vector<16xf32>
      %add3A_592 = arith.addf %add3A_552, %mul3A_591 : vector<16xf32>
      %broadcast_in_dim3A_593 = arith.constant 40 : i32
      %broadcast_in_dim3A_594 = vector.broadcast %broadcast_in_dim3A_593 : i32 to vector<16xi32>
      %gather3A_595 = tpu.vector_load_idx %arg9[%add3A_192, %broadcast_in_dim3A_594] : memref<512x64xf32, #tpu.memory_space<vmem>>[vector<16xi32>, vector<16xi32>], vector<16xf32>,
      %gather3A_596 = tpu.vector_load_idx %arg10[%add3A_192, %broadcast_in_dim3A_594] : memref<512x64xf32, #tpu.memory_space<vmem>>[vector<16xi32>, vector<16xi32>], vector<16xf32>,
      %mul3A_597 = arith.mulf %gather3A_595, %gather3A_595 : vector<16xf32>
      %add3A_598 = arith.addf %add3A_558, %mul3A_597 : vector<16xf32>
      %mul3A_599 = arith.mulf %gather3A_596, %gather3A_596 : vector<16xf32>
      %add3A_600 = arith.addf %add3A_560, %mul3A_599 : vector<16xf32>
      %mul3A_601 = arith.mulf %gather3A_595, %gather3A_596 : vector<16xf32>
      %add3A_602 = arith.addf %add3A_562, %mul3A_601 : vector<16xf32>
      %broadcast_in_dim3A_603 = arith.constant 41 : i32
      %broadcast_in_dim3A_604 = vector.broadcast %broadcast_in_dim3A_603 : i32 to vector<16xi32>
      %gather3A_605 = tpu.vector_load_idx %arg9[%add3A_192, %broadcast_in_dim3A_604] : memref<512x64xf32, #tpu.memory_space<vmem>>[vector<16xi32>, vector<16xi32>], vector<16xf32>,
      %gather3A_606 = tpu.vector_load_idx %arg10[%add3A_192, %broadcast_in_dim3A_604] : memref<512x64xf32, #tpu.memory_space<vmem>>[vector<16xi32>, vector<16xi32>], vector<16xf32>,
      %mul3A_607 = arith.mulf %gather3A_605, %gather3A_605 : vector<16xf32>
      %add3A_608 = arith.addf %add3A_568, %mul3A_607 : vector<16xf32>
      %mul3A_609 = arith.mulf %gather3A_606, %gather3A_606 : vector<16xf32>
      %add3A_610 = arith.addf %add3A_570, %mul3A_609 : vector<16xf32>
      %mul3A_611 = arith.mulf %gather3A_605, %gather3A_606 : vector<16xf32>
      %add3A_612 = arith.addf %add3A_572, %mul3A_611 : vector<16xf32>
      %broadcast_in_dim3A_613 = arith.constant 42 : i32
      %broadcast_in_dim3A_614 = vector.broadcast %broadcast_in_dim3A_613 : i32 to vector<16xi32>
      %gather3A_615 = tpu.vector_load_idx %arg9[%add3A_192, %broadcast_in_dim3A_614] : memref<512x64xf32, #tpu.memory_space<vmem>>[vector<16xi32>, vector<16xi32>], vector<16xf32>,
      %gather3A_616 = tpu.vector_load_idx %arg10[%add3A_192, %broadcast_in_dim3A_614] : memref<512x64xf32, #tpu.memory_space<vmem>>[vector<16xi32>, vector<16xi32>], vector<16xf32>,
      %mul3A_617 = arith.mulf %gather3A_615, %gather3A_615 : vector<16xf32>
      %add3A_618 = arith.addf %add3A_578, %mul3A_617 : vector<16xf32>
      %mul3A_619 = arith.mulf %gather3A_616, %gather3A_616 : vector<16xf32>
      %add3A_620 = arith.addf %add3A_580, %mul3A_619 : vector<16xf32>
      %mul3A_621 = arith.mulf %gather3A_615, %gather3A_616 : vector<16xf32>
      %add3A_622 = arith.addf %add3A_582, %mul3A_621 : vector<16xf32>
      %broadcast_in_dim3A_623 = arith.constant 43 : i32
      %broadcast_in_dim3A_624 = vector.broadcast %broadcast_in_dim3A_623 : i32 to vector<16xi32>
      %gather3A_625 = tpu.vector_load_idx %arg9[%add3A_192, %broadcast_in_dim3A_624] : memref<512x64xf32, #tpu.memory_space<vmem>>[vector<16xi32>, vector<16xi32>], vector<16xf32>,
      %gather3A_626 = tpu.vector_load_idx %arg10[%add3A_192, %broadcast_in_dim3A_624] : memref<512x64xf32, #tpu.memory_space<vmem>>[vector<16xi32>, vector<16xi32>], vector<16xf32>,
      %mul3A_627 = arith.mulf %gather3A_625, %gather3A_625 : vector<16xf32>
      %add3A_628 = arith.addf %add3A_588, %mul3A_627 : vector<16xf32>
      %mul3A_629 = arith.mulf %gather3A_626, %gather3A_626 : vector<16xf32>
      %add3A_630 = arith.addf %add3A_590, %mul3A_629 : vector<16xf32>
      %mul3A_631 = arith.mulf %gather3A_625, %gather3A_626 : vector<16xf32>
      %add3A_632 = arith.addf %add3A_592, %mul3A_631 : vector<16xf32>
      %broadcast_in_dim3A_633 = arith.constant 44 : i32
      %broadcast_in_dim3A_634 = vector.broadcast %broadcast_in_dim3A_633 : i32 to vector<16xi32>
      %gather3A_635 = tpu.vector_load_idx %arg9[%add3A_192, %broadcast_in_dim3A_634] : memref<512x64xf32, #tpu.memory_space<vmem>>[vector<16xi32>, vector<16xi32>], vector<16xf32>,
      %gather3A_636 = tpu.vector_load_idx %arg10[%add3A_192, %broadcast_in_dim3A_634] : memref<512x64xf32, #tpu.memory_space<vmem>>[vector<16xi32>, vector<16xi32>], vector<16xf32>,
      %mul3A_637 = arith.mulf %gather3A_635, %gather3A_635 : vector<16xf32>
      %add3A_638 = arith.addf %add3A_598, %mul3A_637 : vector<16xf32>
      %mul3A_639 = arith.mulf %gather3A_636, %gather3A_636 : vector<16xf32>
      %add3A_640 = arith.addf %add3A_600, %mul3A_639 : vector<16xf32>
      %mul3A_641 = arith.mulf %gather3A_635, %gather3A_636 : vector<16xf32>
      %add3A_642 = arith.addf %add3A_602, %mul3A_641 : vector<16xf32>
      %broadcast_in_dim3A_643 = arith.constant 45 : i32
      %broadcast_in_dim3A_644 = vector.broadcast %broadcast_in_dim3A_643 : i32 to vector<16xi32>
      %gather3A_645 = tpu.vector_load_idx %arg9[%add3A_192, %broadcast_in_dim3A_644] : memref<512x64xf32, #tpu.memory_space<vmem>>[vector<16xi32>, vector<16xi32>], vector<16xf32>,
      %gather3A_646 = tpu.vector_load_idx %arg10[%add3A_192, %broadcast_in_dim3A_644] : memref<512x64xf32, #tpu.memory_space<vmem>>[vector<16xi32>, vector<16xi32>], vector<16xf32>,
      %mul3A_647 = arith.mulf %gather3A_645, %gather3A_645 : vector<16xf32>
      %add3A_648 = arith.addf %add3A_608, %mul3A_647 : vector<16xf32>
      %mul3A_649 = arith.mulf %gather3A_646, %gather3A_646 : vector<16xf32>
      %add3A_650 = arith.addf %add3A_610, %mul3A_649 : vector<16xf32>
      %mul3A_651 = arith.mulf %gather3A_645, %gather3A_646 : vector<16xf32>
      %add3A_652 = arith.addf %add3A_612, %mul3A_651 : vector<16xf32>
      %broadcast_in_dim3A_653 = arith.constant 46 : i32
      %broadcast_in_dim3A_654 = vector.broadcast %broadcast_in_dim3A_653 : i32 to vector<16xi32>
      %gather3A_655 = tpu.vector_load_idx %arg9[%add3A_192, %broadcast_in_dim3A_654] : memref<512x64xf32, #tpu.memory_space<vmem>>[vector<16xi32>, vector<16xi32>], vector<16xf32>,
      %gather3A_656 = tpu.vector_load_idx %arg10[%add3A_192, %broadcast_in_dim3A_654] : memref<512x64xf32, #tpu.memory_space<vmem>>[vector<16xi32>, vector<16xi32>], vector<16xf32>,
      %mul3A_657 = arith.mulf %gather3A_655, %gather3A_655 : vector<16xf32>
      %add3A_658 = arith.addf %add3A_618, %mul3A_657 : vector<16xf32>
      %mul3A_659 = arith.mulf %gather3A_656, %gather3A_656 : vector<16xf32>
      %add3A_660 = arith.addf %add3A_620, %mul3A_659 : vector<16xf32>
      %mul3A_661 = arith.mulf %gather3A_655, %gather3A_656 : vector<16xf32>
      %add3A_662 = arith.addf %add3A_622, %mul3A_661 : vector<16xf32>
      %broadcast_in_dim3A_663 = arith.constant 47 : i32
      %broadcast_in_dim3A_664 = vector.broadcast %broadcast_in_dim3A_663 : i32 to vector<16xi32>
      %gather3A_665 = tpu.vector_load_idx %arg9[%add3A_192, %broadcast_in_dim3A_664] : memref<512x64xf32, #tpu.memory_space<vmem>>[vector<16xi32>, vector<16xi32>], vector<16xf32>,
      %gather3A_666 = tpu.vector_load_idx %arg10[%add3A_192, %broadcast_in_dim3A_664] : memref<512x64xf32, #tpu.memory_space<vmem>>[vector<16xi32>, vector<16xi32>], vector<16xf32>,
      %mul3A_667 = arith.mulf %gather3A_665, %gather3A_665 : vector<16xf32>
      %add3A_668 = arith.addf %add3A_628, %mul3A_667 : vector<16xf32>
      %mul3A_669 = arith.mulf %gather3A_666, %gather3A_666 : vector<16xf32>
      %add3A_670 = arith.addf %add3A_630, %mul3A_669 : vector<16xf32>
      %mul3A_671 = arith.mulf %gather3A_665, %gather3A_666 : vector<16xf32>
      %add3A_672 = arith.addf %add3A_632, %mul3A_671 : vector<16xf32>
      %broadcast_in_dim3A_673 = arith.constant 48 : i32
      %broadcast_in_dim3A_674 = vector.broadcast %broadcast_in_dim3A_673 : i32 to vector<16xi32>
      %gather3A_675 = tpu.vector_load_idx %arg9[%add3A_192, %broadcast_in_dim3A_674] : memref<512x64xf32, #tpu.memory_space<vmem>>[vector<16xi32>, vector<16xi32>], vector<16xf32>,
      %gather3A_676 = tpu.vector_load_idx %arg10[%add3A_192, %broadcast_in_dim3A_674] : memref<512x64xf32, #tpu.memory_space<vmem>>[vector<16xi32>, vector<16xi32>], vector<16xf32>,
      %mul3A_677 = arith.mulf %gather3A_675, %gather3A_675 : vector<16xf32>
      %add3A_678 = arith.addf %add3A_638, %mul3A_677 : vector<16xf32>
      %mul3A_679 = arith.mulf %gather3A_676, %gather3A_676 : vector<16xf32>
      %add3A_680 = arith.addf %add3A_640, %mul3A_679 : vector<16xf32>
      %mul3A_681 = arith.mulf %gather3A_675, %gather3A_676 : vector<16xf32>
      %add3A_682 = arith.addf %add3A_642, %mul3A_681 : vector<16xf32>
      %broadcast_in_dim3A_683 = arith.constant 49 : i32
      %broadcast_in_dim3A_684 = vector.broadcast %broadcast_in_dim3A_683 : i32 to vector<16xi32>
      %gather3A_685 = tpu.vector_load_idx %arg9[%add3A_192, %broadcast_in_dim3A_684] : memref<512x64xf32, #tpu.memory_space<vmem>>[vector<16xi32>, vector<16xi32>], vector<16xf32>,
      %gather3A_686 = tpu.vector_load_idx %arg10[%add3A_192, %broadcast_in_dim3A_684] : memref<512x64xf32, #tpu.memory_space<vmem>>[vector<16xi32>, vector<16xi32>], vector<16xf32>,
      %mul3A_687 = arith.mulf %gather3A_685, %gather3A_685 : vector<16xf32>
      %add3A_688 = arith.addf %add3A_648, %mul3A_687 : vector<16xf32>
      %mul3A_689 = arith.mulf %gather3A_686, %gather3A_686 : vector<16xf32>
      %add3A_690 = arith.addf %add3A_650, %mul3A_689 : vector<16xf32>
      %mul3A_691 = arith.mulf %gather3A_685, %gather3A_686 : vector<16xf32>
      %add3A_692 = arith.addf %add3A_652, %mul3A_691 : vector<16xf32>
      %broadcast_in_dim3A_693 = arith.constant 50 : i32
      %broadcast_in_dim3A_694 = vector.broadcast %broadcast_in_dim3A_693 : i32 to vector<16xi32>
      %gather3A_695 = tpu.vector_load_idx %arg9[%add3A_192, %broadcast_in_dim3A_694] : memref<512x64xf32, #tpu.memory_space<vmem>>[vector<16xi32>, vector<16xi32>], vector<16xf32>,
      %gather3A_696 = tpu.vector_load_idx %arg10[%add3A_192, %broadcast_in_dim3A_694] : memref<512x64xf32, #tpu.memory_space<vmem>>[vector<16xi32>, vector<16xi32>], vector<16xf32>,
      %mul3A_697 = arith.mulf %gather3A_695, %gather3A_695 : vector<16xf32>
      %add3A_698 = arith.addf %add3A_658, %mul3A_697 : vector<16xf32>
      %mul3A_699 = arith.mulf %gather3A_696, %gather3A_696 : vector<16xf32>
      %add3A_700 = arith.addf %add3A_660, %mul3A_699 : vector<16xf32>
      %mul3A_701 = arith.mulf %gather3A_695, %gather3A_696 : vector<16xf32>
      %add3A_702 = arith.addf %add3A_662, %mul3A_701 : vector<16xf32>
      %broadcast_in_dim3A_703 = arith.constant 51 : i32
      %broadcast_in_dim3A_704 = vector.broadcast %broadcast_in_dim3A_703 : i32 to vector<16xi32>
      %gather3A_705 = tpu.vector_load_idx %arg9[%add3A_192, %broadcast_in_dim3A_704] : memref<512x64xf32, #tpu.memory_space<vmem>>[vector<16xi32>, vector<16xi32>], vector<16xf32>,
      %gather3A_706 = tpu.vector_load_idx %arg10[%add3A_192, %broadcast_in_dim3A_704] : memref<512x64xf32, #tpu.memory_space<vmem>>[vector<16xi32>, vector<16xi32>], vector<16xf32>,
      %mul3A_707 = arith.mulf %gather3A_705, %gather3A_705 : vector<16xf32>
      %add3A_708 = arith.addf %add3A_668, %mul3A_707 : vector<16xf32>
      %mul3A_709 = arith.mulf %gather3A_706, %gather3A_706 : vector<16xf32>
      %add3A_710 = arith.addf %add3A_670, %mul3A_709 : vector<16xf32>
      %mul3A_711 = arith.mulf %gather3A_705, %gather3A_706 : vector<16xf32>
      %add3A_712 = arith.addf %add3A_672, %mul3A_711 : vector<16xf32>
      %broadcast_in_dim3A_713 = arith.constant 52 : i32
      %broadcast_in_dim3A_714 = vector.broadcast %broadcast_in_dim3A_713 : i32 to vector<16xi32>
      %gather3A_715 = tpu.vector_load_idx %arg9[%add3A_192, %broadcast_in_dim3A_714] : memref<512x64xf32, #tpu.memory_space<vmem>>[vector<16xi32>, vector<16xi32>], vector<16xf32>,
      %gather3A_716 = tpu.vector_load_idx %arg10[%add3A_192, %broadcast_in_dim3A_714] : memref<512x64xf32, #tpu.memory_space<vmem>>[vector<16xi32>, vector<16xi32>], vector<16xf32>,
      %mul3A_717 = arith.mulf %gather3A_715, %gather3A_715 : vector<16xf32>
      %add3A_718 = arith.addf %add3A_678, %mul3A_717 : vector<16xf32>
      %mul3A_719 = arith.mulf %gather3A_716, %gather3A_716 : vector<16xf32>
      %add3A_720 = arith.addf %add3A_680, %mul3A_719 : vector<16xf32>
      %mul3A_721 = arith.mulf %gather3A_715, %gather3A_716 : vector<16xf32>
      %add3A_722 = arith.addf %add3A_682, %mul3A_721 : vector<16xf32>
      %broadcast_in_dim3A_723 = arith.constant 53 : i32
      %broadcast_in_dim3A_724 = vector.broadcast %broadcast_in_dim3A_723 : i32 to vector<16xi32>
      %gather3A_725 = tpu.vector_load_idx %arg9[%add3A_192, %broadcast_in_dim3A_724] : memref<512x64xf32, #tpu.memory_space<vmem>>[vector<16xi32>, vector<16xi32>], vector<16xf32>,
      %gather3A_726 = tpu.vector_load_idx %arg10[%add3A_192, %broadcast_in_dim3A_724] : memref<512x64xf32, #tpu.memory_space<vmem>>[vector<16xi32>, vector<16xi32>], vector<16xf32>,
      %mul3A_727 = arith.mulf %gather3A_725, %gather3A_725 : vector<16xf32>
      %add3A_728 = arith.addf %add3A_688, %mul3A_727 : vector<16xf32>
      %mul3A_729 = arith.mulf %gather3A_726, %gather3A_726 : vector<16xf32>
      %add3A_730 = arith.addf %add3A_690, %mul3A_729 : vector<16xf32>
      %mul3A_731 = arith.mulf %gather3A_725, %gather3A_726 : vector<16xf32>
      %add3A_732 = arith.addf %add3A_692, %mul3A_731 : vector<16xf32>
      %broadcast_in_dim3A_733 = arith.constant 54 : i32
      %broadcast_in_dim3A_734 = vector.broadcast %broadcast_in_dim3A_733 : i32 to vector<16xi32>
      %gather3A_735 = tpu.vector_load_idx %arg9[%add3A_192, %broadcast_in_dim3A_734] : memref<512x64xf32, #tpu.memory_space<vmem>>[vector<16xi32>, vector<16xi32>], vector<16xf32>,
      %gather3A_736 = tpu.vector_load_idx %arg10[%add3A_192, %broadcast_in_dim3A_734] : memref<512x64xf32, #tpu.memory_space<vmem>>[vector<16xi32>, vector<16xi32>], vector<16xf32>,
      %mul3A_737 = arith.mulf %gather3A_735, %gather3A_735 : vector<16xf32>
      %add3A_738 = arith.addf %add3A_698, %mul3A_737 : vector<16xf32>
      %mul3A_739 = arith.mulf %gather3A_736, %gather3A_736 : vector<16xf32>
      %add3A_740 = arith.addf %add3A_700, %mul3A_739 : vector<16xf32>
      %mul3A_741 = arith.mulf %gather3A_735, %gather3A_736 : vector<16xf32>
      %add3A_742 = arith.addf %add3A_702, %mul3A_741 : vector<16xf32>
      %broadcast_in_dim3A_743 = arith.constant 55 : i32
      %broadcast_in_dim3A_744 = vector.broadcast %broadcast_in_dim3A_743 : i32 to vector<16xi32>
      %gather3A_745 = tpu.vector_load_idx %arg9[%add3A_192, %broadcast_in_dim3A_744] : memref<512x64xf32, #tpu.memory_space<vmem>>[vector<16xi32>, vector<16xi32>], vector<16xf32>,
      %gather3A_746 = tpu.vector_load_idx %arg10[%add3A_192, %broadcast_in_dim3A_744] : memref<512x64xf32, #tpu.memory_space<vmem>>[vector<16xi32>, vector<16xi32>], vector<16xf32>,
      %mul3A_747 = arith.mulf %gather3A_745, %gather3A_745 : vector<16xf32>
      %add3A_748 = arith.addf %add3A_708, %mul3A_747 : vector<16xf32>
      %mul3A_749 = arith.mulf %gather3A_746, %gather3A_746 : vector<16xf32>
      %add3A_750 = arith.addf %add3A_710, %mul3A_749 : vector<16xf32>
      %mul3A_751 = arith.mulf %gather3A_745, %gather3A_746 : vector<16xf32>
      %add3A_752 = arith.addf %add3A_712, %mul3A_751 : vector<16xf32>
      %broadcast_in_dim3A_753 = arith.constant 56 : i32
      %broadcast_in_dim3A_754 = vector.broadcast %broadcast_in_dim3A_753 : i32 to vector<16xi32>
      %gather3A_755 = tpu.vector_load_idx %arg9[%add3A_192, %broadcast_in_dim3A_754] : memref<512x64xf32, #tpu.memory_space<vmem>>[vector<16xi32>, vector<16xi32>], vector<16xf32>,
      %gather3A_756 = tpu.vector_load_idx %arg10[%add3A_192, %broadcast_in_dim3A_754] : memref<512x64xf32, #tpu.memory_space<vmem>>[vector<16xi32>, vector<16xi32>], vector<16xf32>,
      %mul3A_757 = arith.mulf %gather3A_755, %gather3A_755 : vector<16xf32>
      %add3A_758 = arith.addf %add3A_718, %mul3A_757 : vector<16xf32>
      %mul3A_759 = arith.mulf %gather3A_756, %gather3A_756 : vector<16xf32>
      %add3A_760 = arith.addf %add3A_720, %mul3A_759 : vector<16xf32>
      %mul3A_761 = arith.mulf %gather3A_755, %gather3A_756 : vector<16xf32>
      %add3A_762 = arith.addf %add3A_722, %mul3A_761 : vector<16xf32>
      %broadcast_in_dim3A_763 = arith.constant 57 : i32
      %broadcast_in_dim3A_764 = vector.broadcast %broadcast_in_dim3A_763 : i32 to vector<16xi32>
      %gather3A_765 = tpu.vector_load_idx %arg9[%add3A_192, %broadcast_in_dim3A_764] : memref<512x64xf32, #tpu.memory_space<vmem>>[vector<16xi32>, vector<16xi32>], vector<16xf32>,
      %gather3A_766 = tpu.vector_load_idx %arg10[%add3A_192, %broadcast_in_dim3A_764] : memref<512x64xf32, #tpu.memory_space<vmem>>[vector<16xi32>, vector<16xi32>], vector<16xf32>,
      %mul3A_767 = arith.mulf %gather3A_765, %gather3A_765 : vector<16xf32>
      %add3A_768 = arith.addf %add3A_728, %mul3A_767 : vector<16xf32>
      %mul3A_769 = arith.mulf %gather3A_766, %gather3A_766 : vector<16xf32>
      %add3A_770 = arith.addf %add3A_730, %mul3A_769 : vector<16xf32>
      %mul3A_771 = arith.mulf %gather3A_765, %gather3A_766 : vector<16xf32>
      %add3A_772 = arith.addf %add3A_732, %mul3A_771 : vector<16xf32>
      %broadcast_in_dim3A_773 = arith.constant 58 : i32
      %broadcast_in_dim3A_774 = vector.broadcast %broadcast_in_dim3A_773 : i32 to vector<16xi32>
      %gather3A_775 = tpu.vector_load_idx %arg9[%add3A_192, %broadcast_in_dim3A_774] : memref<512x64xf32, #tpu.memory_space<vmem>>[vector<16xi32>, vector<16xi32>], vector<16xf32>,
      %gather3A_776 = tpu.vector_load_idx %arg10[%add3A_192, %broadcast_in_dim3A_774] : memref<512x64xf32, #tpu.memory_space<vmem>>[vector<16xi32>, vector<16xi32>], vector<16xf32>,
      %mul3A_777 = arith.mulf %gather3A_775, %gather3A_775 : vector<16xf32>
      %add3A_778 = arith.addf %add3A_738, %mul3A_777 : vector<16xf32>
      %mul3A_779 = arith.mulf %gather3A_776, %gather3A_776 : vector<16xf32>
      %add3A_780 = arith.addf %add3A_740, %mul3A_779 : vector<16xf32>
      %mul3A_781 = arith.mulf %gather3A_775, %gather3A_776 : vector<16xf32>
      %add3A_782 = arith.addf %add3A_742, %mul3A_781 : vector<16xf32>
      %broadcast_in_dim3A_783 = arith.constant 59 : i32
      %broadcast_in_dim3A_784 = vector.broadcast %broadcast_in_dim3A_783 : i32 to vector<16xi32>
      %gather3A_785 = tpu.vector_load_idx %arg9[%add3A_192, %broadcast_in_dim3A_784] : memref<512x64xf32, #tpu.memory_space<vmem>>[vector<16xi32>, vector<16xi32>], vector<16xf32>,
      %gather3A_786 = tpu.vector_load_idx %arg10[%add3A_192, %broadcast_in_dim3A_784] : memref<512x64xf32, #tpu.memory_space<vmem>>[vector<16xi32>, vector<16xi32>], vector<16xf32>,
      %mul3A_787 = arith.mulf %gather3A_785, %gather3A_785 : vector<16xf32>
      %add3A_788 = arith.addf %add3A_748, %mul3A_787 : vector<16xf32>
      %mul3A_789 = arith.mulf %gather3A_786, %gather3A_786 : vector<16xf32>
      %add3A_790 = arith.addf %add3A_750, %mul3A_789 : vector<16xf32>
      %mul3A_791 = arith.mulf %gather3A_785, %gather3A_786 : vector<16xf32>
      %add3A_792 = arith.addf %add3A_752, %mul3A_791 : vector<16xf32>
      %broadcast_in_dim3A_793 = arith.constant 60 : i32
      %broadcast_in_dim3A_794 = vector.broadcast %broadcast_in_dim3A_793 : i32 to vector<16xi32>
      %gather3A_795 = tpu.vector_load_idx %arg9[%add3A_192, %broadcast_in_dim3A_794] : memref<512x64xf32, #tpu.memory_space<vmem>>[vector<16xi32>, vector<16xi32>], vector<16xf32>,
      %gather3A_796 = tpu.vector_load_idx %arg10[%add3A_192, %broadcast_in_dim3A_794] : memref<512x64xf32, #tpu.memory_space<vmem>>[vector<16xi32>, vector<16xi32>], vector<16xf32>,
      %mul3A_797 = arith.mulf %gather3A_795, %gather3A_795 : vector<16xf32>
      %add3A_798 = arith.addf %add3A_758, %mul3A_797 : vector<16xf32>
      %mul3A_799 = arith.mulf %gather3A_796, %gather3A_796 : vector<16xf32>
      %add3A_800 = arith.addf %add3A_760, %mul3A_799 : vector<16xf32>
      %mul3A_801 = arith.mulf %gather3A_795, %gather3A_796 : vector<16xf32>
      %add3A_802 = arith.addf %add3A_762, %mul3A_801 : vector<16xf32>
      %broadcast_in_dim3A_803 = arith.constant 61 : i32
      %broadcast_in_dim3A_804 = vector.broadcast %broadcast_in_dim3A_803 : i32 to vector<16xi32>
      %gather3A_805 = tpu.vector_load_idx %arg9[%add3A_192, %broadcast_in_dim3A_804] : memref<512x64xf32, #tpu.memory_space<vmem>>[vector<16xi32>, vector<16xi32>], vector<16xf32>,
      %gather3A_806 = tpu.vector_load_idx %arg10[%add3A_192, %broadcast_in_dim3A_804] : memref<512x64xf32, #tpu.memory_space<vmem>>[vector<16xi32>, vector<16xi32>], vector<16xf32>,
      %mul3A_807 = arith.mulf %gather3A_805, %gather3A_805 : vector<16xf32>
      %add3A_808 = arith.addf %add3A_768, %mul3A_807 : vector<16xf32>
      %mul3A_809 = arith.mulf %gather3A_806, %gather3A_806 : vector<16xf32>
      %add3A_810 = arith.addf %add3A_770, %mul3A_809 : vector<16xf32>
      %mul3A_811 = arith.mulf %gather3A_805, %gather3A_806 : vector<16xf32>
      %add3A_812 = arith.addf %add3A_772, %mul3A_811 : vector<16xf32>
      %broadcast_in_dim3A_813 = arith.constant 62 : i32
      %broadcast_in_dim3A_814 = vector.broadcast %broadcast_in_dim3A_813 : i32 to vector<16xi32>
      %gather3A_815 = tpu.vector_load_idx %arg9[%add3A_192, %broadcast_in_dim3A_814] : memref<512x64xf32, #tpu.memory_space<vmem>>[vector<16xi32>, vector<16xi32>], vector<16xf32>,
      %gather3A_816 = tpu.vector_load_idx %arg10[%add3A_192, %broadcast_in_dim3A_814] : memref<512x64xf32, #tpu.memory_space<vmem>>[vector<16xi32>, vector<16xi32>], vector<16xf32>,
      %mul3A_817 = arith.mulf %gather3A_815, %gather3A_815 : vector<16xf32>
      %add3A_818 = arith.addf %add3A_778, %mul3A_817 : vector<16xf32>
      %mul3A_819 = arith.mulf %gather3A_816, %gather3A_816 : vector<16xf32>
      %add3A_820 = arith.addf %add3A_780, %mul3A_819 : vector<16xf32>
      %mul3A_821 = arith.mulf %gather3A_815, %gather3A_816 : vector<16xf32>
      %add3A_822 = arith.addf %add3A_782, %mul3A_821 : vector<16xf32>
      %broadcast_in_dim3A_823 = arith.constant 63 : i32
      %broadcast_in_dim3A_824 = vector.broadcast %broadcast_in_dim3A_823 : i32 to vector<16xi32>
      %gather3A_825 = tpu.vector_load_idx %arg9[%add3A_192, %broadcast_in_dim3A_824] : memref<512x64xf32, #tpu.memory_space<vmem>>[vector<16xi32>, vector<16xi32>], vector<16xf32>,
      %gather3A_826 = tpu.vector_load_idx %arg10[%add3A_192, %broadcast_in_dim3A_824] : memref<512x64xf32, #tpu.memory_space<vmem>>[vector<16xi32>, vector<16xi32>], vector<16xf32>,
      %mul3A_827 = arith.mulf %gather3A_825, %gather3A_825 : vector<16xf32>
      %add3A_828 = arith.addf %add3A_788, %mul3A_827 : vector<16xf32>
      %mul3A_829 = arith.mulf %gather3A_826, %gather3A_826 : vector<16xf32>
      %add3A_830 = arith.addf %add3A_790, %mul3A_829 : vector<16xf32>
      %mul3A_831 = arith.mulf %gather3A_825, %gather3A_826 : vector<16xf32>
      %add3A_832 = arith.addf %add3A_792, %mul3A_831 : vector<16xf32>
      %add3A_833 = arith.addf %add3A_798, %add3A_808 : vector<16xf32>
      %add3A_834 = arith.addf %add3A_818, %add3A_828 : vector<16xf32>
      %add3A_835 = arith.addf %add3A_833, %add3A_834 : vector<16xf32>
      %add3A_836 = arith.addf %add3A_800, %add3A_810 : vector<16xf32>
      %add3A_837 = arith.addf %add3A_820, %add3A_830 : vector<16xf32>
      %add3A_838 = arith.addf %add3A_836, %add3A_837 : vector<16xf32>
      %add3A_839 = arith.addf %add3A_802, %add3A_812 : vector<16xf32>
      %add3A_840 = arith.addf %add3A_822, %add3A_832 : vector<16xf32>
      %add3A_841 = arith.addf %add3A_839, %add3A_840 : vector<16xf32>
      %ge3A = arith.constant 1.000000e-24 : f32
      %ge3A_842 = vector.broadcast %ge3A : f32 to vector<16xf32>
      %ge3A_843 = arith.cmpf oge, %add3A_835, %ge3A_842 : vector<16xf32>
      %bitcast3A = vector.bitcast %add3A_835 : vector<16xf32> to vector<16xi32>
      %shift_right_arithmetic3A = arith.constant 1 : i32
      %shift_right_arithmetic3A_844 = vector.broadcast %shift_right_arithmetic3A : i32 to vector<16xi32>
      %shift_right_arithmetic3A_845 = arith.shrsi %bitcast3A, %shift_right_arithmetic3A_844 : vector<16xi32>
      %sub3A = arith.constant 1597463007 : i32
      %sub3A_846 = vector.broadcast %sub3A : i32 to vector<16xi32>
      %sub3A_847 = arith.subi %sub3A_846, %shift_right_arithmetic3A_845 : vector<16xi32>
      %bitcast3A_848 = vector.bitcast %sub3A_847 : vector<16xi32> to vector<16xf32>
      %mul3A_849 = arith.constant 5.000000e-01 : f32
      %mul3A_850 = vector.broadcast %mul3A_849 : f32 to vector<16xf32>
      %mul3A_851 = arith.mulf %mul3A_850, %add3A_835 : vector<16xf32>
      %mul3A_852 = arith.mulf %mul3A_851, %bitcast3A_848 : vector<16xf32>
      %mul3A_853 = arith.mulf %mul3A_852, %bitcast3A_848 : vector<16xf32>
      %sub3A_854 = arith.constant 1.500000e+00 : f32
      %sub3A_855 = vector.broadcast %sub3A_854 : f32 to vector<16xf32>
      %sub3A_856 = arith.subf %sub3A_855, %mul3A_853 : vector<16xf32>
      %mul3A_857 = arith.mulf %bitcast3A_848, %sub3A_856 : vector<16xf32>
      %mul3A_858 = arith.constant 5.000000e-01 : f32
      %mul3A_859 = vector.broadcast %mul3A_858 : f32 to vector<16xf32>
      %mul3A_860 = arith.mulf %mul3A_859, %add3A_835 : vector<16xf32>
      %mul3A_861 = arith.mulf %mul3A_860, %mul3A_857 : vector<16xf32>
      %mul3A_862 = arith.mulf %mul3A_861, %mul3A_857 : vector<16xf32>
      %sub3A_863 = arith.constant 1.500000e+00 : f32
      %sub3A_864 = vector.broadcast %sub3A_863 : f32 to vector<16xf32>
      %sub3A_865 = arith.subf %sub3A_864, %mul3A_862 : vector<16xf32>
      %mul3A_866 = arith.mulf %mul3A_857, %sub3A_865 : vector<16xf32>
      %jit3A = arith.constant 9.99999995E+11 : f32
      %broadcast_in_dim3A_867 = vector.broadcast %jit3A : f32 to vector<16xf32>
      %select_n3A = arith.select %ge3A_843, %mul3A_866, %broadcast_in_dim3A_867 : vector<16xi1>, vector<16xf32>
      %ge3A_868 = arith.constant 1.000000e-24 : f32
      %ge3A_869 = vector.broadcast %ge3A_868 : f32 to vector<16xf32>
      %ge3A_870 = arith.cmpf oge, %add3A_838, %ge3A_869 : vector<16xf32>
      %bitcast3A_871 = vector.bitcast %add3A_838 : vector<16xf32> to vector<16xi32>
      %shift_right_arithmetic3A_872 = arith.constant 1 : i32
      %shift_right_arithmetic3A_873 = vector.broadcast %shift_right_arithmetic3A_872 : i32 to vector<16xi32>
      %shift_right_arithmetic3A_874 = arith.shrsi %bitcast3A_871, %shift_right_arithmetic3A_873 : vector<16xi32>
      %sub3A_875 = arith.constant 1597463007 : i32
      %sub3A_876 = vector.broadcast %sub3A_875 : i32 to vector<16xi32>
      %sub3A_877 = arith.subi %sub3A_876, %shift_right_arithmetic3A_874 : vector<16xi32>
      %bitcast3A_878 = vector.bitcast %sub3A_877 : vector<16xi32> to vector<16xf32>
      %mul3A_879 = arith.constant 5.000000e-01 : f32
      %mul3A_880 = vector.broadcast %mul3A_879 : f32 to vector<16xf32>
      %mul3A_881 = arith.mulf %mul3A_880, %add3A_838 : vector<16xf32>
      %mul3A_882 = arith.mulf %mul3A_881, %bitcast3A_878 : vector<16xf32>
      %mul3A_883 = arith.mulf %mul3A_882, %bitcast3A_878 : vector<16xf32>
      %sub3A_884 = arith.constant 1.500000e+00 : f32
      %sub3A_885 = vector.broadcast %sub3A_884 : f32 to vector<16xf32>
      %sub3A_886 = arith.subf %sub3A_885, %mul3A_883 : vector<16xf32>
      %mul3A_887 = arith.mulf %bitcast3A_878, %sub3A_886 : vector<16xf32>
      %mul3A_888 = arith.constant 5.000000e-01 : f32
      %mul3A_889 = vector.broadcast %mul3A_888 : f32 to vector<16xf32>
      %mul3A_890 = arith.mulf %mul3A_889, %add3A_838 : vector<16xf32>
      %mul3A_891 = arith.mulf %mul3A_890, %mul3A_887 : vector<16xf32>
      %mul3A_892 = arith.mulf %mul3A_891, %mul3A_887 : vector<16xf32>
      %sub3A_893 = arith.constant 1.500000e+00 : f32
      %sub3A_894 = vector.broadcast %sub3A_893 : f32 to vector<16xf32>
      %sub3A_895 = arith.subf %sub3A_894, %mul3A_892 : vector<16xf32>
      %mul3A_896 = arith.mulf %mul3A_887, %sub3A_895 : vector<16xf32>
      %jit3A_897 = arith.constant 9.99999995E+11 : f32
      %broadcast_in_dim3A_898 = vector.broadcast %jit3A_897 : f32 to vector<16xf32>
      %select_n3A_899 = arith.select %ge3A_870, %mul3A_896, %broadcast_in_dim3A_898 : vector<16xi1>, vector<16xf32>
      %mul3A_900 = arith.mulf %add3A_835, %select_n3A : vector<16xf32>
      %mul3A_901 = arith.mulf %mul3A_900, %select_n3A : vector<16xf32>
      %mul3A_902 = arith.mulf %add3A_838, %select_n3A_899 : vector<16xf32>
      %mul3A_903 = arith.mulf %mul3A_902, %select_n3A_899 : vector<16xf32>
      %add3A_904 = arith.addf %mul3A_901, %mul3A_903 : vector<16xf32>
      %mul3A_905 = arith.constant 2.000000e+00 : f32
      %mul3A_906 = vector.broadcast %mul3A_905 : f32 to vector<16xf32>
      %mul3A_907 = arith.mulf %mul3A_906, %add3A_841 : vector<16xf32>
      %mul3A_908 = arith.mulf %mul3A_907, %select_n3A : vector<16xf32>
      %mul3A_909 = arith.mulf %mul3A_908, %select_n3A_899 : vector<16xf32>
      %sub3A_910 = arith.subf %add3A_904, %mul3A_909 : vector<16xf32>
      %max3A = arith.constant 0.000000e+00 : f32
      %max3A_911 = vector.broadcast %max3A : f32 to vector<16xf32>
      %max3A_912 = arith.maximumf %sub3A_910, %max3A_911 : vector<16xf32>
      %bitcast3A_913 = vector.bitcast %max3A_912 : vector<16xf32> to vector<16xi32>
      %shift_right_arithmetic3A_914 = arith.constant 1 : i32
      %shift_right_arithmetic3A_915 = vector.broadcast %shift_right_arithmetic3A_914 : i32 to vector<16xi32>
      %shift_right_arithmetic3A_916 = arith.shrsi %bitcast3A_913, %shift_right_arithmetic3A_915 : vector<16xi32>
      %sub3A_917 = arith.constant 1597463007 : i32
      %sub3A_918 = vector.broadcast %sub3A_917 : i32 to vector<16xi32>
      %sub3A_919 = arith.subi %sub3A_918, %shift_right_arithmetic3A_916 : vector<16xi32>
      %bitcast3A_920 = vector.bitcast %sub3A_919 : vector<16xi32> to vector<16xf32>
      %mul3A_921 = arith.constant 5.000000e-01 : f32
      %mul3A_922 = vector.broadcast %mul3A_921 : f32 to vector<16xf32>
      %mul3A_923 = arith.mulf %mul3A_922, %max3A_912 : vector<16xf32>
      %mul3A_924 = arith.mulf %mul3A_923, %bitcast3A_920 : vector<16xf32>
      %mul3A_925 = arith.mulf %mul3A_924, %bitcast3A_920 : vector<16xf32>
      %sub3A_926 = arith.constant 1.500000e+00 : f32
      %sub3A_927 = vector.broadcast %sub3A_926 : f32 to vector<16xf32>
      %sub3A_928 = arith.subf %sub3A_927, %mul3A_925 : vector<16xf32>
      %mul3A_929 = arith.mulf %bitcast3A_920, %sub3A_928 : vector<16xf32>
      %mul3A_930 = arith.constant 5.000000e-01 : f32
      %mul3A_931 = vector.broadcast %mul3A_930 : f32 to vector<16xf32>
      %mul3A_932 = arith.mulf %mul3A_931, %max3A_912 : vector<16xf32>
      %mul3A_933 = arith.mulf %mul3A_932, %mul3A_929 : vector<16xf32>
      %mul3A_934 = arith.mulf %mul3A_933, %mul3A_929 : vector<16xf32>
      %sub3A_935 = arith.constant 1.500000e+00 : f32
      %sub3A_936 = vector.broadcast %sub3A_935 : f32 to vector<16xf32>
      %sub3A_937 = arith.subf %sub3A_936, %mul3A_934 : vector<16xf32>
      %mul3A_938 = arith.mulf %mul3A_929, %sub3A_937 : vector<16xf32>
      %mul3A_939 = arith.mulf %max3A_912, %mul3A_938 : vector<16xf32>
      %neg3A = arith.constant 0.000000e+00 : f32
      %neg3A_940 = vector.broadcast %neg3A : f32 to vector<16xf32>
      %neg3A_941 = arith.subf %neg3A_940, %mul3A_939 : vector<16xf32>
      %mul3A_942 = arith.constant 16 : i32
      %mul3A_943 = arith.muli %scan3A_188, %mul3A_942 : i32
      %swap3A = arith.index_cast %mul3A_943 : i32 to index
      %swap3A_944 = tpu.vector_load %arg11[%swap3A] {strides = array<i32>} : memref<512xf32, #tpu.memory_space<vmem>>, vector<16xf32>,
      tpu.vector_store %arg11[%swap3A], %neg3A_941 {strides = array<i32>} : memref<512xf32, #tpu.memory_space<vmem>>, vector<16xf32>,
    }
    %scan3A_109 = arith.constant 8 : i32
    %dma_wait3A_110 = arith.constant 1 : i32
    %dma_wait3A_111 = arith.constant 128 : i32
    %dma_wait3A_112 = arith.constant 0 : i32
    %dma_wait3A_113 = tpu.memref_slice %arg9[%dma_wait3A_111, %dma_wait3A_112] : memref<512x64xf32, #tpu.memory_space<vmem>> -> memref<128x64xf32, #tpu.memory_space<vmem>>
    %dma_wait3A_114 = arith.constant 0 : i32
    %dma_wait3A_115 = tpu.memref_slice %arg7[%dma_wait3A_110, %dma_wait3A_114] : memref<4x128xi32, #tpu.memory_space<vmem>> -> memref<1x128xi32, #tpu.memory_space<vmem>>
    %dma_wait3A_116 = tpu.memref_squeeze %dma_wait3A_115 : memref<1x128xi32, #tpu.memory_space<vmem>> -> memref<128xi32, #tpu.memory_space<vmem>>
    %dma_wait3A_117 = arith.constant 0 : i32
    %dma_wait3A_118 = arith.constant 0 : i32
    %dma_wait3A_119 = tpu.memref_slice %arg4[%dma_wait3A_117, %dma_wait3A_118] : memref<1000000x64xf32, #tpu.memory_space<hbm>> -> memref<1000000x64xf32, #tpu.memory_space<hbm>>
    tpu.wait_indirect_dma semaphore(%arg14 : memref<!tpu.dma_semaphore, #tpu.memory_space<semaphore_mem>>) src(%dma_wait3A_119 : memref<1000000x64xf32, #tpu.memory_space<hbm>>) dst(%dma_wait3A_113 : memref<128x64xf32, #tpu.memory_space<vmem>>)
    %dma_wait3A_120 = arith.constant 1 : i32
    %dma_wait3A_121 = arith.constant 128 : i32
    %dma_wait3A_122 = arith.constant 0 : i32
    %dma_wait3A_123 = tpu.memref_slice %arg10[%dma_wait3A_121, %dma_wait3A_122] : memref<512x64xf32, #tpu.memory_space<vmem>> -> memref<128x64xf32, #tpu.memory_space<vmem>>
    %dma_wait3A_124 = arith.constant 0 : i32
    %dma_wait3A_125 = tpu.memref_slice %arg8[%dma_wait3A_120, %dma_wait3A_124] : memref<4x128xi32, #tpu.memory_space<vmem>> -> memref<1x128xi32, #tpu.memory_space<vmem>>
    %dma_wait3A_126 = tpu.memref_squeeze %dma_wait3A_125 : memref<1x128xi32, #tpu.memory_space<vmem>> -> memref<128xi32, #tpu.memory_space<vmem>>
    %dma_wait3A_127 = arith.constant 0 : i32
    %dma_wait3A_128 = arith.constant 0 : i32
    %dma_wait3A_129 = tpu.memref_slice %arg5[%dma_wait3A_127, %dma_wait3A_128] : memref<100000x64xf32, #tpu.memory_space<hbm>> -> memref<100000x64xf32, #tpu.memory_space<hbm>>
    tpu.wait_indirect_dma semaphore(%arg15 : memref<!tpu.dma_semaphore, #tpu.memory_space<semaphore_mem>>) src(%dma_wait3A_129 : memref<100000x64xf32, #tpu.memory_space<hbm>>) dst(%dma_wait3A_123 : memref<128x64xf32, #tpu.memory_space<vmem>>)
    %scan3A_130 = arith.constant 0 : i32
    %scan3A_131 = arith.constant 8 : i32
    %scan3A_132 = arith.constant 8 : i32
    %scan3A_133 = arith.addi %scan3A_131, %scan3A_132 : i32
    %scan3A_134 = arith.constant 1 : i32
    scf.for %scan3A_188 = %scan3A_131 to %scan3A_133 step %scan3A_134  : i32 {
      %mul3A_189 = arith.constant 16 : i32
      %mul3A_190 = arith.muli %scan3A_188, %mul3A_189 : i32
      %add3A_191 = vector.broadcast %mul3A_190 : i32 to vector<16xi32>
      %add3A_192 = arith.addi %add3A_191, %iota3A : vector<16xi32>
      %broadcast_in_dim3A = arith.constant 0.000000e+00 : f32
      %broadcast_in_dim3A_193 = vector.broadcast %broadcast_in_dim3A : f32 to vector<16xf32>
      %broadcast_in_dim3A_194 = arith.constant 0 : i32
      %broadcast_in_dim3A_195 = vector.broadcast %broadcast_in_dim3A_194 : i32 to vector<16xi32>
      %gather3A = tpu.vector_load_idx %arg9[%add3A_192, %broadcast_in_dim3A_195] : memref<512x64xf32, #tpu.memory_space<vmem>>[vector<16xi32>, vector<16xi32>], vector<16xf32>,
      %gather3A_196 = tpu.vector_load_idx %arg10[%add3A_192, %broadcast_in_dim3A_195] : memref<512x64xf32, #tpu.memory_space<vmem>>[vector<16xi32>, vector<16xi32>], vector<16xf32>,
      %mul3A_197 = arith.mulf %gather3A, %gather3A : vector<16xf32>
      %add3A_198 = arith.addf %broadcast_in_dim3A_193, %mul3A_197 : vector<16xf32>
      %mul3A_199 = arith.mulf %gather3A_196, %gather3A_196 : vector<16xf32>
      %add3A_200 = arith.addf %broadcast_in_dim3A_193, %mul3A_199 : vector<16xf32>
      %mul3A_201 = arith.mulf %gather3A, %gather3A_196 : vector<16xf32>
      %add3A_202 = arith.addf %broadcast_in_dim3A_193, %mul3A_201 : vector<16xf32>
      %broadcast_in_dim3A_203 = arith.constant 1 : i32
      %broadcast_in_dim3A_204 = vector.broadcast %broadcast_in_dim3A_203 : i32 to vector<16xi32>
      %gather3A_205 = tpu.vector_load_idx %arg9[%add3A_192, %broadcast_in_dim3A_204] : memref<512x64xf32, #tpu.memory_space<vmem>>[vector<16xi32>, vector<16xi32>], vector<16xf32>,
      %gather3A_206 = tpu.vector_load_idx %arg10[%add3A_192, %broadcast_in_dim3A_204] : memref<512x64xf32, #tpu.memory_space<vmem>>[vector<16xi32>, vector<16xi32>], vector<16xf32>,
      %mul3A_207 = arith.mulf %gather3A_205, %gather3A_205 : vector<16xf32>
      %add3A_208 = arith.addf %broadcast_in_dim3A_193, %mul3A_207 : vector<16xf32>
      %mul3A_209 = arith.mulf %gather3A_206, %gather3A_206 : vector<16xf32>
      %add3A_210 = arith.addf %broadcast_in_dim3A_193, %mul3A_209 : vector<16xf32>
      %mul3A_211 = arith.mulf %gather3A_205, %gather3A_206 : vector<16xf32>
      %add3A_212 = arith.addf %broadcast_in_dim3A_193, %mul3A_211 : vector<16xf32>
      %broadcast_in_dim3A_213 = arith.constant 2 : i32
      %broadcast_in_dim3A_214 = vector.broadcast %broadcast_in_dim3A_213 : i32 to vector<16xi32>
      %gather3A_215 = tpu.vector_load_idx %arg9[%add3A_192, %broadcast_in_dim3A_214] : memref<512x64xf32, #tpu.memory_space<vmem>>[vector<16xi32>, vector<16xi32>], vector<16xf32>,
      %gather3A_216 = tpu.vector_load_idx %arg10[%add3A_192, %broadcast_in_dim3A_214] : memref<512x64xf32, #tpu.memory_space<vmem>>[vector<16xi32>, vector<16xi32>], vector<16xf32>,
      %mul3A_217 = arith.mulf %gather3A_215, %gather3A_215 : vector<16xf32>
      %add3A_218 = arith.addf %broadcast_in_dim3A_193, %mul3A_217 : vector<16xf32>
      %mul3A_219 = arith.mulf %gather3A_216, %gather3A_216 : vector<16xf32>
      %add3A_220 = arith.addf %broadcast_in_dim3A_193, %mul3A_219 : vector<16xf32>
      %mul3A_221 = arith.mulf %gather3A_215, %gather3A_216 : vector<16xf32>
      %add3A_222 = arith.addf %broadcast_in_dim3A_193, %mul3A_221 : vector<16xf32>
      %broadcast_in_dim3A_223 = arith.constant 3 : i32
      %broadcast_in_dim3A_224 = vector.broadcast %broadcast_in_dim3A_223 : i32 to vector<16xi32>
      %gather3A_225 = tpu.vector_load_idx %arg9[%add3A_192, %broadcast_in_dim3A_224] : memref<512x64xf32, #tpu.memory_space<vmem>>[vector<16xi32>, vector<16xi32>], vector<16xf32>,
      %gather3A_226 = tpu.vector_load_idx %arg10[%add3A_192, %broadcast_in_dim3A_224] : memref<512x64xf32, #tpu.memory_space<vmem>>[vector<16xi32>, vector<16xi32>], vector<16xf32>,
      %mul3A_227 = arith.mulf %gather3A_225, %gather3A_225 : vector<16xf32>
      %add3A_228 = arith.addf %broadcast_in_dim3A_193, %mul3A_227 : vector<16xf32>
      %mul3A_229 = arith.mulf %gather3A_226, %gather3A_226 : vector<16xf32>
      %add3A_230 = arith.addf %broadcast_in_dim3A_193, %mul3A_229 : vector<16xf32>
      %mul3A_231 = arith.mulf %gather3A_225, %gather3A_226 : vector<16xf32>
      %add3A_232 = arith.addf %broadcast_in_dim3A_193, %mul3A_231 : vector<16xf32>
      %broadcast_in_dim3A_233 = arith.constant 4 : i32
      %broadcast_in_dim3A_234 = vector.broadcast %broadcast_in_dim3A_233 : i32 to vector<16xi32>
      %gather3A_235 = tpu.vector_load_idx %arg9[%add3A_192, %broadcast_in_dim3A_234] : memref<512x64xf32, #tpu.memory_space<vmem>>[vector<16xi32>, vector<16xi32>], vector<16xf32>,
      %gather3A_236 = tpu.vector_load_idx %arg10[%add3A_192, %broadcast_in_dim3A_234] : memref<512x64xf32, #tpu.memory_space<vmem>>[vector<16xi32>, vector<16xi32>], vector<16xf32>,
      %mul3A_237 = arith.mulf %gather3A_235, %gather3A_235 : vector<16xf32>
      %add3A_238 = arith.addf %add3A_198, %mul3A_237 : vector<16xf32>
      %mul3A_239 = arith.mulf %gather3A_236, %gather3A_236 : vector<16xf32>
      %add3A_240 = arith.addf %add3A_200, %mul3A_239 : vector<16xf32>
      %mul3A_241 = arith.mulf %gather3A_235, %gather3A_236 : vector<16xf32>
      %add3A_242 = arith.addf %add3A_202, %mul3A_241 : vector<16xf32>
      %broadcast_in_dim3A_243 = arith.constant 5 : i32
      %broadcast_in_dim3A_244 = vector.broadcast %broadcast_in_dim3A_243 : i32 to vector<16xi32>
      %gather3A_245 = tpu.vector_load_idx %arg9[%add3A_192, %broadcast_in_dim3A_244] : memref<512x64xf32, #tpu.memory_space<vmem>>[vector<16xi32>, vector<16xi32>], vector<16xf32>,
      %gather3A_246 = tpu.vector_load_idx %arg10[%add3A_192, %broadcast_in_dim3A_244] : memref<512x64xf32, #tpu.memory_space<vmem>>[vector<16xi32>, vector<16xi32>], vector<16xf32>,
      %mul3A_247 = arith.mulf %gather3A_245, %gather3A_245 : vector<16xf32>
      %add3A_248 = arith.addf %add3A_208, %mul3A_247 : vector<16xf32>
      %mul3A_249 = arith.mulf %gather3A_246, %gather3A_246 : vector<16xf32>
      %add3A_250 = arith.addf %add3A_210, %mul3A_249 : vector<16xf32>
      %mul3A_251 = arith.mulf %gather3A_245, %gather3A_246 : vector<16xf32>
      %add3A_252 = arith.addf %add3A_212, %mul3A_251 : vector<16xf32>
      %broadcast_in_dim3A_253 = arith.constant 6 : i32
      %broadcast_in_dim3A_254 = vector.broadcast %broadcast_in_dim3A_253 : i32 to vector<16xi32>
      %gather3A_255 = tpu.vector_load_idx %arg9[%add3A_192, %broadcast_in_dim3A_254] : memref<512x64xf32, #tpu.memory_space<vmem>>[vector<16xi32>, vector<16xi32>], vector<16xf32>,
      %gather3A_256 = tpu.vector_load_idx %arg10[%add3A_192, %broadcast_in_dim3A_254] : memref<512x64xf32, #tpu.memory_space<vmem>>[vector<16xi32>, vector<16xi32>], vector<16xf32>,
      %mul3A_257 = arith.mulf %gather3A_255, %gather3A_255 : vector<16xf32>
      %add3A_258 = arith.addf %add3A_218, %mul3A_257 : vector<16xf32>
      %mul3A_259 = arith.mulf %gather3A_256, %gather3A_256 : vector<16xf32>
      %add3A_260 = arith.addf %add3A_220, %mul3A_259 : vector<16xf32>
      %mul3A_261 = arith.mulf %gather3A_255, %gather3A_256 : vector<16xf32>
      %add3A_262 = arith.addf %add3A_222, %mul3A_261 : vector<16xf32>
      %broadcast_in_dim3A_263 = arith.constant 7 : i32
      %broadcast_in_dim3A_264 = vector.broadcast %broadcast_in_dim3A_263 : i32 to vector<16xi32>
      %gather3A_265 = tpu.vector_load_idx %arg9[%add3A_192, %broadcast_in_dim3A_264] : memref<512x64xf32, #tpu.memory_space<vmem>>[vector<16xi32>, vector<16xi32>], vector<16xf32>,
      %gather3A_266 = tpu.vector_load_idx %arg10[%add3A_192, %broadcast_in_dim3A_264] : memref<512x64xf32, #tpu.memory_space<vmem>>[vector<16xi32>, vector<16xi32>], vector<16xf32>,
      %mul3A_267 = arith.mulf %gather3A_265, %gather3A_265 : vector<16xf32>
      %add3A_268 = arith.addf %add3A_228, %mul3A_267 : vector<16xf32>
      %mul3A_269 = arith.mulf %gather3A_266, %gather3A_266 : vector<16xf32>
      %add3A_270 = arith.addf %add3A_230, %mul3A_269 : vector<16xf32>
      %mul3A_271 = arith.mulf %gather3A_265, %gather3A_266 : vector<16xf32>
      %add3A_272 = arith.addf %add3A_232, %mul3A_271 : vector<16xf32>
      %broadcast_in_dim3A_273 = arith.constant 8 : i32
      %broadcast_in_dim3A_274 = vector.broadcast %broadcast_in_dim3A_273 : i32 to vector<16xi32>
      %gather3A_275 = tpu.vector_load_idx %arg9[%add3A_192, %broadcast_in_dim3A_274] : memref<512x64xf32, #tpu.memory_space<vmem>>[vector<16xi32>, vector<16xi32>], vector<16xf32>,
      %gather3A_276 = tpu.vector_load_idx %arg10[%add3A_192, %broadcast_in_dim3A_274] : memref<512x64xf32, #tpu.memory_space<vmem>>[vector<16xi32>, vector<16xi32>], vector<16xf32>,
      %mul3A_277 = arith.mulf %gather3A_275, %gather3A_275 : vector<16xf32>
      %add3A_278 = arith.addf %add3A_238, %mul3A_277 : vector<16xf32>
      %mul3A_279 = arith.mulf %gather3A_276, %gather3A_276 : vector<16xf32>
      %add3A_280 = arith.addf %add3A_240, %mul3A_279 : vector<16xf32>
      %mul3A_281 = arith.mulf %gather3A_275, %gather3A_276 : vector<16xf32>
      %add3A_282 = arith.addf %add3A_242, %mul3A_281 : vector<16xf32>
      %broadcast_in_dim3A_283 = arith.constant 9 : i32
      %broadcast_in_dim3A_284 = vector.broadcast %broadcast_in_dim3A_283 : i32 to vector<16xi32>
      %gather3A_285 = tpu.vector_load_idx %arg9[%add3A_192, %broadcast_in_dim3A_284] : memref<512x64xf32, #tpu.memory_space<vmem>>[vector<16xi32>, vector<16xi32>], vector<16xf32>,
      %gather3A_286 = tpu.vector_load_idx %arg10[%add3A_192, %broadcast_in_dim3A_284] : memref<512x64xf32, #tpu.memory_space<vmem>>[vector<16xi32>, vector<16xi32>], vector<16xf32>,
      %mul3A_287 = arith.mulf %gather3A_285, %gather3A_285 : vector<16xf32>
      %add3A_288 = arith.addf %add3A_248, %mul3A_287 : vector<16xf32>
      %mul3A_289 = arith.mulf %gather3A_286, %gather3A_286 : vector<16xf32>
      %add3A_290 = arith.addf %add3A_250, %mul3A_289 : vector<16xf32>
      %mul3A_291 = arith.mulf %gather3A_285, %gather3A_286 : vector<16xf32>
      %add3A_292 = arith.addf %add3A_252, %mul3A_291 : vector<16xf32>
      %broadcast_in_dim3A_293 = arith.constant 10 : i32
      %broadcast_in_dim3A_294 = vector.broadcast %broadcast_in_dim3A_293 : i32 to vector<16xi32>
      %gather3A_295 = tpu.vector_load_idx %arg9[%add3A_192, %broadcast_in_dim3A_294] : memref<512x64xf32, #tpu.memory_space<vmem>>[vector<16xi32>, vector<16xi32>], vector<16xf32>,
      %gather3A_296 = tpu.vector_load_idx %arg10[%add3A_192, %broadcast_in_dim3A_294] : memref<512x64xf32, #tpu.memory_space<vmem>>[vector<16xi32>, vector<16xi32>], vector<16xf32>,
      %mul3A_297 = arith.mulf %gather3A_295, %gather3A_295 : vector<16xf32>
      %add3A_298 = arith.addf %add3A_258, %mul3A_297 : vector<16xf32>
      %mul3A_299 = arith.mulf %gather3A_296, %gather3A_296 : vector<16xf32>
      %add3A_300 = arith.addf %add3A_260, %mul3A_299 : vector<16xf32>
      %mul3A_301 = arith.mulf %gather3A_295, %gather3A_296 : vector<16xf32>
      %add3A_302 = arith.addf %add3A_262, %mul3A_301 : vector<16xf32>
      %broadcast_in_dim3A_303 = arith.constant 11 : i32
      %broadcast_in_dim3A_304 = vector.broadcast %broadcast_in_dim3A_303 : i32 to vector<16xi32>
      %gather3A_305 = tpu.vector_load_idx %arg9[%add3A_192, %broadcast_in_dim3A_304] : memref<512x64xf32, #tpu.memory_space<vmem>>[vector<16xi32>, vector<16xi32>], vector<16xf32>,
      %gather3A_306 = tpu.vector_load_idx %arg10[%add3A_192, %broadcast_in_dim3A_304] : memref<512x64xf32, #tpu.memory_space<vmem>>[vector<16xi32>, vector<16xi32>], vector<16xf32>,
      %mul3A_307 = arith.mulf %gather3A_305, %gather3A_305 : vector<16xf32>
      %add3A_308 = arith.addf %add3A_268, %mul3A_307 : vector<16xf32>
      %mul3A_309 = arith.mulf %gather3A_306, %gather3A_306 : vector<16xf32>
      %add3A_310 = arith.addf %add3A_270, %mul3A_309 : vector<16xf32>
      %mul3A_311 = arith.mulf %gather3A_305, %gather3A_306 : vector<16xf32>
      %add3A_312 = arith.addf %add3A_272, %mul3A_311 : vector<16xf32>
      %broadcast_in_dim3A_313 = arith.constant 12 : i32
      %broadcast_in_dim3A_314 = vector.broadcast %broadcast_in_dim3A_313 : i32 to vector<16xi32>
      %gather3A_315 = tpu.vector_load_idx %arg9[%add3A_192, %broadcast_in_dim3A_314] : memref<512x64xf32, #tpu.memory_space<vmem>>[vector<16xi32>, vector<16xi32>], vector<16xf32>,
      %gather3A_316 = tpu.vector_load_idx %arg10[%add3A_192, %broadcast_in_dim3A_314] : memref<512x64xf32, #tpu.memory_space<vmem>>[vector<16xi32>, vector<16xi32>], vector<16xf32>,
      %mul3A_317 = arith.mulf %gather3A_315, %gather3A_315 : vector<16xf32>
      %add3A_318 = arith.addf %add3A_278, %mul3A_317 : vector<16xf32>
      %mul3A_319 = arith.mulf %gather3A_316, %gather3A_316 : vector<16xf32>
      %add3A_320 = arith.addf %add3A_280, %mul3A_319 : vector<16xf32>
      %mul3A_321 = arith.mulf %gather3A_315, %gather3A_316 : vector<16xf32>
      %add3A_322 = arith.addf %add3A_282, %mul3A_321 : vector<16xf32>
      %broadcast_in_dim3A_323 = arith.constant 13 : i32
      %broadcast_in_dim3A_324 = vector.broadcast %broadcast_in_dim3A_323 : i32 to vector<16xi32>
      %gather3A_325 = tpu.vector_load_idx %arg9[%add3A_192, %broadcast_in_dim3A_324] : memref<512x64xf32, #tpu.memory_space<vmem>>[vector<16xi32>, vector<16xi32>], vector<16xf32>,
      %gather3A_326 = tpu.vector_load_idx %arg10[%add3A_192, %broadcast_in_dim3A_324] : memref<512x64xf32, #tpu.memory_space<vmem>>[vector<16xi32>, vector<16xi32>], vector<16xf32>,
      %mul3A_327 = arith.mulf %gather3A_325, %gather3A_325 : vector<16xf32>
      %add3A_328 = arith.addf %add3A_288, %mul3A_327 : vector<16xf32>
      %mul3A_329 = arith.mulf %gather3A_326, %gather3A_326 : vector<16xf32>
      %add3A_330 = arith.addf %add3A_290, %mul3A_329 : vector<16xf32>
      %mul3A_331 = arith.mulf %gather3A_325, %gather3A_326 : vector<16xf32>
      %add3A_332 = arith.addf %add3A_292, %mul3A_331 : vector<16xf32>
      %broadcast_in_dim3A_333 = arith.constant 14 : i32
      %broadcast_in_dim3A_334 = vector.broadcast %broadcast_in_dim3A_333 : i32 to vector<16xi32>
      %gather3A_335 = tpu.vector_load_idx %arg9[%add3A_192, %broadcast_in_dim3A_334] : memref<512x64xf32, #tpu.memory_space<vmem>>[vector<16xi32>, vector<16xi32>], vector<16xf32>,
      %gather3A_336 = tpu.vector_load_idx %arg10[%add3A_192, %broadcast_in_dim3A_334] : memref<512x64xf32, #tpu.memory_space<vmem>>[vector<16xi32>, vector<16xi32>], vector<16xf32>,
      %mul3A_337 = arith.mulf %gather3A_335, %gather3A_335 : vector<16xf32>
      %add3A_338 = arith.addf %add3A_298, %mul3A_337 : vector<16xf32>
      %mul3A_339 = arith.mulf %gather3A_336, %gather3A_336 : vector<16xf32>
      %add3A_340 = arith.addf %add3A_300, %mul3A_339 : vector<16xf32>
      %mul3A_341 = arith.mulf %gather3A_335, %gather3A_336 : vector<16xf32>
      %add3A_342 = arith.addf %add3A_302, %mul3A_341 : vector<16xf32>
      %broadcast_in_dim3A_343 = arith.constant 15 : i32
      %broadcast_in_dim3A_344 = vector.broadcast %broadcast_in_dim3A_343 : i32 to vector<16xi32>
      %gather3A_345 = tpu.vector_load_idx %arg9[%add3A_192, %broadcast_in_dim3A_344] : memref<512x64xf32, #tpu.memory_space<vmem>>[vector<16xi32>, vector<16xi32>], vector<16xf32>,
      %gather3A_346 = tpu.vector_load_idx %arg10[%add3A_192, %broadcast_in_dim3A_344] : memref<512x64xf32, #tpu.memory_space<vmem>>[vector<16xi32>, vector<16xi32>], vector<16xf32>,
      %mul3A_347 = arith.mulf %gather3A_345, %gather3A_345 : vector<16xf32>
      %add3A_348 = arith.addf %add3A_308, %mul3A_347 : vector<16xf32>
      %mul3A_349 = arith.mulf %gather3A_346, %gather3A_346 : vector<16xf32>
      %add3A_350 = arith.addf %add3A_310, %mul3A_349 : vector<16xf32>
      %mul3A_351 = arith.mulf %gather3A_345, %gather3A_346 : vector<16xf32>
      %add3A_352 = arith.addf %add3A_312, %mul3A_351 : vector<16xf32>
      %broadcast_in_dim3A_353 = arith.constant 16 : i32
      %broadcast_in_dim3A_354 = vector.broadcast %broadcast_in_dim3A_353 : i32 to vector<16xi32>
      %gather3A_355 = tpu.vector_load_idx %arg9[%add3A_192, %broadcast_in_dim3A_354] : memref<512x64xf32, #tpu.memory_space<vmem>>[vector<16xi32>, vector<16xi32>], vector<16xf32>,
      %gather3A_356 = tpu.vector_load_idx %arg10[%add3A_192, %broadcast_in_dim3A_354] : memref<512x64xf32, #tpu.memory_space<vmem>>[vector<16xi32>, vector<16xi32>], vector<16xf32>,
      %mul3A_357 = arith.mulf %gather3A_355, %gather3A_355 : vector<16xf32>
      %add3A_358 = arith.addf %add3A_318, %mul3A_357 : vector<16xf32>
      %mul3A_359 = arith.mulf %gather3A_356, %gather3A_356 : vector<16xf32>
      %add3A_360 = arith.addf %add3A_320, %mul3A_359 : vector<16xf32>
      %mul3A_361 = arith.mulf %gather3A_355, %gather3A_356 : vector<16xf32>
      %add3A_362 = arith.addf %add3A_322, %mul3A_361 : vector<16xf32>
      %broadcast_in_dim3A_363 = arith.constant 17 : i32
      %broadcast_in_dim3A_364 = vector.broadcast %broadcast_in_dim3A_363 : i32 to vector<16xi32>
      %gather3A_365 = tpu.vector_load_idx %arg9[%add3A_192, %broadcast_in_dim3A_364] : memref<512x64xf32, #tpu.memory_space<vmem>>[vector<16xi32>, vector<16xi32>], vector<16xf32>,
      %gather3A_366 = tpu.vector_load_idx %arg10[%add3A_192, %broadcast_in_dim3A_364] : memref<512x64xf32, #tpu.memory_space<vmem>>[vector<16xi32>, vector<16xi32>], vector<16xf32>,
      %mul3A_367 = arith.mulf %gather3A_365, %gather3A_365 : vector<16xf32>
      %add3A_368 = arith.addf %add3A_328, %mul3A_367 : vector<16xf32>
      %mul3A_369 = arith.mulf %gather3A_366, %gather3A_366 : vector<16xf32>
      %add3A_370 = arith.addf %add3A_330, %mul3A_369 : vector<16xf32>
      %mul3A_371 = arith.mulf %gather3A_365, %gather3A_366 : vector<16xf32>
      %add3A_372 = arith.addf %add3A_332, %mul3A_371 : vector<16xf32>
      %broadcast_in_dim3A_373 = arith.constant 18 : i32
      %broadcast_in_dim3A_374 = vector.broadcast %broadcast_in_dim3A_373 : i32 to vector<16xi32>
      %gather3A_375 = tpu.vector_load_idx %arg9[%add3A_192, %broadcast_in_dim3A_374] : memref<512x64xf32, #tpu.memory_space<vmem>>[vector<16xi32>, vector<16xi32>], vector<16xf32>,
      %gather3A_376 = tpu.vector_load_idx %arg10[%add3A_192, %broadcast_in_dim3A_374] : memref<512x64xf32, #tpu.memory_space<vmem>>[vector<16xi32>, vector<16xi32>], vector<16xf32>,
      %mul3A_377 = arith.mulf %gather3A_375, %gather3A_375 : vector<16xf32>
      %add3A_378 = arith.addf %add3A_338, %mul3A_377 : vector<16xf32>
      %mul3A_379 = arith.mulf %gather3A_376, %gather3A_376 : vector<16xf32>
      %add3A_380 = arith.addf %add3A_340, %mul3A_379 : vector<16xf32>
      %mul3A_381 = arith.mulf %gather3A_375, %gather3A_376 : vector<16xf32>
      %add3A_382 = arith.addf %add3A_342, %mul3A_381 : vector<16xf32>
      %broadcast_in_dim3A_383 = arith.constant 19 : i32
      %broadcast_in_dim3A_384 = vector.broadcast %broadcast_in_dim3A_383 : i32 to vector<16xi32>
      %gather3A_385 = tpu.vector_load_idx %arg9[%add3A_192, %broadcast_in_dim3A_384] : memref<512x64xf32, #tpu.memory_space<vmem>>[vector<16xi32>, vector<16xi32>], vector<16xf32>,
      %gather3A_386 = tpu.vector_load_idx %arg10[%add3A_192, %broadcast_in_dim3A_384] : memref<512x64xf32, #tpu.memory_space<vmem>>[vector<16xi32>, vector<16xi32>], vector<16xf32>,
      %mul3A_387 = arith.mulf %gather3A_385, %gather3A_385 : vector<16xf32>
      %add3A_388 = arith.addf %add3A_348, %mul3A_387 : vector<16xf32>
      %mul3A_389 = arith.mulf %gather3A_386, %gather3A_386 : vector<16xf32>
      %add3A_390 = arith.addf %add3A_350, %mul3A_389 : vector<16xf32>
      %mul3A_391 = arith.mulf %gather3A_385, %gather3A_386 : vector<16xf32>
      %add3A_392 = arith.addf %add3A_352, %mul3A_391 : vector<16xf32>
      %broadcast_in_dim3A_393 = arith.constant 20 : i32
      %broadcast_in_dim3A_394 = vector.broadcast %broadcast_in_dim3A_393 : i32 to vector<16xi32>
      %gather3A_395 = tpu.vector_load_idx %arg9[%add3A_192, %broadcast_in_dim3A_394] : memref<512x64xf32, #tpu.memory_space<vmem>>[vector<16xi32>, vector<16xi32>], vector<16xf32>,
      %gather3A_396 = tpu.vector_load_idx %arg10[%add3A_192, %broadcast_in_dim3A_394] : memref<512x64xf32, #tpu.memory_space<vmem>>[vector<16xi32>, vector<16xi32>], vector<16xf32>,
      %mul3A_397 = arith.mulf %gather3A_395, %gather3A_395 : vector<16xf32>
      %add3A_398 = arith.addf %add3A_358, %mul3A_397 : vector<16xf32>
      %mul3A_399 = arith.mulf %gather3A_396, %gather3A_396 : vector<16xf32>
      %add3A_400 = arith.addf %add3A_360, %mul3A_399 : vector<16xf32>
      %mul3A_401 = arith.mulf %gather3A_395, %gather3A_396 : vector<16xf32>
      %add3A_402 = arith.addf %add3A_362, %mul3A_401 : vector<16xf32>
      %broadcast_in_dim3A_403 = arith.constant 21 : i32
      %broadcast_in_dim3A_404 = vector.broadcast %broadcast_in_dim3A_403 : i32 to vector<16xi32>
      %gather3A_405 = tpu.vector_load_idx %arg9[%add3A_192, %broadcast_in_dim3A_404] : memref<512x64xf32, #tpu.memory_space<vmem>>[vector<16xi32>, vector<16xi32>], vector<16xf32>,
      %gather3A_406 = tpu.vector_load_idx %arg10[%add3A_192, %broadcast_in_dim3A_404] : memref<512x64xf32, #tpu.memory_space<vmem>>[vector<16xi32>, vector<16xi32>], vector<16xf32>,
      %mul3A_407 = arith.mulf %gather3A_405, %gather3A_405 : vector<16xf32>
      %add3A_408 = arith.addf %add3A_368, %mul3A_407 : vector<16xf32>
      %mul3A_409 = arith.mulf %gather3A_406, %gather3A_406 : vector<16xf32>
      %add3A_410 = arith.addf %add3A_370, %mul3A_409 : vector<16xf32>
      %mul3A_411 = arith.mulf %gather3A_405, %gather3A_406 : vector<16xf32>
      %add3A_412 = arith.addf %add3A_372, %mul3A_411 : vector<16xf32>
      %broadcast_in_dim3A_413 = arith.constant 22 : i32
      %broadcast_in_dim3A_414 = vector.broadcast %broadcast_in_dim3A_413 : i32 to vector<16xi32>
      %gather3A_415 = tpu.vector_load_idx %arg9[%add3A_192, %broadcast_in_dim3A_414] : memref<512x64xf32, #tpu.memory_space<vmem>>[vector<16xi32>, vector<16xi32>], vector<16xf32>,
      %gather3A_416 = tpu.vector_load_idx %arg10[%add3A_192, %broadcast_in_dim3A_414] : memref<512x64xf32, #tpu.memory_space<vmem>>[vector<16xi32>, vector<16xi32>], vector<16xf32>,
      %mul3A_417 = arith.mulf %gather3A_415, %gather3A_415 : vector<16xf32>
      %add3A_418 = arith.addf %add3A_378, %mul3A_417 : vector<16xf32>
      %mul3A_419 = arith.mulf %gather3A_416, %gather3A_416 : vector<16xf32>
      %add3A_420 = arith.addf %add3A_380, %mul3A_419 : vector<16xf32>
      %mul3A_421 = arith.mulf %gather3A_415, %gather3A_416 : vector<16xf32>
      %add3A_422 = arith.addf %add3A_382, %mul3A_421 : vector<16xf32>
      %broadcast_in_dim3A_423 = arith.constant 23 : i32
      %broadcast_in_dim3A_424 = vector.broadcast %broadcast_in_dim3A_423 : i32 to vector<16xi32>
      %gather3A_425 = tpu.vector_load_idx %arg9[%add3A_192, %broadcast_in_dim3A_424] : memref<512x64xf32, #tpu.memory_space<vmem>>[vector<16xi32>, vector<16xi32>], vector<16xf32>,
      %gather3A_426 = tpu.vector_load_idx %arg10[%add3A_192, %broadcast_in_dim3A_424] : memref<512x64xf32, #tpu.memory_space<vmem>>[vector<16xi32>, vector<16xi32>], vector<16xf32>,
      %mul3A_427 = arith.mulf %gather3A_425, %gather3A_425 : vector<16xf32>
      %add3A_428 = arith.addf %add3A_388, %mul3A_427 : vector<16xf32>
      %mul3A_429 = arith.mulf %gather3A_426, %gather3A_426 : vector<16xf32>
      %add3A_430 = arith.addf %add3A_390, %mul3A_429 : vector<16xf32>
      %mul3A_431 = arith.mulf %gather3A_425, %gather3A_426 : vector<16xf32>
      %add3A_432 = arith.addf %add3A_392, %mul3A_431 : vector<16xf32>
      %broadcast_in_dim3A_433 = arith.constant 24 : i32
      %broadcast_in_dim3A_434 = vector.broadcast %broadcast_in_dim3A_433 : i32 to vector<16xi32>
      %gather3A_435 = tpu.vector_load_idx %arg9[%add3A_192, %broadcast_in_dim3A_434] : memref<512x64xf32, #tpu.memory_space<vmem>>[vector<16xi32>, vector<16xi32>], vector<16xf32>,
      %gather3A_436 = tpu.vector_load_idx %arg10[%add3A_192, %broadcast_in_dim3A_434] : memref<512x64xf32, #tpu.memory_space<vmem>>[vector<16xi32>, vector<16xi32>], vector<16xf32>,
      %mul3A_437 = arith.mulf %gather3A_435, %gather3A_435 : vector<16xf32>
      %add3A_438 = arith.addf %add3A_398, %mul3A_437 : vector<16xf32>
      %mul3A_439 = arith.mulf %gather3A_436, %gather3A_436 : vector<16xf32>
      %add3A_440 = arith.addf %add3A_400, %mul3A_439 : vector<16xf32>
      %mul3A_441 = arith.mulf %gather3A_435, %gather3A_436 : vector<16xf32>
      %add3A_442 = arith.addf %add3A_402, %mul3A_441 : vector<16xf32>
      %broadcast_in_dim3A_443 = arith.constant 25 : i32
      %broadcast_in_dim3A_444 = vector.broadcast %broadcast_in_dim3A_443 : i32 to vector<16xi32>
      %gather3A_445 = tpu.vector_load_idx %arg9[%add3A_192, %broadcast_in_dim3A_444] : memref<512x64xf32, #tpu.memory_space<vmem>>[vector<16xi32>, vector<16xi32>], vector<16xf32>,
      %gather3A_446 = tpu.vector_load_idx %arg10[%add3A_192, %broadcast_in_dim3A_444] : memref<512x64xf32, #tpu.memory_space<vmem>>[vector<16xi32>, vector<16xi32>], vector<16xf32>,
      %mul3A_447 = arith.mulf %gather3A_445, %gather3A_445 : vector<16xf32>
      %add3A_448 = arith.addf %add3A_408, %mul3A_447 : vector<16xf32>
      %mul3A_449 = arith.mulf %gather3A_446, %gather3A_446 : vector<16xf32>
      %add3A_450 = arith.addf %add3A_410, %mul3A_449 : vector<16xf32>
      %mul3A_451 = arith.mulf %gather3A_445, %gather3A_446 : vector<16xf32>
      %add3A_452 = arith.addf %add3A_412, %mul3A_451 : vector<16xf32>
      %broadcast_in_dim3A_453 = arith.constant 26 : i32
      %broadcast_in_dim3A_454 = vector.broadcast %broadcast_in_dim3A_453 : i32 to vector<16xi32>
      %gather3A_455 = tpu.vector_load_idx %arg9[%add3A_192, %broadcast_in_dim3A_454] : memref<512x64xf32, #tpu.memory_space<vmem>>[vector<16xi32>, vector<16xi32>], vector<16xf32>,
      %gather3A_456 = tpu.vector_load_idx %arg10[%add3A_192, %broadcast_in_dim3A_454] : memref<512x64xf32, #tpu.memory_space<vmem>>[vector<16xi32>, vector<16xi32>], vector<16xf32>,
      %mul3A_457 = arith.mulf %gather3A_455, %gather3A_455 : vector<16xf32>
      %add3A_458 = arith.addf %add3A_418, %mul3A_457 : vector<16xf32>
      %mul3A_459 = arith.mulf %gather3A_456, %gather3A_456 : vector<16xf32>
      %add3A_460 = arith.addf %add3A_420, %mul3A_459 : vector<16xf32>
      %mul3A_461 = arith.mulf %gather3A_455, %gather3A_456 : vector<16xf32>
      %add3A_462 = arith.addf %add3A_422, %mul3A_461 : vector<16xf32>
      %broadcast_in_dim3A_463 = arith.constant 27 : i32
      %broadcast_in_dim3A_464 = vector.broadcast %broadcast_in_dim3A_463 : i32 to vector<16xi32>
      %gather3A_465 = tpu.vector_load_idx %arg9[%add3A_192, %broadcast_in_dim3A_464] : memref<512x64xf32, #tpu.memory_space<vmem>>[vector<16xi32>, vector<16xi32>], vector<16xf32>,
      %gather3A_466 = tpu.vector_load_idx %arg10[%add3A_192, %broadcast_in_dim3A_464] : memref<512x64xf32, #tpu.memory_space<vmem>>[vector<16xi32>, vector<16xi32>], vector<16xf32>,
      %mul3A_467 = arith.mulf %gather3A_465, %gather3A_465 : vector<16xf32>
      %add3A_468 = arith.addf %add3A_428, %mul3A_467 : vector<16xf32>
      %mul3A_469 = arith.mulf %gather3A_466, %gather3A_466 : vector<16xf32>
      %add3A_470 = arith.addf %add3A_430, %mul3A_469 : vector<16xf32>
      %mul3A_471 = arith.mulf %gather3A_465, %gather3A_466 : vector<16xf32>
      %add3A_472 = arith.addf %add3A_432, %mul3A_471 : vector<16xf32>
      %broadcast_in_dim3A_473 = arith.constant 28 : i32
      %broadcast_in_dim3A_474 = vector.broadcast %broadcast_in_dim3A_473 : i32 to vector<16xi32>
      %gather3A_475 = tpu.vector_load_idx %arg9[%add3A_192, %broadcast_in_dim3A_474] : memref<512x64xf32, #tpu.memory_space<vmem>>[vector<16xi32>, vector<16xi32>], vector<16xf32>,
      %gather3A_476 = tpu.vector_load_idx %arg10[%add3A_192, %broadcast_in_dim3A_474] : memref<512x64xf32, #tpu.memory_space<vmem>>[vector<16xi32>, vector<16xi32>], vector<16xf32>,
      %mul3A_477 = arith.mulf %gather3A_475, %gather3A_475 : vector<16xf32>
      %add3A_478 = arith.addf %add3A_438, %mul3A_477 : vector<16xf32>
      %mul3A_479 = arith.mulf %gather3A_476, %gather3A_476 : vector<16xf32>
      %add3A_480 = arith.addf %add3A_440, %mul3A_479 : vector<16xf32>
      %mul3A_481 = arith.mulf %gather3A_475, %gather3A_476 : vector<16xf32>
      %add3A_482 = arith.addf %add3A_442, %mul3A_481 : vector<16xf32>
      %broadcast_in_dim3A_483 = arith.constant 29 : i32
      %broadcast_in_dim3A_484 = vector.broadcast %broadcast_in_dim3A_483 : i32 to vector<16xi32>
      %gather3A_485 = tpu.vector_load_idx %arg9[%add3A_192, %broadcast_in_dim3A_484] : memref<512x64xf32, #tpu.memory_space<vmem>>[vector<16xi32>, vector<16xi32>], vector<16xf32>,
      %gather3A_486 = tpu.vector_load_idx %arg10[%add3A_192, %broadcast_in_dim3A_484] : memref<512x64xf32, #tpu.memory_space<vmem>>[vector<16xi32>, vector<16xi32>], vector<16xf32>,
      %mul3A_487 = arith.mulf %gather3A_485, %gather3A_485 : vector<16xf32>
      %add3A_488 = arith.addf %add3A_448, %mul3A_487 : vector<16xf32>
      %mul3A_489 = arith.mulf %gather3A_486, %gather3A_486 : vector<16xf32>
      %add3A_490 = arith.addf %add3A_450, %mul3A_489 : vector<16xf32>
      %mul3A_491 = arith.mulf %gather3A_485, %gather3A_486 : vector<16xf32>
      %add3A_492 = arith.addf %add3A_452, %mul3A_491 : vector<16xf32>
      %broadcast_in_dim3A_493 = arith.constant 30 : i32
      %broadcast_in_dim3A_494 = vector.broadcast %broadcast_in_dim3A_493 : i32 to vector<16xi32>
      %gather3A_495 = tpu.vector_load_idx %arg9[%add3A_192, %broadcast_in_dim3A_494] : memref<512x64xf32, #tpu.memory_space<vmem>>[vector<16xi32>, vector<16xi32>], vector<16xf32>,
      %gather3A_496 = tpu.vector_load_idx %arg10[%add3A_192, %broadcast_in_dim3A_494] : memref<512x64xf32, #tpu.memory_space<vmem>>[vector<16xi32>, vector<16xi32>], vector<16xf32>,
      %mul3A_497 = arith.mulf %gather3A_495, %gather3A_495 : vector<16xf32>
      %add3A_498 = arith.addf %add3A_458, %mul3A_497 : vector<16xf32>
      %mul3A_499 = arith.mulf %gather3A_496, %gather3A_496 : vector<16xf32>
      %add3A_500 = arith.addf %add3A_460, %mul3A_499 : vector<16xf32>
      %mul3A_501 = arith.mulf %gather3A_495, %gather3A_496 : vector<16xf32>
      %add3A_502 = arith.addf %add3A_462, %mul3A_501 : vector<16xf32>
      %broadcast_in_dim3A_503 = arith.constant 31 : i32
      %broadcast_in_dim3A_504 = vector.broadcast %broadcast_in_dim3A_503 : i32 to vector<16xi32>
      %gather3A_505 = tpu.vector_load_idx %arg9[%add3A_192, %broadcast_in_dim3A_504] : memref<512x64xf32, #tpu.memory_space<vmem>>[vector<16xi32>, vector<16xi32>], vector<16xf32>,
      %gather3A_506 = tpu.vector_load_idx %arg10[%add3A_192, %broadcast_in_dim3A_504] : memref<512x64xf32, #tpu.memory_space<vmem>>[vector<16xi32>, vector<16xi32>], vector<16xf32>,
      %mul3A_507 = arith.mulf %gather3A_505, %gather3A_505 : vector<16xf32>
      %add3A_508 = arith.addf %add3A_468, %mul3A_507 : vector<16xf32>
      %mul3A_509 = arith.mulf %gather3A_506, %gather3A_506 : vector<16xf32>
      %add3A_510 = arith.addf %add3A_470, %mul3A_509 : vector<16xf32>
      %mul3A_511 = arith.mulf %gather3A_505, %gather3A_506 : vector<16xf32>
      %add3A_512 = arith.addf %add3A_472, %mul3A_511 : vector<16xf32>
      %broadcast_in_dim3A_513 = arith.constant 32 : i32
      %broadcast_in_dim3A_514 = vector.broadcast %broadcast_in_dim3A_513 : i32 to vector<16xi32>
      %gather3A_515 = tpu.vector_load_idx %arg9[%add3A_192, %broadcast_in_dim3A_514] : memref<512x64xf32, #tpu.memory_space<vmem>>[vector<16xi32>, vector<16xi32>], vector<16xf32>,
      %gather3A_516 = tpu.vector_load_idx %arg10[%add3A_192, %broadcast_in_dim3A_514] : memref<512x64xf32, #tpu.memory_space<vmem>>[vector<16xi32>, vector<16xi32>], vector<16xf32>,
      %mul3A_517 = arith.mulf %gather3A_515, %gather3A_515 : vector<16xf32>
      %add3A_518 = arith.addf %add3A_478, %mul3A_517 : vector<16xf32>
      %mul3A_519 = arith.mulf %gather3A_516, %gather3A_516 : vector<16xf32>
      %add3A_520 = arith.addf %add3A_480, %mul3A_519 : vector<16xf32>
      %mul3A_521 = arith.mulf %gather3A_515, %gather3A_516 : vector<16xf32>
      %add3A_522 = arith.addf %add3A_482, %mul3A_521 : vector<16xf32>
      %broadcast_in_dim3A_523 = arith.constant 33 : i32
      %broadcast_in_dim3A_524 = vector.broadcast %broadcast_in_dim3A_523 : i32 to vector<16xi32>
      %gather3A_525 = tpu.vector_load_idx %arg9[%add3A_192, %broadcast_in_dim3A_524] : memref<512x64xf32, #tpu.memory_space<vmem>>[vector<16xi32>, vector<16xi32>], vector<16xf32>,
      %gather3A_526 = tpu.vector_load_idx %arg10[%add3A_192, %broadcast_in_dim3A_524] : memref<512x64xf32, #tpu.memory_space<vmem>>[vector<16xi32>, vector<16xi32>], vector<16xf32>,
      %mul3A_527 = arith.mulf %gather3A_525, %gather3A_525 : vector<16xf32>
      %add3A_528 = arith.addf %add3A_488, %mul3A_527 : vector<16xf32>
      %mul3A_529 = arith.mulf %gather3A_526, %gather3A_526 : vector<16xf32>
      %add3A_530 = arith.addf %add3A_490, %mul3A_529 : vector<16xf32>
      %mul3A_531 = arith.mulf %gather3A_525, %gather3A_526 : vector<16xf32>
      %add3A_532 = arith.addf %add3A_492, %mul3A_531 : vector<16xf32>
      %broadcast_in_dim3A_533 = arith.constant 34 : i32
      %broadcast_in_dim3A_534 = vector.broadcast %broadcast_in_dim3A_533 : i32 to vector<16xi32>
      %gather3A_535 = tpu.vector_load_idx %arg9[%add3A_192, %broadcast_in_dim3A_534] : memref<512x64xf32, #tpu.memory_space<vmem>>[vector<16xi32>, vector<16xi32>], vector<16xf32>,
      %gather3A_536 = tpu.vector_load_idx %arg10[%add3A_192, %broadcast_in_dim3A_534] : memref<512x64xf32, #tpu.memory_space<vmem>>[vector<16xi32>, vector<16xi32>], vector<16xf32>,
      %mul3A_537 = arith.mulf %gather3A_535, %gather3A_535 : vector<16xf32>
      %add3A_538 = arith.addf %add3A_498, %mul3A_537 : vector<16xf32>
      %mul3A_539 = arith.mulf %gather3A_536, %gather3A_536 : vector<16xf32>
      %add3A_540 = arith.addf %add3A_500, %mul3A_539 : vector<16xf32>
      %mul3A_541 = arith.mulf %gather3A_535, %gather3A_536 : vector<16xf32>
      %add3A_542 = arith.addf %add3A_502, %mul3A_541 : vector<16xf32>
      %broadcast_in_dim3A_543 = arith.constant 35 : i32
      %broadcast_in_dim3A_544 = vector.broadcast %broadcast_in_dim3A_543 : i32 to vector<16xi32>
      %gather3A_545 = tpu.vector_load_idx %arg9[%add3A_192, %broadcast_in_dim3A_544] : memref<512x64xf32, #tpu.memory_space<vmem>>[vector<16xi32>, vector<16xi32>], vector<16xf32>,
      %gather3A_546 = tpu.vector_load_idx %arg10[%add3A_192, %broadcast_in_dim3A_544] : memref<512x64xf32, #tpu.memory_space<vmem>>[vector<16xi32>, vector<16xi32>], vector<16xf32>,
      %mul3A_547 = arith.mulf %gather3A_545, %gather3A_545 : vector<16xf32>
      %add3A_548 = arith.addf %add3A_508, %mul3A_547 : vector<16xf32>
      %mul3A_549 = arith.mulf %gather3A_546, %gather3A_546 : vector<16xf32>
      %add3A_550 = arith.addf %add3A_510, %mul3A_549 : vector<16xf32>
      %mul3A_551 = arith.mulf %gather3A_545, %gather3A_546 : vector<16xf32>
      %add3A_552 = arith.addf %add3A_512, %mul3A_551 : vector<16xf32>
      %broadcast_in_dim3A_553 = arith.constant 36 : i32
      %broadcast_in_dim3A_554 = vector.broadcast %broadcast_in_dim3A_553 : i32 to vector<16xi32>
      %gather3A_555 = tpu.vector_load_idx %arg9[%add3A_192, %broadcast_in_dim3A_554] : memref<512x64xf32, #tpu.memory_space<vmem>>[vector<16xi32>, vector<16xi32>], vector<16xf32>,
      %gather3A_556 = tpu.vector_load_idx %arg10[%add3A_192, %broadcast_in_dim3A_554] : memref<512x64xf32, #tpu.memory_space<vmem>>[vector<16xi32>, vector<16xi32>], vector<16xf32>,
      %mul3A_557 = arith.mulf %gather3A_555, %gather3A_555 : vector<16xf32>
      %add3A_558 = arith.addf %add3A_518, %mul3A_557 : vector<16xf32>
      %mul3A_559 = arith.mulf %gather3A_556, %gather3A_556 : vector<16xf32>
      %add3A_560 = arith.addf %add3A_520, %mul3A_559 : vector<16xf32>
      %mul3A_561 = arith.mulf %gather3A_555, %gather3A_556 : vector<16xf32>
      %add3A_562 = arith.addf %add3A_522, %mul3A_561 : vector<16xf32>
      %broadcast_in_dim3A_563 = arith.constant 37 : i32
      %broadcast_in_dim3A_564 = vector.broadcast %broadcast_in_dim3A_563 : i32 to vector<16xi32>
      %gather3A_565 = tpu.vector_load_idx %arg9[%add3A_192, %broadcast_in_dim3A_564] : memref<512x64xf32, #tpu.memory_space<vmem>>[vector<16xi32>, vector<16xi32>], vector<16xf32>,
      %gather3A_566 = tpu.vector_load_idx %arg10[%add3A_192, %broadcast_in_dim3A_564] : memref<512x64xf32, #tpu.memory_space<vmem>>[vector<16xi32>, vector<16xi32>], vector<16xf32>,
      %mul3A_567 = arith.mulf %gather3A_565, %gather3A_565 : vector<16xf32>
      %add3A_568 = arith.addf %add3A_528, %mul3A_567 : vector<16xf32>
      %mul3A_569 = arith.mulf %gather3A_566, %gather3A_566 : vector<16xf32>
      %add3A_570 = arith.addf %add3A_530, %mul3A_569 : vector<16xf32>
      %mul3A_571 = arith.mulf %gather3A_565, %gather3A_566 : vector<16xf32>
      %add3A_572 = arith.addf %add3A_532, %mul3A_571 : vector<16xf32>
      %broadcast_in_dim3A_573 = arith.constant 38 : i32
      %broadcast_in_dim3A_574 = vector.broadcast %broadcast_in_dim3A_573 : i32 to vector<16xi32>
      %gather3A_575 = tpu.vector_load_idx %arg9[%add3A_192, %broadcast_in_dim3A_574] : memref<512x64xf32, #tpu.memory_space<vmem>>[vector<16xi32>, vector<16xi32>], vector<16xf32>,
      %gather3A_576 = tpu.vector_load_idx %arg10[%add3A_192, %broadcast_in_dim3A_574] : memref<512x64xf32, #tpu.memory_space<vmem>>[vector<16xi32>, vector<16xi32>], vector<16xf32>,
      %mul3A_577 = arith.mulf %gather3A_575, %gather3A_575 : vector<16xf32>
      %add3A_578 = arith.addf %add3A_538, %mul3A_577 : vector<16xf32>
      %mul3A_579 = arith.mulf %gather3A_576, %gather3A_576 : vector<16xf32>
      %add3A_580 = arith.addf %add3A_540, %mul3A_579 : vector<16xf32>
      %mul3A_581 = arith.mulf %gather3A_575, %gather3A_576 : vector<16xf32>
      %add3A_582 = arith.addf %add3A_542, %mul3A_581 : vector<16xf32>
      %broadcast_in_dim3A_583 = arith.constant 39 : i32
      %broadcast_in_dim3A_584 = vector.broadcast %broadcast_in_dim3A_583 : i32 to vector<16xi32>
      %gather3A_585 = tpu.vector_load_idx %arg9[%add3A_192, %broadcast_in_dim3A_584] : memref<512x64xf32, #tpu.memory_space<vmem>>[vector<16xi32>, vector<16xi32>], vector<16xf32>,
      %gather3A_586 = tpu.vector_load_idx %arg10[%add3A_192, %broadcast_in_dim3A_584] : memref<512x64xf32, #tpu.memory_space<vmem>>[vector<16xi32>, vector<16xi32>], vector<16xf32>,
      %mul3A_587 = arith.mulf %gather3A_585, %gather3A_585 : vector<16xf32>
      %add3A_588 = arith.addf %add3A_548, %mul3A_587 : vector<16xf32>
      %mul3A_589 = arith.mulf %gather3A_586, %gather3A_586 : vector<16xf32>
      %add3A_590 = arith.addf %add3A_550, %mul3A_589 : vector<16xf32>
      %mul3A_591 = arith.mulf %gather3A_585, %gather3A_586 : vector<16xf32>
      %add3A_592 = arith.addf %add3A_552, %mul3A_591 : vector<16xf32>
      %broadcast_in_dim3A_593 = arith.constant 40 : i32
      %broadcast_in_dim3A_594 = vector.broadcast %broadcast_in_dim3A_593 : i32 to vector<16xi32>
      %gather3A_595 = tpu.vector_load_idx %arg9[%add3A_192, %broadcast_in_dim3A_594] : memref<512x64xf32, #tpu.memory_space<vmem>>[vector<16xi32>, vector<16xi32>], vector<16xf32>,
      %gather3A_596 = tpu.vector_load_idx %arg10[%add3A_192, %broadcast_in_dim3A_594] : memref<512x64xf32, #tpu.memory_space<vmem>>[vector<16xi32>, vector<16xi32>], vector<16xf32>,
      %mul3A_597 = arith.mulf %gather3A_595, %gather3A_595 : vector<16xf32>
      %add3A_598 = arith.addf %add3A_558, %mul3A_597 : vector<16xf32>
      %mul3A_599 = arith.mulf %gather3A_596, %gather3A_596 : vector<16xf32>
      %add3A_600 = arith.addf %add3A_560, %mul3A_599 : vector<16xf32>
      %mul3A_601 = arith.mulf %gather3A_595, %gather3A_596 : vector<16xf32>
      %add3A_602 = arith.addf %add3A_562, %mul3A_601 : vector<16xf32>
      %broadcast_in_dim3A_603 = arith.constant 41 : i32
      %broadcast_in_dim3A_604 = vector.broadcast %broadcast_in_dim3A_603 : i32 to vector<16xi32>
      %gather3A_605 = tpu.vector_load_idx %arg9[%add3A_192, %broadcast_in_dim3A_604] : memref<512x64xf32, #tpu.memory_space<vmem>>[vector<16xi32>, vector<16xi32>], vector<16xf32>,
      %gather3A_606 = tpu.vector_load_idx %arg10[%add3A_192, %broadcast_in_dim3A_604] : memref<512x64xf32, #tpu.memory_space<vmem>>[vector<16xi32>, vector<16xi32>], vector<16xf32>,
      %mul3A_607 = arith.mulf %gather3A_605, %gather3A_605 : vector<16xf32>
      %add3A_608 = arith.addf %add3A_568, %mul3A_607 : vector<16xf32>
      %mul3A_609 = arith.mulf %gather3A_606, %gather3A_606 : vector<16xf32>
      %add3A_610 = arith.addf %add3A_570, %mul3A_609 : vector<16xf32>
      %mul3A_611 = arith.mulf %gather3A_605, %gather3A_606 : vector<16xf32>
      %add3A_612 = arith.addf %add3A_572, %mul3A_611 : vector<16xf32>
      %broadcast_in_dim3A_613 = arith.constant 42 : i32
      %broadcast_in_dim3A_614 = vector.broadcast %broadcast_in_dim3A_613 : i32 to vector<16xi32>
      %gather3A_615 = tpu.vector_load_idx %arg9[%add3A_192, %broadcast_in_dim3A_614] : memref<512x64xf32, #tpu.memory_space<vmem>>[vector<16xi32>, vector<16xi32>], vector<16xf32>,
      %gather3A_616 = tpu.vector_load_idx %arg10[%add3A_192, %broadcast_in_dim3A_614] : memref<512x64xf32, #tpu.memory_space<vmem>>[vector<16xi32>, vector<16xi32>], vector<16xf32>,
      %mul3A_617 = arith.mulf %gather3A_615, %gather3A_615 : vector<16xf32>
      %add3A_618 = arith.addf %add3A_578, %mul3A_617 : vector<16xf32>
      %mul3A_619 = arith.mulf %gather3A_616, %gather3A_616 : vector<16xf32>
      %add3A_620 = arith.addf %add3A_580, %mul3A_619 : vector<16xf32>
      %mul3A_621 = arith.mulf %gather3A_615, %gather3A_616 : vector<16xf32>
      %add3A_622 = arith.addf %add3A_582, %mul3A_621 : vector<16xf32>
      %broadcast_in_dim3A_623 = arith.constant 43 : i32
      %broadcast_in_dim3A_624 = vector.broadcast %broadcast_in_dim3A_623 : i32 to vector<16xi32>
      %gather3A_625 = tpu.vector_load_idx %arg9[%add3A_192, %broadcast_in_dim3A_624] : memref<512x64xf32, #tpu.memory_space<vmem>>[vector<16xi32>, vector<16xi32>], vector<16xf32>,
      %gather3A_626 = tpu.vector_load_idx %arg10[%add3A_192, %broadcast_in_dim3A_624] : memref<512x64xf32, #tpu.memory_space<vmem>>[vector<16xi32>, vector<16xi32>], vector<16xf32>,
      %mul3A_627 = arith.mulf %gather3A_625, %gather3A_625 : vector<16xf32>
      %add3A_628 = arith.addf %add3A_588, %mul3A_627 : vector<16xf32>
      %mul3A_629 = arith.mulf %gather3A_626, %gather3A_626 : vector<16xf32>
      %add3A_630 = arith.addf %add3A_590, %mul3A_629 : vector<16xf32>
      %mul3A_631 = arith.mulf %gather3A_625, %gather3A_626 : vector<16xf32>
      %add3A_632 = arith.addf %add3A_592, %mul3A_631 : vector<16xf32>
      %broadcast_in_dim3A_633 = arith.constant 44 : i32
      %broadcast_in_dim3A_634 = vector.broadcast %broadcast_in_dim3A_633 : i32 to vector<16xi32>
      %gather3A_635 = tpu.vector_load_idx %arg9[%add3A_192, %broadcast_in_dim3A_634] : memref<512x64xf32, #tpu.memory_space<vmem>>[vector<16xi32>, vector<16xi32>], vector<16xf32>,
      %gather3A_636 = tpu.vector_load_idx %arg10[%add3A_192, %broadcast_in_dim3A_634] : memref<512x64xf32, #tpu.memory_space<vmem>>[vector<16xi32>, vector<16xi32>], vector<16xf32>,
      %mul3A_637 = arith.mulf %gather3A_635, %gather3A_635 : vector<16xf32>
      %add3A_638 = arith.addf %add3A_598, %mul3A_637 : vector<16xf32>
      %mul3A_639 = arith.mulf %gather3A_636, %gather3A_636 : vector<16xf32>
      %add3A_640 = arith.addf %add3A_600, %mul3A_639 : vector<16xf32>
      %mul3A_641 = arith.mulf %gather3A_635, %gather3A_636 : vector<16xf32>
      %add3A_642 = arith.addf %add3A_602, %mul3A_641 : vector<16xf32>
      %broadcast_in_dim3A_643 = arith.constant 45 : i32
      %broadcast_in_dim3A_644 = vector.broadcast %broadcast_in_dim3A_643 : i32 to vector<16xi32>
      %gather3A_645 = tpu.vector_load_idx %arg9[%add3A_192, %broadcast_in_dim3A_644] : memref<512x64xf32, #tpu.memory_space<vmem>>[vector<16xi32>, vector<16xi32>], vector<16xf32>,
      %gather3A_646 = tpu.vector_load_idx %arg10[%add3A_192, %broadcast_in_dim3A_644] : memref<512x64xf32, #tpu.memory_space<vmem>>[vector<16xi32>, vector<16xi32>], vector<16xf32>,
      %mul3A_647 = arith.mulf %gather3A_645, %gather3A_645 : vector<16xf32>
      %add3A_648 = arith.addf %add3A_608, %mul3A_647 : vector<16xf32>
      %mul3A_649 = arith.mulf %gather3A_646, %gather3A_646 : vector<16xf32>
      %add3A_650 = arith.addf %add3A_610, %mul3A_649 : vector<16xf32>
      %mul3A_651 = arith.mulf %gather3A_645, %gather3A_646 : vector<16xf32>
      %add3A_652 = arith.addf %add3A_612, %mul3A_651 : vector<16xf32>
      %broadcast_in_dim3A_653 = arith.constant 46 : i32
      %broadcast_in_dim3A_654 = vector.broadcast %broadcast_in_dim3A_653 : i32 to vector<16xi32>
      %gather3A_655 = tpu.vector_load_idx %arg9[%add3A_192, %broadcast_in_dim3A_654] : memref<512x64xf32, #tpu.memory_space<vmem>>[vector<16xi32>, vector<16xi32>], vector<16xf32>,
      %gather3A_656 = tpu.vector_load_idx %arg10[%add3A_192, %broadcast_in_dim3A_654] : memref<512x64xf32, #tpu.memory_space<vmem>>[vector<16xi32>, vector<16xi32>], vector<16xf32>,
      %mul3A_657 = arith.mulf %gather3A_655, %gather3A_655 : vector<16xf32>
      %add3A_658 = arith.addf %add3A_618, %mul3A_657 : vector<16xf32>
      %mul3A_659 = arith.mulf %gather3A_656, %gather3A_656 : vector<16xf32>
      %add3A_660 = arith.addf %add3A_620, %mul3A_659 : vector<16xf32>
      %mul3A_661 = arith.mulf %gather3A_655, %gather3A_656 : vector<16xf32>
      %add3A_662 = arith.addf %add3A_622, %mul3A_661 : vector<16xf32>
      %broadcast_in_dim3A_663 = arith.constant 47 : i32
      %broadcast_in_dim3A_664 = vector.broadcast %broadcast_in_dim3A_663 : i32 to vector<16xi32>
      %gather3A_665 = tpu.vector_load_idx %arg9[%add3A_192, %broadcast_in_dim3A_664] : memref<512x64xf32, #tpu.memory_space<vmem>>[vector<16xi32>, vector<16xi32>], vector<16xf32>,
      %gather3A_666 = tpu.vector_load_idx %arg10[%add3A_192, %broadcast_in_dim3A_664] : memref<512x64xf32, #tpu.memory_space<vmem>>[vector<16xi32>, vector<16xi32>], vector<16xf32>,
      %mul3A_667 = arith.mulf %gather3A_665, %gather3A_665 : vector<16xf32>
      %add3A_668 = arith.addf %add3A_628, %mul3A_667 : vector<16xf32>
      %mul3A_669 = arith.mulf %gather3A_666, %gather3A_666 : vector<16xf32>
      %add3A_670 = arith.addf %add3A_630, %mul3A_669 : vector<16xf32>
      %mul3A_671 = arith.mulf %gather3A_665, %gather3A_666 : vector<16xf32>
      %add3A_672 = arith.addf %add3A_632, %mul3A_671 : vector<16xf32>
      %broadcast_in_dim3A_673 = arith.constant 48 : i32
      %broadcast_in_dim3A_674 = vector.broadcast %broadcast_in_dim3A_673 : i32 to vector<16xi32>
      %gather3A_675 = tpu.vector_load_idx %arg9[%add3A_192, %broadcast_in_dim3A_674] : memref<512x64xf32, #tpu.memory_space<vmem>>[vector<16xi32>, vector<16xi32>], vector<16xf32>,
      %gather3A_676 = tpu.vector_load_idx %arg10[%add3A_192, %broadcast_in_dim3A_674] : memref<512x64xf32, #tpu.memory_space<vmem>>[vector<16xi32>, vector<16xi32>], vector<16xf32>,
      %mul3A_677 = arith.mulf %gather3A_675, %gather3A_675 : vector<16xf32>
      %add3A_678 = arith.addf %add3A_638, %mul3A_677 : vector<16xf32>
      %mul3A_679 = arith.mulf %gather3A_676, %gather3A_676 : vector<16xf32>
      %add3A_680 = arith.addf %add3A_640, %mul3A_679 : vector<16xf32>
      %mul3A_681 = arith.mulf %gather3A_675, %gather3A_676 : vector<16xf32>
      %add3A_682 = arith.addf %add3A_642, %mul3A_681 : vector<16xf32>
      %broadcast_in_dim3A_683 = arith.constant 49 : i32
      %broadcast_in_dim3A_684 = vector.broadcast %broadcast_in_dim3A_683 : i32 to vector<16xi32>
      %gather3A_685 = tpu.vector_load_idx %arg9[%add3A_192, %broadcast_in_dim3A_684] : memref<512x64xf32, #tpu.memory_space<vmem>>[vector<16xi32>, vector<16xi32>], vector<16xf32>,
      %gather3A_686 = tpu.vector_load_idx %arg10[%add3A_192, %broadcast_in_dim3A_684] : memref<512x64xf32, #tpu.memory_space<vmem>>[vector<16xi32>, vector<16xi32>], vector<16xf32>,
      %mul3A_687 = arith.mulf %gather3A_685, %gather3A_685 : vector<16xf32>
      %add3A_688 = arith.addf %add3A_648, %mul3A_687 : vector<16xf32>
      %mul3A_689 = arith.mulf %gather3A_686, %gather3A_686 : vector<16xf32>
      %add3A_690 = arith.addf %add3A_650, %mul3A_689 : vector<16xf32>
      %mul3A_691 = arith.mulf %gather3A_685, %gather3A_686 : vector<16xf32>
      %add3A_692 = arith.addf %add3A_652, %mul3A_691 : vector<16xf32>
      %broadcast_in_dim3A_693 = arith.constant 50 : i32
      %broadcast_in_dim3A_694 = vector.broadcast %broadcast_in_dim3A_693 : i32 to vector<16xi32>
      %gather3A_695 = tpu.vector_load_idx %arg9[%add3A_192, %broadcast_in_dim3A_694] : memref<512x64xf32, #tpu.memory_space<vmem>>[vector<16xi32>, vector<16xi32>], vector<16xf32>,
      %gather3A_696 = tpu.vector_load_idx %arg10[%add3A_192, %broadcast_in_dim3A_694] : memref<512x64xf32, #tpu.memory_space<vmem>>[vector<16xi32>, vector<16xi32>], vector<16xf32>,
      %mul3A_697 = arith.mulf %gather3A_695, %gather3A_695 : vector<16xf32>
      %add3A_698 = arith.addf %add3A_658, %mul3A_697 : vector<16xf32>
      %mul3A_699 = arith.mulf %gather3A_696, %gather3A_696 : vector<16xf32>
      %add3A_700 = arith.addf %add3A_660, %mul3A_699 : vector<16xf32>
      %mul3A_701 = arith.mulf %gather3A_695, %gather3A_696 : vector<16xf32>
      %add3A_702 = arith.addf %add3A_662, %mul3A_701 : vector<16xf32>
      %broadcast_in_dim3A_703 = arith.constant 51 : i32
      %broadcast_in_dim3A_704 = vector.broadcast %broadcast_in_dim3A_703 : i32 to vector<16xi32>
      %gather3A_705 = tpu.vector_load_idx %arg9[%add3A_192, %broadcast_in_dim3A_704] : memref<512x64xf32, #tpu.memory_space<vmem>>[vector<16xi32>, vector<16xi32>], vector<16xf32>,
      %gather3A_706 = tpu.vector_load_idx %arg10[%add3A_192, %broadcast_in_dim3A_704] : memref<512x64xf32, #tpu.memory_space<vmem>>[vector<16xi32>, vector<16xi32>], vector<16xf32>,
      %mul3A_707 = arith.mulf %gather3A_705, %gather3A_705 : vector<16xf32>
      %add3A_708 = arith.addf %add3A_668, %mul3A_707 : vector<16xf32>
      %mul3A_709 = arith.mulf %gather3A_706, %gather3A_706 : vector<16xf32>
      %add3A_710 = arith.addf %add3A_670, %mul3A_709 : vector<16xf32>
      %mul3A_711 = arith.mulf %gather3A_705, %gather3A_706 : vector<16xf32>
      %add3A_712 = arith.addf %add3A_672, %mul3A_711 : vector<16xf32>
      %broadcast_in_dim3A_713 = arith.constant 52 : i32
      %broadcast_in_dim3A_714 = vector.broadcast %broadcast_in_dim3A_713 : i32 to vector<16xi32>
      %gather3A_715 = tpu.vector_load_idx %arg9[%add3A_192, %broadcast_in_dim3A_714] : memref<512x64xf32, #tpu.memory_space<vmem>>[vector<16xi32>, vector<16xi32>], vector<16xf32>,
      %gather3A_716 = tpu.vector_load_idx %arg10[%add3A_192, %broadcast_in_dim3A_714] : memref<512x64xf32, #tpu.memory_space<vmem>>[vector<16xi32>, vector<16xi32>], vector<16xf32>,
      %mul3A_717 = arith.mulf %gather3A_715, %gather3A_715 : vector<16xf32>
      %add3A_718 = arith.addf %add3A_678, %mul3A_717 : vector<16xf32>
      %mul3A_719 = arith.mulf %gather3A_716, %gather3A_716 : vector<16xf32>
      %add3A_720 = arith.addf %add3A_680, %mul3A_719 : vector<16xf32>
      %mul3A_721 = arith.mulf %gather3A_715, %gather3A_716 : vector<16xf32>
      %add3A_722 = arith.addf %add3A_682, %mul3A_721 : vector<16xf32>
      %broadcast_in_dim3A_723 = arith.constant 53 : i32
      %broadcast_in_dim3A_724 = vector.broadcast %broadcast_in_dim3A_723 : i32 to vector<16xi32>
      %gather3A_725 = tpu.vector_load_idx %arg9[%add3A_192, %broadcast_in_dim3A_724] : memref<512x64xf32, #tpu.memory_space<vmem>>[vector<16xi32>, vector<16xi32>], vector<16xf32>,
      %gather3A_726 = tpu.vector_load_idx %arg10[%add3A_192, %broadcast_in_dim3A_724] : memref<512x64xf32, #tpu.memory_space<vmem>>[vector<16xi32>, vector<16xi32>], vector<16xf32>,
      %mul3A_727 = arith.mulf %gather3A_725, %gather3A_725 : vector<16xf32>
      %add3A_728 = arith.addf %add3A_688, %mul3A_727 : vector<16xf32>
      %mul3A_729 = arith.mulf %gather3A_726, %gather3A_726 : vector<16xf32>
      %add3A_730 = arith.addf %add3A_690, %mul3A_729 : vector<16xf32>
      %mul3A_731 = arith.mulf %gather3A_725, %gather3A_726 : vector<16xf32>
      %add3A_732 = arith.addf %add3A_692, %mul3A_731 : vector<16xf32>
      %broadcast_in_dim3A_733 = arith.constant 54 : i32
      %broadcast_in_dim3A_734 = vector.broadcast %broadcast_in_dim3A_733 : i32 to vector<16xi32>
      %gather3A_735 = tpu.vector_load_idx %arg9[%add3A_192, %broadcast_in_dim3A_734] : memref<512x64xf32, #tpu.memory_space<vmem>>[vector<16xi32>, vector<16xi32>], vector<16xf32>,
      %gather3A_736 = tpu.vector_load_idx %arg10[%add3A_192, %broadcast_in_dim3A_734] : memref<512x64xf32, #tpu.memory_space<vmem>>[vector<16xi32>, vector<16xi32>], vector<16xf32>,
      %mul3A_737 = arith.mulf %gather3A_735, %gather3A_735 : vector<16xf32>
      %add3A_738 = arith.addf %add3A_698, %mul3A_737 : vector<16xf32>
      %mul3A_739 = arith.mulf %gather3A_736, %gather3A_736 : vector<16xf32>
      %add3A_740 = arith.addf %add3A_700, %mul3A_739 : vector<16xf32>
      %mul3A_741 = arith.mulf %gather3A_735, %gather3A_736 : vector<16xf32>
      %add3A_742 = arith.addf %add3A_702, %mul3A_741 : vector<16xf32>
      %broadcast_in_dim3A_743 = arith.constant 55 : i32
      %broadcast_in_dim3A_744 = vector.broadcast %broadcast_in_dim3A_743 : i32 to vector<16xi32>
      %gather3A_745 = tpu.vector_load_idx %arg9[%add3A_192, %broadcast_in_dim3A_744] : memref<512x64xf32, #tpu.memory_space<vmem>>[vector<16xi32>, vector<16xi32>], vector<16xf32>,
      %gather3A_746 = tpu.vector_load_idx %arg10[%add3A_192, %broadcast_in_dim3A_744] : memref<512x64xf32, #tpu.memory_space<vmem>>[vector<16xi32>, vector<16xi32>], vector<16xf32>,
      %mul3A_747 = arith.mulf %gather3A_745, %gather3A_745 : vector<16xf32>
      %add3A_748 = arith.addf %add3A_708, %mul3A_747 : vector<16xf32>
      %mul3A_749 = arith.mulf %gather3A_746, %gather3A_746 : vector<16xf32>
      %add3A_750 = arith.addf %add3A_710, %mul3A_749 : vector<16xf32>
      %mul3A_751 = arith.mulf %gather3A_745, %gather3A_746 : vector<16xf32>
      %add3A_752 = arith.addf %add3A_712, %mul3A_751 : vector<16xf32>
      %broadcast_in_dim3A_753 = arith.constant 56 : i32
      %broadcast_in_dim3A_754 = vector.broadcast %broadcast_in_dim3A_753 : i32 to vector<16xi32>
      %gather3A_755 = tpu.vector_load_idx %arg9[%add3A_192, %broadcast_in_dim3A_754] : memref<512x64xf32, #tpu.memory_space<vmem>>[vector<16xi32>, vector<16xi32>], vector<16xf32>,
      %gather3A_756 = tpu.vector_load_idx %arg10[%add3A_192, %broadcast_in_dim3A_754] : memref<512x64xf32, #tpu.memory_space<vmem>>[vector<16xi32>, vector<16xi32>], vector<16xf32>,
      %mul3A_757 = arith.mulf %gather3A_755, %gather3A_755 : vector<16xf32>
      %add3A_758 = arith.addf %add3A_718, %mul3A_757 : vector<16xf32>
      %mul3A_759 = arith.mulf %gather3A_756, %gather3A_756 : vector<16xf32>
      %add3A_760 = arith.addf %add3A_720, %mul3A_759 : vector<16xf32>
      %mul3A_761 = arith.mulf %gather3A_755, %gather3A_756 : vector<16xf32>
      %add3A_762 = arith.addf %add3A_722, %mul3A_761 : vector<16xf32>
      %broadcast_in_dim3A_763 = arith.constant 57 : i32
      %broadcast_in_dim3A_764 = vector.broadcast %broadcast_in_dim3A_763 : i32 to vector<16xi32>
      %gather3A_765 = tpu.vector_load_idx %arg9[%add3A_192, %broadcast_in_dim3A_764] : memref<512x64xf32, #tpu.memory_space<vmem>>[vector<16xi32>, vector<16xi32>], vector<16xf32>,
      %gather3A_766 = tpu.vector_load_idx %arg10[%add3A_192, %broadcast_in_dim3A_764] : memref<512x64xf32, #tpu.memory_space<vmem>>[vector<16xi32>, vector<16xi32>], vector<16xf32>,
      %mul3A_767 = arith.mulf %gather3A_765, %gather3A_765 : vector<16xf32>
      %add3A_768 = arith.addf %add3A_728, %mul3A_767 : vector<16xf32>
      %mul3A_769 = arith.mulf %gather3A_766, %gather3A_766 : vector<16xf32>
      %add3A_770 = arith.addf %add3A_730, %mul3A_769 : vector<16xf32>
      %mul3A_771 = arith.mulf %gather3A_765, %gather3A_766 : vector<16xf32>
      %add3A_772 = arith.addf %add3A_732, %mul3A_771 : vector<16xf32>
      %broadcast_in_dim3A_773 = arith.constant 58 : i32
      %broadcast_in_dim3A_774 = vector.broadcast %broadcast_in_dim3A_773 : i32 to vector<16xi32>
      %gather3A_775 = tpu.vector_load_idx %arg9[%add3A_192, %broadcast_in_dim3A_774] : memref<512x64xf32, #tpu.memory_space<vmem>>[vector<16xi32>, vector<16xi32>], vector<16xf32>,
      %gather3A_776 = tpu.vector_load_idx %arg10[%add3A_192, %broadcast_in_dim3A_774] : memref<512x64xf32, #tpu.memory_space<vmem>>[vector<16xi32>, vector<16xi32>], vector<16xf32>,
      %mul3A_777 = arith.mulf %gather3A_775, %gather3A_775 : vector<16xf32>
      %add3A_778 = arith.addf %add3A_738, %mul3A_777 : vector<16xf32>
      %mul3A_779 = arith.mulf %gather3A_776, %gather3A_776 : vector<16xf32>
      %add3A_780 = arith.addf %add3A_740, %mul3A_779 : vector<16xf32>
      %mul3A_781 = arith.mulf %gather3A_775, %gather3A_776 : vector<16xf32>
      %add3A_782 = arith.addf %add3A_742, %mul3A_781 : vector<16xf32>
      %broadcast_in_dim3A_783 = arith.constant 59 : i32
      %broadcast_in_dim3A_784 = vector.broadcast %broadcast_in_dim3A_783 : i32 to vector<16xi32>
      %gather3A_785 = tpu.vector_load_idx %arg9[%add3A_192, %broadcast_in_dim3A_784] : memref<512x64xf32, #tpu.memory_space<vmem>>[vector<16xi32>, vector<16xi32>], vector<16xf32>,
      %gather3A_786 = tpu.vector_load_idx %arg10[%add3A_192, %broadcast_in_dim3A_784] : memref<512x64xf32, #tpu.memory_space<vmem>>[vector<16xi32>, vector<16xi32>], vector<16xf32>,
      %mul3A_787 = arith.mulf %gather3A_785, %gather3A_785 : vector<16xf32>
      %add3A_788 = arith.addf %add3A_748, %mul3A_787 : vector<16xf32>
      %mul3A_789 = arith.mulf %gather3A_786, %gather3A_786 : vector<16xf32>
      %add3A_790 = arith.addf %add3A_750, %mul3A_789 : vector<16xf32>
      %mul3A_791 = arith.mulf %gather3A_785, %gather3A_786 : vector<16xf32>
      %add3A_792 = arith.addf %add3A_752, %mul3A_791 : vector<16xf32>
      %broadcast_in_dim3A_793 = arith.constant 60 : i32
      %broadcast_in_dim3A_794 = vector.broadcast %broadcast_in_dim3A_793 : i32 to vector<16xi32>
      %gather3A_795 = tpu.vector_load_idx %arg9[%add3A_192, %broadcast_in_dim3A_794] : memref<512x64xf32, #tpu.memory_space<vmem>>[vector<16xi32>, vector<16xi32>], vector<16xf32>,
      %gather3A_796 = tpu.vector_load_idx %arg10[%add3A_192, %broadcast_in_dim3A_794] : memref<512x64xf32, #tpu.memory_space<vmem>>[vector<16xi32>, vector<16xi32>], vector<16xf32>,
      %mul3A_797 = arith.mulf %gather3A_795, %gather3A_795 : vector<16xf32>
      %add3A_798 = arith.addf %add3A_758, %mul3A_797 : vector<16xf32>
      %mul3A_799 = arith.mulf %gather3A_796, %gather3A_796 : vector<16xf32>
      %add3A_800 = arith.addf %add3A_760, %mul3A_799 : vector<16xf32>
      %mul3A_801 = arith.mulf %gather3A_795, %gather3A_796 : vector<16xf32>
      %add3A_802 = arith.addf %add3A_762, %mul3A_801 : vector<16xf32>
      %broadcast_in_dim3A_803 = arith.constant 61 : i32
      %broadcast_in_dim3A_804 = vector.broadcast %broadcast_in_dim3A_803 : i32 to vector<16xi32>
      %gather3A_805 = tpu.vector_load_idx %arg9[%add3A_192, %broadcast_in_dim3A_804] : memref<512x64xf32, #tpu.memory_space<vmem>>[vector<16xi32>, vector<16xi32>], vector<16xf32>,
      %gather3A_806 = tpu.vector_load_idx %arg10[%add3A_192, %broadcast_in_dim3A_804] : memref<512x64xf32, #tpu.memory_space<vmem>>[vector<16xi32>, vector<16xi32>], vector<16xf32>,
      %mul3A_807 = arith.mulf %gather3A_805, %gather3A_805 : vector<16xf32>
      %add3A_808 = arith.addf %add3A_768, %mul3A_807 : vector<16xf32>
      %mul3A_809 = arith.mulf %gather3A_806, %gather3A_806 : vector<16xf32>
      %add3A_810 = arith.addf %add3A_770, %mul3A_809 : vector<16xf32>
      %mul3A_811 = arith.mulf %gather3A_805, %gather3A_806 : vector<16xf32>
      %add3A_812 = arith.addf %add3A_772, %mul3A_811 : vector<16xf32>
      %broadcast_in_dim3A_813 = arith.constant 62 : i32
      %broadcast_in_dim3A_814 = vector.broadcast %broadcast_in_dim3A_813 : i32 to vector<16xi32>
      %gather3A_815 = tpu.vector_load_idx %arg9[%add3A_192, %broadcast_in_dim3A_814] : memref<512x64xf32, #tpu.memory_space<vmem>>[vector<16xi32>, vector<16xi32>], vector<16xf32>,
      %gather3A_816 = tpu.vector_load_idx %arg10[%add3A_192, %broadcast_in_dim3A_814] : memref<512x64xf32, #tpu.memory_space<vmem>>[vector<16xi32>, vector<16xi32>], vector<16xf32>,
      %mul3A_817 = arith.mulf %gather3A_815, %gather3A_815 : vector<16xf32>
      %add3A_818 = arith.addf %add3A_778, %mul3A_817 : vector<16xf32>
      %mul3A_819 = arith.mulf %gather3A_816, %gather3A_816 : vector<16xf32>
      %add3A_820 = arith.addf %add3A_780, %mul3A_819 : vector<16xf32>
      %mul3A_821 = arith.mulf %gather3A_815, %gather3A_816 : vector<16xf32>
      %add3A_822 = arith.addf %add3A_782, %mul3A_821 : vector<16xf32>
      %broadcast_in_dim3A_823 = arith.constant 63 : i32
      %broadcast_in_dim3A_824 = vector.broadcast %broadcast_in_dim3A_823 : i32 to vector<16xi32>
      %gather3A_825 = tpu.vector_load_idx %arg9[%add3A_192, %broadcast_in_dim3A_824] : memref<512x64xf32, #tpu.memory_space<vmem>>[vector<16xi32>, vector<16xi32>], vector<16xf32>,
      %gather3A_826 = tpu.vector_load_idx %arg10[%add3A_192, %broadcast_in_dim3A_824] : memref<512x64xf32, #tpu.memory_space<vmem>>[vector<16xi32>, vector<16xi32>], vector<16xf32>,
      %mul3A_827 = arith.mulf %gather3A_825, %gather3A_825 : vector<16xf32>
      %add3A_828 = arith.addf %add3A_788, %mul3A_827 : vector<16xf32>
      %mul3A_829 = arith.mulf %gather3A_826, %gather3A_826 : vector<16xf32>
      %add3A_830 = arith.addf %add3A_790, %mul3A_829 : vector<16xf32>
      %mul3A_831 = arith.mulf %gather3A_825, %gather3A_826 : vector<16xf32>
      %add3A_832 = arith.addf %add3A_792, %mul3A_831 : vector<16xf32>
      %add3A_833 = arith.addf %add3A_798, %add3A_808 : vector<16xf32>
      %add3A_834 = arith.addf %add3A_818, %add3A_828 : vector<16xf32>
      %add3A_835 = arith.addf %add3A_833, %add3A_834 : vector<16xf32>
      %add3A_836 = arith.addf %add3A_800, %add3A_810 : vector<16xf32>
      %add3A_837 = arith.addf %add3A_820, %add3A_830 : vector<16xf32>
      %add3A_838 = arith.addf %add3A_836, %add3A_837 : vector<16xf32>
      %add3A_839 = arith.addf %add3A_802, %add3A_812 : vector<16xf32>
      %add3A_840 = arith.addf %add3A_822, %add3A_832 : vector<16xf32>
      %add3A_841 = arith.addf %add3A_839, %add3A_840 : vector<16xf32>
      %ge3A = arith.constant 1.000000e-24 : f32
      %ge3A_842 = vector.broadcast %ge3A : f32 to vector<16xf32>
      %ge3A_843 = arith.cmpf oge, %add3A_835, %ge3A_842 : vector<16xf32>
      %bitcast3A = vector.bitcast %add3A_835 : vector<16xf32> to vector<16xi32>
      %shift_right_arithmetic3A = arith.constant 1 : i32
      %shift_right_arithmetic3A_844 = vector.broadcast %shift_right_arithmetic3A : i32 to vector<16xi32>
      %shift_right_arithmetic3A_845 = arith.shrsi %bitcast3A, %shift_right_arithmetic3A_844 : vector<16xi32>
      %sub3A = arith.constant 1597463007 : i32
      %sub3A_846 = vector.broadcast %sub3A : i32 to vector<16xi32>
      %sub3A_847 = arith.subi %sub3A_846, %shift_right_arithmetic3A_845 : vector<16xi32>
      %bitcast3A_848 = vector.bitcast %sub3A_847 : vector<16xi32> to vector<16xf32>
      %mul3A_849 = arith.constant 5.000000e-01 : f32
      %mul3A_850 = vector.broadcast %mul3A_849 : f32 to vector<16xf32>
      %mul3A_851 = arith.mulf %mul3A_850, %add3A_835 : vector<16xf32>
      %mul3A_852 = arith.mulf %mul3A_851, %bitcast3A_848 : vector<16xf32>
      %mul3A_853 = arith.mulf %mul3A_852, %bitcast3A_848 : vector<16xf32>
      %sub3A_854 = arith.constant 1.500000e+00 : f32
      %sub3A_855 = vector.broadcast %sub3A_854 : f32 to vector<16xf32>
      %sub3A_856 = arith.subf %sub3A_855, %mul3A_853 : vector<16xf32>
      %mul3A_857 = arith.mulf %bitcast3A_848, %sub3A_856 : vector<16xf32>
      %mul3A_858 = arith.constant 5.000000e-01 : f32
      %mul3A_859 = vector.broadcast %mul3A_858 : f32 to vector<16xf32>
      %mul3A_860 = arith.mulf %mul3A_859, %add3A_835 : vector<16xf32>
      %mul3A_861 = arith.mulf %mul3A_860, %mul3A_857 : vector<16xf32>
      %mul3A_862 = arith.mulf %mul3A_861, %mul3A_857 : vector<16xf32>
      %sub3A_863 = arith.constant 1.500000e+00 : f32
      %sub3A_864 = vector.broadcast %sub3A_863 : f32 to vector<16xf32>
      %sub3A_865 = arith.subf %sub3A_864, %mul3A_862 : vector<16xf32>
      %mul3A_866 = arith.mulf %mul3A_857, %sub3A_865 : vector<16xf32>
      %jit3A = arith.constant 9.99999995E+11 : f32
      %broadcast_in_dim3A_867 = vector.broadcast %jit3A : f32 to vector<16xf32>
      %select_n3A = arith.select %ge3A_843, %mul3A_866, %broadcast_in_dim3A_867 : vector<16xi1>, vector<16xf32>
      %ge3A_868 = arith.constant 1.000000e-24 : f32
      %ge3A_869 = vector.broadcast %ge3A_868 : f32 to vector<16xf32>
      %ge3A_870 = arith.cmpf oge, %add3A_838, %ge3A_869 : vector<16xf32>
      %bitcast3A_871 = vector.bitcast %add3A_838 : vector<16xf32> to vector<16xi32>
      %shift_right_arithmetic3A_872 = arith.constant 1 : i32
      %shift_right_arithmetic3A_873 = vector.broadcast %shift_right_arithmetic3A_872 : i32 to vector<16xi32>
      %shift_right_arithmetic3A_874 = arith.shrsi %bitcast3A_871, %shift_right_arithmetic3A_873 : vector<16xi32>
      %sub3A_875 = arith.constant 1597463007 : i32
      %sub3A_876 = vector.broadcast %sub3A_875 : i32 to vector<16xi32>
      %sub3A_877 = arith.subi %sub3A_876, %shift_right_arithmetic3A_874 : vector<16xi32>
      %bitcast3A_878 = vector.bitcast %sub3A_877 : vector<16xi32> to vector<16xf32>
      %mul3A_879 = arith.constant 5.000000e-01 : f32
      %mul3A_880 = vector.broadcast %mul3A_879 : f32 to vector<16xf32>
      %mul3A_881 = arith.mulf %mul3A_880, %add3A_838 : vector<16xf32>
      %mul3A_882 = arith.mulf %mul3A_881, %bitcast3A_878 : vector<16xf32>
      %mul3A_883 = arith.mulf %mul3A_882, %bitcast3A_878 : vector<16xf32>
      %sub3A_884 = arith.constant 1.500000e+00 : f32
      %sub3A_885 = vector.broadcast %sub3A_884 : f32 to vector<16xf32>
      %sub3A_886 = arith.subf %sub3A_885, %mul3A_883 : vector<16xf32>
      %mul3A_887 = arith.mulf %bitcast3A_878, %sub3A_886 : vector<16xf32>
      %mul3A_888 = arith.constant 5.000000e-01 : f32
      %mul3A_889 = vector.broadcast %mul3A_888 : f32 to vector<16xf32>
      %mul3A_890 = arith.mulf %mul3A_889, %add3A_838 : vector<16xf32>
      %mul3A_891 = arith.mulf %mul3A_890, %mul3A_887 : vector<16xf32>
      %mul3A_892 = arith.mulf %mul3A_891, %mul3A_887 : vector<16xf32>
      %sub3A_893 = arith.constant 1.500000e+00 : f32
      %sub3A_894 = vector.broadcast %sub3A_893 : f32 to vector<16xf32>
      %sub3A_895 = arith.subf %sub3A_894, %mul3A_892 : vector<16xf32>
      %mul3A_896 = arith.mulf %mul3A_887, %sub3A_895 : vector<16xf32>
      %jit3A_897 = arith.constant 9.99999995E+11 : f32
      %broadcast_in_dim3A_898 = vector.broadcast %jit3A_897 : f32 to vector<16xf32>
      %select_n3A_899 = arith.select %ge3A_870, %mul3A_896, %broadcast_in_dim3A_898 : vector<16xi1>, vector<16xf32>
      %mul3A_900 = arith.mulf %add3A_835, %select_n3A : vector<16xf32>
      %mul3A_901 = arith.mulf %mul3A_900, %select_n3A : vector<16xf32>
      %mul3A_902 = arith.mulf %add3A_838, %select_n3A_899 : vector<16xf32>
      %mul3A_903 = arith.mulf %mul3A_902, %select_n3A_899 : vector<16xf32>
      %add3A_904 = arith.addf %mul3A_901, %mul3A_903 : vector<16xf32>
      %mul3A_905 = arith.constant 2.000000e+00 : f32
      %mul3A_906 = vector.broadcast %mul3A_905 : f32 to vector<16xf32>
      %mul3A_907 = arith.mulf %mul3A_906, %add3A_841 : vector<16xf32>
      %mul3A_908 = arith.mulf %mul3A_907, %select_n3A : vector<16xf32>
      %mul3A_909 = arith.mulf %mul3A_908, %select_n3A_899 : vector<16xf32>
      %sub3A_910 = arith.subf %add3A_904, %mul3A_909 : vector<16xf32>
      %max3A = arith.constant 0.000000e+00 : f32
      %max3A_911 = vector.broadcast %max3A : f32 to vector<16xf32>
      %max3A_912 = arith.maximumf %sub3A_910, %max3A_911 : vector<16xf32>
      %bitcast3A_913 = vector.bitcast %max3A_912 : vector<16xf32> to vector<16xi32>
      %shift_right_arithmetic3A_914 = arith.constant 1 : i32
      %shift_right_arithmetic3A_915 = vector.broadcast %shift_right_arithmetic3A_914 : i32 to vector<16xi32>
      %shift_right_arithmetic3A_916 = arith.shrsi %bitcast3A_913, %shift_right_arithmetic3A_915 : vector<16xi32>
      %sub3A_917 = arith.constant 1597463007 : i32
      %sub3A_918 = vector.broadcast %sub3A_917 : i32 to vector<16xi32>
      %sub3A_919 = arith.subi %sub3A_918, %shift_right_arithmetic3A_916 : vector<16xi32>
      %bitcast3A_920 = vector.bitcast %sub3A_919 : vector<16xi32> to vector<16xf32>
      %mul3A_921 = arith.constant 5.000000e-01 : f32
      %mul3A_922 = vector.broadcast %mul3A_921 : f32 to vector<16xf32>
      %mul3A_923 = arith.mulf %mul3A_922, %max3A_912 : vector<16xf32>
      %mul3A_924 = arith.mulf %mul3A_923, %bitcast3A_920 : vector<16xf32>
      %mul3A_925 = arith.mulf %mul3A_924, %bitcast3A_920 : vector<16xf32>
      %sub3A_926 = arith.constant 1.500000e+00 : f32
      %sub3A_927 = vector.broadcast %sub3A_926 : f32 to vector<16xf32>
      %sub3A_928 = arith.subf %sub3A_927, %mul3A_925 : vector<16xf32>
      %mul3A_929 = arith.mulf %bitcast3A_920, %sub3A_928 : vector<16xf32>
      %mul3A_930 = arith.constant 5.000000e-01 : f32
      %mul3A_931 = vector.broadcast %mul3A_930 : f32 to vector<16xf32>
      %mul3A_932 = arith.mulf %mul3A_931, %max3A_912 : vector<16xf32>
      %mul3A_933 = arith.mulf %mul3A_932, %mul3A_929 : vector<16xf32>
      %mul3A_934 = arith.mulf %mul3A_933, %mul3A_929 : vector<16xf32>
      %sub3A_935 = arith.constant 1.500000e+00 : f32
      %sub3A_936 = vector.broadcast %sub3A_935 : f32 to vector<16xf32>
      %sub3A_937 = arith.subf %sub3A_936, %mul3A_934 : vector<16xf32>
      %mul3A_938 = arith.mulf %mul3A_929, %sub3A_937 : vector<16xf32>
      %mul3A_939 = arith.mulf %max3A_912, %mul3A_938 : vector<16xf32>
      %neg3A = arith.constant 0.000000e+00 : f32
      %neg3A_940 = vector.broadcast %neg3A : f32 to vector<16xf32>
      %neg3A_941 = arith.subf %neg3A_940, %mul3A_939 : vector<16xf32>
      %mul3A_942 = arith.constant 16 : i32
      %mul3A_943 = arith.muli %scan3A_188, %mul3A_942 : i32
      %swap3A = arith.index_cast %mul3A_943 : i32 to index
      %swap3A_944 = tpu.vector_load %arg11[%swap3A] {strides = array<i32>} : memref<512xf32, #tpu.memory_space<vmem>>, vector<16xf32>,
      tpu.vector_store %arg11[%swap3A], %neg3A_941 {strides = array<i32>} : memref<512xf32, #tpu.memory_space<vmem>>, vector<16xf32>,
    }
    %scan3A_135 = arith.constant 8 : i32
    %dma_wait3A_136 = arith.constant 2 : i32
    %dma_wait3A_137 = arith.constant 256 : i32
    %dma_wait3A_138 = arith.constant 0 : i32
    %dma_wait3A_139 = tpu.memref_slice %arg9[%dma_wait3A_137, %dma_wait3A_138] : memref<512x64xf32, #tpu.memory_space<vmem>> -> memref<128x64xf32, #tpu.memory_space<vmem>>
    %dma_wait3A_140 = arith.constant 0 : i32
    %dma_wait3A_141 = tpu.memref_slice %arg7[%dma_wait3A_136, %dma_wait3A_140] : memref<4x128xi32, #tpu.memory_space<vmem>> -> memref<1x128xi32, #tpu.memory_space<vmem>>
    %dma_wait3A_142 = tpu.memref_squeeze %dma_wait3A_141 : memref<1x128xi32, #tpu.memory_space<vmem>> -> memref<128xi32, #tpu.memory_space<vmem>>
    %dma_wait3A_143 = arith.constant 0 : i32
    %dma_wait3A_144 = arith.constant 0 : i32
    %dma_wait3A_145 = tpu.memref_slice %arg4[%dma_wait3A_143, %dma_wait3A_144] : memref<1000000x64xf32, #tpu.memory_space<hbm>> -> memref<1000000x64xf32, #tpu.memory_space<hbm>>
    tpu.wait_indirect_dma semaphore(%arg16 : memref<!tpu.dma_semaphore, #tpu.memory_space<semaphore_mem>>) src(%dma_wait3A_145 : memref<1000000x64xf32, #tpu.memory_space<hbm>>) dst(%dma_wait3A_139 : memref<128x64xf32, #tpu.memory_space<vmem>>)
    %dma_wait3A_146 = arith.constant 2 : i32
    %dma_wait3A_147 = arith.constant 256 : i32
    %dma_wait3A_148 = arith.constant 0 : i32
    %dma_wait3A_149 = tpu.memref_slice %arg10[%dma_wait3A_147, %dma_wait3A_148] : memref<512x64xf32, #tpu.memory_space<vmem>> -> memref<128x64xf32, #tpu.memory_space<vmem>>
    %dma_wait3A_150 = arith.constant 0 : i32
    %dma_wait3A_151 = tpu.memref_slice %arg8[%dma_wait3A_146, %dma_wait3A_150] : memref<4x128xi32, #tpu.memory_space<vmem>> -> memref<1x128xi32, #tpu.memory_space<vmem>>
    %dma_wait3A_152 = tpu.memref_squeeze %dma_wait3A_151 : memref<1x128xi32, #tpu.memory_space<vmem>> -> memref<128xi32, #tpu.memory_space<vmem>>
    %dma_wait3A_153 = arith.constant 0 : i32
    %dma_wait3A_154 = arith.constant 0 : i32
    %dma_wait3A_155 = tpu.memref_slice %arg5[%dma_wait3A_153, %dma_wait3A_154] : memref<100000x64xf32, #tpu.memory_space<hbm>> -> memref<100000x64xf32, #tpu.memory_space<hbm>>
    tpu.wait_indirect_dma semaphore(%arg17 : memref<!tpu.dma_semaphore, #tpu.memory_space<semaphore_mem>>) src(%dma_wait3A_155 : memref<100000x64xf32, #tpu.memory_space<hbm>>) dst(%dma_wait3A_149 : memref<128x64xf32, #tpu.memory_space<vmem>>)
    %scan3A_156 = arith.constant 0 : i32
    %scan3A_157 = arith.constant 16 : i32
    %scan3A_158 = arith.constant 8 : i32
    %scan3A_159 = arith.addi %scan3A_157, %scan3A_158 : i32
    %scan3A_160 = arith.constant 1 : i32
    scf.for %scan3A_188 = %scan3A_157 to %scan3A_159 step %scan3A_160  : i32 {
      %mul3A_189 = arith.constant 16 : i32
      %mul3A_190 = arith.muli %scan3A_188, %mul3A_189 : i32
      %add3A_191 = vector.broadcast %mul3A_190 : i32 to vector<16xi32>
      %add3A_192 = arith.addi %add3A_191, %iota3A : vector<16xi32>
      %broadcast_in_dim3A = arith.constant 0.000000e+00 : f32
      %broadcast_in_dim3A_193 = vector.broadcast %broadcast_in_dim3A : f32 to vector<16xf32>
      %broadcast_in_dim3A_194 = arith.constant 0 : i32
      %broadcast_in_dim3A_195 = vector.broadcast %broadcast_in_dim3A_194 : i32 to vector<16xi32>
      %gather3A = tpu.vector_load_idx %arg9[%add3A_192, %broadcast_in_dim3A_195] : memref<512x64xf32, #tpu.memory_space<vmem>>[vector<16xi32>, vector<16xi32>], vector<16xf32>,
      %gather3A_196 = tpu.vector_load_idx %arg10[%add3A_192, %broadcast_in_dim3A_195] : memref<512x64xf32, #tpu.memory_space<vmem>>[vector<16xi32>, vector<16xi32>], vector<16xf32>,
      %mul3A_197 = arith.mulf %gather3A, %gather3A : vector<16xf32>
      %add3A_198 = arith.addf %broadcast_in_dim3A_193, %mul3A_197 : vector<16xf32>
      %mul3A_199 = arith.mulf %gather3A_196, %gather3A_196 : vector<16xf32>
      %add3A_200 = arith.addf %broadcast_in_dim3A_193, %mul3A_199 : vector<16xf32>
      %mul3A_201 = arith.mulf %gather3A, %gather3A_196 : vector<16xf32>
      %add3A_202 = arith.addf %broadcast_in_dim3A_193, %mul3A_201 : vector<16xf32>
      %broadcast_in_dim3A_203 = arith.constant 1 : i32
      %broadcast_in_dim3A_204 = vector.broadcast %broadcast_in_dim3A_203 : i32 to vector<16xi32>
      %gather3A_205 = tpu.vector_load_idx %arg9[%add3A_192, %broadcast_in_dim3A_204] : memref<512x64xf32, #tpu.memory_space<vmem>>[vector<16xi32>, vector<16xi32>], vector<16xf32>,
      %gather3A_206 = tpu.vector_load_idx %arg10[%add3A_192, %broadcast_in_dim3A_204] : memref<512x64xf32, #tpu.memory_space<vmem>>[vector<16xi32>, vector<16xi32>], vector<16xf32>,
      %mul3A_207 = arith.mulf %gather3A_205, %gather3A_205 : vector<16xf32>
      %add3A_208 = arith.addf %broadcast_in_dim3A_193, %mul3A_207 : vector<16xf32>
      %mul3A_209 = arith.mulf %gather3A_206, %gather3A_206 : vector<16xf32>
      %add3A_210 = arith.addf %broadcast_in_dim3A_193, %mul3A_209 : vector<16xf32>
      %mul3A_211 = arith.mulf %gather3A_205, %gather3A_206 : vector<16xf32>
      %add3A_212 = arith.addf %broadcast_in_dim3A_193, %mul3A_211 : vector<16xf32>
      %broadcast_in_dim3A_213 = arith.constant 2 : i32
      %broadcast_in_dim3A_214 = vector.broadcast %broadcast_in_dim3A_213 : i32 to vector<16xi32>
      %gather3A_215 = tpu.vector_load_idx %arg9[%add3A_192, %broadcast_in_dim3A_214] : memref<512x64xf32, #tpu.memory_space<vmem>>[vector<16xi32>, vector<16xi32>], vector<16xf32>,
      %gather3A_216 = tpu.vector_load_idx %arg10[%add3A_192, %broadcast_in_dim3A_214] : memref<512x64xf32, #tpu.memory_space<vmem>>[vector<16xi32>, vector<16xi32>], vector<16xf32>,
      %mul3A_217 = arith.mulf %gather3A_215, %gather3A_215 : vector<16xf32>
      %add3A_218 = arith.addf %broadcast_in_dim3A_193, %mul3A_217 : vector<16xf32>
      %mul3A_219 = arith.mulf %gather3A_216, %gather3A_216 : vector<16xf32>
      %add3A_220 = arith.addf %broadcast_in_dim3A_193, %mul3A_219 : vector<16xf32>
      %mul3A_221 = arith.mulf %gather3A_215, %gather3A_216 : vector<16xf32>
      %add3A_222 = arith.addf %broadcast_in_dim3A_193, %mul3A_221 : vector<16xf32>
      %broadcast_in_dim3A_223 = arith.constant 3 : i32
      %broadcast_in_dim3A_224 = vector.broadcast %broadcast_in_dim3A_223 : i32 to vector<16xi32>
      %gather3A_225 = tpu.vector_load_idx %arg9[%add3A_192, %broadcast_in_dim3A_224] : memref<512x64xf32, #tpu.memory_space<vmem>>[vector<16xi32>, vector<16xi32>], vector<16xf32>,
      %gather3A_226 = tpu.vector_load_idx %arg10[%add3A_192, %broadcast_in_dim3A_224] : memref<512x64xf32, #tpu.memory_space<vmem>>[vector<16xi32>, vector<16xi32>], vector<16xf32>,
      %mul3A_227 = arith.mulf %gather3A_225, %gather3A_225 : vector<16xf32>
      %add3A_228 = arith.addf %broadcast_in_dim3A_193, %mul3A_227 : vector<16xf32>
      %mul3A_229 = arith.mulf %gather3A_226, %gather3A_226 : vector<16xf32>
      %add3A_230 = arith.addf %broadcast_in_dim3A_193, %mul3A_229 : vector<16xf32>
      %mul3A_231 = arith.mulf %gather3A_225, %gather3A_226 : vector<16xf32>
      %add3A_232 = arith.addf %broadcast_in_dim3A_193, %mul3A_231 : vector<16xf32>
      %broadcast_in_dim3A_233 = arith.constant 4 : i32
      %broadcast_in_dim3A_234 = vector.broadcast %broadcast_in_dim3A_233 : i32 to vector<16xi32>
      %gather3A_235 = tpu.vector_load_idx %arg9[%add3A_192, %broadcast_in_dim3A_234] : memref<512x64xf32, #tpu.memory_space<vmem>>[vector<16xi32>, vector<16xi32>], vector<16xf32>,
      %gather3A_236 = tpu.vector_load_idx %arg10[%add3A_192, %broadcast_in_dim3A_234] : memref<512x64xf32, #tpu.memory_space<vmem>>[vector<16xi32>, vector<16xi32>], vector<16xf32>,
      %mul3A_237 = arith.mulf %gather3A_235, %gather3A_235 : vector<16xf32>
      %add3A_238 = arith.addf %add3A_198, %mul3A_237 : vector<16xf32>
      %mul3A_239 = arith.mulf %gather3A_236, %gather3A_236 : vector<16xf32>
      %add3A_240 = arith.addf %add3A_200, %mul3A_239 : vector<16xf32>
      %mul3A_241 = arith.mulf %gather3A_235, %gather3A_236 : vector<16xf32>
      %add3A_242 = arith.addf %add3A_202, %mul3A_241 : vector<16xf32>
      %broadcast_in_dim3A_243 = arith.constant 5 : i32
      %broadcast_in_dim3A_244 = vector.broadcast %broadcast_in_dim3A_243 : i32 to vector<16xi32>
      %gather3A_245 = tpu.vector_load_idx %arg9[%add3A_192, %broadcast_in_dim3A_244] : memref<512x64xf32, #tpu.memory_space<vmem>>[vector<16xi32>, vector<16xi32>], vector<16xf32>,
      %gather3A_246 = tpu.vector_load_idx %arg10[%add3A_192, %broadcast_in_dim3A_244] : memref<512x64xf32, #tpu.memory_space<vmem>>[vector<16xi32>, vector<16xi32>], vector<16xf32>,
      %mul3A_247 = arith.mulf %gather3A_245, %gather3A_245 : vector<16xf32>
      %add3A_248 = arith.addf %add3A_208, %mul3A_247 : vector<16xf32>
      %mul3A_249 = arith.mulf %gather3A_246, %gather3A_246 : vector<16xf32>
      %add3A_250 = arith.addf %add3A_210, %mul3A_249 : vector<16xf32>
      %mul3A_251 = arith.mulf %gather3A_245, %gather3A_246 : vector<16xf32>
      %add3A_252 = arith.addf %add3A_212, %mul3A_251 : vector<16xf32>
      %broadcast_in_dim3A_253 = arith.constant 6 : i32
      %broadcast_in_dim3A_254 = vector.broadcast %broadcast_in_dim3A_253 : i32 to vector<16xi32>
      %gather3A_255 = tpu.vector_load_idx %arg9[%add3A_192, %broadcast_in_dim3A_254] : memref<512x64xf32, #tpu.memory_space<vmem>>[vector<16xi32>, vector<16xi32>], vector<16xf32>,
      %gather3A_256 = tpu.vector_load_idx %arg10[%add3A_192, %broadcast_in_dim3A_254] : memref<512x64xf32, #tpu.memory_space<vmem>>[vector<16xi32>, vector<16xi32>], vector<16xf32>,
      %mul3A_257 = arith.mulf %gather3A_255, %gather3A_255 : vector<16xf32>
      %add3A_258 = arith.addf %add3A_218, %mul3A_257 : vector<16xf32>
      %mul3A_259 = arith.mulf %gather3A_256, %gather3A_256 : vector<16xf32>
      %add3A_260 = arith.addf %add3A_220, %mul3A_259 : vector<16xf32>
      %mul3A_261 = arith.mulf %gather3A_255, %gather3A_256 : vector<16xf32>
      %add3A_262 = arith.addf %add3A_222, %mul3A_261 : vector<16xf32>
      %broadcast_in_dim3A_263 = arith.constant 7 : i32
      %broadcast_in_dim3A_264 = vector.broadcast %broadcast_in_dim3A_263 : i32 to vector<16xi32>
      %gather3A_265 = tpu.vector_load_idx %arg9[%add3A_192, %broadcast_in_dim3A_264] : memref<512x64xf32, #tpu.memory_space<vmem>>[vector<16xi32>, vector<16xi32>], vector<16xf32>,
      %gather3A_266 = tpu.vector_load_idx %arg10[%add3A_192, %broadcast_in_dim3A_264] : memref<512x64xf32, #tpu.memory_space<vmem>>[vector<16xi32>, vector<16xi32>], vector<16xf32>,
      %mul3A_267 = arith.mulf %gather3A_265, %gather3A_265 : vector<16xf32>
      %add3A_268 = arith.addf %add3A_228, %mul3A_267 : vector<16xf32>
      %mul3A_269 = arith.mulf %gather3A_266, %gather3A_266 : vector<16xf32>
      %add3A_270 = arith.addf %add3A_230, %mul3A_269 : vector<16xf32>
      %mul3A_271 = arith.mulf %gather3A_265, %gather3A_266 : vector<16xf32>
      %add3A_272 = arith.addf %add3A_232, %mul3A_271 : vector<16xf32>
      %broadcast_in_dim3A_273 = arith.constant 8 : i32
      %broadcast_in_dim3A_274 = vector.broadcast %broadcast_in_dim3A_273 : i32 to vector<16xi32>
      %gather3A_275 = tpu.vector_load_idx %arg9[%add3A_192, %broadcast_in_dim3A_274] : memref<512x64xf32, #tpu.memory_space<vmem>>[vector<16xi32>, vector<16xi32>], vector<16xf32>,
      %gather3A_276 = tpu.vector_load_idx %arg10[%add3A_192, %broadcast_in_dim3A_274] : memref<512x64xf32, #tpu.memory_space<vmem>>[vector<16xi32>, vector<16xi32>], vector<16xf32>,
      %mul3A_277 = arith.mulf %gather3A_275, %gather3A_275 : vector<16xf32>
      %add3A_278 = arith.addf %add3A_238, %mul3A_277 : vector<16xf32>
      %mul3A_279 = arith.mulf %gather3A_276, %gather3A_276 : vector<16xf32>
      %add3A_280 = arith.addf %add3A_240, %mul3A_279 : vector<16xf32>
      %mul3A_281 = arith.mulf %gather3A_275, %gather3A_276 : vector<16xf32>
      %add3A_282 = arith.addf %add3A_242, %mul3A_281 : vector<16xf32>
      %broadcast_in_dim3A_283 = arith.constant 9 : i32
      %broadcast_in_dim3A_284 = vector.broadcast %broadcast_in_dim3A_283 : i32 to vector<16xi32>
      %gather3A_285 = tpu.vector_load_idx %arg9[%add3A_192, %broadcast_in_dim3A_284] : memref<512x64xf32, #tpu.memory_space<vmem>>[vector<16xi32>, vector<16xi32>], vector<16xf32>,
      %gather3A_286 = tpu.vector_load_idx %arg10[%add3A_192, %broadcast_in_dim3A_284] : memref<512x64xf32, #tpu.memory_space<vmem>>[vector<16xi32>, vector<16xi32>], vector<16xf32>,
      %mul3A_287 = arith.mulf %gather3A_285, %gather3A_285 : vector<16xf32>
      %add3A_288 = arith.addf %add3A_248, %mul3A_287 : vector<16xf32>
      %mul3A_289 = arith.mulf %gather3A_286, %gather3A_286 : vector<16xf32>
      %add3A_290 = arith.addf %add3A_250, %mul3A_289 : vector<16xf32>
      %mul3A_291 = arith.mulf %gather3A_285, %gather3A_286 : vector<16xf32>
      %add3A_292 = arith.addf %add3A_252, %mul3A_291 : vector<16xf32>
      %broadcast_in_dim3A_293 = arith.constant 10 : i32
      %broadcast_in_dim3A_294 = vector.broadcast %broadcast_in_dim3A_293 : i32 to vector<16xi32>
      %gather3A_295 = tpu.vector_load_idx %arg9[%add3A_192, %broadcast_in_dim3A_294] : memref<512x64xf32, #tpu.memory_space<vmem>>[vector<16xi32>, vector<16xi32>], vector<16xf32>,
      %gather3A_296 = tpu.vector_load_idx %arg10[%add3A_192, %broadcast_in_dim3A_294] : memref<512x64xf32, #tpu.memory_space<vmem>>[vector<16xi32>, vector<16xi32>], vector<16xf32>,
      %mul3A_297 = arith.mulf %gather3A_295, %gather3A_295 : vector<16xf32>
      %add3A_298 = arith.addf %add3A_258, %mul3A_297 : vector<16xf32>
      %mul3A_299 = arith.mulf %gather3A_296, %gather3A_296 : vector<16xf32>
      %add3A_300 = arith.addf %add3A_260, %mul3A_299 : vector<16xf32>
      %mul3A_301 = arith.mulf %gather3A_295, %gather3A_296 : vector<16xf32>
      %add3A_302 = arith.addf %add3A_262, %mul3A_301 : vector<16xf32>
      %broadcast_in_dim3A_303 = arith.constant 11 : i32
      %broadcast_in_dim3A_304 = vector.broadcast %broadcast_in_dim3A_303 : i32 to vector<16xi32>
      %gather3A_305 = tpu.vector_load_idx %arg9[%add3A_192, %broadcast_in_dim3A_304] : memref<512x64xf32, #tpu.memory_space<vmem>>[vector<16xi32>, vector<16xi32>], vector<16xf32>,
      %gather3A_306 = tpu.vector_load_idx %arg10[%add3A_192, %broadcast_in_dim3A_304] : memref<512x64xf32, #tpu.memory_space<vmem>>[vector<16xi32>, vector<16xi32>], vector<16xf32>,
      %mul3A_307 = arith.mulf %gather3A_305, %gather3A_305 : vector<16xf32>
      %add3A_308 = arith.addf %add3A_268, %mul3A_307 : vector<16xf32>
      %mul3A_309 = arith.mulf %gather3A_306, %gather3A_306 : vector<16xf32>
      %add3A_310 = arith.addf %add3A_270, %mul3A_309 : vector<16xf32>
      %mul3A_311 = arith.mulf %gather3A_305, %gather3A_306 : vector<16xf32>
      %add3A_312 = arith.addf %add3A_272, %mul3A_311 : vector<16xf32>
      %broadcast_in_dim3A_313 = arith.constant 12 : i32
      %broadcast_in_dim3A_314 = vector.broadcast %broadcast_in_dim3A_313 : i32 to vector<16xi32>
      %gather3A_315 = tpu.vector_load_idx %arg9[%add3A_192, %broadcast_in_dim3A_314] : memref<512x64xf32, #tpu.memory_space<vmem>>[vector<16xi32>, vector<16xi32>], vector<16xf32>,
      %gather3A_316 = tpu.vector_load_idx %arg10[%add3A_192, %broadcast_in_dim3A_314] : memref<512x64xf32, #tpu.memory_space<vmem>>[vector<16xi32>, vector<16xi32>], vector<16xf32>,
      %mul3A_317 = arith.mulf %gather3A_315, %gather3A_315 : vector<16xf32>
      %add3A_318 = arith.addf %add3A_278, %mul3A_317 : vector<16xf32>
      %mul3A_319 = arith.mulf %gather3A_316, %gather3A_316 : vector<16xf32>
      %add3A_320 = arith.addf %add3A_280, %mul3A_319 : vector<16xf32>
      %mul3A_321 = arith.mulf %gather3A_315, %gather3A_316 : vector<16xf32>
      %add3A_322 = arith.addf %add3A_282, %mul3A_321 : vector<16xf32>
      %broadcast_in_dim3A_323 = arith.constant 13 : i32
      %broadcast_in_dim3A_324 = vector.broadcast %broadcast_in_dim3A_323 : i32 to vector<16xi32>
      %gather3A_325 = tpu.vector_load_idx %arg9[%add3A_192, %broadcast_in_dim3A_324] : memref<512x64xf32, #tpu.memory_space<vmem>>[vector<16xi32>, vector<16xi32>], vector<16xf32>,
      %gather3A_326 = tpu.vector_load_idx %arg10[%add3A_192, %broadcast_in_dim3A_324] : memref<512x64xf32, #tpu.memory_space<vmem>>[vector<16xi32>, vector<16xi32>], vector<16xf32>,
      %mul3A_327 = arith.mulf %gather3A_325, %gather3A_325 : vector<16xf32>
      %add3A_328 = arith.addf %add3A_288, %mul3A_327 : vector<16xf32>
      %mul3A_329 = arith.mulf %gather3A_326, %gather3A_326 : vector<16xf32>
      %add3A_330 = arith.addf %add3A_290, %mul3A_329 : vector<16xf32>
      %mul3A_331 = arith.mulf %gather3A_325, %gather3A_326 : vector<16xf32>
      %add3A_332 = arith.addf %add3A_292, %mul3A_331 : vector<16xf32>
      %broadcast_in_dim3A_333 = arith.constant 14 : i32
      %broadcast_in_dim3A_334 = vector.broadcast %broadcast_in_dim3A_333 : i32 to vector<16xi32>
      %gather3A_335 = tpu.vector_load_idx %arg9[%add3A_192, %broadcast_in_dim3A_334] : memref<512x64xf32, #tpu.memory_space<vmem>>[vector<16xi32>, vector<16xi32>], vector<16xf32>,
      %gather3A_336 = tpu.vector_load_idx %arg10[%add3A_192, %broadcast_in_dim3A_334] : memref<512x64xf32, #tpu.memory_space<vmem>>[vector<16xi32>, vector<16xi32>], vector<16xf32>,
      %mul3A_337 = arith.mulf %gather3A_335, %gather3A_335 : vector<16xf32>
      %add3A_338 = arith.addf %add3A_298, %mul3A_337 : vector<16xf32>
      %mul3A_339 = arith.mulf %gather3A_336, %gather3A_336 : vector<16xf32>
      %add3A_340 = arith.addf %add3A_300, %mul3A_339 : vector<16xf32>
      %mul3A_341 = arith.mulf %gather3A_335, %gather3A_336 : vector<16xf32>
      %add3A_342 = arith.addf %add3A_302, %mul3A_341 : vector<16xf32>
      %broadcast_in_dim3A_343 = arith.constant 15 : i32
      %broadcast_in_dim3A_344 = vector.broadcast %broadcast_in_dim3A_343 : i32 to vector<16xi32>
      %gather3A_345 = tpu.vector_load_idx %arg9[%add3A_192, %broadcast_in_dim3A_344] : memref<512x64xf32, #tpu.memory_space<vmem>>[vector<16xi32>, vector<16xi32>], vector<16xf32>,
      %gather3A_346 = tpu.vector_load_idx %arg10[%add3A_192, %broadcast_in_dim3A_344] : memref<512x64xf32, #tpu.memory_space<vmem>>[vector<16xi32>, vector<16xi32>], vector<16xf32>,
      %mul3A_347 = arith.mulf %gather3A_345, %gather3A_345 : vector<16xf32>
      %add3A_348 = arith.addf %add3A_308, %mul3A_347 : vector<16xf32>
      %mul3A_349 = arith.mulf %gather3A_346, %gather3A_346 : vector<16xf32>
      %add3A_350 = arith.addf %add3A_310, %mul3A_349 : vector<16xf32>
      %mul3A_351 = arith.mulf %gather3A_345, %gather3A_346 : vector<16xf32>
      %add3A_352 = arith.addf %add3A_312, %mul3A_351 : vector<16xf32>
      %broadcast_in_dim3A_353 = arith.constant 16 : i32
      %broadcast_in_dim3A_354 = vector.broadcast %broadcast_in_dim3A_353 : i32 to vector<16xi32>
      %gather3A_355 = tpu.vector_load_idx %arg9[%add3A_192, %broadcast_in_dim3A_354] : memref<512x64xf32, #tpu.memory_space<vmem>>[vector<16xi32>, vector<16xi32>], vector<16xf32>,
      %gather3A_356 = tpu.vector_load_idx %arg10[%add3A_192, %broadcast_in_dim3A_354] : memref<512x64xf32, #tpu.memory_space<vmem>>[vector<16xi32>, vector<16xi32>], vector<16xf32>,
      %mul3A_357 = arith.mulf %gather3A_355, %gather3A_355 : vector<16xf32>
      %add3A_358 = arith.addf %add3A_318, %mul3A_357 : vector<16xf32>
      %mul3A_359 = arith.mulf %gather3A_356, %gather3A_356 : vector<16xf32>
      %add3A_360 = arith.addf %add3A_320, %mul3A_359 : vector<16xf32>
      %mul3A_361 = arith.mulf %gather3A_355, %gather3A_356 : vector<16xf32>
      %add3A_362 = arith.addf %add3A_322, %mul3A_361 : vector<16xf32>
      %broadcast_in_dim3A_363 = arith.constant 17 : i32
      %broadcast_in_dim3A_364 = vector.broadcast %broadcast_in_dim3A_363 : i32 to vector<16xi32>
      %gather3A_365 = tpu.vector_load_idx %arg9[%add3A_192, %broadcast_in_dim3A_364] : memref<512x64xf32, #tpu.memory_space<vmem>>[vector<16xi32>, vector<16xi32>], vector<16xf32>,
      %gather3A_366 = tpu.vector_load_idx %arg10[%add3A_192, %broadcast_in_dim3A_364] : memref<512x64xf32, #tpu.memory_space<vmem>>[vector<16xi32>, vector<16xi32>], vector<16xf32>,
      %mul3A_367 = arith.mulf %gather3A_365, %gather3A_365 : vector<16xf32>
      %add3A_368 = arith.addf %add3A_328, %mul3A_367 : vector<16xf32>
      %mul3A_369 = arith.mulf %gather3A_366, %gather3A_366 : vector<16xf32>
      %add3A_370 = arith.addf %add3A_330, %mul3A_369 : vector<16xf32>
      %mul3A_371 = arith.mulf %gather3A_365, %gather3A_366 : vector<16xf32>
      %add3A_372 = arith.addf %add3A_332, %mul3A_371 : vector<16xf32>
      %broadcast_in_dim3A_373 = arith.constant 18 : i32
      %broadcast_in_dim3A_374 = vector.broadcast %broadcast_in_dim3A_373 : i32 to vector<16xi32>
      %gather3A_375 = tpu.vector_load_idx %arg9[%add3A_192, %broadcast_in_dim3A_374] : memref<512x64xf32, #tpu.memory_space<vmem>>[vector<16xi32>, vector<16xi32>], vector<16xf32>,
      %gather3A_376 = tpu.vector_load_idx %arg10[%add3A_192, %broadcast_in_dim3A_374] : memref<512x64xf32, #tpu.memory_space<vmem>>[vector<16xi32>, vector<16xi32>], vector<16xf32>,
      %mul3A_377 = arith.mulf %gather3A_375, %gather3A_375 : vector<16xf32>
      %add3A_378 = arith.addf %add3A_338, %mul3A_377 : vector<16xf32>
      %mul3A_379 = arith.mulf %gather3A_376, %gather3A_376 : vector<16xf32>
      %add3A_380 = arith.addf %add3A_340, %mul3A_379 : vector<16xf32>
      %mul3A_381 = arith.mulf %gather3A_375, %gather3A_376 : vector<16xf32>
      %add3A_382 = arith.addf %add3A_342, %mul3A_381 : vector<16xf32>
      %broadcast_in_dim3A_383 = arith.constant 19 : i32
      %broadcast_in_dim3A_384 = vector.broadcast %broadcast_in_dim3A_383 : i32 to vector<16xi32>
      %gather3A_385 = tpu.vector_load_idx %arg9[%add3A_192, %broadcast_in_dim3A_384] : memref<512x64xf32, #tpu.memory_space<vmem>>[vector<16xi32>, vector<16xi32>], vector<16xf32>,
      %gather3A_386 = tpu.vector_load_idx %arg10[%add3A_192, %broadcast_in_dim3A_384] : memref<512x64xf32, #tpu.memory_space<vmem>>[vector<16xi32>, vector<16xi32>], vector<16xf32>,
      %mul3A_387 = arith.mulf %gather3A_385, %gather3A_385 : vector<16xf32>
      %add3A_388 = arith.addf %add3A_348, %mul3A_387 : vector<16xf32>
      %mul3A_389 = arith.mulf %gather3A_386, %gather3A_386 : vector<16xf32>
      %add3A_390 = arith.addf %add3A_350, %mul3A_389 : vector<16xf32>
      %mul3A_391 = arith.mulf %gather3A_385, %gather3A_386 : vector<16xf32>
      %add3A_392 = arith.addf %add3A_352, %mul3A_391 : vector<16xf32>
      %broadcast_in_dim3A_393 = arith.constant 20 : i32
      %broadcast_in_dim3A_394 = vector.broadcast %broadcast_in_dim3A_393 : i32 to vector<16xi32>
      %gather3A_395 = tpu.vector_load_idx %arg9[%add3A_192, %broadcast_in_dim3A_394] : memref<512x64xf32, #tpu.memory_space<vmem>>[vector<16xi32>, vector<16xi32>], vector<16xf32>,
      %gather3A_396 = tpu.vector_load_idx %arg10[%add3A_192, %broadcast_in_dim3A_394] : memref<512x64xf32, #tpu.memory_space<vmem>>[vector<16xi32>, vector<16xi32>], vector<16xf32>,
      %mul3A_397 = arith.mulf %gather3A_395, %gather3A_395 : vector<16xf32>
      %add3A_398 = arith.addf %add3A_358, %mul3A_397 : vector<16xf32>
      %mul3A_399 = arith.mulf %gather3A_396, %gather3A_396 : vector<16xf32>
      %add3A_400 = arith.addf %add3A_360, %mul3A_399 : vector<16xf32>
      %mul3A_401 = arith.mulf %gather3A_395, %gather3A_396 : vector<16xf32>
      %add3A_402 = arith.addf %add3A_362, %mul3A_401 : vector<16xf32>
      %broadcast_in_dim3A_403 = arith.constant 21 : i32
      %broadcast_in_dim3A_404 = vector.broadcast %broadcast_in_dim3A_403 : i32 to vector<16xi32>
      %gather3A_405 = tpu.vector_load_idx %arg9[%add3A_192, %broadcast_in_dim3A_404] : memref<512x64xf32, #tpu.memory_space<vmem>>[vector<16xi32>, vector<16xi32>], vector<16xf32>,
      %gather3A_406 = tpu.vector_load_idx %arg10[%add3A_192, %broadcast_in_dim3A_404] : memref<512x64xf32, #tpu.memory_space<vmem>>[vector<16xi32>, vector<16xi32>], vector<16xf32>,
      %mul3A_407 = arith.mulf %gather3A_405, %gather3A_405 : vector<16xf32>
      %add3A_408 = arith.addf %add3A_368, %mul3A_407 : vector<16xf32>
      %mul3A_409 = arith.mulf %gather3A_406, %gather3A_406 : vector<16xf32>
      %add3A_410 = arith.addf %add3A_370, %mul3A_409 : vector<16xf32>
      %mul3A_411 = arith.mulf %gather3A_405, %gather3A_406 : vector<16xf32>
      %add3A_412 = arith.addf %add3A_372, %mul3A_411 : vector<16xf32>
      %broadcast_in_dim3A_413 = arith.constant 22 : i32
      %broadcast_in_dim3A_414 = vector.broadcast %broadcast_in_dim3A_413 : i32 to vector<16xi32>
      %gather3A_415 = tpu.vector_load_idx %arg9[%add3A_192, %broadcast_in_dim3A_414] : memref<512x64xf32, #tpu.memory_space<vmem>>[vector<16xi32>, vector<16xi32>], vector<16xf32>,
      %gather3A_416 = tpu.vector_load_idx %arg10[%add3A_192, %broadcast_in_dim3A_414] : memref<512x64xf32, #tpu.memory_space<vmem>>[vector<16xi32>, vector<16xi32>], vector<16xf32>,
      %mul3A_417 = arith.mulf %gather3A_415, %gather3A_415 : vector<16xf32>
      %add3A_418 = arith.addf %add3A_378, %mul3A_417 : vector<16xf32>
      %mul3A_419 = arith.mulf %gather3A_416, %gather3A_416 : vector<16xf32>
      %add3A_420 = arith.addf %add3A_380, %mul3A_419 : vector<16xf32>
      %mul3A_421 = arith.mulf %gather3A_415, %gather3A_416 : vector<16xf32>
      %add3A_422 = arith.addf %add3A_382, %mul3A_421 : vector<16xf32>
      %broadcast_in_dim3A_423 = arith.constant 23 : i32
      %broadcast_in_dim3A_424 = vector.broadcast %broadcast_in_dim3A_423 : i32 to vector<16xi32>
      %gather3A_425 = tpu.vector_load_idx %arg9[%add3A_192, %broadcast_in_dim3A_424] : memref<512x64xf32, #tpu.memory_space<vmem>>[vector<16xi32>, vector<16xi32>], vector<16xf32>,
      %gather3A_426 = tpu.vector_load_idx %arg10[%add3A_192, %broadcast_in_dim3A_424] : memref<512x64xf32, #tpu.memory_space<vmem>>[vector<16xi32>, vector<16xi32>], vector<16xf32>,
      %mul3A_427 = arith.mulf %gather3A_425, %gather3A_425 : vector<16xf32>
      %add3A_428 = arith.addf %add3A_388, %mul3A_427 : vector<16xf32>
      %mul3A_429 = arith.mulf %gather3A_426, %gather3A_426 : vector<16xf32>
      %add3A_430 = arith.addf %add3A_390, %mul3A_429 : vector<16xf32>
      %mul3A_431 = arith.mulf %gather3A_425, %gather3A_426 : vector<16xf32>
      %add3A_432 = arith.addf %add3A_392, %mul3A_431 : vector<16xf32>
      %broadcast_in_dim3A_433 = arith.constant 24 : i32
      %broadcast_in_dim3A_434 = vector.broadcast %broadcast_in_dim3A_433 : i32 to vector<16xi32>
      %gather3A_435 = tpu.vector_load_idx %arg9[%add3A_192, %broadcast_in_dim3A_434] : memref<512x64xf32, #tpu.memory_space<vmem>>[vector<16xi32>, vector<16xi32>], vector<16xf32>,
      %gather3A_436 = tpu.vector_load_idx %arg10[%add3A_192, %broadcast_in_dim3A_434] : memref<512x64xf32, #tpu.memory_space<vmem>>[vector<16xi32>, vector<16xi32>], vector<16xf32>,
      %mul3A_437 = arith.mulf %gather3A_435, %gather3A_435 : vector<16xf32>
      %add3A_438 = arith.addf %add3A_398, %mul3A_437 : vector<16xf32>
      %mul3A_439 = arith.mulf %gather3A_436, %gather3A_436 : vector<16xf32>
      %add3A_440 = arith.addf %add3A_400, %mul3A_439 : vector<16xf32>
      %mul3A_441 = arith.mulf %gather3A_435, %gather3A_436 : vector<16xf32>
      %add3A_442 = arith.addf %add3A_402, %mul3A_441 : vector<16xf32>
      %broadcast_in_dim3A_443 = arith.constant 25 : i32
      %broadcast_in_dim3A_444 = vector.broadcast %broadcast_in_dim3A_443 : i32 to vector<16xi32>
      %gather3A_445 = tpu.vector_load_idx %arg9[%add3A_192, %broadcast_in_dim3A_444] : memref<512x64xf32, #tpu.memory_space<vmem>>[vector<16xi32>, vector<16xi32>], vector<16xf32>,
      %gather3A_446 = tpu.vector_load_idx %arg10[%add3A_192, %broadcast_in_dim3A_444] : memref<512x64xf32, #tpu.memory_space<vmem>>[vector<16xi32>, vector<16xi32>], vector<16xf32>,
      %mul3A_447 = arith.mulf %gather3A_445, %gather3A_445 : vector<16xf32>
      %add3A_448 = arith.addf %add3A_408, %mul3A_447 : vector<16xf32>
      %mul3A_449 = arith.mulf %gather3A_446, %gather3A_446 : vector<16xf32>
      %add3A_450 = arith.addf %add3A_410, %mul3A_449 : vector<16xf32>
      %mul3A_451 = arith.mulf %gather3A_445, %gather3A_446 : vector<16xf32>
      %add3A_452 = arith.addf %add3A_412, %mul3A_451 : vector<16xf32>
      %broadcast_in_dim3A_453 = arith.constant 26 : i32
      %broadcast_in_dim3A_454 = vector.broadcast %broadcast_in_dim3A_453 : i32 to vector<16xi32>
      %gather3A_455 = tpu.vector_load_idx %arg9[%add3A_192, %broadcast_in_dim3A_454] : memref<512x64xf32, #tpu.memory_space<vmem>>[vector<16xi32>, vector<16xi32>], vector<16xf32>,
      %gather3A_456 = tpu.vector_load_idx %arg10[%add3A_192, %broadcast_in_dim3A_454] : memref<512x64xf32, #tpu.memory_space<vmem>>[vector<16xi32>, vector<16xi32>], vector<16xf32>,
      %mul3A_457 = arith.mulf %gather3A_455, %gather3A_455 : vector<16xf32>
      %add3A_458 = arith.addf %add3A_418, %mul3A_457 : vector<16xf32>
      %mul3A_459 = arith.mulf %gather3A_456, %gather3A_456 : vector<16xf32>
      %add3A_460 = arith.addf %add3A_420, %mul3A_459 : vector<16xf32>
      %mul3A_461 = arith.mulf %gather3A_455, %gather3A_456 : vector<16xf32>
      %add3A_462 = arith.addf %add3A_422, %mul3A_461 : vector<16xf32>
      %broadcast_in_dim3A_463 = arith.constant 27 : i32
      %broadcast_in_dim3A_464 = vector.broadcast %broadcast_in_dim3A_463 : i32 to vector<16xi32>
      %gather3A_465 = tpu.vector_load_idx %arg9[%add3A_192, %broadcast_in_dim3A_464] : memref<512x64xf32, #tpu.memory_space<vmem>>[vector<16xi32>, vector<16xi32>], vector<16xf32>,
      %gather3A_466 = tpu.vector_load_idx %arg10[%add3A_192, %broadcast_in_dim3A_464] : memref<512x64xf32, #tpu.memory_space<vmem>>[vector<16xi32>, vector<16xi32>], vector<16xf32>,
      %mul3A_467 = arith.mulf %gather3A_465, %gather3A_465 : vector<16xf32>
      %add3A_468 = arith.addf %add3A_428, %mul3A_467 : vector<16xf32>
      %mul3A_469 = arith.mulf %gather3A_466, %gather3A_466 : vector<16xf32>
      %add3A_470 = arith.addf %add3A_430, %mul3A_469 : vector<16xf32>
      %mul3A_471 = arith.mulf %gather3A_465, %gather3A_466 : vector<16xf32>
      %add3A_472 = arith.addf %add3A_432, %mul3A_471 : vector<16xf32>
      %broadcast_in_dim3A_473 = arith.constant 28 : i32
      %broadcast_in_dim3A_474 = vector.broadcast %broadcast_in_dim3A_473 : i32 to vector<16xi32>
      %gather3A_475 = tpu.vector_load_idx %arg9[%add3A_192, %broadcast_in_dim3A_474] : memref<512x64xf32, #tpu.memory_space<vmem>>[vector<16xi32>, vector<16xi32>], vector<16xf32>,
      %gather3A_476 = tpu.vector_load_idx %arg10[%add3A_192, %broadcast_in_dim3A_474] : memref<512x64xf32, #tpu.memory_space<vmem>>[vector<16xi32>, vector<16xi32>], vector<16xf32>,
      %mul3A_477 = arith.mulf %gather3A_475, %gather3A_475 : vector<16xf32>
      %add3A_478 = arith.addf %add3A_438, %mul3A_477 : vector<16xf32>
      %mul3A_479 = arith.mulf %gather3A_476, %gather3A_476 : vector<16xf32>
      %add3A_480 = arith.addf %add3A_440, %mul3A_479 : vector<16xf32>
      %mul3A_481 = arith.mulf %gather3A_475, %gather3A_476 : vector<16xf32>
      %add3A_482 = arith.addf %add3A_442, %mul3A_481 : vector<16xf32>
      %broadcast_in_dim3A_483 = arith.constant 29 : i32
      %broadcast_in_dim3A_484 = vector.broadcast %broadcast_in_dim3A_483 : i32 to vector<16xi32>
      %gather3A_485 = tpu.vector_load_idx %arg9[%add3A_192, %broadcast_in_dim3A_484] : memref<512x64xf32, #tpu.memory_space<vmem>>[vector<16xi32>, vector<16xi32>], vector<16xf32>,
      %gather3A_486 = tpu.vector_load_idx %arg10[%add3A_192, %broadcast_in_dim3A_484] : memref<512x64xf32, #tpu.memory_space<vmem>>[vector<16xi32>, vector<16xi32>], vector<16xf32>,
      %mul3A_487 = arith.mulf %gather3A_485, %gather3A_485 : vector<16xf32>
      %add3A_488 = arith.addf %add3A_448, %mul3A_487 : vector<16xf32>
      %mul3A_489 = arith.mulf %gather3A_486, %gather3A_486 : vector<16xf32>
      %add3A_490 = arith.addf %add3A_450, %mul3A_489 : vector<16xf32>
      %mul3A_491 = arith.mulf %gather3A_485, %gather3A_486 : vector<16xf32>
      %add3A_492 = arith.addf %add3A_452, %mul3A_491 : vector<16xf32>
      %broadcast_in_dim3A_493 = arith.constant 30 : i32
      %broadcast_in_dim3A_494 = vector.broadcast %broadcast_in_dim3A_493 : i32 to vector<16xi32>
      %gather3A_495 = tpu.vector_load_idx %arg9[%add3A_192, %broadcast_in_dim3A_494] : memref<512x64xf32, #tpu.memory_space<vmem>>[vector<16xi32>, vector<16xi32>], vector<16xf32>,
      %gather3A_496 = tpu.vector_load_idx %arg10[%add3A_192, %broadcast_in_dim3A_494] : memref<512x64xf32, #tpu.memory_space<vmem>>[vector<16xi32>, vector<16xi32>], vector<16xf32>,
      %mul3A_497 = arith.mulf %gather3A_495, %gather3A_495 : vector<16xf32>
      %add3A_498 = arith.addf %add3A_458, %mul3A_497 : vector<16xf32>
      %mul3A_499 = arith.mulf %gather3A_496, %gather3A_496 : vector<16xf32>
      %add3A_500 = arith.addf %add3A_460, %mul3A_499 : vector<16xf32>
      %mul3A_501 = arith.mulf %gather3A_495, %gather3A_496 : vector<16xf32>
      %add3A_502 = arith.addf %add3A_462, %mul3A_501 : vector<16xf32>
      %broadcast_in_dim3A_503 = arith.constant 31 : i32
      %broadcast_in_dim3A_504 = vector.broadcast %broadcast_in_dim3A_503 : i32 to vector<16xi32>
      %gather3A_505 = tpu.vector_load_idx %arg9[%add3A_192, %broadcast_in_dim3A_504] : memref<512x64xf32, #tpu.memory_space<vmem>>[vector<16xi32>, vector<16xi32>], vector<16xf32>,
      %gather3A_506 = tpu.vector_load_idx %arg10[%add3A_192, %broadcast_in_dim3A_504] : memref<512x64xf32, #tpu.memory_space<vmem>>[vector<16xi32>, vector<16xi32>], vector<16xf32>,
      %mul3A_507 = arith.mulf %gather3A_505, %gather3A_505 : vector<16xf32>
      %add3A_508 = arith.addf %add3A_468, %mul3A_507 : vector<16xf32>
      %mul3A_509 = arith.mulf %gather3A_506, %gather3A_506 : vector<16xf32>
      %add3A_510 = arith.addf %add3A_470, %mul3A_509 : vector<16xf32>
      %mul3A_511 = arith.mulf %gather3A_505, %gather3A_506 : vector<16xf32>
      %add3A_512 = arith.addf %add3A_472, %mul3A_511 : vector<16xf32>
      %broadcast_in_dim3A_513 = arith.constant 32 : i32
      %broadcast_in_dim3A_514 = vector.broadcast %broadcast_in_dim3A_513 : i32 to vector<16xi32>
      %gather3A_515 = tpu.vector_load_idx %arg9[%add3A_192, %broadcast_in_dim3A_514] : memref<512x64xf32, #tpu.memory_space<vmem>>[vector<16xi32>, vector<16xi32>], vector<16xf32>,
      %gather3A_516 = tpu.vector_load_idx %arg10[%add3A_192, %broadcast_in_dim3A_514] : memref<512x64xf32, #tpu.memory_space<vmem>>[vector<16xi32>, vector<16xi32>], vector<16xf32>,
      %mul3A_517 = arith.mulf %gather3A_515, %gather3A_515 : vector<16xf32>
      %add3A_518 = arith.addf %add3A_478, %mul3A_517 : vector<16xf32>
      %mul3A_519 = arith.mulf %gather3A_516, %gather3A_516 : vector<16xf32>
      %add3A_520 = arith.addf %add3A_480, %mul3A_519 : vector<16xf32>
      %mul3A_521 = arith.mulf %gather3A_515, %gather3A_516 : vector<16xf32>
      %add3A_522 = arith.addf %add3A_482, %mul3A_521 : vector<16xf32>
      %broadcast_in_dim3A_523 = arith.constant 33 : i32
      %broadcast_in_dim3A_524 = vector.broadcast %broadcast_in_dim3A_523 : i32 to vector<16xi32>
      %gather3A_525 = tpu.vector_load_idx %arg9[%add3A_192, %broadcast_in_dim3A_524] : memref<512x64xf32, #tpu.memory_space<vmem>>[vector<16xi32>, vector<16xi32>], vector<16xf32>,
      %gather3A_526 = tpu.vector_load_idx %arg10[%add3A_192, %broadcast_in_dim3A_524] : memref<512x64xf32, #tpu.memory_space<vmem>>[vector<16xi32>, vector<16xi32>], vector<16xf32>,
      %mul3A_527 = arith.mulf %gather3A_525, %gather3A_525 : vector<16xf32>
      %add3A_528 = arith.addf %add3A_488, %mul3A_527 : vector<16xf32>
      %mul3A_529 = arith.mulf %gather3A_526, %gather3A_526 : vector<16xf32>
      %add3A_530 = arith.addf %add3A_490, %mul3A_529 : vector<16xf32>
      %mul3A_531 = arith.mulf %gather3A_525, %gather3A_526 : vector<16xf32>
      %add3A_532 = arith.addf %add3A_492, %mul3A_531 : vector<16xf32>
      %broadcast_in_dim3A_533 = arith.constant 34 : i32
      %broadcast_in_dim3A_534 = vector.broadcast %broadcast_in_dim3A_533 : i32 to vector<16xi32>
      %gather3A_535 = tpu.vector_load_idx %arg9[%add3A_192, %broadcast_in_dim3A_534] : memref<512x64xf32, #tpu.memory_space<vmem>>[vector<16xi32>, vector<16xi32>], vector<16xf32>,
      %gather3A_536 = tpu.vector_load_idx %arg10[%add3A_192, %broadcast_in_dim3A_534] : memref<512x64xf32, #tpu.memory_space<vmem>>[vector<16xi32>, vector<16xi32>], vector<16xf32>,
      %mul3A_537 = arith.mulf %gather3A_535, %gather3A_535 : vector<16xf32>
      %add3A_538 = arith.addf %add3A_498, %mul3A_537 : vector<16xf32>
      %mul3A_539 = arith.mulf %gather3A_536, %gather3A_536 : vector<16xf32>
      %add3A_540 = arith.addf %add3A_500, %mul3A_539 : vector<16xf32>
      %mul3A_541 = arith.mulf %gather3A_535, %gather3A_536 : vector<16xf32>
      %add3A_542 = arith.addf %add3A_502, %mul3A_541 : vector<16xf32>
      %broadcast_in_dim3A_543 = arith.constant 35 : i32
      %broadcast_in_dim3A_544 = vector.broadcast %broadcast_in_dim3A_543 : i32 to vector<16xi32>
      %gather3A_545 = tpu.vector_load_idx %arg9[%add3A_192, %broadcast_in_dim3A_544] : memref<512x64xf32, #tpu.memory_space<vmem>>[vector<16xi32>, vector<16xi32>], vector<16xf32>,
      %gather3A_546 = tpu.vector_load_idx %arg10[%add3A_192, %broadcast_in_dim3A_544] : memref<512x64xf32, #tpu.memory_space<vmem>>[vector<16xi32>, vector<16xi32>], vector<16xf32>,
      %mul3A_547 = arith.mulf %gather3A_545, %gather3A_545 : vector<16xf32>
      %add3A_548 = arith.addf %add3A_508, %mul3A_547 : vector<16xf32>
      %mul3A_549 = arith.mulf %gather3A_546, %gather3A_546 : vector<16xf32>
      %add3A_550 = arith.addf %add3A_510, %mul3A_549 : vector<16xf32>
      %mul3A_551 = arith.mulf %gather3A_545, %gather3A_546 : vector<16xf32>
      %add3A_552 = arith.addf %add3A_512, %mul3A_551 : vector<16xf32>
      %broadcast_in_dim3A_553 = arith.constant 36 : i32
      %broadcast_in_dim3A_554 = vector.broadcast %broadcast_in_dim3A_553 : i32 to vector<16xi32>
      %gather3A_555 = tpu.vector_load_idx %arg9[%add3A_192, %broadcast_in_dim3A_554] : memref<512x64xf32, #tpu.memory_space<vmem>>[vector<16xi32>, vector<16xi32>], vector<16xf32>,
      %gather3A_556 = tpu.vector_load_idx %arg10[%add3A_192, %broadcast_in_dim3A_554] : memref<512x64xf32, #tpu.memory_space<vmem>>[vector<16xi32>, vector<16xi32>], vector<16xf32>,
      %mul3A_557 = arith.mulf %gather3A_555, %gather3A_555 : vector<16xf32>
      %add3A_558 = arith.addf %add3A_518, %mul3A_557 : vector<16xf32>
      %mul3A_559 = arith.mulf %gather3A_556, %gather3A_556 : vector<16xf32>
      %add3A_560 = arith.addf %add3A_520, %mul3A_559 : vector<16xf32>
      %mul3A_561 = arith.mulf %gather3A_555, %gather3A_556 : vector<16xf32>
      %add3A_562 = arith.addf %add3A_522, %mul3A_561 : vector<16xf32>
      %broadcast_in_dim3A_563 = arith.constant 37 : i32
      %broadcast_in_dim3A_564 = vector.broadcast %broadcast_in_dim3A_563 : i32 to vector<16xi32>
      %gather3A_565 = tpu.vector_load_idx %arg9[%add3A_192, %broadcast_in_dim3A_564] : memref<512x64xf32, #tpu.memory_space<vmem>>[vector<16xi32>, vector<16xi32>], vector<16xf32>,
      %gather3A_566 = tpu.vector_load_idx %arg10[%add3A_192, %broadcast_in_dim3A_564] : memref<512x64xf32, #tpu.memory_space<vmem>>[vector<16xi32>, vector<16xi32>], vector<16xf32>,
      %mul3A_567 = arith.mulf %gather3A_565, %gather3A_565 : vector<16xf32>
      %add3A_568 = arith.addf %add3A_528, %mul3A_567 : vector<16xf32>
      %mul3A_569 = arith.mulf %gather3A_566, %gather3A_566 : vector<16xf32>
      %add3A_570 = arith.addf %add3A_530, %mul3A_569 : vector<16xf32>
      %mul3A_571 = arith.mulf %gather3A_565, %gather3A_566 : vector<16xf32>
      %add3A_572 = arith.addf %add3A_532, %mul3A_571 : vector<16xf32>
      %broadcast_in_dim3A_573 = arith.constant 38 : i32
      %broadcast_in_dim3A_574 = vector.broadcast %broadcast_in_dim3A_573 : i32 to vector<16xi32>
      %gather3A_575 = tpu.vector_load_idx %arg9[%add3A_192, %broadcast_in_dim3A_574] : memref<512x64xf32, #tpu.memory_space<vmem>>[vector<16xi32>, vector<16xi32>], vector<16xf32>,
      %gather3A_576 = tpu.vector_load_idx %arg10[%add3A_192, %broadcast_in_dim3A_574] : memref<512x64xf32, #tpu.memory_space<vmem>>[vector<16xi32>, vector<16xi32>], vector<16xf32>,
      %mul3A_577 = arith.mulf %gather3A_575, %gather3A_575 : vector<16xf32>
      %add3A_578 = arith.addf %add3A_538, %mul3A_577 : vector<16xf32>
      %mul3A_579 = arith.mulf %gather3A_576, %gather3A_576 : vector<16xf32>
      %add3A_580 = arith.addf %add3A_540, %mul3A_579 : vector<16xf32>
      %mul3A_581 = arith.mulf %gather3A_575, %gather3A_576 : vector<16xf32>
      %add3A_582 = arith.addf %add3A_542, %mul3A_581 : vector<16xf32>
      %broadcast_in_dim3A_583 = arith.constant 39 : i32
      %broadcast_in_dim3A_584 = vector.broadcast %broadcast_in_dim3A_583 : i32 to vector<16xi32>
      %gather3A_585 = tpu.vector_load_idx %arg9[%add3A_192, %broadcast_in_dim3A_584] : memref<512x64xf32, #tpu.memory_space<vmem>>[vector<16xi32>, vector<16xi32>], vector<16xf32>,
      %gather3A_586 = tpu.vector_load_idx %arg10[%add3A_192, %broadcast_in_dim3A_584] : memref<512x64xf32, #tpu.memory_space<vmem>>[vector<16xi32>, vector<16xi32>], vector<16xf32>,
      %mul3A_587 = arith.mulf %gather3A_585, %gather3A_585 : vector<16xf32>
      %add3A_588 = arith.addf %add3A_548, %mul3A_587 : vector<16xf32>
      %mul3A_589 = arith.mulf %gather3A_586, %gather3A_586 : vector<16xf32>
      %add3A_590 = arith.addf %add3A_550, %mul3A_589 : vector<16xf32>
      %mul3A_591 = arith.mulf %gather3A_585, %gather3A_586 : vector<16xf32>
      %add3A_592 = arith.addf %add3A_552, %mul3A_591 : vector<16xf32>
      %broadcast_in_dim3A_593 = arith.constant 40 : i32
      %broadcast_in_dim3A_594 = vector.broadcast %broadcast_in_dim3A_593 : i32 to vector<16xi32>
      %gather3A_595 = tpu.vector_load_idx %arg9[%add3A_192, %broadcast_in_dim3A_594] : memref<512x64xf32, #tpu.memory_space<vmem>>[vector<16xi32>, vector<16xi32>], vector<16xf32>,
      %gather3A_596 = tpu.vector_load_idx %arg10[%add3A_192, %broadcast_in_dim3A_594] : memref<512x64xf32, #tpu.memory_space<vmem>>[vector<16xi32>, vector<16xi32>], vector<16xf32>,
      %mul3A_597 = arith.mulf %gather3A_595, %gather3A_595 : vector<16xf32>
      %add3A_598 = arith.addf %add3A_558, %mul3A_597 : vector<16xf32>
      %mul3A_599 = arith.mulf %gather3A_596, %gather3A_596 : vector<16xf32>
      %add3A_600 = arith.addf %add3A_560, %mul3A_599 : vector<16xf32>
      %mul3A_601 = arith.mulf %gather3A_595, %gather3A_596 : vector<16xf32>
      %add3A_602 = arith.addf %add3A_562, %mul3A_601 : vector<16xf32>
      %broadcast_in_dim3A_603 = arith.constant 41 : i32
      %broadcast_in_dim3A_604 = vector.broadcast %broadcast_in_dim3A_603 : i32 to vector<16xi32>
      %gather3A_605 = tpu.vector_load_idx %arg9[%add3A_192, %broadcast_in_dim3A_604] : memref<512x64xf32, #tpu.memory_space<vmem>>[vector<16xi32>, vector<16xi32>], vector<16xf32>,
      %gather3A_606 = tpu.vector_load_idx %arg10[%add3A_192, %broadcast_in_dim3A_604] : memref<512x64xf32, #tpu.memory_space<vmem>>[vector<16xi32>, vector<16xi32>], vector<16xf32>,
      %mul3A_607 = arith.mulf %gather3A_605, %gather3A_605 : vector<16xf32>
      %add3A_608 = arith.addf %add3A_568, %mul3A_607 : vector<16xf32>
      %mul3A_609 = arith.mulf %gather3A_606, %gather3A_606 : vector<16xf32>
      %add3A_610 = arith.addf %add3A_570, %mul3A_609 : vector<16xf32>
      %mul3A_611 = arith.mulf %gather3A_605, %gather3A_606 : vector<16xf32>
      %add3A_612 = arith.addf %add3A_572, %mul3A_611 : vector<16xf32>
      %broadcast_in_dim3A_613 = arith.constant 42 : i32
      %broadcast_in_dim3A_614 = vector.broadcast %broadcast_in_dim3A_613 : i32 to vector<16xi32>
      %gather3A_615 = tpu.vector_load_idx %arg9[%add3A_192, %broadcast_in_dim3A_614] : memref<512x64xf32, #tpu.memory_space<vmem>>[vector<16xi32>, vector<16xi32>], vector<16xf32>,
      %gather3A_616 = tpu.vector_load_idx %arg10[%add3A_192, %broadcast_in_dim3A_614] : memref<512x64xf32, #tpu.memory_space<vmem>>[vector<16xi32>, vector<16xi32>], vector<16xf32>,
      %mul3A_617 = arith.mulf %gather3A_615, %gather3A_615 : vector<16xf32>
      %add3A_618 = arith.addf %add3A_578, %mul3A_617 : vector<16xf32>
      %mul3A_619 = arith.mulf %gather3A_616, %gather3A_616 : vector<16xf32>
      %add3A_620 = arith.addf %add3A_580, %mul3A_619 : vector<16xf32>
      %mul3A_621 = arith.mulf %gather3A_615, %gather3A_616 : vector<16xf32>
      %add3A_622 = arith.addf %add3A_582, %mul3A_621 : vector<16xf32>
      %broadcast_in_dim3A_623 = arith.constant 43 : i32
      %broadcast_in_dim3A_624 = vector.broadcast %broadcast_in_dim3A_623 : i32 to vector<16xi32>
      %gather3A_625 = tpu.vector_load_idx %arg9[%add3A_192, %broadcast_in_dim3A_624] : memref<512x64xf32, #tpu.memory_space<vmem>>[vector<16xi32>, vector<16xi32>], vector<16xf32>,
      %gather3A_626 = tpu.vector_load_idx %arg10[%add3A_192, %broadcast_in_dim3A_624] : memref<512x64xf32, #tpu.memory_space<vmem>>[vector<16xi32>, vector<16xi32>], vector<16xf32>,
      %mul3A_627 = arith.mulf %gather3A_625, %gather3A_625 : vector<16xf32>
      %add3A_628 = arith.addf %add3A_588, %mul3A_627 : vector<16xf32>
      %mul3A_629 = arith.mulf %gather3A_626, %gather3A_626 : vector<16xf32>
      %add3A_630 = arith.addf %add3A_590, %mul3A_629 : vector<16xf32>
      %mul3A_631 = arith.mulf %gather3A_625, %gather3A_626 : vector<16xf32>
      %add3A_632 = arith.addf %add3A_592, %mul3A_631 : vector<16xf32>
      %broadcast_in_dim3A_633 = arith.constant 44 : i32
      %broadcast_in_dim3A_634 = vector.broadcast %broadcast_in_dim3A_633 : i32 to vector<16xi32>
      %gather3A_635 = tpu.vector_load_idx %arg9[%add3A_192, %broadcast_in_dim3A_634] : memref<512x64xf32, #tpu.memory_space<vmem>>[vector<16xi32>, vector<16xi32>], vector<16xf32>,
      %gather3A_636 = tpu.vector_load_idx %arg10[%add3A_192, %broadcast_in_dim3A_634] : memref<512x64xf32, #tpu.memory_space<vmem>>[vector<16xi32>, vector<16xi32>], vector<16xf32>,
      %mul3A_637 = arith.mulf %gather3A_635, %gather3A_635 : vector<16xf32>
      %add3A_638 = arith.addf %add3A_598, %mul3A_637 : vector<16xf32>
      %mul3A_639 = arith.mulf %gather3A_636, %gather3A_636 : vector<16xf32>
      %add3A_640 = arith.addf %add3A_600, %mul3A_639 : vector<16xf32>
      %mul3A_641 = arith.mulf %gather3A_635, %gather3A_636 : vector<16xf32>
      %add3A_642 = arith.addf %add3A_602, %mul3A_641 : vector<16xf32>
      %broadcast_in_dim3A_643 = arith.constant 45 : i32
      %broadcast_in_dim3A_644 = vector.broadcast %broadcast_in_dim3A_643 : i32 to vector<16xi32>
      %gather3A_645 = tpu.vector_load_idx %arg9[%add3A_192, %broadcast_in_dim3A_644] : memref<512x64xf32, #tpu.memory_space<vmem>>[vector<16xi32>, vector<16xi32>], vector<16xf32>,
      %gather3A_646 = tpu.vector_load_idx %arg10[%add3A_192, %broadcast_in_dim3A_644] : memref<512x64xf32, #tpu.memory_space<vmem>>[vector<16xi32>, vector<16xi32>], vector<16xf32>,
      %mul3A_647 = arith.mulf %gather3A_645, %gather3A_645 : vector<16xf32>
      %add3A_648 = arith.addf %add3A_608, %mul3A_647 : vector<16xf32>
      %mul3A_649 = arith.mulf %gather3A_646, %gather3A_646 : vector<16xf32>
      %add3A_650 = arith.addf %add3A_610, %mul3A_649 : vector<16xf32>
      %mul3A_651 = arith.mulf %gather3A_645, %gather3A_646 : vector<16xf32>
      %add3A_652 = arith.addf %add3A_612, %mul3A_651 : vector<16xf32>
      %broadcast_in_dim3A_653 = arith.constant 46 : i32
      %broadcast_in_dim3A_654 = vector.broadcast %broadcast_in_dim3A_653 : i32 to vector<16xi32>
      %gather3A_655 = tpu.vector_load_idx %arg9[%add3A_192, %broadcast_in_dim3A_654] : memref<512x64xf32, #tpu.memory_space<vmem>>[vector<16xi32>, vector<16xi32>], vector<16xf32>,
      %gather3A_656 = tpu.vector_load_idx %arg10[%add3A_192, %broadcast_in_dim3A_654] : memref<512x64xf32, #tpu.memory_space<vmem>>[vector<16xi32>, vector<16xi32>], vector<16xf32>,
      %mul3A_657 = arith.mulf %gather3A_655, %gather3A_655 : vector<16xf32>
      %add3A_658 = arith.addf %add3A_618, %mul3A_657 : vector<16xf32>
      %mul3A_659 = arith.mulf %gather3A_656, %gather3A_656 : vector<16xf32>
      %add3A_660 = arith.addf %add3A_620, %mul3A_659 : vector<16xf32>
      %mul3A_661 = arith.mulf %gather3A_655, %gather3A_656 : vector<16xf32>
      %add3A_662 = arith.addf %add3A_622, %mul3A_661 : vector<16xf32>
      %broadcast_in_dim3A_663 = arith.constant 47 : i32
      %broadcast_in_dim3A_664 = vector.broadcast %broadcast_in_dim3A_663 : i32 to vector<16xi32>
      %gather3A_665 = tpu.vector_load_idx %arg9[%add3A_192, %broadcast_in_dim3A_664] : memref<512x64xf32, #tpu.memory_space<vmem>>[vector<16xi32>, vector<16xi32>], vector<16xf32>,
      %gather3A_666 = tpu.vector_load_idx %arg10[%add3A_192, %broadcast_in_dim3A_664] : memref<512x64xf32, #tpu.memory_space<vmem>>[vector<16xi32>, vector<16xi32>], vector<16xf32>,
      %mul3A_667 = arith.mulf %gather3A_665, %gather3A_665 : vector<16xf32>
      %add3A_668 = arith.addf %add3A_628, %mul3A_667 : vector<16xf32>
      %mul3A_669 = arith.mulf %gather3A_666, %gather3A_666 : vector<16xf32>
      %add3A_670 = arith.addf %add3A_630, %mul3A_669 : vector<16xf32>
      %mul3A_671 = arith.mulf %gather3A_665, %gather3A_666 : vector<16xf32>
      %add3A_672 = arith.addf %add3A_632, %mul3A_671 : vector<16xf32>
      %broadcast_in_dim3A_673 = arith.constant 48 : i32
      %broadcast_in_dim3A_674 = vector.broadcast %broadcast_in_dim3A_673 : i32 to vector<16xi32>
      %gather3A_675 = tpu.vector_load_idx %arg9[%add3A_192, %broadcast_in_dim3A_674] : memref<512x64xf32, #tpu.memory_space<vmem>>[vector<16xi32>, vector<16xi32>], vector<16xf32>,
      %gather3A_676 = tpu.vector_load_idx %arg10[%add3A_192, %broadcast_in_dim3A_674] : memref<512x64xf32, #tpu.memory_space<vmem>>[vector<16xi32>, vector<16xi32>], vector<16xf32>,
      %mul3A_677 = arith.mulf %gather3A_675, %gather3A_675 : vector<16xf32>
      %add3A_678 = arith.addf %add3A_638, %mul3A_677 : vector<16xf32>
      %mul3A_679 = arith.mulf %gather3A_676, %gather3A_676 : vector<16xf32>
      %add3A_680 = arith.addf %add3A_640, %mul3A_679 : vector<16xf32>
      %mul3A_681 = arith.mulf %gather3A_675, %gather3A_676 : vector<16xf32>
      %add3A_682 = arith.addf %add3A_642, %mul3A_681 : vector<16xf32>
      %broadcast_in_dim3A_683 = arith.constant 49 : i32
      %broadcast_in_dim3A_684 = vector.broadcast %broadcast_in_dim3A_683 : i32 to vector<16xi32>
      %gather3A_685 = tpu.vector_load_idx %arg9[%add3A_192, %broadcast_in_dim3A_684] : memref<512x64xf32, #tpu.memory_space<vmem>>[vector<16xi32>, vector<16xi32>], vector<16xf32>,
      %gather3A_686 = tpu.vector_load_idx %arg10[%add3A_192, %broadcast_in_dim3A_684] : memref<512x64xf32, #tpu.memory_space<vmem>>[vector<16xi32>, vector<16xi32>], vector<16xf32>,
      %mul3A_687 = arith.mulf %gather3A_685, %gather3A_685 : vector<16xf32>
      %add3A_688 = arith.addf %add3A_648, %mul3A_687 : vector<16xf32>
      %mul3A_689 = arith.mulf %gather3A_686, %gather3A_686 : vector<16xf32>
      %add3A_690 = arith.addf %add3A_650, %mul3A_689 : vector<16xf32>
      %mul3A_691 = arith.mulf %gather3A_685, %gather3A_686 : vector<16xf32>
      %add3A_692 = arith.addf %add3A_652, %mul3A_691 : vector<16xf32>
      %broadcast_in_dim3A_693 = arith.constant 50 : i32
      %broadcast_in_dim3A_694 = vector.broadcast %broadcast_in_dim3A_693 : i32 to vector<16xi32>
      %gather3A_695 = tpu.vector_load_idx %arg9[%add3A_192, %broadcast_in_dim3A_694] : memref<512x64xf32, #tpu.memory_space<vmem>>[vector<16xi32>, vector<16xi32>], vector<16xf32>,
      %gather3A_696 = tpu.vector_load_idx %arg10[%add3A_192, %broadcast_in_dim3A_694] : memref<512x64xf32, #tpu.memory_space<vmem>>[vector<16xi32>, vector<16xi32>], vector<16xf32>,
      %mul3A_697 = arith.mulf %gather3A_695, %gather3A_695 : vector<16xf32>
      %add3A_698 = arith.addf %add3A_658, %mul3A_697 : vector<16xf32>
      %mul3A_699 = arith.mulf %gather3A_696, %gather3A_696 : vector<16xf32>
      %add3A_700 = arith.addf %add3A_660, %mul3A_699 : vector<16xf32>
      %mul3A_701 = arith.mulf %gather3A_695, %gather3A_696 : vector<16xf32>
      %add3A_702 = arith.addf %add3A_662, %mul3A_701 : vector<16xf32>
      %broadcast_in_dim3A_703 = arith.constant 51 : i32
      %broadcast_in_dim3A_704 = vector.broadcast %broadcast_in_dim3A_703 : i32 to vector<16xi32>
      %gather3A_705 = tpu.vector_load_idx %arg9[%add3A_192, %broadcast_in_dim3A_704] : memref<512x64xf32, #tpu.memory_space<vmem>>[vector<16xi32>, vector<16xi32>], vector<16xf32>,
      %gather3A_706 = tpu.vector_load_idx %arg10[%add3A_192, %broadcast_in_dim3A_704] : memref<512x64xf32, #tpu.memory_space<vmem>>[vector<16xi32>, vector<16xi32>], vector<16xf32>,
      %mul3A_707 = arith.mulf %gather3A_705, %gather3A_705 : vector<16xf32>
      %add3A_708 = arith.addf %add3A_668, %mul3A_707 : vector<16xf32>
      %mul3A_709 = arith.mulf %gather3A_706, %gather3A_706 : vector<16xf32>
      %add3A_710 = arith.addf %add3A_670, %mul3A_709 : vector<16xf32>
      %mul3A_711 = arith.mulf %gather3A_705, %gather3A_706 : vector<16xf32>
      %add3A_712 = arith.addf %add3A_672, %mul3A_711 : vector<16xf32>
      %broadcast_in_dim3A_713 = arith.constant 52 : i32
      %broadcast_in_dim3A_714 = vector.broadcast %broadcast_in_dim3A_713 : i32 to vector<16xi32>
      %gather3A_715 = tpu.vector_load_idx %arg9[%add3A_192, %broadcast_in_dim3A_714] : memref<512x64xf32, #tpu.memory_space<vmem>>[vector<16xi32>, vector<16xi32>], vector<16xf32>,
      %gather3A_716 = tpu.vector_load_idx %arg10[%add3A_192, %broadcast_in_dim3A_714] : memref<512x64xf32, #tpu.memory_space<vmem>>[vector<16xi32>, vector<16xi32>], vector<16xf32>,
      %mul3A_717 = arith.mulf %gather3A_715, %gather3A_715 : vector<16xf32>
      %add3A_718 = arith.addf %add3A_678, %mul3A_717 : vector<16xf32>
      %mul3A_719 = arith.mulf %gather3A_716, %gather3A_716 : vector<16xf32>
      %add3A_720 = arith.addf %add3A_680, %mul3A_719 : vector<16xf32>
      %mul3A_721 = arith.mulf %gather3A_715, %gather3A_716 : vector<16xf32>
      %add3A_722 = arith.addf %add3A_682, %mul3A_721 : vector<16xf32>
      %broadcast_in_dim3A_723 = arith.constant 53 : i32
      %broadcast_in_dim3A_724 = vector.broadcast %broadcast_in_dim3A_723 : i32 to vector<16xi32>
      %gather3A_725 = tpu.vector_load_idx %arg9[%add3A_192, %broadcast_in_dim3A_724] : memref<512x64xf32, #tpu.memory_space<vmem>>[vector<16xi32>, vector<16xi32>], vector<16xf32>,
      %gather3A_726 = tpu.vector_load_idx %arg10[%add3A_192, %broadcast_in_dim3A_724] : memref<512x64xf32, #tpu.memory_space<vmem>>[vector<16xi32>, vector<16xi32>], vector<16xf32>,
      %mul3A_727 = arith.mulf %gather3A_725, %gather3A_725 : vector<16xf32>
      %add3A_728 = arith.addf %add3A_688, %mul3A_727 : vector<16xf32>
      %mul3A_729 = arith.mulf %gather3A_726, %gather3A_726 : vector<16xf32>
      %add3A_730 = arith.addf %add3A_690, %mul3A_729 : vector<16xf32>
      %mul3A_731 = arith.mulf %gather3A_725, %gather3A_726 : vector<16xf32>
      %add3A_732 = arith.addf %add3A_692, %mul3A_731 : vector<16xf32>
      %broadcast_in_dim3A_733 = arith.constant 54 : i32
      %broadcast_in_dim3A_734 = vector.broadcast %broadcast_in_dim3A_733 : i32 to vector<16xi32>
      %gather3A_735 = tpu.vector_load_idx %arg9[%add3A_192, %broadcast_in_dim3A_734] : memref<512x64xf32, #tpu.memory_space<vmem>>[vector<16xi32>, vector<16xi32>], vector<16xf32>,
      %gather3A_736 = tpu.vector_load_idx %arg10[%add3A_192, %broadcast_in_dim3A_734] : memref<512x64xf32, #tpu.memory_space<vmem>>[vector<16xi32>, vector<16xi32>], vector<16xf32>,
      %mul3A_737 = arith.mulf %gather3A_735, %gather3A_735 : vector<16xf32>
      %add3A_738 = arith.addf %add3A_698, %mul3A_737 : vector<16xf32>
      %mul3A_739 = arith.mulf %gather3A_736, %gather3A_736 : vector<16xf32>
      %add3A_740 = arith.addf %add3A_700, %mul3A_739 : vector<16xf32>
      %mul3A_741 = arith.mulf %gather3A_735, %gather3A_736 : vector<16xf32>
      %add3A_742 = arith.addf %add3A_702, %mul3A_741 : vector<16xf32>
      %broadcast_in_dim3A_743 = arith.constant 55 : i32
      %broadcast_in_dim3A_744 = vector.broadcast %broadcast_in_dim3A_743 : i32 to vector<16xi32>
      %gather3A_745 = tpu.vector_load_idx %arg9[%add3A_192, %broadcast_in_dim3A_744] : memref<512x64xf32, #tpu.memory_space<vmem>>[vector<16xi32>, vector<16xi32>], vector<16xf32>,
      %gather3A_746 = tpu.vector_load_idx %arg10[%add3A_192, %broadcast_in_dim3A_744] : memref<512x64xf32, #tpu.memory_space<vmem>>[vector<16xi32>, vector<16xi32>], vector<16xf32>,
      %mul3A_747 = arith.mulf %gather3A_745, %gather3A_745 : vector<16xf32>
      %add3A_748 = arith.addf %add3A_708, %mul3A_747 : vector<16xf32>
      %mul3A_749 = arith.mulf %gather3A_746, %gather3A_746 : vector<16xf32>
      %add3A_750 = arith.addf %add3A_710, %mul3A_749 : vector<16xf32>
      %mul3A_751 = arith.mulf %gather3A_745, %gather3A_746 : vector<16xf32>
      %add3A_752 = arith.addf %add3A_712, %mul3A_751 : vector<16xf32>
      %broadcast_in_dim3A_753 = arith.constant 56 : i32
      %broadcast_in_dim3A_754 = vector.broadcast %broadcast_in_dim3A_753 : i32 to vector<16xi32>
      %gather3A_755 = tpu.vector_load_idx %arg9[%add3A_192, %broadcast_in_dim3A_754] : memref<512x64xf32, #tpu.memory_space<vmem>>[vector<16xi32>, vector<16xi32>], vector<16xf32>,
      %gather3A_756 = tpu.vector_load_idx %arg10[%add3A_192, %broadcast_in_dim3A_754] : memref<512x64xf32, #tpu.memory_space<vmem>>[vector<16xi32>, vector<16xi32>], vector<16xf32>,
      %mul3A_757 = arith.mulf %gather3A_755, %gather3A_755 : vector<16xf32>
      %add3A_758 = arith.addf %add3A_718, %mul3A_757 : vector<16xf32>
      %mul3A_759 = arith.mulf %gather3A_756, %gather3A_756 : vector<16xf32>
      %add3A_760 = arith.addf %add3A_720, %mul3A_759 : vector<16xf32>
      %mul3A_761 = arith.mulf %gather3A_755, %gather3A_756 : vector<16xf32>
      %add3A_762 = arith.addf %add3A_722, %mul3A_761 : vector<16xf32>
      %broadcast_in_dim3A_763 = arith.constant 57 : i32
      %broadcast_in_dim3A_764 = vector.broadcast %broadcast_in_dim3A_763 : i32 to vector<16xi32>
      %gather3A_765 = tpu.vector_load_idx %arg9[%add3A_192, %broadcast_in_dim3A_764] : memref<512x64xf32, #tpu.memory_space<vmem>>[vector<16xi32>, vector<16xi32>], vector<16xf32>,
      %gather3A_766 = tpu.vector_load_idx %arg10[%add3A_192, %broadcast_in_dim3A_764] : memref<512x64xf32, #tpu.memory_space<vmem>>[vector<16xi32>, vector<16xi32>], vector<16xf32>,
      %mul3A_767 = arith.mulf %gather3A_765, %gather3A_765 : vector<16xf32>
      %add3A_768 = arith.addf %add3A_728, %mul3A_767 : vector<16xf32>
      %mul3A_769 = arith.mulf %gather3A_766, %gather3A_766 : vector<16xf32>
      %add3A_770 = arith.addf %add3A_730, %mul3A_769 : vector<16xf32>
      %mul3A_771 = arith.mulf %gather3A_765, %gather3A_766 : vector<16xf32>
      %add3A_772 = arith.addf %add3A_732, %mul3A_771 : vector<16xf32>
      %broadcast_in_dim3A_773 = arith.constant 58 : i32
      %broadcast_in_dim3A_774 = vector.broadcast %broadcast_in_dim3A_773 : i32 to vector<16xi32>
      %gather3A_775 = tpu.vector_load_idx %arg9[%add3A_192, %broadcast_in_dim3A_774] : memref<512x64xf32, #tpu.memory_space<vmem>>[vector<16xi32>, vector<16xi32>], vector<16xf32>,
      %gather3A_776 = tpu.vector_load_idx %arg10[%add3A_192, %broadcast_in_dim3A_774] : memref<512x64xf32, #tpu.memory_space<vmem>>[vector<16xi32>, vector<16xi32>], vector<16xf32>,
      %mul3A_777 = arith.mulf %gather3A_775, %gather3A_775 : vector<16xf32>
      %add3A_778 = arith.addf %add3A_738, %mul3A_777 : vector<16xf32>
      %mul3A_779 = arith.mulf %gather3A_776, %gather3A_776 : vector<16xf32>
      %add3A_780 = arith.addf %add3A_740, %mul3A_779 : vector<16xf32>
      %mul3A_781 = arith.mulf %gather3A_775, %gather3A_776 : vector<16xf32>
      %add3A_782 = arith.addf %add3A_742, %mul3A_781 : vector<16xf32>
      %broadcast_in_dim3A_783 = arith.constant 59 : i32
      %broadcast_in_dim3A_784 = vector.broadcast %broadcast_in_dim3A_783 : i32 to vector<16xi32>
      %gather3A_785 = tpu.vector_load_idx %arg9[%add3A_192, %broadcast_in_dim3A_784] : memref<512x64xf32, #tpu.memory_space<vmem>>[vector<16xi32>, vector<16xi32>], vector<16xf32>,
      %gather3A_786 = tpu.vector_load_idx %arg10[%add3A_192, %broadcast_in_dim3A_784] : memref<512x64xf32, #tpu.memory_space<vmem>>[vector<16xi32>, vector<16xi32>], vector<16xf32>,
      %mul3A_787 = arith.mulf %gather3A_785, %gather3A_785 : vector<16xf32>
      %add3A_788 = arith.addf %add3A_748, %mul3A_787 : vector<16xf32>
      %mul3A_789 = arith.mulf %gather3A_786, %gather3A_786 : vector<16xf32>
      %add3A_790 = arith.addf %add3A_750, %mul3A_789 : vector<16xf32>
      %mul3A_791 = arith.mulf %gather3A_785, %gather3A_786 : vector<16xf32>
      %add3A_792 = arith.addf %add3A_752, %mul3A_791 : vector<16xf32>
      %broadcast_in_dim3A_793 = arith.constant 60 : i32
      %broadcast_in_dim3A_794 = vector.broadcast %broadcast_in_dim3A_793 : i32 to vector<16xi32>
      %gather3A_795 = tpu.vector_load_idx %arg9[%add3A_192, %broadcast_in_dim3A_794] : memref<512x64xf32, #tpu.memory_space<vmem>>[vector<16xi32>, vector<16xi32>], vector<16xf32>,
      %gather3A_796 = tpu.vector_load_idx %arg10[%add3A_192, %broadcast_in_dim3A_794] : memref<512x64xf32, #tpu.memory_space<vmem>>[vector<16xi32>, vector<16xi32>], vector<16xf32>,
      %mul3A_797 = arith.mulf %gather3A_795, %gather3A_795 : vector<16xf32>
      %add3A_798 = arith.addf %add3A_758, %mul3A_797 : vector<16xf32>
      %mul3A_799 = arith.mulf %gather3A_796, %gather3A_796 : vector<16xf32>
      %add3A_800 = arith.addf %add3A_760, %mul3A_799 : vector<16xf32>
      %mul3A_801 = arith.mulf %gather3A_795, %gather3A_796 : vector<16xf32>
      %add3A_802 = arith.addf %add3A_762, %mul3A_801 : vector<16xf32>
      %broadcast_in_dim3A_803 = arith.constant 61 : i32
      %broadcast_in_dim3A_804 = vector.broadcast %broadcast_in_dim3A_803 : i32 to vector<16xi32>
      %gather3A_805 = tpu.vector_load_idx %arg9[%add3A_192, %broadcast_in_dim3A_804] : memref<512x64xf32, #tpu.memory_space<vmem>>[vector<16xi32>, vector<16xi32>], vector<16xf32>,
      %gather3A_806 = tpu.vector_load_idx %arg10[%add3A_192, %broadcast_in_dim3A_804] : memref<512x64xf32, #tpu.memory_space<vmem>>[vector<16xi32>, vector<16xi32>], vector<16xf32>,
      %mul3A_807 = arith.mulf %gather3A_805, %gather3A_805 : vector<16xf32>
      %add3A_808 = arith.addf %add3A_768, %mul3A_807 : vector<16xf32>
      %mul3A_809 = arith.mulf %gather3A_806, %gather3A_806 : vector<16xf32>
      %add3A_810 = arith.addf %add3A_770, %mul3A_809 : vector<16xf32>
      %mul3A_811 = arith.mulf %gather3A_805, %gather3A_806 : vector<16xf32>
      %add3A_812 = arith.addf %add3A_772, %mul3A_811 : vector<16xf32>
      %broadcast_in_dim3A_813 = arith.constant 62 : i32
      %broadcast_in_dim3A_814 = vector.broadcast %broadcast_in_dim3A_813 : i32 to vector<16xi32>
      %gather3A_815 = tpu.vector_load_idx %arg9[%add3A_192, %broadcast_in_dim3A_814] : memref<512x64xf32, #tpu.memory_space<vmem>>[vector<16xi32>, vector<16xi32>], vector<16xf32>,
      %gather3A_816 = tpu.vector_load_idx %arg10[%add3A_192, %broadcast_in_dim3A_814] : memref<512x64xf32, #tpu.memory_space<vmem>>[vector<16xi32>, vector<16xi32>], vector<16xf32>,
      %mul3A_817 = arith.mulf %gather3A_815, %gather3A_815 : vector<16xf32>
      %add3A_818 = arith.addf %add3A_778, %mul3A_817 : vector<16xf32>
      %mul3A_819 = arith.mulf %gather3A_816, %gather3A_816 : vector<16xf32>
      %add3A_820 = arith.addf %add3A_780, %mul3A_819 : vector<16xf32>
      %mul3A_821 = arith.mulf %gather3A_815, %gather3A_816 : vector<16xf32>
      %add3A_822 = arith.addf %add3A_782, %mul3A_821 : vector<16xf32>
      %broadcast_in_dim3A_823 = arith.constant 63 : i32
      %broadcast_in_dim3A_824 = vector.broadcast %broadcast_in_dim3A_823 : i32 to vector<16xi32>
      %gather3A_825 = tpu.vector_load_idx %arg9[%add3A_192, %broadcast_in_dim3A_824] : memref<512x64xf32, #tpu.memory_space<vmem>>[vector<16xi32>, vector<16xi32>], vector<16xf32>,
      %gather3A_826 = tpu.vector_load_idx %arg10[%add3A_192, %broadcast_in_dim3A_824] : memref<512x64xf32, #tpu.memory_space<vmem>>[vector<16xi32>, vector<16xi32>], vector<16xf32>,
      %mul3A_827 = arith.mulf %gather3A_825, %gather3A_825 : vector<16xf32>
      %add3A_828 = arith.addf %add3A_788, %mul3A_827 : vector<16xf32>
      %mul3A_829 = arith.mulf %gather3A_826, %gather3A_826 : vector<16xf32>
      %add3A_830 = arith.addf %add3A_790, %mul3A_829 : vector<16xf32>
      %mul3A_831 = arith.mulf %gather3A_825, %gather3A_826 : vector<16xf32>
      %add3A_832 = arith.addf %add3A_792, %mul3A_831 : vector<16xf32>
      %add3A_833 = arith.addf %add3A_798, %add3A_808 : vector<16xf32>
      %add3A_834 = arith.addf %add3A_818, %add3A_828 : vector<16xf32>
      %add3A_835 = arith.addf %add3A_833, %add3A_834 : vector<16xf32>
      %add3A_836 = arith.addf %add3A_800, %add3A_810 : vector<16xf32>
      %add3A_837 = arith.addf %add3A_820, %add3A_830 : vector<16xf32>
      %add3A_838 = arith.addf %add3A_836, %add3A_837 : vector<16xf32>
      %add3A_839 = arith.addf %add3A_802, %add3A_812 : vector<16xf32>
      %add3A_840 = arith.addf %add3A_822, %add3A_832 : vector<16xf32>
      %add3A_841 = arith.addf %add3A_839, %add3A_840 : vector<16xf32>
      %ge3A = arith.constant 1.000000e-24 : f32
      %ge3A_842 = vector.broadcast %ge3A : f32 to vector<16xf32>
      %ge3A_843 = arith.cmpf oge, %add3A_835, %ge3A_842 : vector<16xf32>
      %bitcast3A = vector.bitcast %add3A_835 : vector<16xf32> to vector<16xi32>
      %shift_right_arithmetic3A = arith.constant 1 : i32
      %shift_right_arithmetic3A_844 = vector.broadcast %shift_right_arithmetic3A : i32 to vector<16xi32>
      %shift_right_arithmetic3A_845 = arith.shrsi %bitcast3A, %shift_right_arithmetic3A_844 : vector<16xi32>
      %sub3A = arith.constant 1597463007 : i32
      %sub3A_846 = vector.broadcast %sub3A : i32 to vector<16xi32>
      %sub3A_847 = arith.subi %sub3A_846, %shift_right_arithmetic3A_845 : vector<16xi32>
      %bitcast3A_848 = vector.bitcast %sub3A_847 : vector<16xi32> to vector<16xf32>
      %mul3A_849 = arith.constant 5.000000e-01 : f32
      %mul3A_850 = vector.broadcast %mul3A_849 : f32 to vector<16xf32>
      %mul3A_851 = arith.mulf %mul3A_850, %add3A_835 : vector<16xf32>
      %mul3A_852 = arith.mulf %mul3A_851, %bitcast3A_848 : vector<16xf32>
      %mul3A_853 = arith.mulf %mul3A_852, %bitcast3A_848 : vector<16xf32>
      %sub3A_854 = arith.constant 1.500000e+00 : f32
      %sub3A_855 = vector.broadcast %sub3A_854 : f32 to vector<16xf32>
      %sub3A_856 = arith.subf %sub3A_855, %mul3A_853 : vector<16xf32>
      %mul3A_857 = arith.mulf %bitcast3A_848, %sub3A_856 : vector<16xf32>
      %mul3A_858 = arith.constant 5.000000e-01 : f32
      %mul3A_859 = vector.broadcast %mul3A_858 : f32 to vector<16xf32>
      %mul3A_860 = arith.mulf %mul3A_859, %add3A_835 : vector<16xf32>
      %mul3A_861 = arith.mulf %mul3A_860, %mul3A_857 : vector<16xf32>
      %mul3A_862 = arith.mulf %mul3A_861, %mul3A_857 : vector<16xf32>
      %sub3A_863 = arith.constant 1.500000e+00 : f32
      %sub3A_864 = vector.broadcast %sub3A_863 : f32 to vector<16xf32>
      %sub3A_865 = arith.subf %sub3A_864, %mul3A_862 : vector<16xf32>
      %mul3A_866 = arith.mulf %mul3A_857, %sub3A_865 : vector<16xf32>
      %jit3A = arith.constant 9.99999995E+11 : f32
      %broadcast_in_dim3A_867 = vector.broadcast %jit3A : f32 to vector<16xf32>
      %select_n3A = arith.select %ge3A_843, %mul3A_866, %broadcast_in_dim3A_867 : vector<16xi1>, vector<16xf32>
      %ge3A_868 = arith.constant 1.000000e-24 : f32
      %ge3A_869 = vector.broadcast %ge3A_868 : f32 to vector<16xf32>
      %ge3A_870 = arith.cmpf oge, %add3A_838, %ge3A_869 : vector<16xf32>
      %bitcast3A_871 = vector.bitcast %add3A_838 : vector<16xf32> to vector<16xi32>
      %shift_right_arithmetic3A_872 = arith.constant 1 : i32
      %shift_right_arithmetic3A_873 = vector.broadcast %shift_right_arithmetic3A_872 : i32 to vector<16xi32>
      %shift_right_arithmetic3A_874 = arith.shrsi %bitcast3A_871, %shift_right_arithmetic3A_873 : vector<16xi32>
      %sub3A_875 = arith.constant 1597463007 : i32
      %sub3A_876 = vector.broadcast %sub3A_875 : i32 to vector<16xi32>
      %sub3A_877 = arith.subi %sub3A_876, %shift_right_arithmetic3A_874 : vector<16xi32>
      %bitcast3A_878 = vector.bitcast %sub3A_877 : vector<16xi32> to vector<16xf32>
      %mul3A_879 = arith.constant 5.000000e-01 : f32
      %mul3A_880 = vector.broadcast %mul3A_879 : f32 to vector<16xf32>
      %mul3A_881 = arith.mulf %mul3A_880, %add3A_838 : vector<16xf32>
      %mul3A_882 = arith.mulf %mul3A_881, %bitcast3A_878 : vector<16xf32>
      %mul3A_883 = arith.mulf %mul3A_882, %bitcast3A_878 : vector<16xf32>
      %sub3A_884 = arith.constant 1.500000e+00 : f32
      %sub3A_885 = vector.broadcast %sub3A_884 : f32 to vector<16xf32>
      %sub3A_886 = arith.subf %sub3A_885, %mul3A_883 : vector<16xf32>
      %mul3A_887 = arith.mulf %bitcast3A_878, %sub3A_886 : vector<16xf32>
      %mul3A_888 = arith.constant 5.000000e-01 : f32
      %mul3A_889 = vector.broadcast %mul3A_888 : f32 to vector<16xf32>
      %mul3A_890 = arith.mulf %mul3A_889, %add3A_838 : vector<16xf32>
      %mul3A_891 = arith.mulf %mul3A_890, %mul3A_887 : vector<16xf32>
      %mul3A_892 = arith.mulf %mul3A_891, %mul3A_887 : vector<16xf32>
      %sub3A_893 = arith.constant 1.500000e+00 : f32
      %sub3A_894 = vector.broadcast %sub3A_893 : f32 to vector<16xf32>
      %sub3A_895 = arith.subf %sub3A_894, %mul3A_892 : vector<16xf32>
      %mul3A_896 = arith.mulf %mul3A_887, %sub3A_895 : vector<16xf32>
      %jit3A_897 = arith.constant 9.99999995E+11 : f32
      %broadcast_in_dim3A_898 = vector.broadcast %jit3A_897 : f32 to vector<16xf32>
      %select_n3A_899 = arith.select %ge3A_870, %mul3A_896, %broadcast_in_dim3A_898 : vector<16xi1>, vector<16xf32>
      %mul3A_900 = arith.mulf %add3A_835, %select_n3A : vector<16xf32>
      %mul3A_901 = arith.mulf %mul3A_900, %select_n3A : vector<16xf32>
      %mul3A_902 = arith.mulf %add3A_838, %select_n3A_899 : vector<16xf32>
      %mul3A_903 = arith.mulf %mul3A_902, %select_n3A_899 : vector<16xf32>
      %add3A_904 = arith.addf %mul3A_901, %mul3A_903 : vector<16xf32>
      %mul3A_905 = arith.constant 2.000000e+00 : f32
      %mul3A_906 = vector.broadcast %mul3A_905 : f32 to vector<16xf32>
      %mul3A_907 = arith.mulf %mul3A_906, %add3A_841 : vector<16xf32>
      %mul3A_908 = arith.mulf %mul3A_907, %select_n3A : vector<16xf32>
      %mul3A_909 = arith.mulf %mul3A_908, %select_n3A_899 : vector<16xf32>
      %sub3A_910 = arith.subf %add3A_904, %mul3A_909 : vector<16xf32>
      %max3A = arith.constant 0.000000e+00 : f32
      %max3A_911 = vector.broadcast %max3A : f32 to vector<16xf32>
      %max3A_912 = arith.maximumf %sub3A_910, %max3A_911 : vector<16xf32>
      %bitcast3A_913 = vector.bitcast %max3A_912 : vector<16xf32> to vector<16xi32>
      %shift_right_arithmetic3A_914 = arith.constant 1 : i32
      %shift_right_arithmetic3A_915 = vector.broadcast %shift_right_arithmetic3A_914 : i32 to vector<16xi32>
      %shift_right_arithmetic3A_916 = arith.shrsi %bitcast3A_913, %shift_right_arithmetic3A_915 : vector<16xi32>
      %sub3A_917 = arith.constant 1597463007 : i32
      %sub3A_918 = vector.broadcast %sub3A_917 : i32 to vector<16xi32>
      %sub3A_919 = arith.subi %sub3A_918, %shift_right_arithmetic3A_916 : vector<16xi32>
      %bitcast3A_920 = vector.bitcast %sub3A_919 : vector<16xi32> to vector<16xf32>
      %mul3A_921 = arith.constant 5.000000e-01 : f32
      %mul3A_922 = vector.broadcast %mul3A_921 : f32 to vector<16xf32>
      %mul3A_923 = arith.mulf %mul3A_922, %max3A_912 : vector<16xf32>
      %mul3A_924 = arith.mulf %mul3A_923, %bitcast3A_920 : vector<16xf32>
      %mul3A_925 = arith.mulf %mul3A_924, %bitcast3A_920 : vector<16xf32>
      %sub3A_926 = arith.constant 1.500000e+00 : f32
      %sub3A_927 = vector.broadcast %sub3A_926 : f32 to vector<16xf32>
      %sub3A_928 = arith.subf %sub3A_927, %mul3A_925 : vector<16xf32>
      %mul3A_929 = arith.mulf %bitcast3A_920, %sub3A_928 : vector<16xf32>
      %mul3A_930 = arith.constant 5.000000e-01 : f32
      %mul3A_931 = vector.broadcast %mul3A_930 : f32 to vector<16xf32>
      %mul3A_932 = arith.mulf %mul3A_931, %max3A_912 : vector<16xf32>
      %mul3A_933 = arith.mulf %mul3A_932, %mul3A_929 : vector<16xf32>
      %mul3A_934 = arith.mulf %mul3A_933, %mul3A_929 : vector<16xf32>
      %sub3A_935 = arith.constant 1.500000e+00 : f32
      %sub3A_936 = vector.broadcast %sub3A_935 : f32 to vector<16xf32>
      %sub3A_937 = arith.subf %sub3A_936, %mul3A_934 : vector<16xf32>
      %mul3A_938 = arith.mulf %mul3A_929, %sub3A_937 : vector<16xf32>
      %mul3A_939 = arith.mulf %max3A_912, %mul3A_938 : vector<16xf32>
      %neg3A = arith.constant 0.000000e+00 : f32
      %neg3A_940 = vector.broadcast %neg3A : f32 to vector<16xf32>
      %neg3A_941 = arith.subf %neg3A_940, %mul3A_939 : vector<16xf32>
      %mul3A_942 = arith.constant 16 : i32
      %mul3A_943 = arith.muli %scan3A_188, %mul3A_942 : i32
      %swap3A = arith.index_cast %mul3A_943 : i32 to index
      %swap3A_944 = tpu.vector_load %arg11[%swap3A] {strides = array<i32>} : memref<512xf32, #tpu.memory_space<vmem>>, vector<16xf32>,
      tpu.vector_store %arg11[%swap3A], %neg3A_941 {strides = array<i32>} : memref<512xf32, #tpu.memory_space<vmem>>, vector<16xf32>,
    }
    %scan3A_161 = arith.constant 8 : i32
    %dma_wait3A_162 = arith.constant 3 : i32
    %dma_wait3A_163 = arith.constant 384 : i32
    %dma_wait3A_164 = arith.constant 0 : i32
    %dma_wait3A_165 = tpu.memref_slice %arg9[%dma_wait3A_163, %dma_wait3A_164] : memref<512x64xf32, #tpu.memory_space<vmem>> -> memref<128x64xf32, #tpu.memory_space<vmem>>
    %dma_wait3A_166 = arith.constant 0 : i32
    %dma_wait3A_167 = tpu.memref_slice %arg7[%dma_wait3A_162, %dma_wait3A_166] : memref<4x128xi32, #tpu.memory_space<vmem>> -> memref<1x128xi32, #tpu.memory_space<vmem>>
    %dma_wait3A_168 = tpu.memref_squeeze %dma_wait3A_167 : memref<1x128xi32, #tpu.memory_space<vmem>> -> memref<128xi32, #tpu.memory_space<vmem>>
    %dma_wait3A_169 = arith.constant 0 : i32
    %dma_wait3A_170 = arith.constant 0 : i32
    %dma_wait3A_171 = tpu.memref_slice %arg4[%dma_wait3A_169, %dma_wait3A_170] : memref<1000000x64xf32, #tpu.memory_space<hbm>> -> memref<1000000x64xf32, #tpu.memory_space<hbm>>
    tpu.wait_indirect_dma semaphore(%arg18 : memref<!tpu.dma_semaphore, #tpu.memory_space<semaphore_mem>>) src(%dma_wait3A_171 : memref<1000000x64xf32, #tpu.memory_space<hbm>>) dst(%dma_wait3A_165 : memref<128x64xf32, #tpu.memory_space<vmem>>)
    %dma_wait3A_172 = arith.constant 3 : i32
    %dma_wait3A_173 = arith.constant 384 : i32
    %dma_wait3A_174 = arith.constant 0 : i32
    %dma_wait3A_175 = tpu.memref_slice %arg10[%dma_wait3A_173, %dma_wait3A_174] : memref<512x64xf32, #tpu.memory_space<vmem>> -> memref<128x64xf32, #tpu.memory_space<vmem>>
    %dma_wait3A_176 = arith.constant 0 : i32
    %dma_wait3A_177 = tpu.memref_slice %arg8[%dma_wait3A_172, %dma_wait3A_176] : memref<4x128xi32, #tpu.memory_space<vmem>> -> memref<1x128xi32, #tpu.memory_space<vmem>>
    %dma_wait3A_178 = tpu.memref_squeeze %dma_wait3A_177 : memref<1x128xi32, #tpu.memory_space<vmem>> -> memref<128xi32, #tpu.memory_space<vmem>>
    %dma_wait3A_179 = arith.constant 0 : i32
    %dma_wait3A_180 = arith.constant 0 : i32
    %dma_wait3A_181 = tpu.memref_slice %arg5[%dma_wait3A_179, %dma_wait3A_180] : memref<100000x64xf32, #tpu.memory_space<hbm>> -> memref<100000x64xf32, #tpu.memory_space<hbm>>
    tpu.wait_indirect_dma semaphore(%arg19 : memref<!tpu.dma_semaphore, #tpu.memory_space<semaphore_mem>>) src(%dma_wait3A_181 : memref<100000x64xf32, #tpu.memory_space<hbm>>) dst(%dma_wait3A_175 : memref<128x64xf32, #tpu.memory_space<vmem>>)
    %scan3A_182 = arith.constant 0 : i32
    %scan3A_183 = arith.constant 24 : i32
    %scan3A_184 = arith.constant 8 : i32
    %scan3A_185 = arith.addi %scan3A_183, %scan3A_184 : i32
    %scan3A_186 = arith.constant 1 : i32
    scf.for %scan3A_188 = %scan3A_183 to %scan3A_185 step %scan3A_186  : i32 {
      %mul3A_189 = arith.constant 16 : i32
      %mul3A_190 = arith.muli %scan3A_188, %mul3A_189 : i32
      %add3A_191 = vector.broadcast %mul3A_190 : i32 to vector<16xi32>
      %add3A_192 = arith.addi %add3A_191, %iota3A : vector<16xi32>
      %broadcast_in_dim3A = arith.constant 0.000000e+00 : f32
      %broadcast_in_dim3A_193 = vector.broadcast %broadcast_in_dim3A : f32 to vector<16xf32>
      %broadcast_in_dim3A_194 = arith.constant 0 : i32
      %broadcast_in_dim3A_195 = vector.broadcast %broadcast_in_dim3A_194 : i32 to vector<16xi32>
      %gather3A = tpu.vector_load_idx %arg9[%add3A_192, %broadcast_in_dim3A_195] : memref<512x64xf32, #tpu.memory_space<vmem>>[vector<16xi32>, vector<16xi32>], vector<16xf32>,
      %gather3A_196 = tpu.vector_load_idx %arg10[%add3A_192, %broadcast_in_dim3A_195] : memref<512x64xf32, #tpu.memory_space<vmem>>[vector<16xi32>, vector<16xi32>], vector<16xf32>,
      %mul3A_197 = arith.mulf %gather3A, %gather3A : vector<16xf32>
      %add3A_198 = arith.addf %broadcast_in_dim3A_193, %mul3A_197 : vector<16xf32>
      %mul3A_199 = arith.mulf %gather3A_196, %gather3A_196 : vector<16xf32>
      %add3A_200 = arith.addf %broadcast_in_dim3A_193, %mul3A_199 : vector<16xf32>
      %mul3A_201 = arith.mulf %gather3A, %gather3A_196 : vector<16xf32>
      %add3A_202 = arith.addf %broadcast_in_dim3A_193, %mul3A_201 : vector<16xf32>
      %broadcast_in_dim3A_203 = arith.constant 1 : i32
      %broadcast_in_dim3A_204 = vector.broadcast %broadcast_in_dim3A_203 : i32 to vector<16xi32>
      %gather3A_205 = tpu.vector_load_idx %arg9[%add3A_192, %broadcast_in_dim3A_204] : memref<512x64xf32, #tpu.memory_space<vmem>>[vector<16xi32>, vector<16xi32>], vector<16xf32>,
      %gather3A_206 = tpu.vector_load_idx %arg10[%add3A_192, %broadcast_in_dim3A_204] : memref<512x64xf32, #tpu.memory_space<vmem>>[vector<16xi32>, vector<16xi32>], vector<16xf32>,
      %mul3A_207 = arith.mulf %gather3A_205, %gather3A_205 : vector<16xf32>
      %add3A_208 = arith.addf %broadcast_in_dim3A_193, %mul3A_207 : vector<16xf32>
      %mul3A_209 = arith.mulf %gather3A_206, %gather3A_206 : vector<16xf32>
      %add3A_210 = arith.addf %broadcast_in_dim3A_193, %mul3A_209 : vector<16xf32>
      %mul3A_211 = arith.mulf %gather3A_205, %gather3A_206 : vector<16xf32>
      %add3A_212 = arith.addf %broadcast_in_dim3A_193, %mul3A_211 : vector<16xf32>
      %broadcast_in_dim3A_213 = arith.constant 2 : i32
      %broadcast_in_dim3A_214 = vector.broadcast %broadcast_in_dim3A_213 : i32 to vector<16xi32>
      %gather3A_215 = tpu.vector_load_idx %arg9[%add3A_192, %broadcast_in_dim3A_214] : memref<512x64xf32, #tpu.memory_space<vmem>>[vector<16xi32>, vector<16xi32>], vector<16xf32>,
      %gather3A_216 = tpu.vector_load_idx %arg10[%add3A_192, %broadcast_in_dim3A_214] : memref<512x64xf32, #tpu.memory_space<vmem>>[vector<16xi32>, vector<16xi32>], vector<16xf32>,
      %mul3A_217 = arith.mulf %gather3A_215, %gather3A_215 : vector<16xf32>
      %add3A_218 = arith.addf %broadcast_in_dim3A_193, %mul3A_217 : vector<16xf32>
      %mul3A_219 = arith.mulf %gather3A_216, %gather3A_216 : vector<16xf32>
      %add3A_220 = arith.addf %broadcast_in_dim3A_193, %mul3A_219 : vector<16xf32>
      %mul3A_221 = arith.mulf %gather3A_215, %gather3A_216 : vector<16xf32>
      %add3A_222 = arith.addf %broadcast_in_dim3A_193, %mul3A_221 : vector<16xf32>
      %broadcast_in_dim3A_223 = arith.constant 3 : i32
      %broadcast_in_dim3A_224 = vector.broadcast %broadcast_in_dim3A_223 : i32 to vector<16xi32>
      %gather3A_225 = tpu.vector_load_idx %arg9[%add3A_192, %broadcast_in_dim3A_224] : memref<512x64xf32, #tpu.memory_space<vmem>>[vector<16xi32>, vector<16xi32>], vector<16xf32>,
      %gather3A_226 = tpu.vector_load_idx %arg10[%add3A_192, %broadcast_in_dim3A_224] : memref<512x64xf32, #tpu.memory_space<vmem>>[vector<16xi32>, vector<16xi32>], vector<16xf32>,
      %mul3A_227 = arith.mulf %gather3A_225, %gather3A_225 : vector<16xf32>
      %add3A_228 = arith.addf %broadcast_in_dim3A_193, %mul3A_227 : vector<16xf32>
      %mul3A_229 = arith.mulf %gather3A_226, %gather3A_226 : vector<16xf32>
      %add3A_230 = arith.addf %broadcast_in_dim3A_193, %mul3A_229 : vector<16xf32>
      %mul3A_231 = arith.mulf %gather3A_225, %gather3A_226 : vector<16xf32>
      %add3A_232 = arith.addf %broadcast_in_dim3A_193, %mul3A_231 : vector<16xf32>
      %broadcast_in_dim3A_233 = arith.constant 4 : i32
      %broadcast_in_dim3A_234 = vector.broadcast %broadcast_in_dim3A_233 : i32 to vector<16xi32>
      %gather3A_235 = tpu.vector_load_idx %arg9[%add3A_192, %broadcast_in_dim3A_234] : memref<512x64xf32, #tpu.memory_space<vmem>>[vector<16xi32>, vector<16xi32>], vector<16xf32>,
      %gather3A_236 = tpu.vector_load_idx %arg10[%add3A_192, %broadcast_in_dim3A_234] : memref<512x64xf32, #tpu.memory_space<vmem>>[vector<16xi32>, vector<16xi32>], vector<16xf32>,
      %mul3A_237 = arith.mulf %gather3A_235, %gather3A_235 : vector<16xf32>
      %add3A_238 = arith.addf %add3A_198, %mul3A_237 : vector<16xf32>
      %mul3A_239 = arith.mulf %gather3A_236, %gather3A_236 : vector<16xf32>
      %add3A_240 = arith.addf %add3A_200, %mul3A_239 : vector<16xf32>
      %mul3A_241 = arith.mulf %gather3A_235, %gather3A_236 : vector<16xf32>
      %add3A_242 = arith.addf %add3A_202, %mul3A_241 : vector<16xf32>
      %broadcast_in_dim3A_243 = arith.constant 5 : i32
      %broadcast_in_dim3A_244 = vector.broadcast %broadcast_in_dim3A_243 : i32 to vector<16xi32>
      %gather3A_245 = tpu.vector_load_idx %arg9[%add3A_192, %broadcast_in_dim3A_244] : memref<512x64xf32, #tpu.memory_space<vmem>>[vector<16xi32>, vector<16xi32>], vector<16xf32>,
      %gather3A_246 = tpu.vector_load_idx %arg10[%add3A_192, %broadcast_in_dim3A_244] : memref<512x64xf32, #tpu.memory_space<vmem>>[vector<16xi32>, vector<16xi32>], vector<16xf32>,
      %mul3A_247 = arith.mulf %gather3A_245, %gather3A_245 : vector<16xf32>
      %add3A_248 = arith.addf %add3A_208, %mul3A_247 : vector<16xf32>
      %mul3A_249 = arith.mulf %gather3A_246, %gather3A_246 : vector<16xf32>
      %add3A_250 = arith.addf %add3A_210, %mul3A_249 : vector<16xf32>
      %mul3A_251 = arith.mulf %gather3A_245, %gather3A_246 : vector<16xf32>
      %add3A_252 = arith.addf %add3A_212, %mul3A_251 : vector<16xf32>
      %broadcast_in_dim3A_253 = arith.constant 6 : i32
      %broadcast_in_dim3A_254 = vector.broadcast %broadcast_in_dim3A_253 : i32 to vector<16xi32>
      %gather3A_255 = tpu.vector_load_idx %arg9[%add3A_192, %broadcast_in_dim3A_254] : memref<512x64xf32, #tpu.memory_space<vmem>>[vector<16xi32>, vector<16xi32>], vector<16xf32>,
      %gather3A_256 = tpu.vector_load_idx %arg10[%add3A_192, %broadcast_in_dim3A_254] : memref<512x64xf32, #tpu.memory_space<vmem>>[vector<16xi32>, vector<16xi32>], vector<16xf32>,
      %mul3A_257 = arith.mulf %gather3A_255, %gather3A_255 : vector<16xf32>
      %add3A_258 = arith.addf %add3A_218, %mul3A_257 : vector<16xf32>
      %mul3A_259 = arith.mulf %gather3A_256, %gather3A_256 : vector<16xf32>
      %add3A_260 = arith.addf %add3A_220, %mul3A_259 : vector<16xf32>
      %mul3A_261 = arith.mulf %gather3A_255, %gather3A_256 : vector<16xf32>
      %add3A_262 = arith.addf %add3A_222, %mul3A_261 : vector<16xf32>
      %broadcast_in_dim3A_263 = arith.constant 7 : i32
      %broadcast_in_dim3A_264 = vector.broadcast %broadcast_in_dim3A_263 : i32 to vector<16xi32>
      %gather3A_265 = tpu.vector_load_idx %arg9[%add3A_192, %broadcast_in_dim3A_264] : memref<512x64xf32, #tpu.memory_space<vmem>>[vector<16xi32>, vector<16xi32>], vector<16xf32>,
      %gather3A_266 = tpu.vector_load_idx %arg10[%add3A_192, %broadcast_in_dim3A_264] : memref<512x64xf32, #tpu.memory_space<vmem>>[vector<16xi32>, vector<16xi32>], vector<16xf32>,
      %mul3A_267 = arith.mulf %gather3A_265, %gather3A_265 : vector<16xf32>
      %add3A_268 = arith.addf %add3A_228, %mul3A_267 : vector<16xf32>
      %mul3A_269 = arith.mulf %gather3A_266, %gather3A_266 : vector<16xf32>
      %add3A_270 = arith.addf %add3A_230, %mul3A_269 : vector<16xf32>
      %mul3A_271 = arith.mulf %gather3A_265, %gather3A_266 : vector<16xf32>
      %add3A_272 = arith.addf %add3A_232, %mul3A_271 : vector<16xf32>
      %broadcast_in_dim3A_273 = arith.constant 8 : i32
      %broadcast_in_dim3A_274 = vector.broadcast %broadcast_in_dim3A_273 : i32 to vector<16xi32>
      %gather3A_275 = tpu.vector_load_idx %arg9[%add3A_192, %broadcast_in_dim3A_274] : memref<512x64xf32, #tpu.memory_space<vmem>>[vector<16xi32>, vector<16xi32>], vector<16xf32>,
      %gather3A_276 = tpu.vector_load_idx %arg10[%add3A_192, %broadcast_in_dim3A_274] : memref<512x64xf32, #tpu.memory_space<vmem>>[vector<16xi32>, vector<16xi32>], vector<16xf32>,
      %mul3A_277 = arith.mulf %gather3A_275, %gather3A_275 : vector<16xf32>
      %add3A_278 = arith.addf %add3A_238, %mul3A_277 : vector<16xf32>
      %mul3A_279 = arith.mulf %gather3A_276, %gather3A_276 : vector<16xf32>
      %add3A_280 = arith.addf %add3A_240, %mul3A_279 : vector<16xf32>
      %mul3A_281 = arith.mulf %gather3A_275, %gather3A_276 : vector<16xf32>
      %add3A_282 = arith.addf %add3A_242, %mul3A_281 : vector<16xf32>
      %broadcast_in_dim3A_283 = arith.constant 9 : i32
      %broadcast_in_dim3A_284 = vector.broadcast %broadcast_in_dim3A_283 : i32 to vector<16xi32>
      %gather3A_285 = tpu.vector_load_idx %arg9[%add3A_192, %broadcast_in_dim3A_284] : memref<512x64xf32, #tpu.memory_space<vmem>>[vector<16xi32>, vector<16xi32>], vector<16xf32>,
      %gather3A_286 = tpu.vector_load_idx %arg10[%add3A_192, %broadcast_in_dim3A_284] : memref<512x64xf32, #tpu.memory_space<vmem>>[vector<16xi32>, vector<16xi32>], vector<16xf32>,
      %mul3A_287 = arith.mulf %gather3A_285, %gather3A_285 : vector<16xf32>
      %add3A_288 = arith.addf %add3A_248, %mul3A_287 : vector<16xf32>
      %mul3A_289 = arith.mulf %gather3A_286, %gather3A_286 : vector<16xf32>
      %add3A_290 = arith.addf %add3A_250, %mul3A_289 : vector<16xf32>
      %mul3A_291 = arith.mulf %gather3A_285, %gather3A_286 : vector<16xf32>
      %add3A_292 = arith.addf %add3A_252, %mul3A_291 : vector<16xf32>
      %broadcast_in_dim3A_293 = arith.constant 10 : i32
      %broadcast_in_dim3A_294 = vector.broadcast %broadcast_in_dim3A_293 : i32 to vector<16xi32>
      %gather3A_295 = tpu.vector_load_idx %arg9[%add3A_192, %broadcast_in_dim3A_294] : memref<512x64xf32, #tpu.memory_space<vmem>>[vector<16xi32>, vector<16xi32>], vector<16xf32>,
      %gather3A_296 = tpu.vector_load_idx %arg10[%add3A_192, %broadcast_in_dim3A_294] : memref<512x64xf32, #tpu.memory_space<vmem>>[vector<16xi32>, vector<16xi32>], vector<16xf32>,
      %mul3A_297 = arith.mulf %gather3A_295, %gather3A_295 : vector<16xf32>
      %add3A_298 = arith.addf %add3A_258, %mul3A_297 : vector<16xf32>
      %mul3A_299 = arith.mulf %gather3A_296, %gather3A_296 : vector<16xf32>
      %add3A_300 = arith.addf %add3A_260, %mul3A_299 : vector<16xf32>
      %mul3A_301 = arith.mulf %gather3A_295, %gather3A_296 : vector<16xf32>
      %add3A_302 = arith.addf %add3A_262, %mul3A_301 : vector<16xf32>
      %broadcast_in_dim3A_303 = arith.constant 11 : i32
      %broadcast_in_dim3A_304 = vector.broadcast %broadcast_in_dim3A_303 : i32 to vector<16xi32>
      %gather3A_305 = tpu.vector_load_idx %arg9[%add3A_192, %broadcast_in_dim3A_304] : memref<512x64xf32, #tpu.memory_space<vmem>>[vector<16xi32>, vector<16xi32>], vector<16xf32>,
      %gather3A_306 = tpu.vector_load_idx %arg10[%add3A_192, %broadcast_in_dim3A_304] : memref<512x64xf32, #tpu.memory_space<vmem>>[vector<16xi32>, vector<16xi32>], vector<16xf32>,
      %mul3A_307 = arith.mulf %gather3A_305, %gather3A_305 : vector<16xf32>
      %add3A_308 = arith.addf %add3A_268, %mul3A_307 : vector<16xf32>
      %mul3A_309 = arith.mulf %gather3A_306, %gather3A_306 : vector<16xf32>
      %add3A_310 = arith.addf %add3A_270, %mul3A_309 : vector<16xf32>
      %mul3A_311 = arith.mulf %gather3A_305, %gather3A_306 : vector<16xf32>
      %add3A_312 = arith.addf %add3A_272, %mul3A_311 : vector<16xf32>
      %broadcast_in_dim3A_313 = arith.constant 12 : i32
      %broadcast_in_dim3A_314 = vector.broadcast %broadcast_in_dim3A_313 : i32 to vector<16xi32>
      %gather3A_315 = tpu.vector_load_idx %arg9[%add3A_192, %broadcast_in_dim3A_314] : memref<512x64xf32, #tpu.memory_space<vmem>>[vector<16xi32>, vector<16xi32>], vector<16xf32>,
      %gather3A_316 = tpu.vector_load_idx %arg10[%add3A_192, %broadcast_in_dim3A_314] : memref<512x64xf32, #tpu.memory_space<vmem>>[vector<16xi32>, vector<16xi32>], vector<16xf32>,
      %mul3A_317 = arith.mulf %gather3A_315, %gather3A_315 : vector<16xf32>
      %add3A_318 = arith.addf %add3A_278, %mul3A_317 : vector<16xf32>
      %mul3A_319 = arith.mulf %gather3A_316, %gather3A_316 : vector<16xf32>
      %add3A_320 = arith.addf %add3A_280, %mul3A_319 : vector<16xf32>
      %mul3A_321 = arith.mulf %gather3A_315, %gather3A_316 : vector<16xf32>
      %add3A_322 = arith.addf %add3A_282, %mul3A_321 : vector<16xf32>
      %broadcast_in_dim3A_323 = arith.constant 13 : i32
      %broadcast_in_dim3A_324 = vector.broadcast %broadcast_in_dim3A_323 : i32 to vector<16xi32>
      %gather3A_325 = tpu.vector_load_idx %arg9[%add3A_192, %broadcast_in_dim3A_324] : memref<512x64xf32, #tpu.memory_space<vmem>>[vector<16xi32>, vector<16xi32>], vector<16xf32>,
      %gather3A_326 = tpu.vector_load_idx %arg10[%add3A_192, %broadcast_in_dim3A_324] : memref<512x64xf32, #tpu.memory_space<vmem>>[vector<16xi32>, vector<16xi32>], vector<16xf32>,
      %mul3A_327 = arith.mulf %gather3A_325, %gather3A_325 : vector<16xf32>
      %add3A_328 = arith.addf %add3A_288, %mul3A_327 : vector<16xf32>
      %mul3A_329 = arith.mulf %gather3A_326, %gather3A_326 : vector<16xf32>
      %add3A_330 = arith.addf %add3A_290, %mul3A_329 : vector<16xf32>
      %mul3A_331 = arith.mulf %gather3A_325, %gather3A_326 : vector<16xf32>
      %add3A_332 = arith.addf %add3A_292, %mul3A_331 : vector<16xf32>
      %broadcast_in_dim3A_333 = arith.constant 14 : i32
      %broadcast_in_dim3A_334 = vector.broadcast %broadcast_in_dim3A_333 : i32 to vector<16xi32>
      %gather3A_335 = tpu.vector_load_idx %arg9[%add3A_192, %broadcast_in_dim3A_334] : memref<512x64xf32, #tpu.memory_space<vmem>>[vector<16xi32>, vector<16xi32>], vector<16xf32>,
      %gather3A_336 = tpu.vector_load_idx %arg10[%add3A_192, %broadcast_in_dim3A_334] : memref<512x64xf32, #tpu.memory_space<vmem>>[vector<16xi32>, vector<16xi32>], vector<16xf32>,
      %mul3A_337 = arith.mulf %gather3A_335, %gather3A_335 : vector<16xf32>
      %add3A_338 = arith.addf %add3A_298, %mul3A_337 : vector<16xf32>
      %mul3A_339 = arith.mulf %gather3A_336, %gather3A_336 : vector<16xf32>
      %add3A_340 = arith.addf %add3A_300, %mul3A_339 : vector<16xf32>
      %mul3A_341 = arith.mulf %gather3A_335, %gather3A_336 : vector<16xf32>
      %add3A_342 = arith.addf %add3A_302, %mul3A_341 : vector<16xf32>
      %broadcast_in_dim3A_343 = arith.constant 15 : i32
      %broadcast_in_dim3A_344 = vector.broadcast %broadcast_in_dim3A_343 : i32 to vector<16xi32>
      %gather3A_345 = tpu.vector_load_idx %arg9[%add3A_192, %broadcast_in_dim3A_344] : memref<512x64xf32, #tpu.memory_space<vmem>>[vector<16xi32>, vector<16xi32>], vector<16xf32>,
      %gather3A_346 = tpu.vector_load_idx %arg10[%add3A_192, %broadcast_in_dim3A_344] : memref<512x64xf32, #tpu.memory_space<vmem>>[vector<16xi32>, vector<16xi32>], vector<16xf32>,
      %mul3A_347 = arith.mulf %gather3A_345, %gather3A_345 : vector<16xf32>
      %add3A_348 = arith.addf %add3A_308, %mul3A_347 : vector<16xf32>
      %mul3A_349 = arith.mulf %gather3A_346, %gather3A_346 : vector<16xf32>
      %add3A_350 = arith.addf %add3A_310, %mul3A_349 : vector<16xf32>
      %mul3A_351 = arith.mulf %gather3A_345, %gather3A_346 : vector<16xf32>
      %add3A_352 = arith.addf %add3A_312, %mul3A_351 : vector<16xf32>
      %broadcast_in_dim3A_353 = arith.constant 16 : i32
      %broadcast_in_dim3A_354 = vector.broadcast %broadcast_in_dim3A_353 : i32 to vector<16xi32>
      %gather3A_355 = tpu.vector_load_idx %arg9[%add3A_192, %broadcast_in_dim3A_354] : memref<512x64xf32, #tpu.memory_space<vmem>>[vector<16xi32>, vector<16xi32>], vector<16xf32>,
      %gather3A_356 = tpu.vector_load_idx %arg10[%add3A_192, %broadcast_in_dim3A_354] : memref<512x64xf32, #tpu.memory_space<vmem>>[vector<16xi32>, vector<16xi32>], vector<16xf32>,
      %mul3A_357 = arith.mulf %gather3A_355, %gather3A_355 : vector<16xf32>
      %add3A_358 = arith.addf %add3A_318, %mul3A_357 : vector<16xf32>
      %mul3A_359 = arith.mulf %gather3A_356, %gather3A_356 : vector<16xf32>
      %add3A_360 = arith.addf %add3A_320, %mul3A_359 : vector<16xf32>
      %mul3A_361 = arith.mulf %gather3A_355, %gather3A_356 : vector<16xf32>
      %add3A_362 = arith.addf %add3A_322, %mul3A_361 : vector<16xf32>
      %broadcast_in_dim3A_363 = arith.constant 17 : i32
      %broadcast_in_dim3A_364 = vector.broadcast %broadcast_in_dim3A_363 : i32 to vector<16xi32>
      %gather3A_365 = tpu.vector_load_idx %arg9[%add3A_192, %broadcast_in_dim3A_364] : memref<512x64xf32, #tpu.memory_space<vmem>>[vector<16xi32>, vector<16xi32>], vector<16xf32>,
      %gather3A_366 = tpu.vector_load_idx %arg10[%add3A_192, %broadcast_in_dim3A_364] : memref<512x64xf32, #tpu.memory_space<vmem>>[vector<16xi32>, vector<16xi32>], vector<16xf32>,
      %mul3A_367 = arith.mulf %gather3A_365, %gather3A_365 : vector<16xf32>
      %add3A_368 = arith.addf %add3A_328, %mul3A_367 : vector<16xf32>
      %mul3A_369 = arith.mulf %gather3A_366, %gather3A_366 : vector<16xf32>
      %add3A_370 = arith.addf %add3A_330, %mul3A_369 : vector<16xf32>
      %mul3A_371 = arith.mulf %gather3A_365, %gather3A_366 : vector<16xf32>
      %add3A_372 = arith.addf %add3A_332, %mul3A_371 : vector<16xf32>
      %broadcast_in_dim3A_373 = arith.constant 18 : i32
      %broadcast_in_dim3A_374 = vector.broadcast %broadcast_in_dim3A_373 : i32 to vector<16xi32>
      %gather3A_375 = tpu.vector_load_idx %arg9[%add3A_192, %broadcast_in_dim3A_374] : memref<512x64xf32, #tpu.memory_space<vmem>>[vector<16xi32>, vector<16xi32>], vector<16xf32>,
      %gather3A_376 = tpu.vector_load_idx %arg10[%add3A_192, %broadcast_in_dim3A_374] : memref<512x64xf32, #tpu.memory_space<vmem>>[vector<16xi32>, vector<16xi32>], vector<16xf32>,
      %mul3A_377 = arith.mulf %gather3A_375, %gather3A_375 : vector<16xf32>
      %add3A_378 = arith.addf %add3A_338, %mul3A_377 : vector<16xf32>
      %mul3A_379 = arith.mulf %gather3A_376, %gather3A_376 : vector<16xf32>
      %add3A_380 = arith.addf %add3A_340, %mul3A_379 : vector<16xf32>
      %mul3A_381 = arith.mulf %gather3A_375, %gather3A_376 : vector<16xf32>
      %add3A_382 = arith.addf %add3A_342, %mul3A_381 : vector<16xf32>
      %broadcast_in_dim3A_383 = arith.constant 19 : i32
      %broadcast_in_dim3A_384 = vector.broadcast %broadcast_in_dim3A_383 : i32 to vector<16xi32>
      %gather3A_385 = tpu.vector_load_idx %arg9[%add3A_192, %broadcast_in_dim3A_384] : memref<512x64xf32, #tpu.memory_space<vmem>>[vector<16xi32>, vector<16xi32>], vector<16xf32>,
      %gather3A_386 = tpu.vector_load_idx %arg10[%add3A_192, %broadcast_in_dim3A_384] : memref<512x64xf32, #tpu.memory_space<vmem>>[vector<16xi32>, vector<16xi32>], vector<16xf32>,
      %mul3A_387 = arith.mulf %gather3A_385, %gather3A_385 : vector<16xf32>
      %add3A_388 = arith.addf %add3A_348, %mul3A_387 : vector<16xf32>
      %mul3A_389 = arith.mulf %gather3A_386, %gather3A_386 : vector<16xf32>
      %add3A_390 = arith.addf %add3A_350, %mul3A_389 : vector<16xf32>
      %mul3A_391 = arith.mulf %gather3A_385, %gather3A_386 : vector<16xf32>
      %add3A_392 = arith.addf %add3A_352, %mul3A_391 : vector<16xf32>
      %broadcast_in_dim3A_393 = arith.constant 20 : i32
      %broadcast_in_dim3A_394 = vector.broadcast %broadcast_in_dim3A_393 : i32 to vector<16xi32>
      %gather3A_395 = tpu.vector_load_idx %arg9[%add3A_192, %broadcast_in_dim3A_394] : memref<512x64xf32, #tpu.memory_space<vmem>>[vector<16xi32>, vector<16xi32>], vector<16xf32>,
      %gather3A_396 = tpu.vector_load_idx %arg10[%add3A_192, %broadcast_in_dim3A_394] : memref<512x64xf32, #tpu.memory_space<vmem>>[vector<16xi32>, vector<16xi32>], vector<16xf32>,
      %mul3A_397 = arith.mulf %gather3A_395, %gather3A_395 : vector<16xf32>
      %add3A_398 = arith.addf %add3A_358, %mul3A_397 : vector<16xf32>
      %mul3A_399 = arith.mulf %gather3A_396, %gather3A_396 : vector<16xf32>
      %add3A_400 = arith.addf %add3A_360, %mul3A_399 : vector<16xf32>
      %mul3A_401 = arith.mulf %gather3A_395, %gather3A_396 : vector<16xf32>
      %add3A_402 = arith.addf %add3A_362, %mul3A_401 : vector<16xf32>
      %broadcast_in_dim3A_403 = arith.constant 21 : i32
      %broadcast_in_dim3A_404 = vector.broadcast %broadcast_in_dim3A_403 : i32 to vector<16xi32>
      %gather3A_405 = tpu.vector_load_idx %arg9[%add3A_192, %broadcast_in_dim3A_404] : memref<512x64xf32, #tpu.memory_space<vmem>>[vector<16xi32>, vector<16xi32>], vector<16xf32>,
      %gather3A_406 = tpu.vector_load_idx %arg10[%add3A_192, %broadcast_in_dim3A_404] : memref<512x64xf32, #tpu.memory_space<vmem>>[vector<16xi32>, vector<16xi32>], vector<16xf32>,
      %mul3A_407 = arith.mulf %gather3A_405, %gather3A_405 : vector<16xf32>
      %add3A_408 = arith.addf %add3A_368, %mul3A_407 : vector<16xf32>
      %mul3A_409 = arith.mulf %gather3A_406, %gather3A_406 : vector<16xf32>
      %add3A_410 = arith.addf %add3A_370, %mul3A_409 : vector<16xf32>
      %mul3A_411 = arith.mulf %gather3A_405, %gather3A_406 : vector<16xf32>
      %add3A_412 = arith.addf %add3A_372, %mul3A_411 : vector<16xf32>
      %broadcast_in_dim3A_413 = arith.constant 22 : i32
      %broadcast_in_dim3A_414 = vector.broadcast %broadcast_in_dim3A_413 : i32 to vector<16xi32>
      %gather3A_415 = tpu.vector_load_idx %arg9[%add3A_192, %broadcast_in_dim3A_414] : memref<512x64xf32, #tpu.memory_space<vmem>>[vector<16xi32>, vector<16xi32>], vector<16xf32>,
      %gather3A_416 = tpu.vector_load_idx %arg10[%add3A_192, %broadcast_in_dim3A_414] : memref<512x64xf32, #tpu.memory_space<vmem>>[vector<16xi32>, vector<16xi32>], vector<16xf32>,
      %mul3A_417 = arith.mulf %gather3A_415, %gather3A_415 : vector<16xf32>
      %add3A_418 = arith.addf %add3A_378, %mul3A_417 : vector<16xf32>
      %mul3A_419 = arith.mulf %gather3A_416, %gather3A_416 : vector<16xf32>
      %add3A_420 = arith.addf %add3A_380, %mul3A_419 : vector<16xf32>
      %mul3A_421 = arith.mulf %gather3A_415, %gather3A_416 : vector<16xf32>
      %add3A_422 = arith.addf %add3A_382, %mul3A_421 : vector<16xf32>
      %broadcast_in_dim3A_423 = arith.constant 23 : i32
      %broadcast_in_dim3A_424 = vector.broadcast %broadcast_in_dim3A_423 : i32 to vector<16xi32>
      %gather3A_425 = tpu.vector_load_idx %arg9[%add3A_192, %broadcast_in_dim3A_424] : memref<512x64xf32, #tpu.memory_space<vmem>>[vector<16xi32>, vector<16xi32>], vector<16xf32>,
      %gather3A_426 = tpu.vector_load_idx %arg10[%add3A_192, %broadcast_in_dim3A_424] : memref<512x64xf32, #tpu.memory_space<vmem>>[vector<16xi32>, vector<16xi32>], vector<16xf32>,
      %mul3A_427 = arith.mulf %gather3A_425, %gather3A_425 : vector<16xf32>
      %add3A_428 = arith.addf %add3A_388, %mul3A_427 : vector<16xf32>
      %mul3A_429 = arith.mulf %gather3A_426, %gather3A_426 : vector<16xf32>
      %add3A_430 = arith.addf %add3A_390, %mul3A_429 : vector<16xf32>
      %mul3A_431 = arith.mulf %gather3A_425, %gather3A_426 : vector<16xf32>
      %add3A_432 = arith.addf %add3A_392, %mul3A_431 : vector<16xf32>
      %broadcast_in_dim3A_433 = arith.constant 24 : i32
      %broadcast_in_dim3A_434 = vector.broadcast %broadcast_in_dim3A_433 : i32 to vector<16xi32>
      %gather3A_435 = tpu.vector_load_idx %arg9[%add3A_192, %broadcast_in_dim3A_434] : memref<512x64xf32, #tpu.memory_space<vmem>>[vector<16xi32>, vector<16xi32>], vector<16xf32>,
      %gather3A_436 = tpu.vector_load_idx %arg10[%add3A_192, %broadcast_in_dim3A_434] : memref<512x64xf32, #tpu.memory_space<vmem>>[vector<16xi32>, vector<16xi32>], vector<16xf32>,
      %mul3A_437 = arith.mulf %gather3A_435, %gather3A_435 : vector<16xf32>
      %add3A_438 = arith.addf %add3A_398, %mul3A_437 : vector<16xf32>
      %mul3A_439 = arith.mulf %gather3A_436, %gather3A_436 : vector<16xf32>
      %add3A_440 = arith.addf %add3A_400, %mul3A_439 : vector<16xf32>
      %mul3A_441 = arith.mulf %gather3A_435, %gather3A_436 : vector<16xf32>
      %add3A_442 = arith.addf %add3A_402, %mul3A_441 : vector<16xf32>
      %broadcast_in_dim3A_443 = arith.constant 25 : i32
      %broadcast_in_dim3A_444 = vector.broadcast %broadcast_in_dim3A_443 : i32 to vector<16xi32>
      %gather3A_445 = tpu.vector_load_idx %arg9[%add3A_192, %broadcast_in_dim3A_444] : memref<512x64xf32, #tpu.memory_space<vmem>>[vector<16xi32>, vector<16xi32>], vector<16xf32>,
      %gather3A_446 = tpu.vector_load_idx %arg10[%add3A_192, %broadcast_in_dim3A_444] : memref<512x64xf32, #tpu.memory_space<vmem>>[vector<16xi32>, vector<16xi32>], vector<16xf32>,
      %mul3A_447 = arith.mulf %gather3A_445, %gather3A_445 : vector<16xf32>
      %add3A_448 = arith.addf %add3A_408, %mul3A_447 : vector<16xf32>
      %mul3A_449 = arith.mulf %gather3A_446, %gather3A_446 : vector<16xf32>
      %add3A_450 = arith.addf %add3A_410, %mul3A_449 : vector<16xf32>
      %mul3A_451 = arith.mulf %gather3A_445, %gather3A_446 : vector<16xf32>
      %add3A_452 = arith.addf %add3A_412, %mul3A_451 : vector<16xf32>
      %broadcast_in_dim3A_453 = arith.constant 26 : i32
      %broadcast_in_dim3A_454 = vector.broadcast %broadcast_in_dim3A_453 : i32 to vector<16xi32>
      %gather3A_455 = tpu.vector_load_idx %arg9[%add3A_192, %broadcast_in_dim3A_454] : memref<512x64xf32, #tpu.memory_space<vmem>>[vector<16xi32>, vector<16xi32>], vector<16xf32>,
      %gather3A_456 = tpu.vector_load_idx %arg10[%add3A_192, %broadcast_in_dim3A_454] : memref<512x64xf32, #tpu.memory_space<vmem>>[vector<16xi32>, vector<16xi32>], vector<16xf32>,
      %mul3A_457 = arith.mulf %gather3A_455, %gather3A_455 : vector<16xf32>
      %add3A_458 = arith.addf %add3A_418, %mul3A_457 : vector<16xf32>
      %mul3A_459 = arith.mulf %gather3A_456, %gather3A_456 : vector<16xf32>
      %add3A_460 = arith.addf %add3A_420, %mul3A_459 : vector<16xf32>
      %mul3A_461 = arith.mulf %gather3A_455, %gather3A_456 : vector<16xf32>
      %add3A_462 = arith.addf %add3A_422, %mul3A_461 : vector<16xf32>
      %broadcast_in_dim3A_463 = arith.constant 27 : i32
      %broadcast_in_dim3A_464 = vector.broadcast %broadcast_in_dim3A_463 : i32 to vector<16xi32>
      %gather3A_465 = tpu.vector_load_idx %arg9[%add3A_192, %broadcast_in_dim3A_464] : memref<512x64xf32, #tpu.memory_space<vmem>>[vector<16xi32>, vector<16xi32>], vector<16xf32>,
      %gather3A_466 = tpu.vector_load_idx %arg10[%add3A_192, %broadcast_in_dim3A_464] : memref<512x64xf32, #tpu.memory_space<vmem>>[vector<16xi32>, vector<16xi32>], vector<16xf32>,
      %mul3A_467 = arith.mulf %gather3A_465, %gather3A_465 : vector<16xf32>
      %add3A_468 = arith.addf %add3A_428, %mul3A_467 : vector<16xf32>
      %mul3A_469 = arith.mulf %gather3A_466, %gather3A_466 : vector<16xf32>
      %add3A_470 = arith.addf %add3A_430, %mul3A_469 : vector<16xf32>
      %mul3A_471 = arith.mulf %gather3A_465, %gather3A_466 : vector<16xf32>
      %add3A_472 = arith.addf %add3A_432, %mul3A_471 : vector<16xf32>
      %broadcast_in_dim3A_473 = arith.constant 28 : i32
      %broadcast_in_dim3A_474 = vector.broadcast %broadcast_in_dim3A_473 : i32 to vector<16xi32>
      %gather3A_475 = tpu.vector_load_idx %arg9[%add3A_192, %broadcast_in_dim3A_474] : memref<512x64xf32, #tpu.memory_space<vmem>>[vector<16xi32>, vector<16xi32>], vector<16xf32>,
      %gather3A_476 = tpu.vector_load_idx %arg10[%add3A_192, %broadcast_in_dim3A_474] : memref<512x64xf32, #tpu.memory_space<vmem>>[vector<16xi32>, vector<16xi32>], vector<16xf32>,
      %mul3A_477 = arith.mulf %gather3A_475, %gather3A_475 : vector<16xf32>
      %add3A_478 = arith.addf %add3A_438, %mul3A_477 : vector<16xf32>
      %mul3A_479 = arith.mulf %gather3A_476, %gather3A_476 : vector<16xf32>
      %add3A_480 = arith.addf %add3A_440, %mul3A_479 : vector<16xf32>
      %mul3A_481 = arith.mulf %gather3A_475, %gather3A_476 : vector<16xf32>
      %add3A_482 = arith.addf %add3A_442, %mul3A_481 : vector<16xf32>
      %broadcast_in_dim3A_483 = arith.constant 29 : i32
      %broadcast_in_dim3A_484 = vector.broadcast %broadcast_in_dim3A_483 : i32 to vector<16xi32>
      %gather3A_485 = tpu.vector_load_idx %arg9[%add3A_192, %broadcast_in_dim3A_484] : memref<512x64xf32, #tpu.memory_space<vmem>>[vector<16xi32>, vector<16xi32>], vector<16xf32>,
      %gather3A_486 = tpu.vector_load_idx %arg10[%add3A_192, %broadcast_in_dim3A_484] : memref<512x64xf32, #tpu.memory_space<vmem>>[vector<16xi32>, vector<16xi32>], vector<16xf32>,
      %mul3A_487 = arith.mulf %gather3A_485, %gather3A_485 : vector<16xf32>
      %add3A_488 = arith.addf %add3A_448, %mul3A_487 : vector<16xf32>
      %mul3A_489 = arith.mulf %gather3A_486, %gather3A_486 : vector<16xf32>
      %add3A_490 = arith.addf %add3A_450, %mul3A_489 : vector<16xf32>
      %mul3A_491 = arith.mulf %gather3A_485, %gather3A_486 : vector<16xf32>
      %add3A_492 = arith.addf %add3A_452, %mul3A_491 : vector<16xf32>
      %broadcast_in_dim3A_493 = arith.constant 30 : i32
      %broadcast_in_dim3A_494 = vector.broadcast %broadcast_in_dim3A_493 : i32 to vector<16xi32>
      %gather3A_495 = tpu.vector_load_idx %arg9[%add3A_192, %broadcast_in_dim3A_494] : memref<512x64xf32, #tpu.memory_space<vmem>>[vector<16xi32>, vector<16xi32>], vector<16xf32>,
      %gather3A_496 = tpu.vector_load_idx %arg10[%add3A_192, %broadcast_in_dim3A_494] : memref<512x64xf32, #tpu.memory_space<vmem>>[vector<16xi32>, vector<16xi32>], vector<16xf32>,
      %mul3A_497 = arith.mulf %gather3A_495, %gather3A_495 : vector<16xf32>
      %add3A_498 = arith.addf %add3A_458, %mul3A_497 : vector<16xf32>
      %mul3A_499 = arith.mulf %gather3A_496, %gather3A_496 : vector<16xf32>
      %add3A_500 = arith.addf %add3A_460, %mul3A_499 : vector<16xf32>
      %mul3A_501 = arith.mulf %gather3A_495, %gather3A_496 : vector<16xf32>
      %add3A_502 = arith.addf %add3A_462, %mul3A_501 : vector<16xf32>
      %broadcast_in_dim3A_503 = arith.constant 31 : i32
      %broadcast_in_dim3A_504 = vector.broadcast %broadcast_in_dim3A_503 : i32 to vector<16xi32>
      %gather3A_505 = tpu.vector_load_idx %arg9[%add3A_192, %broadcast_in_dim3A_504] : memref<512x64xf32, #tpu.memory_space<vmem>>[vector<16xi32>, vector<16xi32>], vector<16xf32>,
      %gather3A_506 = tpu.vector_load_idx %arg10[%add3A_192, %broadcast_in_dim3A_504] : memref<512x64xf32, #tpu.memory_space<vmem>>[vector<16xi32>, vector<16xi32>], vector<16xf32>,
      %mul3A_507 = arith.mulf %gather3A_505, %gather3A_505 : vector<16xf32>
      %add3A_508 = arith.addf %add3A_468, %mul3A_507 : vector<16xf32>
      %mul3A_509 = arith.mulf %gather3A_506, %gather3A_506 : vector<16xf32>
      %add3A_510 = arith.addf %add3A_470, %mul3A_509 : vector<16xf32>
      %mul3A_511 = arith.mulf %gather3A_505, %gather3A_506 : vector<16xf32>
      %add3A_512 = arith.addf %add3A_472, %mul3A_511 : vector<16xf32>
      %broadcast_in_dim3A_513 = arith.constant 32 : i32
      %broadcast_in_dim3A_514 = vector.broadcast %broadcast_in_dim3A_513 : i32 to vector<16xi32>
      %gather3A_515 = tpu.vector_load_idx %arg9[%add3A_192, %broadcast_in_dim3A_514] : memref<512x64xf32, #tpu.memory_space<vmem>>[vector<16xi32>, vector<16xi32>], vector<16xf32>,
      %gather3A_516 = tpu.vector_load_idx %arg10[%add3A_192, %broadcast_in_dim3A_514] : memref<512x64xf32, #tpu.memory_space<vmem>>[vector<16xi32>, vector<16xi32>], vector<16xf32>,
      %mul3A_517 = arith.mulf %gather3A_515, %gather3A_515 : vector<16xf32>
      %add3A_518 = arith.addf %add3A_478, %mul3A_517 : vector<16xf32>
      %mul3A_519 = arith.mulf %gather3A_516, %gather3A_516 : vector<16xf32>
      %add3A_520 = arith.addf %add3A_480, %mul3A_519 : vector<16xf32>
      %mul3A_521 = arith.mulf %gather3A_515, %gather3A_516 : vector<16xf32>
      %add3A_522 = arith.addf %add3A_482, %mul3A_521 : vector<16xf32>
      %broadcast_in_dim3A_523 = arith.constant 33 : i32
      %broadcast_in_dim3A_524 = vector.broadcast %broadcast_in_dim3A_523 : i32 to vector<16xi32>
      %gather3A_525 = tpu.vector_load_idx %arg9[%add3A_192, %broadcast_in_dim3A_524] : memref<512x64xf32, #tpu.memory_space<vmem>>[vector<16xi32>, vector<16xi32>], vector<16xf32>,
      %gather3A_526 = tpu.vector_load_idx %arg10[%add3A_192, %broadcast_in_dim3A_524] : memref<512x64xf32, #tpu.memory_space<vmem>>[vector<16xi32>, vector<16xi32>], vector<16xf32>,
      %mul3A_527 = arith.mulf %gather3A_525, %gather3A_525 : vector<16xf32>
      %add3A_528 = arith.addf %add3A_488, %mul3A_527 : vector<16xf32>
      %mul3A_529 = arith.mulf %gather3A_526, %gather3A_526 : vector<16xf32>
      %add3A_530 = arith.addf %add3A_490, %mul3A_529 : vector<16xf32>
      %mul3A_531 = arith.mulf %gather3A_525, %gather3A_526 : vector<16xf32>
      %add3A_532 = arith.addf %add3A_492, %mul3A_531 : vector<16xf32>
      %broadcast_in_dim3A_533 = arith.constant 34 : i32
      %broadcast_in_dim3A_534 = vector.broadcast %broadcast_in_dim3A_533 : i32 to vector<16xi32>
      %gather3A_535 = tpu.vector_load_idx %arg9[%add3A_192, %broadcast_in_dim3A_534] : memref<512x64xf32, #tpu.memory_space<vmem>>[vector<16xi32>, vector<16xi32>], vector<16xf32>,
      %gather3A_536 = tpu.vector_load_idx %arg10[%add3A_192, %broadcast_in_dim3A_534] : memref<512x64xf32, #tpu.memory_space<vmem>>[vector<16xi32>, vector<16xi32>], vector<16xf32>,
      %mul3A_537 = arith.mulf %gather3A_535, %gather3A_535 : vector<16xf32>
      %add3A_538 = arith.addf %add3A_498, %mul3A_537 : vector<16xf32>
      %mul3A_539 = arith.mulf %gather3A_536, %gather3A_536 : vector<16xf32>
      %add3A_540 = arith.addf %add3A_500, %mul3A_539 : vector<16xf32>
      %mul3A_541 = arith.mulf %gather3A_535, %gather3A_536 : vector<16xf32>
      %add3A_542 = arith.addf %add3A_502, %mul3A_541 : vector<16xf32>
      %broadcast_in_dim3A_543 = arith.constant 35 : i32
      %broadcast_in_dim3A_544 = vector.broadcast %broadcast_in_dim3A_543 : i32 to vector<16xi32>
      %gather3A_545 = tpu.vector_load_idx %arg9[%add3A_192, %broadcast_in_dim3A_544] : memref<512x64xf32, #tpu.memory_space<vmem>>[vector<16xi32>, vector<16xi32>], vector<16xf32>,
      %gather3A_546 = tpu.vector_load_idx %arg10[%add3A_192, %broadcast_in_dim3A_544] : memref<512x64xf32, #tpu.memory_space<vmem>>[vector<16xi32>, vector<16xi32>], vector<16xf32>,
      %mul3A_547 = arith.mulf %gather3A_545, %gather3A_545 : vector<16xf32>
      %add3A_548 = arith.addf %add3A_508, %mul3A_547 : vector<16xf32>
      %mul3A_549 = arith.mulf %gather3A_546, %gather3A_546 : vector<16xf32>
      %add3A_550 = arith.addf %add3A_510, %mul3A_549 : vector<16xf32>
      %mul3A_551 = arith.mulf %gather3A_545, %gather3A_546 : vector<16xf32>
      %add3A_552 = arith.addf %add3A_512, %mul3A_551 : vector<16xf32>
      %broadcast_in_dim3A_553 = arith.constant 36 : i32
      %broadcast_in_dim3A_554 = vector.broadcast %broadcast_in_dim3A_553 : i32 to vector<16xi32>
      %gather3A_555 = tpu.vector_load_idx %arg9[%add3A_192, %broadcast_in_dim3A_554] : memref<512x64xf32, #tpu.memory_space<vmem>>[vector<16xi32>, vector<16xi32>], vector<16xf32>,
      %gather3A_556 = tpu.vector_load_idx %arg10[%add3A_192, %broadcast_in_dim3A_554] : memref<512x64xf32, #tpu.memory_space<vmem>>[vector<16xi32>, vector<16xi32>], vector<16xf32>,
      %mul3A_557 = arith.mulf %gather3A_555, %gather3A_555 : vector<16xf32>
      %add3A_558 = arith.addf %add3A_518, %mul3A_557 : vector<16xf32>
      %mul3A_559 = arith.mulf %gather3A_556, %gather3A_556 : vector<16xf32>
      %add3A_560 = arith.addf %add3A_520, %mul3A_559 : vector<16xf32>
      %mul3A_561 = arith.mulf %gather3A_555, %gather3A_556 : vector<16xf32>
      %add3A_562 = arith.addf %add3A_522, %mul3A_561 : vector<16xf32>
      %broadcast_in_dim3A_563 = arith.constant 37 : i32
      %broadcast_in_dim3A_564 = vector.broadcast %broadcast_in_dim3A_563 : i32 to vector<16xi32>
      %gather3A_565 = tpu.vector_load_idx %arg9[%add3A_192, %broadcast_in_dim3A_564] : memref<512x64xf32, #tpu.memory_space<vmem>>[vector<16xi32>, vector<16xi32>], vector<16xf32>,
      %gather3A_566 = tpu.vector_load_idx %arg10[%add3A_192, %broadcast_in_dim3A_564] : memref<512x64xf32, #tpu.memory_space<vmem>>[vector<16xi32>, vector<16xi32>], vector<16xf32>,
      %mul3A_567 = arith.mulf %gather3A_565, %gather3A_565 : vector<16xf32>
      %add3A_568 = arith.addf %add3A_528, %mul3A_567 : vector<16xf32>
      %mul3A_569 = arith.mulf %gather3A_566, %gather3A_566 : vector<16xf32>
      %add3A_570 = arith.addf %add3A_530, %mul3A_569 : vector<16xf32>
      %mul3A_571 = arith.mulf %gather3A_565, %gather3A_566 : vector<16xf32>
      %add3A_572 = arith.addf %add3A_532, %mul3A_571 : vector<16xf32>
      %broadcast_in_dim3A_573 = arith.constant 38 : i32
      %broadcast_in_dim3A_574 = vector.broadcast %broadcast_in_dim3A_573 : i32 to vector<16xi32>
      %gather3A_575 = tpu.vector_load_idx %arg9[%add3A_192, %broadcast_in_dim3A_574] : memref<512x64xf32, #tpu.memory_space<vmem>>[vector<16xi32>, vector<16xi32>], vector<16xf32>,
      %gather3A_576 = tpu.vector_load_idx %arg10[%add3A_192, %broadcast_in_dim3A_574] : memref<512x64xf32, #tpu.memory_space<vmem>>[vector<16xi32>, vector<16xi32>], vector<16xf32>,
      %mul3A_577 = arith.mulf %gather3A_575, %gather3A_575 : vector<16xf32>
      %add3A_578 = arith.addf %add3A_538, %mul3A_577 : vector<16xf32>
      %mul3A_579 = arith.mulf %gather3A_576, %gather3A_576 : vector<16xf32>
      %add3A_580 = arith.addf %add3A_540, %mul3A_579 : vector<16xf32>
      %mul3A_581 = arith.mulf %gather3A_575, %gather3A_576 : vector<16xf32>
      %add3A_582 = arith.addf %add3A_542, %mul3A_581 : vector<16xf32>
      %broadcast_in_dim3A_583 = arith.constant 39 : i32
      %broadcast_in_dim3A_584 = vector.broadcast %broadcast_in_dim3A_583 : i32 to vector<16xi32>
      %gather3A_585 = tpu.vector_load_idx %arg9[%add3A_192, %broadcast_in_dim3A_584] : memref<512x64xf32, #tpu.memory_space<vmem>>[vector<16xi32>, vector<16xi32>], vector<16xf32>,
      %gather3A_586 = tpu.vector_load_idx %arg10[%add3A_192, %broadcast_in_dim3A_584] : memref<512x64xf32, #tpu.memory_space<vmem>>[vector<16xi32>, vector<16xi32>], vector<16xf32>,
      %mul3A_587 = arith.mulf %gather3A_585, %gather3A_585 : vector<16xf32>
      %add3A_588 = arith.addf %add3A_548, %mul3A_587 : vector<16xf32>
      %mul3A_589 = arith.mulf %gather3A_586, %gather3A_586 : vector<16xf32>
      %add3A_590 = arith.addf %add3A_550, %mul3A_589 : vector<16xf32>
      %mul3A_591 = arith.mulf %gather3A_585, %gather3A_586 : vector<16xf32>
      %add3A_592 = arith.addf %add3A_552, %mul3A_591 : vector<16xf32>
      %broadcast_in_dim3A_593 = arith.constant 40 : i32
      %broadcast_in_dim3A_594 = vector.broadcast %broadcast_in_dim3A_593 : i32 to vector<16xi32>
      %gather3A_595 = tpu.vector_load_idx %arg9[%add3A_192, %broadcast_in_dim3A_594] : memref<512x64xf32, #tpu.memory_space<vmem>>[vector<16xi32>, vector<16xi32>], vector<16xf32>,
      %gather3A_596 = tpu.vector_load_idx %arg10[%add3A_192, %broadcast_in_dim3A_594] : memref<512x64xf32, #tpu.memory_space<vmem>>[vector<16xi32>, vector<16xi32>], vector<16xf32>,
      %mul3A_597 = arith.mulf %gather3A_595, %gather3A_595 : vector<16xf32>
      %add3A_598 = arith.addf %add3A_558, %mul3A_597 : vector<16xf32>
      %mul3A_599 = arith.mulf %gather3A_596, %gather3A_596 : vector<16xf32>
      %add3A_600 = arith.addf %add3A_560, %mul3A_599 : vector<16xf32>
      %mul3A_601 = arith.mulf %gather3A_595, %gather3A_596 : vector<16xf32>
      %add3A_602 = arith.addf %add3A_562, %mul3A_601 : vector<16xf32>
      %broadcast_in_dim3A_603 = arith.constant 41 : i32
      %broadcast_in_dim3A_604 = vector.broadcast %broadcast_in_dim3A_603 : i32 to vector<16xi32>
      %gather3A_605 = tpu.vector_load_idx %arg9[%add3A_192, %broadcast_in_dim3A_604] : memref<512x64xf32, #tpu.memory_space<vmem>>[vector<16xi32>, vector<16xi32>], vector<16xf32>,
      %gather3A_606 = tpu.vector_load_idx %arg10[%add3A_192, %broadcast_in_dim3A_604] : memref<512x64xf32, #tpu.memory_space<vmem>>[vector<16xi32>, vector<16xi32>], vector<16xf32>,
      %mul3A_607 = arith.mulf %gather3A_605, %gather3A_605 : vector<16xf32>
      %add3A_608 = arith.addf %add3A_568, %mul3A_607 : vector<16xf32>
      %mul3A_609 = arith.mulf %gather3A_606, %gather3A_606 : vector<16xf32>
      %add3A_610 = arith.addf %add3A_570, %mul3A_609 : vector<16xf32>
      %mul3A_611 = arith.mulf %gather3A_605, %gather3A_606 : vector<16xf32>
      %add3A_612 = arith.addf %add3A_572, %mul3A_611 : vector<16xf32>
      %broadcast_in_dim3A_613 = arith.constant 42 : i32
      %broadcast_in_dim3A_614 = vector.broadcast %broadcast_in_dim3A_613 : i32 to vector<16xi32>
      %gather3A_615 = tpu.vector_load_idx %arg9[%add3A_192, %broadcast_in_dim3A_614] : memref<512x64xf32, #tpu.memory_space<vmem>>[vector<16xi32>, vector<16xi32>], vector<16xf32>,
      %gather3A_616 = tpu.vector_load_idx %arg10[%add3A_192, %broadcast_in_dim3A_614] : memref<512x64xf32, #tpu.memory_space<vmem>>[vector<16xi32>, vector<16xi32>], vector<16xf32>,
      %mul3A_617 = arith.mulf %gather3A_615, %gather3A_615 : vector<16xf32>
      %add3A_618 = arith.addf %add3A_578, %mul3A_617 : vector<16xf32>
      %mul3A_619 = arith.mulf %gather3A_616, %gather3A_616 : vector<16xf32>
      %add3A_620 = arith.addf %add3A_580, %mul3A_619 : vector<16xf32>
      %mul3A_621 = arith.mulf %gather3A_615, %gather3A_616 : vector<16xf32>
      %add3A_622 = arith.addf %add3A_582, %mul3A_621 : vector<16xf32>
      %broadcast_in_dim3A_623 = arith.constant 43 : i32
      %broadcast_in_dim3A_624 = vector.broadcast %broadcast_in_dim3A_623 : i32 to vector<16xi32>
      %gather3A_625 = tpu.vector_load_idx %arg9[%add3A_192, %broadcast_in_dim3A_624] : memref<512x64xf32, #tpu.memory_space<vmem>>[vector<16xi32>, vector<16xi32>], vector<16xf32>,
      %gather3A_626 = tpu.vector_load_idx %arg10[%add3A_192, %broadcast_in_dim3A_624] : memref<512x64xf32, #tpu.memory_space<vmem>>[vector<16xi32>, vector<16xi32>], vector<16xf32>,
      %mul3A_627 = arith.mulf %gather3A_625, %gather3A_625 : vector<16xf32>
      %add3A_628 = arith.addf %add3A_588, %mul3A_627 : vector<16xf32>
      %mul3A_629 = arith.mulf %gather3A_626, %gather3A_626 : vector<16xf32>
      %add3A_630 = arith.addf %add3A_590, %mul3A_629 : vector<16xf32>
      %mul3A_631 = arith.mulf %gather3A_625, %gather3A_626 : vector<16xf32>
      %add3A_632 = arith.addf %add3A_592, %mul3A_631 : vector<16xf32>
      %broadcast_in_dim3A_633 = arith.constant 44 : i32
      %broadcast_in_dim3A_634 = vector.broadcast %broadcast_in_dim3A_633 : i32 to vector<16xi32>
      %gather3A_635 = tpu.vector_load_idx %arg9[%add3A_192, %broadcast_in_dim3A_634] : memref<512x64xf32, #tpu.memory_space<vmem>>[vector<16xi32>, vector<16xi32>], vector<16xf32>,
      %gather3A_636 = tpu.vector_load_idx %arg10[%add3A_192, %broadcast_in_dim3A_634] : memref<512x64xf32, #tpu.memory_space<vmem>>[vector<16xi32>, vector<16xi32>], vector<16xf32>,
      %mul3A_637 = arith.mulf %gather3A_635, %gather3A_635 : vector<16xf32>
      %add3A_638 = arith.addf %add3A_598, %mul3A_637 : vector<16xf32>
      %mul3A_639 = arith.mulf %gather3A_636, %gather3A_636 : vector<16xf32>
      %add3A_640 = arith.addf %add3A_600, %mul3A_639 : vector<16xf32>
      %mul3A_641 = arith.mulf %gather3A_635, %gather3A_636 : vector<16xf32>
      %add3A_642 = arith.addf %add3A_602, %mul3A_641 : vector<16xf32>
      %broadcast_in_dim3A_643 = arith.constant 45 : i32
      %broadcast_in_dim3A_644 = vector.broadcast %broadcast_in_dim3A_643 : i32 to vector<16xi32>
      %gather3A_645 = tpu.vector_load_idx %arg9[%add3A_192, %broadcast_in_dim3A_644] : memref<512x64xf32, #tpu.memory_space<vmem>>[vector<16xi32>, vector<16xi32>], vector<16xf32>,
      %gather3A_646 = tpu.vector_load_idx %arg10[%add3A_192, %broadcast_in_dim3A_644] : memref<512x64xf32, #tpu.memory_space<vmem>>[vector<16xi32>, vector<16xi32>], vector<16xf32>,
      %mul3A_647 = arith.mulf %gather3A_645, %gather3A_645 : vector<16xf32>
      %add3A_648 = arith.addf %add3A_608, %mul3A_647 : vector<16xf32>
      %mul3A_649 = arith.mulf %gather3A_646, %gather3A_646 : vector<16xf32>
      %add3A_650 = arith.addf %add3A_610, %mul3A_649 : vector<16xf32>
      %mul3A_651 = arith.mulf %gather3A_645, %gather3A_646 : vector<16xf32>
      %add3A_652 = arith.addf %add3A_612, %mul3A_651 : vector<16xf32>
      %broadcast_in_dim3A_653 = arith.constant 46 : i32
      %broadcast_in_dim3A_654 = vector.broadcast %broadcast_in_dim3A_653 : i32 to vector<16xi32>
      %gather3A_655 = tpu.vector_load_idx %arg9[%add3A_192, %broadcast_in_dim3A_654] : memref<512x64xf32, #tpu.memory_space<vmem>>[vector<16xi32>, vector<16xi32>], vector<16xf32>,
      %gather3A_656 = tpu.vector_load_idx %arg10[%add3A_192, %broadcast_in_dim3A_654] : memref<512x64xf32, #tpu.memory_space<vmem>>[vector<16xi32>, vector<16xi32>], vector<16xf32>,
      %mul3A_657 = arith.mulf %gather3A_655, %gather3A_655 : vector<16xf32>
      %add3A_658 = arith.addf %add3A_618, %mul3A_657 : vector<16xf32>
      %mul3A_659 = arith.mulf %gather3A_656, %gather3A_656 : vector<16xf32>
      %add3A_660 = arith.addf %add3A_620, %mul3A_659 : vector<16xf32>
      %mul3A_661 = arith.mulf %gather3A_655, %gather3A_656 : vector<16xf32>
      %add3A_662 = arith.addf %add3A_622, %mul3A_661 : vector<16xf32>
      %broadcast_in_dim3A_663 = arith.constant 47 : i32
      %broadcast_in_dim3A_664 = vector.broadcast %broadcast_in_dim3A_663 : i32 to vector<16xi32>
      %gather3A_665 = tpu.vector_load_idx %arg9[%add3A_192, %broadcast_in_dim3A_664] : memref<512x64xf32, #tpu.memory_space<vmem>>[vector<16xi32>, vector<16xi32>], vector<16xf32>,
      %gather3A_666 = tpu.vector_load_idx %arg10[%add3A_192, %broadcast_in_dim3A_664] : memref<512x64xf32, #tpu.memory_space<vmem>>[vector<16xi32>, vector<16xi32>], vector<16xf32>,
      %mul3A_667 = arith.mulf %gather3A_665, %gather3A_665 : vector<16xf32>
      %add3A_668 = arith.addf %add3A_628, %mul3A_667 : vector<16xf32>
      %mul3A_669 = arith.mulf %gather3A_666, %gather3A_666 : vector<16xf32>
      %add3A_670 = arith.addf %add3A_630, %mul3A_669 : vector<16xf32>
      %mul3A_671 = arith.mulf %gather3A_665, %gather3A_666 : vector<16xf32>
      %add3A_672 = arith.addf %add3A_632, %mul3A_671 : vector<16xf32>
      %broadcast_in_dim3A_673 = arith.constant 48 : i32
      %broadcast_in_dim3A_674 = vector.broadcast %broadcast_in_dim3A_673 : i32 to vector<16xi32>
      %gather3A_675 = tpu.vector_load_idx %arg9[%add3A_192, %broadcast_in_dim3A_674] : memref<512x64xf32, #tpu.memory_space<vmem>>[vector<16xi32>, vector<16xi32>], vector<16xf32>,
      %gather3A_676 = tpu.vector_load_idx %arg10[%add3A_192, %broadcast_in_dim3A_674] : memref<512x64xf32, #tpu.memory_space<vmem>>[vector<16xi32>, vector<16xi32>], vector<16xf32>,
      %mul3A_677 = arith.mulf %gather3A_675, %gather3A_675 : vector<16xf32>
      %add3A_678 = arith.addf %add3A_638, %mul3A_677 : vector<16xf32>
      %mul3A_679 = arith.mulf %gather3A_676, %gather3A_676 : vector<16xf32>
      %add3A_680 = arith.addf %add3A_640, %mul3A_679 : vector<16xf32>
      %mul3A_681 = arith.mulf %gather3A_675, %gather3A_676 : vector<16xf32>
      %add3A_682 = arith.addf %add3A_642, %mul3A_681 : vector<16xf32>
      %broadcast_in_dim3A_683 = arith.constant 49 : i32
      %broadcast_in_dim3A_684 = vector.broadcast %broadcast_in_dim3A_683 : i32 to vector<16xi32>
      %gather3A_685 = tpu.vector_load_idx %arg9[%add3A_192, %broadcast_in_dim3A_684] : memref<512x64xf32, #tpu.memory_space<vmem>>[vector<16xi32>, vector<16xi32>], vector<16xf32>,
      %gather3A_686 = tpu.vector_load_idx %arg10[%add3A_192, %broadcast_in_dim3A_684] : memref<512x64xf32, #tpu.memory_space<vmem>>[vector<16xi32>, vector<16xi32>], vector<16xf32>,
      %mul3A_687 = arith.mulf %gather3A_685, %gather3A_685 : vector<16xf32>
      %add3A_688 = arith.addf %add3A_648, %mul3A_687 : vector<16xf32>
      %mul3A_689 = arith.mulf %gather3A_686, %gather3A_686 : vector<16xf32>
      %add3A_690 = arith.addf %add3A_650, %mul3A_689 : vector<16xf32>
      %mul3A_691 = arith.mulf %gather3A_685, %gather3A_686 : vector<16xf32>
      %add3A_692 = arith.addf %add3A_652, %mul3A_691 : vector<16xf32>
      %broadcast_in_dim3A_693 = arith.constant 50 : i32
      %broadcast_in_dim3A_694 = vector.broadcast %broadcast_in_dim3A_693 : i32 to vector<16xi32>
      %gather3A_695 = tpu.vector_load_idx %arg9[%add3A_192, %broadcast_in_dim3A_694] : memref<512x64xf32, #tpu.memory_space<vmem>>[vector<16xi32>, vector<16xi32>], vector<16xf32>,
      %gather3A_696 = tpu.vector_load_idx %arg10[%add3A_192, %broadcast_in_dim3A_694] : memref<512x64xf32, #tpu.memory_space<vmem>>[vector<16xi32>, vector<16xi32>], vector<16xf32>,
      %mul3A_697 = arith.mulf %gather3A_695, %gather3A_695 : vector<16xf32>
      %add3A_698 = arith.addf %add3A_658, %mul3A_697 : vector<16xf32>
      %mul3A_699 = arith.mulf %gather3A_696, %gather3A_696 : vector<16xf32>
      %add3A_700 = arith.addf %add3A_660, %mul3A_699 : vector<16xf32>
      %mul3A_701 = arith.mulf %gather3A_695, %gather3A_696 : vector<16xf32>
      %add3A_702 = arith.addf %add3A_662, %mul3A_701 : vector<16xf32>
      %broadcast_in_dim3A_703 = arith.constant 51 : i32
      %broadcast_in_dim3A_704 = vector.broadcast %broadcast_in_dim3A_703 : i32 to vector<16xi32>
      %gather3A_705 = tpu.vector_load_idx %arg9[%add3A_192, %broadcast_in_dim3A_704] : memref<512x64xf32, #tpu.memory_space<vmem>>[vector<16xi32>, vector<16xi32>], vector<16xf32>,
      %gather3A_706 = tpu.vector_load_idx %arg10[%add3A_192, %broadcast_in_dim3A_704] : memref<512x64xf32, #tpu.memory_space<vmem>>[vector<16xi32>, vector<16xi32>], vector<16xf32>,
      %mul3A_707 = arith.mulf %gather3A_705, %gather3A_705 : vector<16xf32>
      %add3A_708 = arith.addf %add3A_668, %mul3A_707 : vector<16xf32>
      %mul3A_709 = arith.mulf %gather3A_706, %gather3A_706 : vector<16xf32>
      %add3A_710 = arith.addf %add3A_670, %mul3A_709 : vector<16xf32>
      %mul3A_711 = arith.mulf %gather3A_705, %gather3A_706 : vector<16xf32>
      %add3A_712 = arith.addf %add3A_672, %mul3A_711 : vector<16xf32>
      %broadcast_in_dim3A_713 = arith.constant 52 : i32
      %broadcast_in_dim3A_714 = vector.broadcast %broadcast_in_dim3A_713 : i32 to vector<16xi32>
      %gather3A_715 = tpu.vector_load_idx %arg9[%add3A_192, %broadcast_in_dim3A_714] : memref<512x64xf32, #tpu.memory_space<vmem>>[vector<16xi32>, vector<16xi32>], vector<16xf32>,
      %gather3A_716 = tpu.vector_load_idx %arg10[%add3A_192, %broadcast_in_dim3A_714] : memref<512x64xf32, #tpu.memory_space<vmem>>[vector<16xi32>, vector<16xi32>], vector<16xf32>,
      %mul3A_717 = arith.mulf %gather3A_715, %gather3A_715 : vector<16xf32>
      %add3A_718 = arith.addf %add3A_678, %mul3A_717 : vector<16xf32>
      %mul3A_719 = arith.mulf %gather3A_716, %gather3A_716 : vector<16xf32>
      %add3A_720 = arith.addf %add3A_680, %mul3A_719 : vector<16xf32>
      %mul3A_721 = arith.mulf %gather3A_715, %gather3A_716 : vector<16xf32>
      %add3A_722 = arith.addf %add3A_682, %mul3A_721 : vector<16xf32>
      %broadcast_in_dim3A_723 = arith.constant 53 : i32
      %broadcast_in_dim3A_724 = vector.broadcast %broadcast_in_dim3A_723 : i32 to vector<16xi32>
      %gather3A_725 = tpu.vector_load_idx %arg9[%add3A_192, %broadcast_in_dim3A_724] : memref<512x64xf32, #tpu.memory_space<vmem>>[vector<16xi32>, vector<16xi32>], vector<16xf32>,
      %gather3A_726 = tpu.vector_load_idx %arg10[%add3A_192, %broadcast_in_dim3A_724] : memref<512x64xf32, #tpu.memory_space<vmem>>[vector<16xi32>, vector<16xi32>], vector<16xf32>,
      %mul3A_727 = arith.mulf %gather3A_725, %gather3A_725 : vector<16xf32>
      %add3A_728 = arith.addf %add3A_688, %mul3A_727 : vector<16xf32>
      %mul3A_729 = arith.mulf %gather3A_726, %gather3A_726 : vector<16xf32>
      %add3A_730 = arith.addf %add3A_690, %mul3A_729 : vector<16xf32>
      %mul3A_731 = arith.mulf %gather3A_725, %gather3A_726 : vector<16xf32>
      %add3A_732 = arith.addf %add3A_692, %mul3A_731 : vector<16xf32>
      %broadcast_in_dim3A_733 = arith.constant 54 : i32
      %broadcast_in_dim3A_734 = vector.broadcast %broadcast_in_dim3A_733 : i32 to vector<16xi32>
      %gather3A_735 = tpu.vector_load_idx %arg9[%add3A_192, %broadcast_in_dim3A_734] : memref<512x64xf32, #tpu.memory_space<vmem>>[vector<16xi32>, vector<16xi32>], vector<16xf32>,
      %gather3A_736 = tpu.vector_load_idx %arg10[%add3A_192, %broadcast_in_dim3A_734] : memref<512x64xf32, #tpu.memory_space<vmem>>[vector<16xi32>, vector<16xi32>], vector<16xf32>,
      %mul3A_737 = arith.mulf %gather3A_735, %gather3A_735 : vector<16xf32>
      %add3A_738 = arith.addf %add3A_698, %mul3A_737 : vector<16xf32>
      %mul3A_739 = arith.mulf %gather3A_736, %gather3A_736 : vector<16xf32>
      %add3A_740 = arith.addf %add3A_700, %mul3A_739 : vector<16xf32>
      %mul3A_741 = arith.mulf %gather3A_735, %gather3A_736 : vector<16xf32>
      %add3A_742 = arith.addf %add3A_702, %mul3A_741 : vector<16xf32>
      %broadcast_in_dim3A_743 = arith.constant 55 : i32
      %broadcast_in_dim3A_744 = vector.broadcast %broadcast_in_dim3A_743 : i32 to vector<16xi32>
      %gather3A_745 = tpu.vector_load_idx %arg9[%add3A_192, %broadcast_in_dim3A_744] : memref<512x64xf32, #tpu.memory_space<vmem>>[vector<16xi32>, vector<16xi32>], vector<16xf32>,
      %gather3A_746 = tpu.vector_load_idx %arg10[%add3A_192, %broadcast_in_dim3A_744] : memref<512x64xf32, #tpu.memory_space<vmem>>[vector<16xi32>, vector<16xi32>], vector<16xf32>,
      %mul3A_747 = arith.mulf %gather3A_745, %gather3A_745 : vector<16xf32>
      %add3A_748 = arith.addf %add3A_708, %mul3A_747 : vector<16xf32>
      %mul3A_749 = arith.mulf %gather3A_746, %gather3A_746 : vector<16xf32>
      %add3A_750 = arith.addf %add3A_710, %mul3A_749 : vector<16xf32>
      %mul3A_751 = arith.mulf %gather3A_745, %gather3A_746 : vector<16xf32>
      %add3A_752 = arith.addf %add3A_712, %mul3A_751 : vector<16xf32>
      %broadcast_in_dim3A_753 = arith.constant 56 : i32
      %broadcast_in_dim3A_754 = vector.broadcast %broadcast_in_dim3A_753 : i32 to vector<16xi32>
      %gather3A_755 = tpu.vector_load_idx %arg9[%add3A_192, %broadcast_in_dim3A_754] : memref<512x64xf32, #tpu.memory_space<vmem>>[vector<16xi32>, vector<16xi32>], vector<16xf32>,
      %gather3A_756 = tpu.vector_load_idx %arg10[%add3A_192, %broadcast_in_dim3A_754] : memref<512x64xf32, #tpu.memory_space<vmem>>[vector<16xi32>, vector<16xi32>], vector<16xf32>,
      %mul3A_757 = arith.mulf %gather3A_755, %gather3A_755 : vector<16xf32>
      %add3A_758 = arith.addf %add3A_718, %mul3A_757 : vector<16xf32>
      %mul3A_759 = arith.mulf %gather3A_756, %gather3A_756 : vector<16xf32>
      %add3A_760 = arith.addf %add3A_720, %mul3A_759 : vector<16xf32>
      %mul3A_761 = arith.mulf %gather3A_755, %gather3A_756 : vector<16xf32>
      %add3A_762 = arith.addf %add3A_722, %mul3A_761 : vector<16xf32>
      %broadcast_in_dim3A_763 = arith.constant 57 : i32
      %broadcast_in_dim3A_764 = vector.broadcast %broadcast_in_dim3A_763 : i32 to vector<16xi32>
      %gather3A_765 = tpu.vector_load_idx %arg9[%add3A_192, %broadcast_in_dim3A_764] : memref<512x64xf32, #tpu.memory_space<vmem>>[vector<16xi32>, vector<16xi32>], vector<16xf32>,
      %gather3A_766 = tpu.vector_load_idx %arg10[%add3A_192, %broadcast_in_dim3A_764] : memref<512x64xf32, #tpu.memory_space<vmem>>[vector<16xi32>, vector<16xi32>], vector<16xf32>,
      %mul3A_767 = arith.mulf %gather3A_765, %gather3A_765 : vector<16xf32>
      %add3A_768 = arith.addf %add3A_728, %mul3A_767 : vector<16xf32>
      %mul3A_769 = arith.mulf %gather3A_766, %gather3A_766 : vector<16xf32>
      %add3A_770 = arith.addf %add3A_730, %mul3A_769 : vector<16xf32>
      %mul3A_771 = arith.mulf %gather3A_765, %gather3A_766 : vector<16xf32>
      %add3A_772 = arith.addf %add3A_732, %mul3A_771 : vector<16xf32>
      %broadcast_in_dim3A_773 = arith.constant 58 : i32
      %broadcast_in_dim3A_774 = vector.broadcast %broadcast_in_dim3A_773 : i32 to vector<16xi32>
      %gather3A_775 = tpu.vector_load_idx %arg9[%add3A_192, %broadcast_in_dim3A_774] : memref<512x64xf32, #tpu.memory_space<vmem>>[vector<16xi32>, vector<16xi32>], vector<16xf32>,
      %gather3A_776 = tpu.vector_load_idx %arg10[%add3A_192, %broadcast_in_dim3A_774] : memref<512x64xf32, #tpu.memory_space<vmem>>[vector<16xi32>, vector<16xi32>], vector<16xf32>,
      %mul3A_777 = arith.mulf %gather3A_775, %gather3A_775 : vector<16xf32>
      %add3A_778 = arith.addf %add3A_738, %mul3A_777 : vector<16xf32>
      %mul3A_779 = arith.mulf %gather3A_776, %gather3A_776 : vector<16xf32>
      %add3A_780 = arith.addf %add3A_740, %mul3A_779 : vector<16xf32>
      %mul3A_781 = arith.mulf %gather3A_775, %gather3A_776 : vector<16xf32>
      %add3A_782 = arith.addf %add3A_742, %mul3A_781 : vector<16xf32>
      %broadcast_in_dim3A_783 = arith.constant 59 : i32
      %broadcast_in_dim3A_784 = vector.broadcast %broadcast_in_dim3A_783 : i32 to vector<16xi32>
      %gather3A_785 = tpu.vector_load_idx %arg9[%add3A_192, %broadcast_in_dim3A_784] : memref<512x64xf32, #tpu.memory_space<vmem>>[vector<16xi32>, vector<16xi32>], vector<16xf32>,
      %gather3A_786 = tpu.vector_load_idx %arg10[%add3A_192, %broadcast_in_dim3A_784] : memref<512x64xf32, #tpu.memory_space<vmem>>[vector<16xi32>, vector<16xi32>], vector<16xf32>,
      %mul3A_787 = arith.mulf %gather3A_785, %gather3A_785 : vector<16xf32>
      %add3A_788 = arith.addf %add3A_748, %mul3A_787 : vector<16xf32>
      %mul3A_789 = arith.mulf %gather3A_786, %gather3A_786 : vector<16xf32>
      %add3A_790 = arith.addf %add3A_750, %mul3A_789 : vector<16xf32>
      %mul3A_791 = arith.mulf %gather3A_785, %gather3A_786 : vector<16xf32>
      %add3A_792 = arith.addf %add3A_752, %mul3A_791 : vector<16xf32>
      %broadcast_in_dim3A_793 = arith.constant 60 : i32
      %broadcast_in_dim3A_794 = vector.broadcast %broadcast_in_dim3A_793 : i32 to vector<16xi32>
      %gather3A_795 = tpu.vector_load_idx %arg9[%add3A_192, %broadcast_in_dim3A_794] : memref<512x64xf32, #tpu.memory_space<vmem>>[vector<16xi32>, vector<16xi32>], vector<16xf32>,
      %gather3A_796 = tpu.vector_load_idx %arg10[%add3A_192, %broadcast_in_dim3A_794] : memref<512x64xf32, #tpu.memory_space<vmem>>[vector<16xi32>, vector<16xi32>], vector<16xf32>,
      %mul3A_797 = arith.mulf %gather3A_795, %gather3A_795 : vector<16xf32>
      %add3A_798 = arith.addf %add3A_758, %mul3A_797 : vector<16xf32>
      %mul3A_799 = arith.mulf %gather3A_796, %gather3A_796 : vector<16xf32>
      %add3A_800 = arith.addf %add3A_760, %mul3A_799 : vector<16xf32>
      %mul3A_801 = arith.mulf %gather3A_795, %gather3A_796 : vector<16xf32>
      %add3A_802 = arith.addf %add3A_762, %mul3A_801 : vector<16xf32>
      %broadcast_in_dim3A_803 = arith.constant 61 : i32
      %broadcast_in_dim3A_804 = vector.broadcast %broadcast_in_dim3A_803 : i32 to vector<16xi32>
      %gather3A_805 = tpu.vector_load_idx %arg9[%add3A_192, %broadcast_in_dim3A_804] : memref<512x64xf32, #tpu.memory_space<vmem>>[vector<16xi32>, vector<16xi32>], vector<16xf32>,
      %gather3A_806 = tpu.vector_load_idx %arg10[%add3A_192, %broadcast_in_dim3A_804] : memref<512x64xf32, #tpu.memory_space<vmem>>[vector<16xi32>, vector<16xi32>], vector<16xf32>,
      %mul3A_807 = arith.mulf %gather3A_805, %gather3A_805 : vector<16xf32>
      %add3A_808 = arith.addf %add3A_768, %mul3A_807 : vector<16xf32>
      %mul3A_809 = arith.mulf %gather3A_806, %gather3A_806 : vector<16xf32>
      %add3A_810 = arith.addf %add3A_770, %mul3A_809 : vector<16xf32>
      %mul3A_811 = arith.mulf %gather3A_805, %gather3A_806 : vector<16xf32>
      %add3A_812 = arith.addf %add3A_772, %mul3A_811 : vector<16xf32>
      %broadcast_in_dim3A_813 = arith.constant 62 : i32
      %broadcast_in_dim3A_814 = vector.broadcast %broadcast_in_dim3A_813 : i32 to vector<16xi32>
      %gather3A_815 = tpu.vector_load_idx %arg9[%add3A_192, %broadcast_in_dim3A_814] : memref<512x64xf32, #tpu.memory_space<vmem>>[vector<16xi32>, vector<16xi32>], vector<16xf32>,
      %gather3A_816 = tpu.vector_load_idx %arg10[%add3A_192, %broadcast_in_dim3A_814] : memref<512x64xf32, #tpu.memory_space<vmem>>[vector<16xi32>, vector<16xi32>], vector<16xf32>,
      %mul3A_817 = arith.mulf %gather3A_815, %gather3A_815 : vector<16xf32>
      %add3A_818 = arith.addf %add3A_778, %mul3A_817 : vector<16xf32>
      %mul3A_819 = arith.mulf %gather3A_816, %gather3A_816 : vector<16xf32>
      %add3A_820 = arith.addf %add3A_780, %mul3A_819 : vector<16xf32>
      %mul3A_821 = arith.mulf %gather3A_815, %gather3A_816 : vector<16xf32>
      %add3A_822 = arith.addf %add3A_782, %mul3A_821 : vector<16xf32>
      %broadcast_in_dim3A_823 = arith.constant 63 : i32
      %broadcast_in_dim3A_824 = vector.broadcast %broadcast_in_dim3A_823 : i32 to vector<16xi32>
      %gather3A_825 = tpu.vector_load_idx %arg9[%add3A_192, %broadcast_in_dim3A_824] : memref<512x64xf32, #tpu.memory_space<vmem>>[vector<16xi32>, vector<16xi32>], vector<16xf32>,
      %gather3A_826 = tpu.vector_load_idx %arg10[%add3A_192, %broadcast_in_dim3A_824] : memref<512x64xf32, #tpu.memory_space<vmem>>[vector<16xi32>, vector<16xi32>], vector<16xf32>,
      %mul3A_827 = arith.mulf %gather3A_825, %gather3A_825 : vector<16xf32>
      %add3A_828 = arith.addf %add3A_788, %mul3A_827 : vector<16xf32>
      %mul3A_829 = arith.mulf %gather3A_826, %gather3A_826 : vector<16xf32>
      %add3A_830 = arith.addf %add3A_790, %mul3A_829 : vector<16xf32>
      %mul3A_831 = arith.mulf %gather3A_825, %gather3A_826 : vector<16xf32>
      %add3A_832 = arith.addf %add3A_792, %mul3A_831 : vector<16xf32>
      %add3A_833 = arith.addf %add3A_798, %add3A_808 : vector<16xf32>
      %add3A_834 = arith.addf %add3A_818, %add3A_828 : vector<16xf32>
      %add3A_835 = arith.addf %add3A_833, %add3A_834 : vector<16xf32>
      %add3A_836 = arith.addf %add3A_800, %add3A_810 : vector<16xf32>
      %add3A_837 = arith.addf %add3A_820, %add3A_830 : vector<16xf32>
      %add3A_838 = arith.addf %add3A_836, %add3A_837 : vector<16xf32>
      %add3A_839 = arith.addf %add3A_802, %add3A_812 : vector<16xf32>
      %add3A_840 = arith.addf %add3A_822, %add3A_832 : vector<16xf32>
      %add3A_841 = arith.addf %add3A_839, %add3A_840 : vector<16xf32>
      %ge3A = arith.constant 1.000000e-24 : f32
      %ge3A_842 = vector.broadcast %ge3A : f32 to vector<16xf32>
      %ge3A_843 = arith.cmpf oge, %add3A_835, %ge3A_842 : vector<16xf32>
      %bitcast3A = vector.bitcast %add3A_835 : vector<16xf32> to vector<16xi32>
      %shift_right_arithmetic3A = arith.constant 1 : i32
      %shift_right_arithmetic3A_844 = vector.broadcast %shift_right_arithmetic3A : i32 to vector<16xi32>
      %shift_right_arithmetic3A_845 = arith.shrsi %bitcast3A, %shift_right_arithmetic3A_844 : vector<16xi32>
      %sub3A = arith.constant 1597463007 : i32
      %sub3A_846 = vector.broadcast %sub3A : i32 to vector<16xi32>
      %sub3A_847 = arith.subi %sub3A_846, %shift_right_arithmetic3A_845 : vector<16xi32>
      %bitcast3A_848 = vector.bitcast %sub3A_847 : vector<16xi32> to vector<16xf32>
      %mul3A_849 = arith.constant 5.000000e-01 : f32
      %mul3A_850 = vector.broadcast %mul3A_849 : f32 to vector<16xf32>
      %mul3A_851 = arith.mulf %mul3A_850, %add3A_835 : vector<16xf32>
      %mul3A_852 = arith.mulf %mul3A_851, %bitcast3A_848 : vector<16xf32>
      %mul3A_853 = arith.mulf %mul3A_852, %bitcast3A_848 : vector<16xf32>
      %sub3A_854 = arith.constant 1.500000e+00 : f32
      %sub3A_855 = vector.broadcast %sub3A_854 : f32 to vector<16xf32>
      %sub3A_856 = arith.subf %sub3A_855, %mul3A_853 : vector<16xf32>
      %mul3A_857 = arith.mulf %bitcast3A_848, %sub3A_856 : vector<16xf32>
      %mul3A_858 = arith.constant 5.000000e-01 : f32
      %mul3A_859 = vector.broadcast %mul3A_858 : f32 to vector<16xf32>
      %mul3A_860 = arith.mulf %mul3A_859, %add3A_835 : vector<16xf32>
      %mul3A_861 = arith.mulf %mul3A_860, %mul3A_857 : vector<16xf32>
      %mul3A_862 = arith.mulf %mul3A_861, %mul3A_857 : vector<16xf32>
      %sub3A_863 = arith.constant 1.500000e+00 : f32
      %sub3A_864 = vector.broadcast %sub3A_863 : f32 to vector<16xf32>
      %sub3A_865 = arith.subf %sub3A_864, %mul3A_862 : vector<16xf32>
      %mul3A_866 = arith.mulf %mul3A_857, %sub3A_865 : vector<16xf32>
      %jit3A = arith.constant 9.99999995E+11 : f32
      %broadcast_in_dim3A_867 = vector.broadcast %jit3A : f32 to vector<16xf32>
      %select_n3A = arith.select %ge3A_843, %mul3A_866, %broadcast_in_dim3A_867 : vector<16xi1>, vector<16xf32>
      %ge3A_868 = arith.constant 1.000000e-24 : f32
      %ge3A_869 = vector.broadcast %ge3A_868 : f32 to vector<16xf32>
      %ge3A_870 = arith.cmpf oge, %add3A_838, %ge3A_869 : vector<16xf32>
      %bitcast3A_871 = vector.bitcast %add3A_838 : vector<16xf32> to vector<16xi32>
      %shift_right_arithmetic3A_872 = arith.constant 1 : i32
      %shift_right_arithmetic3A_873 = vector.broadcast %shift_right_arithmetic3A_872 : i32 to vector<16xi32>
      %shift_right_arithmetic3A_874 = arith.shrsi %bitcast3A_871, %shift_right_arithmetic3A_873 : vector<16xi32>
      %sub3A_875 = arith.constant 1597463007 : i32
      %sub3A_876 = vector.broadcast %sub3A_875 : i32 to vector<16xi32>
      %sub3A_877 = arith.subi %sub3A_876, %shift_right_arithmetic3A_874 : vector<16xi32>
      %bitcast3A_878 = vector.bitcast %sub3A_877 : vector<16xi32> to vector<16xf32>
      %mul3A_879 = arith.constant 5.000000e-01 : f32
      %mul3A_880 = vector.broadcast %mul3A_879 : f32 to vector<16xf32>
      %mul3A_881 = arith.mulf %mul3A_880, %add3A_838 : vector<16xf32>
      %mul3A_882 = arith.mulf %mul3A_881, %bitcast3A_878 : vector<16xf32>
      %mul3A_883 = arith.mulf %mul3A_882, %bitcast3A_878 : vector<16xf32>
      %sub3A_884 = arith.constant 1.500000e+00 : f32
      %sub3A_885 = vector.broadcast %sub3A_884 : f32 to vector<16xf32>
      %sub3A_886 = arith.subf %sub3A_885, %mul3A_883 : vector<16xf32>
      %mul3A_887 = arith.mulf %bitcast3A_878, %sub3A_886 : vector<16xf32>
      %mul3A_888 = arith.constant 5.000000e-01 : f32
      %mul3A_889 = vector.broadcast %mul3A_888 : f32 to vector<16xf32>
      %mul3A_890 = arith.mulf %mul3A_889, %add3A_838 : vector<16xf32>
      %mul3A_891 = arith.mulf %mul3A_890, %mul3A_887 : vector<16xf32>
      %mul3A_892 = arith.mulf %mul3A_891, %mul3A_887 : vector<16xf32>
      %sub3A_893 = arith.constant 1.500000e+00 : f32
      %sub3A_894 = vector.broadcast %sub3A_893 : f32 to vector<16xf32>
      %sub3A_895 = arith.subf %sub3A_894, %mul3A_892 : vector<16xf32>
      %mul3A_896 = arith.mulf %mul3A_887, %sub3A_895 : vector<16xf32>
      %jit3A_897 = arith.constant 9.99999995E+11 : f32
      %broadcast_in_dim3A_898 = vector.broadcast %jit3A_897 : f32 to vector<16xf32>
      %select_n3A_899 = arith.select %ge3A_870, %mul3A_896, %broadcast_in_dim3A_898 : vector<16xi1>, vector<16xf32>
      %mul3A_900 = arith.mulf %add3A_835, %select_n3A : vector<16xf32>
      %mul3A_901 = arith.mulf %mul3A_900, %select_n3A : vector<16xf32>
      %mul3A_902 = arith.mulf %add3A_838, %select_n3A_899 : vector<16xf32>
      %mul3A_903 = arith.mulf %mul3A_902, %select_n3A_899 : vector<16xf32>
      %add3A_904 = arith.addf %mul3A_901, %mul3A_903 : vector<16xf32>
      %mul3A_905 = arith.constant 2.000000e+00 : f32
      %mul3A_906 = vector.broadcast %mul3A_905 : f32 to vector<16xf32>
      %mul3A_907 = arith.mulf %mul3A_906, %add3A_841 : vector<16xf32>
      %mul3A_908 = arith.mulf %mul3A_907, %select_n3A : vector<16xf32>
      %mul3A_909 = arith.mulf %mul3A_908, %select_n3A_899 : vector<16xf32>
      %sub3A_910 = arith.subf %add3A_904, %mul3A_909 : vector<16xf32>
      %max3A = arith.constant 0.000000e+00 : f32
      %max3A_911 = vector.broadcast %max3A : f32 to vector<16xf32>
      %max3A_912 = arith.maximumf %sub3A_910, %max3A_911 : vector<16xf32>
      %bitcast3A_913 = vector.bitcast %max3A_912 : vector<16xf32> to vector<16xi32>
      %shift_right_arithmetic3A_914 = arith.constant 1 : i32
      %shift_right_arithmetic3A_915 = vector.broadcast %shift_right_arithmetic3A_914 : i32 to vector<16xi32>
      %shift_right_arithmetic3A_916 = arith.shrsi %bitcast3A_913, %shift_right_arithmetic3A_915 : vector<16xi32>
      %sub3A_917 = arith.constant 1597463007 : i32
      %sub3A_918 = vector.broadcast %sub3A_917 : i32 to vector<16xi32>
      %sub3A_919 = arith.subi %sub3A_918, %shift_right_arithmetic3A_916 : vector<16xi32>
      %bitcast3A_920 = vector.bitcast %sub3A_919 : vector<16xi32> to vector<16xf32>
      %mul3A_921 = arith.constant 5.000000e-01 : f32
      %mul3A_922 = vector.broadcast %mul3A_921 : f32 to vector<16xf32>
      %mul3A_923 = arith.mulf %mul3A_922, %max3A_912 : vector<16xf32>
      %mul3A_924 = arith.mulf %mul3A_923, %bitcast3A_920 : vector<16xf32>
      %mul3A_925 = arith.mulf %mul3A_924, %bitcast3A_920 : vector<16xf32>
      %sub3A_926 = arith.constant 1.500000e+00 : f32
      %sub3A_927 = vector.broadcast %sub3A_926 : f32 to vector<16xf32>
      %sub3A_928 = arith.subf %sub3A_927, %mul3A_925 : vector<16xf32>
      %mul3A_929 = arith.mulf %bitcast3A_920, %sub3A_928 : vector<16xf32>
      %mul3A_930 = arith.constant 5.000000e-01 : f32
      %mul3A_931 = vector.broadcast %mul3A_930 : f32 to vector<16xf32>
      %mul3A_932 = arith.mulf %mul3A_931, %max3A_912 : vector<16xf32>
      %mul3A_933 = arith.mulf %mul3A_932, %mul3A_929 : vector<16xf32>
      %mul3A_934 = arith.mulf %mul3A_933, %mul3A_929 : vector<16xf32>
      %sub3A_935 = arith.constant 1.500000e+00 : f32
      %sub3A_936 = vector.broadcast %sub3A_935 : f32 to vector<16xf32>
      %sub3A_937 = arith.subf %sub3A_936, %mul3A_934 : vector<16xf32>
      %mul3A_938 = arith.mulf %mul3A_929, %sub3A_937 : vector<16xf32>
      %mul3A_939 = arith.mulf %max3A_912, %mul3A_938 : vector<16xf32>
      %neg3A = arith.constant 0.000000e+00 : f32
      %neg3A_940 = vector.broadcast %neg3A : f32 to vector<16xf32>
      %neg3A_941 = arith.subf %neg3A_940, %mul3A_939 : vector<16xf32>
      %mul3A_942 = arith.constant 16 : i32
      %mul3A_943 = arith.muli %scan3A_188, %mul3A_942 : i32
      %swap3A = arith.index_cast %mul3A_943 : i32 to index
      %swap3A_944 = tpu.vector_load %arg11[%swap3A] {strides = array<i32>} : memref<512xf32, #tpu.memory_space<vmem>>, vector<16xf32>,
      tpu.vector_store %arg11[%swap3A], %neg3A_941 {strides = array<i32>} : memref<512xf32, #tpu.memory_space<vmem>>, vector<16xf32>,
    }
    %scan3A_187 = arith.constant 8 : i32
    "tpu.region"() ({
      %run_scoped3A = tpu.sem_alloc : memref<!tpu.dma_semaphore, #tpu.memory_space<semaphore_mem>>
      %dma_start3A_188 = tpu.memref_slice %arg6[%mul3A_2] : memref<16384xf32, #tpu.memory_space<hbm>> -> memref<512xf32, #tpu.memory_space<hbm>>
      %dma_start3A_189 = tpu.memref_slice %arg6[%mul3A_2] : memref<16384xf32, #tpu.memory_space<hbm>> -> memref<512xf32, #tpu.memory_space<hbm>>
      tpu.enqueue_dma source(%arg11 : memref<512xf32, #tpu.memory_space<vmem>>) target(%dma_start3A_189 : memref<512xf32, #tpu.memory_space<hbm>>) target_semaphore(%run_scoped3A : memref<!tpu.dma_semaphore, #tpu.memory_space<semaphore_mem>>)
      %dma_wait3A_190 = tpu.memref_slice %arg6[%mul3A_2] : memref<16384xf32, #tpu.memory_space<hbm>> -> memref<512xf32, #tpu.memory_space<hbm>>
      %dma_wait3A_191 = tpu.memref_slice %arg6[%mul3A_2] : memref<16384xf32, #tpu.memory_space<hbm>> -> memref<512xf32, #tpu.memory_space<hbm>>
      tpu.wait_dma2 semaphore(%run_scoped3A : memref<!tpu.dma_semaphore, #tpu.memory_space<semaphore_mem>>) src(%arg11 : memref<512xf32, #tpu.memory_space<vmem>>) dst(%dma_wait3A_191 : memref<512xf32, #tpu.memory_space<hbm>>)
      tpu.yield
    }) : () -> ()
    return
  }
}

</mosaic_0001>

<sc_bundles>
// kernel: _run.3.cloned.1.call-start
scs
__scs_entry_jumppad:
0x0: {  	(pc) =	sbr.rel $0x88, $3  }
0x1: {  	(tag) =	ssettag $0x0;
	lr =	simm.s32 $0x1  }
0x2: {  	[smem:$0x3F9D] =	sst lr;
	_ =	strace $0xD0000000  }
0x3: {  	_ = 	snop  }
0x4: {  	_ = 	snop  }
0x5: {  	_ = 	snop  }
0x6: {  	_ = 	snop  }
0x7: {  	_ = 	snop  }
__scs_overlays_trampoline_lowered:
0x8: {  	[smem:$0x3FAC] =	sst s0  }
0x9: {  	[smem:$0x3FAD] =	sst s1  }
0xa: {  	[smem:$0x3FAE] =	sst s2  }
0xb: {  	[smem:$0x3FAF] =	sst s3  }
0xc: {  	[smem:$0x3FB0] =	sst s4  }
0xd: {  	[smem:$0x3FB1] =	sst s5  }
0xe: {  	[smem:$0x3FB2] =	sst s6  }
0xf: {  	[smem:$0x3FB3] =	sst s7  }
0x10: {  	[smem:$0x3FB4] =	sst s8  }
0x11: {  	[smem:$0x3FB5] =	sst s9;
	s0 =	simm.s32 @!p0 $0x0  }
0x12: {  	s1 =	sld [smem:$0x3F9B];
	s0 =	simm.s32 @p0 $0x1  }
0x13: {  	[smem:$0x3FB6] =	sst s0;
	s0 =	simm.s32 @!p1 $0x0  }
0x14: {  	s2 =	sld [smem:$0x3F9A];
	s0 =	simm.s32 @p1 $0x1  }
0x15: {  	[smem:$0x3FB7] =	sst s0;
	s0 =	simm.s32 @!p2 $0x0  }
0x16: {  	s3 =	sld [smem:$0x3FDB];
	s0 =	simm.s32 @p2 $0x1  }
0x17: {  	s4 =	simm.s32 $0x1BF5;
	[smem:$0x3FB9] =	sst s0  }
0x18: {  	s0 =	sld [smem:$0x3F9C];
	_ =	swait.ge [sflag:s4], $0x0  }
0x19: {  	s7 =	sld [smem:$0x3F9D]  }
0x1a: {  	s8 =	sadd.s32 $0xFFFFE003, lr  }
0x1b: {  	s9 =	sadd.s32 $0xFFFFFEF7, lr;
	s5 =	simm.s32 $0xFFFFFFFF;
	p2 =	slt.u32 s8, $0xFFFFF086  }
0x1c: {  	p1 =	slt.u32 s9, $0xF7A;
	s5 =	simm.s32 @!p2 $0x0  }
0x1d: {  	s5 =	simm.s32 @p1 $0x1;
	p0 =	seq.s32 s7, s2  }
0x1e: {  	s7 =	smul.u32 @!p0 $0xF7A, s2;
	p2 =	seq.s32 @!p0 s5, $0x0  }
0x1f: {  	s9 =	smul.u32 $0xF7A, s1;
	s8 =	simm.s32 @!p0 $0x1BF5;
	p2 =	por !p2, p0  }
0x20: {  	[sflag:s8] =	ssyncset.s32 @!p0 $0xFFFFF086;
	s6 =	sadd.s32 @!p0 s3, s7;
	s7 =	simm.s32 @!p0 $0x108  }
0x21: {  	s3 =	sadd.s32 s3, s9;
	s6 =	sadd.s32 @!p0 $0x88, s6;
	s7 =	simm.s32 @p2 $0x1082  }
0x22: {  	[simem:s7], [sflag:s8] =	dma.local @!p0 [hbm:s6], $0xF7A  }
0x23: {  	s9 =	sor.u32 $0xD0000000, s2;
	s6 =	simm.s32 $0x108;
	_ =	swait.ge @!p0 [sflag:s8], $0x0  }
0x24: {  	s3 =	sadd.s32 $0x88, s3;
	s6 =	simm.s32 @!p1 $0x1082;
	[sflag:s4] =	ssyncset.s32 $0xFFFFF086  }
0x25: {  	[simem:s6], [sflag:s4] =	dma.local [hbm:s3], $0xF7A  }
0x26: {  	[smem:$0x3F9D] =	sst s1;
	(tag) =	ssettag s2;
	_ =	strace s9  }
0x27: {  	s1 =	sld [smem:$0x3FAD]  }
0x28: {  	s2 =	sld [smem:$0x3FAE]  }
0x29: {  	s4 =	sld [smem:$0x3FB0]  }
0x2a: {  	p0 =	seq.s32 s5, $0x0;
	s5 =	sld [smem:$0x3FB1]  }
0x2b: {  	s6 =	sld [smem:$0x3FB2]  }
0x2c: {  	s7 =	sld [smem:$0x3FB3]  }
0x2d: {  	s3 =	simm.s32 $0x108;
	s8 =	sld [smem:$0x3FB4]  }
0x2e: {  	s3 =	simm.s32 @!p0 $0x1082;
	s9 =	sld [smem:$0x3FB5]  }
0x2f: {  	lr =	sadd.s32 s0, s3;
	s0 =	sld [smem:$0x3FAC]  }
0x30: {  	s3 =	sld [smem:$0x3FAF]  }
0x31: {  	[smem:$0x3FB8] =	sst s10  }
0x32: {  	s10 =	sld [smem:$0x3FB6];
	_ =	sdelay $0x3  }
0x33: {  	p0 =	seq.s32 s10, $0x1;
	s10 =	sld [smem:$0x3FB8];
	_ =	sdelay $0x3  }
0x34: {  	[smem:$0x3FB8] =	sst s10  }
0x35: {  	s10 =	sld [smem:$0x3FB7];
	_ =	sdelay $0x3  }
0x36: {  	p1 =	seq.s32 s10, $0x1;
	s10 =	sld [smem:$0x3FB8];
	_ =	sdelay $0x3  }
0x37: {  	[smem:$0x3FB8] =	sst s10  }
0x38: {  	s10 =	sld [smem:$0x3FB9]  }
0x39: {  	_ = 	snop;
	(pc) =	sbr.ind lr, $3  }
0x3a: {  	_ = 	snop  }
0x3b: {  	_ = 	snop  }
0x3c: {  	p2 =	seq.s32 s10, $0x1;
	s10 =	sld [smem:$0x3FB8]  }
0x3d: {  	_ =	shalt  }
0x3e: {  	_ =	shalt  }
0x3f: {  	_ =	shalt  }
0x40: {  	_ =	shalt  }
0x41: {  	_ =	shalt  }
0x42: {  	_ =	shalt  }
0x43: {  	_ =	shalt  }
0x44: {  	_ =	shalt  }
0x45: {  	_ =	shalt  }
0x46: {  	_ =	shalt  }
0x47: {  	_ =	shalt  }
0x48: {  	_ =	shalt  }
0x49: {  	_ =	shalt  }
0x4a: {  	_ =	shalt  }
0x4b: {  	_ =	shalt  }
0x4c: {  	_ =	shalt  }
0x4d: {  	_ =	shalt  }
0x4e: {  	_ =	shalt  }
0x4f: {  	_ =	shalt  }
0x50: {  	_ =	shalt  }
0x51: {  	_ =	shalt  }
0x52: {  	_ =	shalt  }
0x53: {  	_ =	shalt  }
0x54: {  	_ =	shalt  }
0x55: {  	_ =	shalt  }
0x56: {  	_ =	shalt  }
0x57: {  	_ =	shalt  }
0x58: {  	_ =	shalt  }
0x59: {  	_ =	shalt  }
0x5a: {  	_ =	shalt  }
0x5b: {  	_ =	shalt  }
0x5c: {  	_ =	shalt  }
0x5d: {  	_ =	shalt  }
0x5e: {  	_ =	shalt  }
0x5f: {  	_ =	shalt  }
0x60: {  	_ =	shalt  }
0x61: {  	_ =	shalt  }
0x62: {  	_ =	shalt  }
0x63: {  	_ =	shalt  }
0x64: {  	_ =	shalt  }
0x65: {  	_ =	shalt  }
0x66: {  	_ =	shalt  }
0x67: {  	_ =	shalt  }
0x68: {  	_ =	shalt  }
0x69: {  	_ =	shalt  }
0x6a: {  	_ =	shalt  }
0x6b: {  	_ =	shalt  }
0x6c: {  	_ =	shalt  }
0x6d: {  	_ =	shalt  }
0x6e: {  	_ =	shalt  }
0x6f: {  	_ =	shalt  }
0x70: {  	_ =	shalt  }
0x71: {  	_ =	shalt  }
0x72: {  	_ =	shalt  }
0x73: {  	_ =	shalt  }
0x74: {  	_ =	shalt  }
0x75: {  	_ =	shalt  }
0x76: {  	_ =	shalt  }
0x77: {  	_ =	shalt  }
0x78: {  	_ =	shalt  }
0x79: {  	_ =	shalt  }
0x7a: {  	_ =	shalt  }
0x7b: {  	_ =	shalt  }
0x7c: {  	_ =	shalt  }
0x7d: {  	_ =	shalt  }
0x7e: {  	_ =	shalt  }
0x7f: {  	_ =	shalt  }
0x80: {  	_ =	shalt  }
0x81: {  	_ =	shalt  }
0x82: {  	_ =	shalt  }
0x83: {  	_ =	shalt  }
0x84: {  	_ =	shalt  }
0x85: {  	_ =	shalt  }
0x86: {  	_ =	shalt  }
0x87: {  	_ =	shalt  }
.Lfunc_end0:
.L_simem_size_0:
called_computation_lowered:
.L_overlay_start_0:
0x88: {  	s2 =	sld [smem:$0x3FD9]  }
0x89: {  	s3 =	sld [smem:$0x3FFE];
	_ =	sdelay $0x1  }
0x8a: {  	s1 =	srdreg.scid  }
0x8b: {  	s0 =	sand.u32 $0x1, s1  }
0x8c: {  	s17 =	sshll.u32 s0, $0xA;
	s2 =	sadd.s32 s3, s2  }
0x8d: {  	s2 =	sadd.s32 s2, s17  }
0x8e: {  	[smem:$0x3FC4] =	sst s2  }
0x8f: {  	_ = 	snop  }
0x90: {  	s2 =	sld [smem:$0x3FC9]  }
0x91: {  	s18 =	sld [smem:$0x3FC8]  }
0x92: {  	s4 =	sld [smem:$0x3FD0];
	(tm) =	ssettm $0x1  }
0x93: {  	s5 =	sld [smem:$0x3FFB];
	_ =	sdelay $0x3  }
0x94: {  	_ =	strace s5  }
0x95: {  	s5 =	sld [smem:$0x3FFC];
	_ =	sdelay $0x3  }
0x96: {  	_ =	strace s5  }
0x97: {  	s5 =	sld [smem:$0x3FFD];
	_ =	sdelay $0x3  }
0x98: {  	_ =	strace s5  }
0x99: {  	_ =	strace $0x8FFFFFFF  }
0x9a: {  	s19 =	sld [smem:$0x3FDB];
	_ =	sdelay $0x1  }
0x9b: {  	s6 =	simm.s32 $_scs_section_size  }
0x9c: {  	s7 =	simm.s32 $_size__tile_overlayer_lowered;
	s8 =	simm.s32 $_tile_overlayer_lowered  }
0x9d: {  	s22 =	simm.s32 $0x1BFF;
	s21 =	sshll.u32 s8, $0x1;
	s5 =	sadd.s32 s6, s19  }
0x9e: {  	s9 =	simm.s32 $0x0;
	s20 =	sshll.u32 s7, $0x1;
	s7 =	sadd.s32 s21, s5  }
0x9f: {  	[timem:s9], [sflag:s22] =	dma.local [hbm:s7], s20  }
0xa0: {  	_ =	swait.ge [sflag:s22], s20  }
0xa1: {  	s6 =	ssub.s32 $0x0, s20;
	[sflag:s22] =	ssyncset.done $0x0  }
0xa2: {  	[sflag:s22] =	ssyncadd.s32 s6;
	_ =	sdelay $0x1  }
0xa3: {  	s23 =	simm.s32 $0x1B8B  }
0xa4: {  	_ =	swait.ge [sflag:s23], $0x1  }
0xa5: {  	[sflag:s23] =	ssyncset.done $0x0  }
0xa6: {  	s25 =	simm.s32 $0x1B8E;
	s24 =	sld [smem:$0x3FFE];
	[sflag:s23] =	ssyncadd.s32 $0xFFFFFFFF  }
0xa7: {  	s26 =	simm.s32 $execute0_lowered;
	[smem:$0x3FD2] =	sst s25  }
0xa8: {  	s7 =	sshll.u32 s26, $0x1;
	_ =	strace $0x80000046;
	[dreg:$0x1] =	wrdreg $0xFFFFFFFF  }
0xa9: {  	s28 =	simm.s32 $_size_execute0_lowered;
	s5 =	sadd.s32 s5, s7;
	[dreg:$0x0] =	wrdreg $0x0  }
0xaa: {  	s7 =	sshll.u32 s28, $0x1;
	[dreg:$0x2] =	wrdreg s5  }
0xab: {  	[dreg:$0x3] =	wrdreg s7  }
0xac: {  	[dreg:$0x4] =	wrdreg $0xC0  }
0xad: {  	_ =	task [dreg:s9], $0x5FFFF  }
0xae: {  	[dreg:$0x1] =	wrdreg $0xFFFFFFFF  }
0xaf: {  	[dreg:$0x0] =	wrdreg $0x60  }
0xb0: {  	[dreg:$0x2] =	wrdreg s2  }
0xb1: {  	[dreg:$0x3] =	wrdreg s18  }
0xb2: {  	[dreg:$0x4] =	wrdreg s24  }
0xb3: {  	[dreg:$0x5] =	wrdreg s4  }
0xb4: {  	[dreg:$0x6] =	wrdreg $0x9  }
0xb5: {  	_ =	task.clear_ibuf [dreg:s9], $0x7FFFF;
	_ =	strace $0x90000046  }
0xb6: {  	s29 =	simm.s32 $0x9;
	_ =	strace $0x80000048  }
0xb7: {  	_ =	swait.ge [sflag:s29], $0x1  }
0xb8: {  	[sflag:s29] =	ssyncadd.s32 $0xFFFFFFFF  }
0xb9: {  	_ =	strace $0x90000048  }
0xba: {  	_ =	sfence  }
0xbb: {  	s30 =	sld [smem:$0x0];
	_ =	sdelay $0x2  }
0xbc: {  	s31 =	sshll.u32 s1, $0xD;
	s1 =	sshrl.u32 s1, $0x2  }
0xbd: {  	s3 =	sand.u32 $0x4000, s31;
	s1 =	sadd.s32 s1, s30  }
0xbe: {  	s0 =	sor.u32 s3, s0;
	s1 =	sshll.u32 s1, $0x11  }
0xbf: {  	s0 =	sor.u32 s1, s0  }
0xc0: {  	s0 =	sadd.s32 $0x8F2B, s0  }
0xc1: {  	[sflag:s0] =	ssyncadd.remote.s32 $0x1  }
0xc2: {  	_ =	sfence.sel $0xFFFF  }
0xc3: {  	[dreg:$0x0] =	wrdreg $0xFFFFFFFF;
	(pc) =	sbr.abs _section_cstart, $3  }
0xc4: {  	[dreg:$0x1] =	wrdreg $0xFFFFFFFF  }
0xc5: {  	_ =	task.clear_ibuf [dreg:s9], $0x2FFFF;
	_ =	strace $0x9FFFFFFF  }
0xc6: {  	(tm) =	ssettm $0x7FFFFFFF  }
0xc7: {  	_ =	shalt  }
tec
execute0_lowered:
.L_overlay_start_1:
0x0: {  	(tag) =	ssettag $0x1  }
0x1: {  	s0 =	rddreg [dreg:$0x0]  }
0x2: {  	s2 =	rddreg [dreg:$0x1]  }
0x3: {  	s4 =	rddreg [dreg:$0x2]  }
0x4: {  	s7 =	rddreg [dreg:$0x3];
	s1 =	simm.s32 $0x0  }
0x5: {  	s3 =	srdreg.scid;
	s9 =	stileid.u32;
	s10 =	simm.s32 $0x200  }
0x6: {  	s11 =	simm.s32 $0x80;
	s12 =	simm.s32 $0x400;
	s13 =	simm.s32 $0x8400  }
0x7: {  	s18 =	simm.s32 $0x4400;
	s19 =	simm.s32 $0x300;
	s20 =	simm.s32 $0xC400  }
0x8: {  	s21 =	simm.s32 $0x180;
	s22 =	simm.s32 $0x6400;
	s23 =	simm.s32 $0x380  }
0x9: {  	s24 =	simm.s32 $0xE400;
	s25 =	simm.s32 $0x1;
	s26 =	simm.s32 $0x2  }
0xa: {  	s28 =	simm.s32 $0x3;
	s29 =	simm.s32 $0x4;
	s30 =	simm.s32 $0x5  }
0xb: {  	s31 =	simm.s32 $0x6;
	s14 =	simm.s32 $0x10400;
	s15 =	simm.s32 $0x0  }
0xc: {  	[smem:$0x7FF] =	sst s1;
	s5 =	sand.u32 $0x1, s3;
	s3 =	sadd.s32 $0xF42A00, s4  }
0xd: {  	s9 =	sshll.u32 s9, $0x7;
	s6 =	ssub.s32 $0x2, s5;
	s5 =	sshll.u32 s5, $0x6  }
0xe: {  	s4 =	sadd.s32 $0x187000, s4;
	s8 =	sshrl.u32 s6, $0x1;
	s9 =	sor.u32 s5, s9  }
0xf: {  	_ =	strace $0x80000047;
	s8 =	ssub.s32 s6, s8;
	s5 =	sadd.s32 s0, s9  }
0x10: {  	v0 =	vlaneseq.u32;
	s6 =	sadd.s32 s2, s9;
	s7 =	sadd.s32 s7, s9;
	s9 =	simm.s32 $0x9  }
0x11: {  	v0 =	vmul.u32 $0x40, v0;
	s0 =	simm.s32 $0x7;
	s2 =	simm.s32 $0x8;
	s8 =	smax.u32 s8, $0x1  }
.LBB2_1:
0x12: {  	[tilespmem:s1], [sflag:$0x9] =	stream.linear.gather [hbm4b:s5+s1], $0x200, $0x38;
	[tilespmem:$0x10600] =	vst v63  }
0x13: {  	_ =	swait.ge [sflag:s9], $0x200  }
0x14: {  	[sflag:s9] =	ssyncset.done $0x0  }
0x15: {  	[sflag:s9] =	ssyncadd.s32 $0xFFFFFE00  }
0x16: {  	[tilespmem:s10], [sflag:$0x9] =	stream.linear.gather [hbm4b:s6+s1], $0x200, $0x38;
	[tilespmem:$0x10600] =	vst v63  }
0x17: {  	_ =	swait.ge [sflag:s9], $0x200  }
0x18: {  	[sflag:s9] =	ssyncset.done $0x0  }
0x19: {  	[sflag:s9] =	ssyncadd.s32 $0xFFFFFE00  }
0x1a: {  	[tilespmem:s12], [sflag:$0x1] =	stream.indirect.gather [hbm4b:s3+s11], $0x40, s1, s11, $0xb8;
	[tilespmem:$0x10600] =	vst v63  }
0x1b: {  	_ = 	snop  }
0x1c: {  	[tilespmem:s13], [sflag:$0x2] =	stream.indirect.gather [hbm4b:s4+s11], $0x40, s10, s11, $0xb8;
	[tilespmem:$0x10600] =	vst v63  }
0x1d: {  	s16 =	simm.s32 $0x2400  }
0x1e: {  	[tilespmem:s16], [sflag:$0x3] =	stream.indirect.gather [hbm4b:s3+s11], $0x40, s11, s11, $0xb8;
	[tilespmem:$0x10600] =	vst v63  }
0x1f: {  	s17 =	simm.s32 $0xA400;
	s16 =	simm.s32 $0x280  }
0x20: {  	[tilespmem:s17], [sflag:$0x4] =	stream.indirect.gather [hbm4b:s4+s11], $0x40, s16, s11, $0xb8;
	[tilespmem:$0x10600] =	vst v63  }
0x21: {  	s17 =	simm.s32 $0x100  }
0x22: {  	[tilespmem:s18], [sflag:$0x5] =	stream.indirect.gather [hbm4b:s3+s11], $0x40, s17, s11, $0xb8;
	[tilespmem:$0x10600] =	vst v63  }
0x23: {  	_ = 	snop  }
0x24: {  	[tilespmem:s20], [sflag:$0x6] =	stream.indirect.gather [hbm4b:s4+s11], $0x40, s19, s11, $0xb8;
	[tilespmem:$0x10600] =	vst v63  }
0x25: {  	_ = 	snop  }
0x26: {  	[tilespmem:s22], [sflag:$0x7] =	stream.indirect.gather [hbm4b:s3+s11], $0x40, s21, s11, $0xb8;
	[tilespmem:$0x10600] =	vst v63  }
0x27: {  	_ = 	snop  }
0x28: {  	[tilespmem:s24], [sflag:$0x8] =	stream.indirect.gather [hbm4b:s4+s11], $0x40, s23, s11, $0xb8;
	[tilespmem:$0x10600] =	vst v63  }
0x29: {  	_ =	swait.ge [sflag:s25], $0x2000  }
0x2a: {  	[sflag:s25] =	ssyncset.done $0x0  }
0x2b: {  	[sflag:s25] =	ssyncadd.s32 $0xFFFFE000  }
0x2c: {  	_ =	swait.ge [sflag:s26], $0x2000  }
0x2d: {  	[sflag:s26] =	ssyncset.done $0x0  }
0x2e: {  	s16 =	simm.s32 $0x10400;
	s17 =	simm.s32 $0x0;
	[sflag:s26] =	ssyncadd.s32 $0xFFFFE000  }
.LBB2_2:
0x2f: {  	v1 =	vmov s17  }
0x30: {  	v1 =	vshll.u32 v1, $0x6  }
0x31: {  	v1 =	vor.u32 v0, v1;
	_ =	sdelay $0x1  }
0x32: {  	v2 =	vor.u32 $0x1, v1;
	_ =	sdelay $0x1  }
0x33: {  	v3 =	vor.u32 $0x2, v1  }
0x34: {  	v4 =	vld.idx.msk [tilespmem:v1+s12+$0x0], $0xffff  }
0x35: {  	v6 =	vor.u32 $0x3, v1;
	v5 =	vld.idx.msk [tilespmem:v1+s13+$0x0], $0xffff  }
0x36: {  	v7 =	vld.idx.msk [tilespmem:v2+s12+$0x0], $0xffff  }
0x37: {  	v8 =	vor.u32 $0x4, v1;
	v2 =	vld.idx.msk [tilespmem:v2+s13+$0x0], $0xffff  }
0x38: {  	v9 =	vld.idx.msk [tilespmem:v3+s12+$0x0], $0xffff  }
0x39: {  	v10 =	vor.u32 $0x5, v1;
	v3 =	vld.idx.msk [tilespmem:v3+s13+$0x0], $0xffff  }
0x3a: {  	v11 =	vld.idx.msk [tilespmem:v6+s12+$0x0], $0xffff  }
0x3b: {  	v14 =	vor.u32 $0x6, v1;
	v6 =	vld.idx.msk [tilespmem:v6+s13+$0x0], $0xffff  }
0x3c: {  	v13 =	vld.idx.msk [tilespmem:v8+s12+$0x0], $0xffff  }
0x3d: {  	v17 =	vor.u32 $0x7, v1;
	v8 =	vld.idx.msk [tilespmem:v8+s13+$0x0], $0xffff  }
0x3e: {  	v16 =	vld.idx.msk [tilespmem:v10+s12+$0x0], $0xffff  }
0x3f: {  	v20 =	vor.u32 $0x8, v1;
	v10 =	vld.idx.msk [tilespmem:v10+s13+$0x0], $0xffff  }
0x40: {  	v22 =	vld.idx.msk [tilespmem:v14+s12+$0x0], $0xffff  }
0x41: {  	v52 =	vor.u32 $0x9, v1;
	v14 =	vld.idx.msk [tilespmem:v14+s13+$0x0], $0xffff;
	v12 =	vmul.f32 v5, v4;
	v4 =	vmul.f32 v4, v4  }
0x42: {  	v51 =	vld.idx.msk [tilespmem:v17+s12+$0x0], $0xffff;
	v5 =	vmul.f32 v5, v5;
	v15 =	vmul.f32 v2, v7  }
0x43: {  	v55 =	vor.u32 $0xA, v1;
	v17 =	vld.idx.msk [tilespmem:v17+s13+$0x0], $0xffff;
	v7 =	vmul.f32 v7, v7;
	v2 =	vmul.f32 v2, v2  }
0x44: {  	v60 =	vor.u32 $0xB, v1;
	v54 =	vld.idx.msk [tilespmem:v20+s12+$0x0], $0xffff;
	v18 =	vmul.f32 v9, v9;
	v9 =	vmul.f32 v3, v9  }
0x45: {  	v20 =	vld.idx.msk [tilespmem:v20+s13+$0x0], $0xffff;
	v3 =	vmul.f32 v3, v3;
	v19 =	vmul.f32 v6, v11  }
0x46: {  	v28 =	vor.u32 $0xC, v1;
	v59 =	vld.idx.msk [tilespmem:v52+s12+$0x0], $0xffff;
	v11 =	vmul.f32 v11, v11;
	v21 =	vmul.f32 v13, v13  }
0x47: {  	v62 =	vld.idx.msk [tilespmem:v52+s13+$0x0], $0xffff;
	v6 =	vmul.f32 v6, v6;
	v23 =	vmul.f32 v8, v8  }
0x48: {  	v63 =	vld.idx.msk [tilespmem:v55+s12+$0x0], $0xffff;
	v8 =	vmul.f32 v8, v13;
	v53 =	vmul.f32 v16, v16  }
0x49: {  	v31 =	vor.u32 $0xD, v1;
	v32 =	vld.idx.msk [tilespmem:v60+s12+$0x0], $0xffff;
	v24 =	vmul.f32 v10, v10;
	v10 =	vmul.f32 v10, v16  }
0x4a: {  	v25 =	vor.u32 $0xE, v1;
	v35 =	vld.idx.msk [tilespmem:v60+s13+$0x0], $0xffff;
	v56 =	vmul.f32 v22, v22;
	v57 =	vmul.f32 v14, v14  }
0x4b: {  	v37 =	vld.idx.msk [tilespmem:v28+s12+$0x0], $0xffff;
	v14 =	vmul.f32 v14, v22;
	v58 =	vmul.f32 v51, v51  }
0x4c: {  	v39 =	vld.idx.msk [tilespmem:v28+s13+$0x0], $0xffff;
	v61 =	vmul.f32 v17, v17;
	v13 =	vmul.f32 v17, v51  }
0x4d: {  	v42 =	vor.u32 $0xF, v1;
	v29 =	vmul.f32 v54, v54;
	v30 =	vmul.f32 v20, v20  }
0x4e: {  	v47 =	vor.u32 $0x10, v1;
	v41 =	vld.idx.msk [tilespmem:v31+s12+$0x0], $0xffff;
	v33 =	vmul.f32 v59, v59;
	v34 =	vmul.f32 v62, v62  }
0x4f: {  	v27 =	vor.u32 $0x25, v1;
	v49 =	vld.idx.msk [tilespmem:v25+s12+$0x0], $0xffff;
	v36 =	vmul.f32 v63, v63;
	v44 =	vmul.f32 v32, v32  }
0x50: {  	v28 =	vor.u32 $0x13, v1;
	v46 =	vmul.f32 v35, v35;
	v48 =	vmul.f32 v37, v37  }
0x51: {  	v45 =	vld.idx.msk [tilespmem:v31+s13+$0x0], $0xffff;
	v50 =	vmul.f32 v39, v39;
	v12 =	vadd.f32 $0.0e+00, v12;
	v15 =	vadd.f32 $0.0e+00, v15  }
0x52: {  	v52 =	vmul.f32 v39, v37;
	v9 =	vadd.f32 $0.0e+00, v9;
	v19 =	vadd.f32 $0.0e+00, v19  }
0x53: {  	v16 =	vld.idx.msk [tilespmem:v55+s13+$0x0], $0xffff;
	v55 =	vmul.f32 v41, v41;
	v4 =	vadd.f32 v21, v4;
	v5 =	vadd.f32 v23, v5  }
0x54: {  	v60 =	vmul.f32 v49, v49;
	v7 =	vadd.f32 v53, v7;
	v2 =	vadd.f32 v24, v2  }
0x55: {  	v37 =	vor.u32 $0x15, v1;
	v18 =	vadd.f32 v56, v18;
	v3 =	vadd.f32 v57, v3  }
0x56: {  	v22 =	vld.idx.msk [tilespmem:v47+s13+$0x0], $0xffff;
	v11 =	vadd.f32 v58, v11;
	v6 =	vadd.f32 v61, v6;
	v56 =	vmul.f32 v45, v45  }
0x57: {  	v57 =	vmul.f32 v45, v41;
	v58 =	vld.idx.msk [tilespmem:v47+s12+$0x0], $0xffff;
	v47 =	vor.u32 $0x17, v1;
	v8 =	vadd.f32 v8, v12  }
0x58: {  	v12 =	vmul.f32 v20, v54;
	v10 =	vadd.f32 v10, v15;
	v9 =	vadd.f32 v14, v9  }
0x59: {  	v51 =	vld.idx.msk [tilespmem:v25+s13+$0x0], $0xffff;
	v54 =	vor.u32 $0x11, v1;
	v13 =	vadd.f32 v13, v19;
	v4 =	vadd.f32 v29, v4  }
0x5a: {  	v5 =	vadd.f32 v30, v5;
	v15 =	vmul.f32 v62, v59;
	v7 =	vadd.f32 v33, v7  }
0x5b: {  	v53 =	vld.idx.msk [tilespmem:v42+s12+$0x0], $0xffff;
	v2 =	vadd.f32 v34, v2;
	v40 =	vadd.f32 v36, v18;
	v14 =	vmul.f32 v35, v32  }
0x5c: {  	v21 =	vld.idx.msk [tilespmem:v42+s13+$0x0], $0xffff;
	v11 =	vadd.f32 v44, v11;
	v6 =	vadd.f32 v46, v6;
	v59 =	vor.u32 $0x12, v1  }
0x5d: {  	v41 =	vld.idx.msk [tilespmem:v28+s13+$0x0], $0xffff;
	v33 =	vor.u32 $0x14, v1;
	v44 =	vor.u32 $0x16, v1;
	v38 =	vmul.f32 v16, v16  }
0x5e: {  	v8 =	vadd.f32 v12, v8;
	v43 =	vmul.f32 v16, v63;
	v61 =	vmul.f32 v51, v51;
	v46 =	vld.idx.msk [tilespmem:v37+s12+$0x0], $0xffff  }
0x5f: {  	v16 =	vmul.f32 v51, v49;
	v17 =	vld.idx.msk [tilespmem:v37+s13+$0x0], $0xffff;
	v10 =	vadd.f32 v15, v10;
	v13 =	vadd.f32 v14, v13  }
0x60: {  	v35 =	vmul.f32 v22, v22;
	v4 =	vadd.f32 v48, v4;
	v3 =	vadd.f32 v38, v3;
	v38 =	vld.idx.msk [tilespmem:v28+s12+$0x0], $0xffff  }
0x61: {  	v51 =	vor.u32 $0x18, v1;
	v5 =	vadd.f32 v50, v5;
	v7 =	vadd.f32 v55, v7;
	v19 =	vld.idx.msk [tilespmem:v47+s13+$0x0], $0xffff  }
0x62: {  	v37 =	vor.u32 $0x1C, v1;
	v2 =	vadd.f32 v56, v2;
	v14 =	vadd.f32 v60, v40;
	v63 =	vld.idx.msk [tilespmem:v54+s12+$0x0], $0xffff  }
0x63: {  	v9 =	vadd.f32 v43, v9;
	v8 =	vadd.f32 v52, v8;
	v62 =	vmul.f32 v53, v53;
	v30 =	vld.idx.msk [tilespmem:v54+s13+$0x0], $0xffff  }
0x64: {  	v29 =	vmul.f32 v21, v21;
	v31 =	vmul.f32 v21, v53;
	v10 =	vadd.f32 v57, v10;
	v57 =	vld.idx.msk [tilespmem:v47+s12+$0x0], $0xffff  }
0x65: {  	v34 =	vmul.f32 v58, v58;
	v36 =	vmul.f32 v22, v58;
	v5 =	vadd.f32 v35, v5;
	v32 =	vld.idx.msk [tilespmem:v59+s12+$0x0], $0xffff  }
0x66: {  	v50 =	vmul.f32 v41, v41;
	v3 =	vadd.f32 v61, v3;
	v9 =	vadd.f32 v16, v9;
	v18 =	vld.idx.msk [tilespmem:v59+s13+$0x0], $0xffff  }
0x67: {  	v58 =	vor.u32 $0x19, v1;
	v11 =	vadd.f32 v62, v11;
	v6 =	vadd.f32 v29, v6;
	v43 =	vld.idx.msk [tilespmem:v33+s12+$0x0], $0xffff  }
0x68: {  	v13 =	vadd.f32 v31, v13;
	v4 =	vadd.f32 v34, v4;
	v21 =	vld.idx.msk [tilespmem:v33+s13+$0x0], $0xffff;
	v59 =	vmul.f32 v46, v46  }
0x69: {  	v8 =	vadd.f32 v36, v8;
	v53 =	vld.idx.msk [tilespmem:v44+s12+$0x0], $0xffff;
	v60 =	vmul.f32 v17, v17;
	v61 =	vmul.f32 v17, v46  }
0x6a: {  	v62 =	vld.idx.msk [tilespmem:v51+s12+$0x0], $0xffff;
	v46 =	vor.u32 $0x1E, v1;
	v49 =	vmul.f32 v38, v38;
	v12 =	vmul.f32 v41, v38  }
0x6b: {  	v22 =	vld.idx.msk [tilespmem:v51+s13+$0x0], $0xffff;
	v51 =	vor.u32 $0x1F, v1;
	v33 =	vmul.f32 v19, v19;
	v39 =	vmul.f32 v63, v63  }
0x6c: {  	v55 =	vld.idx.msk [tilespmem:v44+s13+$0x0], $0xffff;
	v6 =	vadd.f32 v50, v6;
	v40 =	vmul.f32 v30, v30;
	v16 =	vmul.f32 v30, v63  }
0x6d: {  	v41 =	vor.u32 $0x1D, v1;
	v30 =	vmul.f32 v57, v57;
	v35 =	vmul.f32 v19, v57  }
0x6e: {  	v63 =	vor.u32 $0x1A, v1;
	v42 =	vmul.f32 v32, v32;
	v45 =	vmul.f32 v18, v18  }
0x6f: {  	v48 =	vmul.f32 v18, v32;
	v11 =	vadd.f32 v49, v11;
	v52 =	vmul.f32 v43, v43  }
0x70: {  	v12 =	vadd.f32 v12, v13;
	v54 =	vmul.f32 v21, v21;
	v56 =	vmul.f32 v21, v43  }
0x71: {  	v28 =	vmul.f32 v53, v53;
	v29 =	vmul.f32 v55, v55;
	v6 =	vadd.f32 v33, v6  }
0x72: {  	v31 =	vld.idx.msk [tilespmem:v58+s12+$0x0], $0xffff;
	v18 =	vmul.f32 v55, v53;
	v7 =	vadd.f32 v39, v7;
	v2 =	vadd.f32 v40, v2  }
0x73: {  	v34 =	vld.idx.msk [tilespmem:v58+s13+$0x0], $0xffff;
	v32 =	vor.u32 $0x1B, v1;
	v10 =	vadd.f32 v16, v10;
	v14 =	vadd.f32 v42, v14  }
0x74: {  	v49 =	vld.idx.msk [tilespmem:v37+s12+$0x0], $0xffff;
	v55 =	vor.u32 $0x20, v1;
	v3 =	vadd.f32 v45, v3;
	v9 =	vadd.f32 v48, v9  }
0x75: {  	v21 =	vld.idx.msk [tilespmem:v37+s13+$0x0], $0xffff;
	v38 =	vmul.f32 v62, v62;
	v4 =	vadd.f32 v52, v4;
	v5 =	vadd.f32 v54, v5  }
0x76: {  	v39 =	vmul.f32 v22, v22;
	v58 =	vld.idx.msk [tilespmem:v46+s12+$0x0], $0xffff;
	v8 =	vadd.f32 v56, v8;
	v11 =	vadd.f32 v30, v11  }
0x77: {  	v40 =	vmul.f32 v22, v62;
	v12 =	vadd.f32 v35, v12;
	v30 =	vld.idx.msk [tilespmem:v51+s13+$0x0], $0xffff;
	v7 =	vadd.f32 v59, v7  }
0x78: {  	v2 =	vadd.f32 v60, v2;
	v10 =	vadd.f32 v61, v10;
	v42 =	vmul.f32 v31, v31;
	v53 =	vld.idx.msk [tilespmem:v41+s12+$0x0], $0xffff  }
0x79: {  	v44 =	vmul.f32 v34, v34;
	v47 =	vmul.f32 v34, v31;
	v16 =	vld.idx.msk [tilespmem:v41+s13+$0x0], $0xffff;
	v13 =	vadd.f32 v28, v14  }
0x7a: {  	v60 =	vld.idx.msk [tilespmem:v46+s13+$0x0], $0xffff;
	v61 =	vor.u32 $0x21, v1;
	v3 =	vadd.f32 v29, v3;
	v9 =	vadd.f32 v18, v9  }
0x7b: {  	v31 =	vor.u32 $0x22, v1;
	v36 =	vld.idx.msk [tilespmem:v63+s12+$0x0], $0xffff;
	v4 =	vadd.f32 v38, v4;
	v5 =	vadd.f32 v39, v5  }
0x7c: {  	v17 =	vld.idx.msk [tilespmem:v63+s13+$0x0], $0xffff;
	v8 =	vadd.f32 v40, v8;
	v40 =	vor.u32 $0x24, v1;
	v7 =	vadd.f32 v42, v7  }
0x7d: {  	v63 =	vld.idx.msk [tilespmem:v51+s12+$0x0], $0xffff;
	v2 =	vadd.f32 v44, v2;
	v59 =	vmul.f32 v49, v49;
	v62 =	vmul.f32 v21, v21  }
0x7e: {  	v43 =	vld.idx.msk [tilespmem:v32+s12+$0x0], $0xffff;
	v10 =	vadd.f32 v47, v10;
	v29 =	vmul.f32 v21, v49;
	v37 =	vmul.f32 v58, v58  }
0x7f: {  	v45 =	vld.idx.msk [tilespmem:v32+s13+$0x0], $0xffff;
	v4 =	vadd.f32 v59, v4;
	v44 =	vmul.f32 v30, v30;
	v32 =	vmul.f32 v53, v53  }
0x80: {  	v26 =	vld.idx.msk [tilespmem:v55+s12+$0x0], $0xffff;
	v5 =	vadd.f32 v62, v5;
	v33 =	vmul.f32 v16, v16;
	v34 =	vmul.f32 v16, v53  }
0x81: {  	v35 =	vld.idx.msk [tilespmem:v55+s13+$0x0], $0xffff;
	v8 =	vadd.f32 v29, v8;
	v39 =	vmul.f32 v60, v60;
	v41 =	vmul.f32 v60, v58  }
0x82: {  	v29 =	vor.u32 $0x2B, v1;
	v38 =	vld.idx.msk [tilespmem:v61+s12+$0x0], $0xffff;
	v48 =	vmul.f32 v36, v36;
	v50 =	vmul.f32 v17, v17  }
0x83: {  	v24 =	vld.idx.msk [tilespmem:v61+s13+$0x0], $0xffff;
	v61 =	vor.u32 $0x29, v1;
	v52 =	vmul.f32 v17, v36;
	v42 =	vmul.f32 v63, v63  }
0x84: {  	v36 =	vor.u32 $0x23, v1;
	v54 =	vmul.f32 v43, v43;
	v56 =	vmul.f32 v45, v45  }
0x85: {  	v57 =	vmul.f32 v45, v43;
	v7 =	vadd.f32 v32, v7;
	v2 =	vadd.f32 v33, v2  }
0x86: {  	v10 =	vadd.f32 v34, v10;
	v45 =	vmul.f32 v30, v63;
	v47 =	vmul.f32 v26, v26  }
0x87: {  	v21 =	vld.idx.msk [tilespmem:v31+s13+$0x0], $0xffff;
	v49 =	vmul.f32 v35, v35;
	v16 =	vmul.f32 v35, v26;
	v34 =	vor.u32 $0x2A, v1  }
0x88: {  	v43 =	vld.idx.msk [tilespmem:v31+s12+$0x0], $0xffff;
	v31 =	vor.u32 $0x31, v1;
	v13 =	vadd.f32 v48, v13;
	v3 =	vadd.f32 v50, v3  }
0x89: {  	v25 =	vld.idx.msk [tilespmem:v40+s13+$0x0], $0xffff;
	v32 =	vor.u32 $0x33, v1;
	v9 =	vadd.f32 v52, v9;
	v11 =	vadd.f32 v54, v11  }
0x8a: {  	v48 =	vor.u32 $0x26, v1;
	v50 =	vld.idx.msk [tilespmem:v40+s12+$0x0], $0xffff;
	v6 =	vadd.f32 v56, v6;
	v12 =	vadd.f32 v57, v12  }
0x8b: {  	v52 =	vor.u32 $0x27, v1;
	v4 =	vadd.f32 v47, v4;
	v5 =	vadd.f32 v49, v5;
	v54 =	vld.idx.msk [tilespmem:v27+s12+$0x0], $0xffff  }
0x8c: {  	v8 =	vadd.f32 v16, v8;
	v56 =	vld.idx.msk [tilespmem:v27+s13+$0x0], $0xffff;
	v57 =	vor.u32 $0x28, v1;
	v47 =	vor.u32 $0x2D, v1  }
0x8d: {  	v49 =	vld.idx.msk [tilespmem:v29+s12+$0x0], $0xffff;
	v13 =	vadd.f32 v37, v13;
	v3 =	vadd.f32 v39, v3;
	v51 =	vmul.f32 v38, v38  }
0x8e: {  	v9 =	vadd.f32 v41, v9;
	v53 =	vmul.f32 v24, v24;
	v55 =	vmul.f32 v24, v38;
	v40 =	vld.idx.msk [tilespmem:v61+s12+$0x0], $0xffff  }
0x8f: {  	v59 =	vmul.f32 v21, v21;
	v11 =	vadd.f32 v42, v11;
	v46 =	vld.idx.msk [tilespmem:v36+s12+$0x0], $0xffff;
	v6 =	vadd.f32 v44, v6  }
0x90: {  	v17 =	vld.idx.msk [tilespmem:v36+s13+$0x0], $0xffff;
	v12 =	vadd.f32 v45, v12;
	v38 =	vmul.f32 v25, v25;
	v42 =	vor.u32 $0x2C, v1  }
0x91: {  	v7 =	vadd.f32 v51, v7;
	v2 =	vadd.f32 v53, v2;
	v60 =	vmul.f32 v21, v43;
	v21 =	vld.idx.msk [tilespmem:v61+s13+$0x0], $0xffff  }
0x92: {  	v58 =	vmul.f32 v43, v43;
	v10 =	vadd.f32 v55, v10;
	v3 =	vadd.f32 v59, v3;
	v51 =	vld.idx.msk [tilespmem:v29+s13+$0x0], $0xffff  }
0x93: {  	v63 =	vld.idx.msk [tilespmem:v52+s12+$0x0], $0xffff;
	v36 =	vmul.f32 v50, v50;
	v39 =	vmul.f32 v25, v50;
	v5 =	vadd.f32 v38, v5  }
0x94: {  	v26 =	vld.idx.msk [tilespmem:v52+s13+$0x0], $0xffff;
	v52 =	vor.u32 $0x2E, v1;
	v13 =	vadd.f32 v58, v13;
	v41 =	vmul.f32 v54, v54  }
0x95: {  	v28 =	vld.idx.msk [tilespmem:v48+s12+$0x0], $0xffff;
	v9 =	vadd.f32 v60, v9;
	v43 =	vmul.f32 v56, v56;
	v16 =	vmul.f32 v56, v54  }
0x96: {  	v20 =	vld.idx.msk [tilespmem:v48+s13+$0x0], $0xffff;
	v56 =	vor.u32 $0x2F, v1;
	v60 =	vor.u32 $0x30, v1;
	v4 =	vadd.f32 v36, v4  }
0x97: {  	v37 =	vld.idx.msk [tilespmem:v57+s12+$0x0], $0xffff;
	v8 =	vadd.f32 v39, v8;
	v39 =	vor.u32 $0x32, v1;
	v62 =	vmul.f32 v46, v46  }
0x98: {  	v33 =	vmul.f32 v17, v17;
	v35 =	vmul.f32 v17, v46;
	v7 =	vadd.f32 v41, v7;
	v30 =	vld.idx.msk [tilespmem:v42+s12+$0x0], $0xffff  }
0x99: {  	v2 =	vadd.f32 v43, v2;
	v22 =	vld.idx.msk [tilespmem:v42+s13+$0x0], $0xffff;
	v42 =	vmul.f32 v49, v49;
	v36 =	vmul.f32 v21, v40  }
0x9a: {  	v24 =	vld.idx.msk [tilespmem:v57+s13+$0x0], $0xffff;
	v10 =	vadd.f32 v16, v10;
	v43 =	vmul.f32 v51, v51;
	v16 =	vmul.f32 v51, v49  }
0x9b: {  	v44 =	vld.idx.msk [tilespmem:v34+s12+$0x0], $0xffff;
	v11 =	vadd.f32 v62, v11;
	v45 =	vmul.f32 v28, v28;
	v48 =	vmul.f32 v20, v20  }
0x9c: {  	v27 =	vld.idx.msk [tilespmem:v47+s13+$0x0], $0xffff;
	v6 =	vadd.f32 v33, v6;
	v50 =	vmul.f32 v20, v28;
	v53 =	vmul.f32 v63, v63  }
0x9d: {  	v12 =	vadd.f32 v35, v12;
	v54 =	vmul.f32 v26, v26;
	v55 =	vmul.f32 v26, v63;
	v63 =	vld.idx.msk [tilespmem:v52+s12+$0x0], $0xffff  }
0x9e: {  	v62 =	vmul.f32 v40, v40;
	v35 =	vmul.f32 v21, v21;
	v28 =	vld.idx.msk [tilespmem:v52+s13+$0x0], $0xffff;
	v52 =	vor.u32 $0x36, v1  }
0x9f: {  	v58 =	vld.idx.msk [tilespmem:v47+s12+$0x0], $0xffff;
	v57 =	vmul.f32 v37, v37;
	v59 =	vmul.f32 v24, v24;
	v10 =	vadd.f32 v36, v10  }
0xa0: {  	v46 =	vld.idx.msk [tilespmem:v34+s13+$0x0], $0xffff;
	v61 =	vmul.f32 v24, v37;
	v13 =	vadd.f32 v45, v13;
	v3 =	vadd.f32 v48, v3  }
0xa1: {  	v37 =	vld.idx.msk [tilespmem:v56+s12+$0x0], $0xffff;
	v51 =	vmul.f32 v27, v27;
	v9 =	vadd.f32 v50, v9;
	v11 =	vadd.f32 v53, v11  }
0xa2: {  	v38 =	vld.idx.msk [tilespmem:v56+s13+$0x0], $0xffff;
	v56 =	vor.u32 $0x37, v1;
	v6 =	vadd.f32 v54, v6;
	v12 =	vadd.f32 v55, v12  }
0xa3: {  	v41 =	vld.idx.msk [tilespmem:v60+s12+$0x0], $0xffff;
	v36 =	vor.u32 $0x3C, v1;
	v7 =	vadd.f32 v62, v7;
	v14 =	vadd.f32 v35, v2  }
0xa4: {  	v29 =	vld.idx.msk [tilespmem:v60+s13+$0x0], $0xffff;
	v2 =	vmul.f32 v44, v44;
	v48 =	vor.u32 $0x35, v1;
	v50 =	vmul.f32 v58, v58  }
0xa5: {  	v21 =	vld.idx.msk [tilespmem:v39+s13+$0x0], $0xffff;
	v53 =	vmul.f32 v27, v58;
	v58 =	vor.u32 $0x38, v1;
	v15 =	vadd.f32 v57, v4  }
0xa6: {  	v5 =	vadd.f32 v59, v5;
	v40 =	vmul.f32 v46, v46;
	v18 =	vmul.f32 v46, v44;
	v4 =	vld.idx.msk [tilespmem:v39+s12+$0x0], $0xffff  }
0xa7: {  	v8 =	vadd.f32 v61, v8;
	v45 =	vmul.f32 v30, v30;
	v47 =	vmul.f32 v22, v30;
	v30 =	vld.idx.msk [tilespmem:v32+s13+$0x0], $0xffff  }
0xa8: {  	v46 =	vmul.f32 v22, v22;
	v13 =	vadd.f32 v2, v13;
	v2 =	vld.idx.msk [tilespmem:v31+s12+$0x0], $0xffff;
	v11 =	vadd.f32 v42, v11  }
0xa9: {  	v35 =	vor.u32 $0x3B, v1;
	v6 =	vadd.f32 v43, v6;
	v33 =	vadd.f32 v40, v3;
	v3 =	vld.idx.msk [tilespmem:v31+s13+$0x0], $0xffff  }
0xaa: {  	v44 =	vor.u32 $0x34, v1;
	v12 =	vadd.f32 v16, v12;
	v49 =	vadd.f32 v46, v5;
	v5 =	vld.idx.msk [tilespmem:v32+s12+$0x0], $0xffff  }
0xab: {  	v61 =	vor.u32 $0x39, v1;
	v7 =	vadd.f32 v50, v7;
	v14 =	vadd.f32 v51, v14;
	v19 =	vld.idx.msk [tilespmem:v52+s12+$0x0], $0xffff  }
0xac: {  	v10 =	vadd.f32 v53, v10;
	v9 =	vadd.f32 v18, v9;
	v54 =	vmul.f32 v63, v63;
	v31 =	vld.idx.msk [tilespmem:v52+s13+$0x0], $0xffff  }
0xad: {  	v15 =	vadd.f32 v45, v15;
	v55 =	vmul.f32 v28, v28;
	v24 =	vmul.f32 v28, v63;
	v26 =	vld.idx.msk [tilespmem:v56+s13+$0x0], $0xffff  }
0xae: {  	v8 =	vadd.f32 v47, v8;
	v57 =	vmul.f32 v37, v37;
	v59 =	vmul.f32 v38, v38;
	v25 =	vld.idx.msk [tilespmem:v48+s12+$0x0], $0xffff  }
0xaf: {  	v63 =	vor.u32 $0x3A, v1;
	v17 =	vmul.f32 v38, v37;
	v60 =	vmul.f32 v41, v41;
	v22 =	vld.idx.msk [tilespmem:v48+s13+$0x0], $0xffff  }
0xb0: {  	v62 =	vmul.f32 v29, v29;
	v13 =	vadd.f32 v54, v13;
	v9 =	vadd.f32 v24, v9;
	v24 =	vld.idx.msk [tilespmem:v56+s12+$0x0], $0xffff  }
0xb1: {  	v23 =	vmul.f32 v29, v41;
	v16 =	vadd.f32 v55, v33;
	v34 =	vld.idx.msk [tilespmem:v58+s12+$0x0], $0xffff;
	v11 =	vadd.f32 v57, v11  }
0xb2: {  	v28 =	vld.idx.msk [tilespmem:v58+s13+$0x0], $0xffff;
	v42 =	vmul.f32 v21, v21;
	v6 =	vadd.f32 v59, v6;
	v12 =	vadd.f32 v17, v12  }
0xb3: {  	v27 =	vld.idx.msk [tilespmem:v44+s12+$0x0], $0xffff;
	v15 =	vadd.f32 v60, v15;
	v17 =	vadd.f32 v62, v49;
	v41 =	vmul.f32 v4, v4  }
0xb4: {  	v18 =	vld.idx.msk [tilespmem:v44+s13+$0x0], $0xffff;
	v8 =	vadd.f32 v23, v8;
	v44 =	vmul.f32 v30, v30;
	v4 =	vmul.f32 v21, v4  }
0xb5: {  	v32 =	vld.idx.msk [tilespmem:v61+s12+$0x0], $0xffff;
	v39 =	vmul.f32 v2, v2;
	v16 =	vadd.f32 v42, v16;
	v40 =	vmul.f32 v3, v3  }
0xb6: {  	v33 =	vld.idx.msk [tilespmem:v61+s13+$0x0], $0xffff;
	v13 =	vadd.f32 v41, v13;
	v43 =	vmul.f32 v5, v5;
	v6 =	vadd.f32 v44, v6  }
0xb7: {  	v42 =	vld.idx.msk [tilespmem:v36+s12+$0x0], $0xffff;
	v48 =	vmul.f32 v19, v19;
	v41 =	vmul.f32 v31, v31;
	v4 =	vadd.f32 v4, v9  }
0xb8: {  	v36 =	vld.idx.msk [tilespmem:v36+s13+$0x0], $0xffff;
	v7 =	vadd.f32 v39, v7;
	v39 =	vor.u32 $0x3D, v1;
	v50 =	vmul.f32 v26, v26  }
0xb9: {  	v38 =	vld.idx.msk [tilespmem:v63+s12+$0x0], $0xffff;
	v14 =	vadd.f32 v40, v14;
	v11 =	vadd.f32 v43, v11;
	v37 =	vmul.f32 v27, v27  }
0xba: {  	v29 =	vld.idx.msk [tilespmem:v63+s13+$0x0], $0xffff;
	v46 =	vmul.f32 v25, v25;
	v47 =	vmul.f32 v22, v22;
	v40 =	vor.u32 $0x3E, v1  }
0xbb: {  	v49 =	vmul.f32 v24, v24;
	v1 =	vor.u32 $0x3F, v1;
	v15 =	vadd.f32 v37, v15;
	v37 =	vld.idx.msk [tilespmem:v35+s12+$0x0], $0xffff  }
0xbc: {  	v13 =	vadd.f32 v48, v13;
	v16 =	vadd.f32 v41, v16;
	v51 =	vmul.f32 v34, v34;
	v35 =	vld.idx.msk [tilespmem:v35+s13+$0x0], $0xffff  }
0xbd: {  	v43 =	vmul.f32 v28, v28;
	v45 =	vmul.f32 v18, v18;
	v6 =	vadd.f32 v50, v6;
	v41 =	vld.idx.msk [tilespmem:v39+s12+$0x0], $0xffff  }
0xbe: {  	v52 =	vmul.f32 v32, v32;
	v7 =	vadd.f32 v46, v7;
	v14 =	vadd.f32 v47, v14;
	v39 =	vld.idx.msk [tilespmem:v39+s13+$0x0], $0xffff  }
0xbf: {  	v44 =	vmul.f32 v33, v33;
	v11 =	vadd.f32 v49, v11;
	v17 =	vadd.f32 v45, v17;
	v45 =	vld.idx.msk [tilespmem:v40+s12+$0x0], $0xffff  }
0xc0: {  	v57 =	vmul.f32 v42, v42;
	v53 =	vmul.f32 v38, v38;
	v7 =	vadd.f32 v52, v7;
	v40 =	vld.idx.msk [tilespmem:v40+s13+$0x0], $0xffff  }
0xc1: {  	v54 =	vmul.f32 v29, v29;
	v15 =	vadd.f32 v51, v15;
	v17 =	vadd.f32 v43, v17;
	v43 =	vld.idx.msk [tilespmem:v1+s12+$0x0], $0xffff  }
0xc2: {  	v46 =	vmul.f32 v36, v36;
	v14 =	vadd.f32 v44, v14;
	v13 =	vadd.f32 v53, v13;
	v1 =	vld.idx.msk [tilespmem:v1+s13+$0x0], $0xffff  }
0xc3: {  	v16 =	vadd.f32 v54, v16;
	v15 =	vadd.f32 v57, v15;
	v55 =	vmul.f32 v37, v37  }
0xc4: {  	v17 =	vadd.f32 v46, v17;
	v56 =	vmul.f32 v35, v35;
	v58 =	vmul.f32 v41, v41  }
0xc5: {  	v59 =	vmul.f32 v39, v39;
	v11 =	vadd.f32 v55, v11;
	v60 =	vmul.f32 v45, v45  }
0xc6: {  	v6 =	vadd.f32 v56, v6;
	v61 =	vmul.f32 v43, v43;
	v62 =	vmul.f32 v40, v40  }
0xc7: {  	v63 =	vmul.f32 v1, v1;
	v7 =	vadd.f32 v58, v7;
	v14 =	vadd.f32 v59, v14  }
0xc8: {  	v13 =	vadd.f32 v60, v13;
	v11 =	vadd.f32 v61, v11  }
0xc9: {  	v16 =	vadd.f32 v62, v16;
	v6 =	vadd.f32 v63, v6  }
0xca: {  	v2 =	vmul.f32 v3, v2;
	v3 =	vadd.f32 v7, v15;
	v15 =	vadd.f32 v11, v13  }
0xcb: {  	v5 =	vmul.f32 v30, v5;
	v17 =	vadd.f32 v14, v17;
	v6 =	vadd.f32 v6, v16  }
0xcc: {  	v2 =	vadd.f32 v2, v10;
	v30 =	vmul.f32 v22, v25;
	v3 =	vadd.f32 v15, v3  }
0xcd: {  	v5 =	vadd.f32 v5, v12;
	v48 =	vmul.f32 v26, v24;
	v6 =	vadd.f32 v6, v17  }
0xce: {  	v20 =	vmul.f32 v18, v27;
	v50 =	vmul.f32 v28, v34;
	v21 =	vshra.s32 v3, $0x1  }
0xcf: {  	v23 =	vmul.f32 $5.000000000e-01, v3;
	v11 =	vshra.s32 v6, $0x1;
	v27 =	vmul.f32 $5.000000000e-01, v6  }
0xd0: {  	v52 =	vmul.f32 v33, v32;
	v9 =	vsub.s32 $0x5F3759DF, v21;
	v11 =	vsub.s32 $0x5F3759DF, v11  }
0xd1: {  	v2 =	vadd.f32 v30, v2;
	v44 =	vmul.f32 v9, v23;
	v47 =	vmul.f32 v11, v27  }
0xd2: {  	v5 =	vadd.f32 v48, v5;
	v53 =	vmul.f32 v29, v38;
	v46 =	vmul.f32 v31, v19  }
0xd3: {  	v2 =	vadd.f32 v52, v2;
	v15 =	vmul.f32 v9, v44;
	v49 =	vmul.f32 v11, v47  }
0xd4: {  	v54 =	vmul.f32 v35, v37;
	v4 =	vadd.f32 v46, v4;
	v55 =	vmul.f32 v36, v42  }
0xd5: {  	v56 =	vmul.f32 v39, v41;
	v51 =	vsub.f32 $1.500000000e+00, v15;
	v12 =	vsub.f32 $1.500000000e+00, v49  }
0xd6: {  	v5 =	vadd.f32 v54, v5;
	v1 =	vmul.f32 v1, v43;
	v7 =	vadd.f32 v20, v8  }
0xd7: {  	v4 =	vadd.f32 v53, v4;
	v9 =	vmul.f32 v9, v51;
	v11 =	vmul.f32 v11, v12  }
0xd8: {  	v57 =	vmul.f32 v40, v45;
	v2 =	vadd.f32 v56, v2;
	v7 =	vadd.f32 v50, v7  }
0xd9: {  	v1 =	vadd.f32 v1, v5;
	v10 =	vmul.f32 v9, v23;
	v13 =	vmul.f32 v11, v27  }
0xda: {  	v4 =	vadd.f32 v57, v4;
	v7 =	vadd.f32 v55, v7  }
0xdb: {  	v10 =	vmul.f32 v10, v9;
	v58 =	vmul.f32 v13, v11  }
0xdc: {  	v1 =	vadd.f32 v1, v4;
	v2 =	vadd.f32 v2, v7  }
0xdd: {  	v59 =	vsub.f32 $1.500000000e+00, v10;
	v8 =	vsub.f32 $1.500000000e+00, v58;
	_ =	sdelay $0x1  }
0xde: {  	v1 =	vadd.f32 v1, v2;
	v60 =	vmul.f32 v59, v9;
	v61 =	vmul.f32 v8, v11  }
0xdf: {  	vm0 =	vge.f32 v3, $1.000000020e-24;
	vm15 =	vge.f32 v6, $1.000000020e-24  }
0xe0: {  	v1 =	vadd.f32 v1, v1;
	v2 =	vnsel vm0, $0x5368D4A5, v60;
	v62 =	vnsel vm15, $0x5368D4A5, v61  }
0xe1: {  	v3 =	vmul.f32 v2, v3;
	v5 =	vmul.f32 v62, v6  }
0xe2: {  	v1 =	vmul.f32 v2, v1  }
0xe3: {  	v3 =	vmul.f32 v3, v2;
	v5 =	vmul.f32 v5, v62;
	_ =	sdelay $0x1  }
0xe4: {  	v1 =	vmul.f32 v62, v1;
	v2 =	vadd.f32 v5, v3;
	_ =	sdelay $0x1  }
0xe5: {  	v1 =	vsub.f32 v2, v1;
	_ =	sdelay $0x1  }
0xe6: {  	v1 =	vmax.f32 v1, $0.0e+00  }
0xe7: {  	v2 =	vshra.s32 v1, $0x1;
	v3 =	vmul.f32 $5.000000000e-01, v1  }
0xe8: {  	v2 =	vsub.s32 $0x5F3759DF, v2  }
0xe9: {  	v63 =	vmul.f32 v2, v3;
	_ =	sdelay $0x1  }
0xea: {  	v4 =	vmul.f32 v2, v63;
	_ =	sdelay $0x1  }
0xeb: {  	v4 =	vsub.f32 $1.500000000e+00, v4;
	_ =	sdelay $0x1  }
0xec: {  	v2 =	vmul.f32 v2, v4;
	_ =	sdelay $0x1  }
0xed: {  	v3 =	vmul.f32 v2, v3;
	_ =	sdelay $0x1  }
0xee: {  	v3 =	vmul.f32 v3, v2;
	_ =	sdelay $0x1  }
0xef: {  	v3 =	vsub.f32 $1.500000000e+00, v3;
	_ =	sdelay $0x1  }
0xf0: {  	v2 =	vmul.f32 v3, v2  }
0xf1: {  	p0 =	sne.s32 s17, $0x70  }
.Ltmp0:
0xf2: {  	v1 =	vmul.f32 v2, v1;
	(pc) =	sbr.rel @p0 .LBB2_2-.Ltmp0, $3  }
0xf3: {  	_ = 	snop  }
0xf4: {  	v1 =	vsub.f32 $0.0e+00, v1;
	_ =	sdelay $0x1  }
0xf5: {  	s17 =	sadd.s32 $0x10, s17;
	[tilespmem:s16+$0x0] =	vst v1;
	s16 =	sadd.s32 $0x10, s16  }
0xf6: {  	_ =	swait.ge [sflag:s28], $0x2000  }
0xf7: {  	[sflag:s28] =	ssyncset.done $0x0  }
0xf8: {  	[sflag:s28] =	ssyncadd.s32 $0xFFFFE000  }
0xf9: {  	_ =	swait.ge [sflag:s29], $0x2000  }
0xfa: {  	[sflag:s29] =	ssyncset.done $0x0  }
0xfb: {  	s16 =	simm.s32 $0x80;
	s17 =	simm.s32 $0x10480;
	[sflag:s29] =	ssyncadd.s32 $0xFFFFE000  }
.LBB2_4:
0xfc: {  	v1 =	vmov s16  }
0xfd: {  	v1 =	vshll.u32 v1, $0x6  }
0xfe: {  	v1 =	vor.u32 v0, v1;
	_ =	sdelay $0x1  }
0xff: {  	v2 =	vor.u32 $0x1, v1;
	_ =	sdelay $0x1  }
0x100: {  	v3 =	vor.u32 $0x2, v1  }
0x101: {  	v4 =	vld.idx.msk [tilespmem:v1+s12+$0x0], $0xffff  }
0x102: {  	v6 =	vor.u32 $0x3, v1;
	v5 =	vld.idx.msk [tilespmem:v1+s13+$0x0], $0xffff  }
0x103: {  	v7 =	vld.idx.msk [tilespmem:v2+s12+$0x0], $0xffff  }
0x104: {  	v8 =	vor.u32 $0x4, v1;
	v2 =	vld.idx.msk [tilespmem:v2+s13+$0x0], $0xffff  }
0x105: {  	v9 =	vld.idx.msk [tilespmem:v3+s12+$0x0], $0xffff  }
0x106: {  	v10 =	vor.u32 $0x5, v1;
	v3 =	vld.idx.msk [tilespmem:v3+s13+$0x0], $0xffff  }
0x107: {  	v11 =	vld.idx.msk [tilespmem:v6+s12+$0x0], $0xffff  }
0x108: {  	v14 =	vor.u32 $0x6, v1;
	v6 =	vld.idx.msk [tilespmem:v6+s13+$0x0], $0xffff  }
0x109: {  	v13 =	vld.idx.msk [tilespmem:v8+s12+$0x0], $0xffff  }
0x10a: {  	v17 =	vor.u32 $0x7, v1;
	v8 =	vld.idx.msk [tilespmem:v8+s13+$0x0], $0xffff  }
0x10b: {  	v16 =	vld.idx.msk [tilespmem:v10+s12+$0x0], $0xffff  }
0x10c: {  	v20 =	vor.u32 $0x8, v1;
	v10 =	vld.idx.msk [tilespmem:v10+s13+$0x0], $0xffff  }
0x10d: {  	v22 =	vld.idx.msk [tilespmem:v14+s12+$0x0], $0xffff  }
0x10e: {  	v52 =	vor.u32 $0x9, v1;
	v14 =	vld.idx.msk [tilespmem:v14+s13+$0x0], $0xffff;
	v12 =	vmul.f32 v5, v4;
	v4 =	vmul.f32 v4, v4  }
0x10f: {  	v51 =	vld.idx.msk [tilespmem:v17+s12+$0x0], $0xffff;
	v5 =	vmul.f32 v5, v5;
	v15 =	vmul.f32 v2, v7  }
0x110: {  	v55 =	vor.u32 $0xA, v1;
	v17 =	vld.idx.msk [tilespmem:v17+s13+$0x0], $0xffff;
	v7 =	vmul.f32 v7, v7;
	v2 =	vmul.f32 v2, v2  }
0x111: {  	v60 =	vor.u32 $0xB, v1;
	v54 =	vld.idx.msk [tilespmem:v20+s12+$0x0], $0xffff;
	v18 =	vmul.f32 v9, v9;
	v9 =	vmul.f32 v3, v9  }
0x112: {  	v20 =	vld.idx.msk [tilespmem:v20+s13+$0x0], $0xffff;
	v3 =	vmul.f32 v3, v3;
	v19 =	vmul.f32 v6, v11  }
0x113: {  	v28 =	vor.u32 $0xC, v1;
	v59 =	vld.idx.msk [tilespmem:v52+s12+$0x0], $0xffff;
	v11 =	vmul.f32 v11, v11;
	v21 =	vmul.f32 v13, v13  }
0x114: {  	v62 =	vld.idx.msk [tilespmem:v52+s13+$0x0], $0xffff;
	v6 =	vmul.f32 v6, v6;
	v23 =	vmul.f32 v8, v8  }
0x115: {  	v63 =	vld.idx.msk [tilespmem:v55+s12+$0x0], $0xffff;
	v8 =	vmul.f32 v8, v13;
	v53 =	vmul.f32 v16, v16  }
0x116: {  	v31 =	vor.u32 $0xD, v1;
	v32 =	vld.idx.msk [tilespmem:v60+s12+$0x0], $0xffff;
	v24 =	vmul.f32 v10, v10;
	v10 =	vmul.f32 v10, v16  }
0x117: {  	v25 =	vor.u32 $0xE, v1;
	v35 =	vld.idx.msk [tilespmem:v60+s13+$0x0], $0xffff;
	v56 =	vmul.f32 v22, v22;
	v57 =	vmul.f32 v14, v14  }
0x118: {  	v37 =	vld.idx.msk [tilespmem:v28+s12+$0x0], $0xffff;
	v14 =	vmul.f32 v14, v22;
	v58 =	vmul.f32 v51, v51  }
0x119: {  	v39 =	vld.idx.msk [tilespmem:v28+s13+$0x0], $0xffff;
	v61 =	vmul.f32 v17, v17;
	v13 =	vmul.f32 v17, v51  }
0x11a: {  	v42 =	vor.u32 $0xF, v1;
	v29 =	vmul.f32 v54, v54;
	v30 =	vmul.f32 v20, v20  }
0x11b: {  	v47 =	vor.u32 $0x10, v1;
	v41 =	vld.idx.msk [tilespmem:v31+s12+$0x0], $0xffff;
	v33 =	vmul.f32 v59, v59;
	v34 =	vmul.f32 v62, v62  }
0x11c: {  	v27 =	vor.u32 $0x25, v1;
	v49 =	vld.idx.msk [tilespmem:v25+s12+$0x0], $0xffff;
	v36 =	vmul.f32 v63, v63;
	v44 =	vmul.f32 v32, v32  }
0x11d: {  	v28 =	vor.u32 $0x13, v1;
	v46 =	vmul.f32 v35, v35;
	v48 =	vmul.f32 v37, v37  }
0x11e: {  	v45 =	vld.idx.msk [tilespmem:v31+s13+$0x0], $0xffff;
	v50 =	vmul.f32 v39, v39;
	v12 =	vadd.f32 $0.0e+00, v12;
	v15 =	vadd.f32 $0.0e+00, v15  }
0x11f: {  	v52 =	vmul.f32 v39, v37;
	v9 =	vadd.f32 $0.0e+00, v9;
	v19 =	vadd.f32 $0.0e+00, v19  }
0x120: {  	v16 =	vld.idx.msk [tilespmem:v55+s13+$0x0], $0xffff;
	v55 =	vmul.f32 v41, v41;
	v4 =	vadd.f32 v21, v4;
	v5 =	vadd.f32 v23, v5  }
0x121: {  	v60 =	vmul.f32 v49, v49;
	v7 =	vadd.f32 v53, v7;
	v2 =	vadd.f32 v24, v2  }
0x122: {  	v37 =	vor.u32 $0x15, v1;
	v18 =	vadd.f32 v56, v18;
	v3 =	vadd.f32 v57, v3  }
0x123: {  	v22 =	vld.idx.msk [tilespmem:v47+s13+$0x0], $0xffff;
	v11 =	vadd.f32 v58, v11;
	v6 =	vadd.f32 v61, v6;
	v56 =	vmul.f32 v45, v45  }
0x124: {  	v57 =	vmul.f32 v45, v41;
	v58 =	vld.idx.msk [tilespmem:v47+s12+$0x0], $0xffff;
	v47 =	vor.u32 $0x17, v1;
	v8 =	vadd.f32 v8, v12  }
0x125: {  	v12 =	vmul.f32 v20, v54;
	v10 =	vadd.f32 v10, v15;
	v9 =	vadd.f32 v14, v9  }
0x126: {  	v51 =	vld.idx.msk [tilespmem:v25+s13+$0x0], $0xffff;
	v54 =	vor.u32 $0x11, v1;
	v13 =	vadd.f32 v13, v19;
	v4 =	vadd.f32 v29, v4  }
0x127: {  	v5 =	vadd.f32 v30, v5;
	v15 =	vmul.f32 v62, v59;
	v7 =	vadd.f32 v33, v7  }
0x128: {  	v53 =	vld.idx.msk [tilespmem:v42+s12+$0x0], $0xffff;
	v2 =	vadd.f32 v34, v2;
	v40 =	vadd.f32 v36, v18;
	v14 =	vmul.f32 v35, v32  }
0x129: {  	v21 =	vld.idx.msk [tilespmem:v42+s13+$0x0], $0xffff;
	v11 =	vadd.f32 v44, v11;
	v6 =	vadd.f32 v46, v6;
	v59 =	vor.u32 $0x12, v1  }
0x12a: {  	v41 =	vld.idx.msk [tilespmem:v28+s13+$0x0], $0xffff;
	v33 =	vor.u32 $0x14, v1;
	v44 =	vor.u32 $0x16, v1;
	v38 =	vmul.f32 v16, v16  }
0x12b: {  	v8 =	vadd.f32 v12, v8;
	v43 =	vmul.f32 v16, v63;
	v61 =	vmul.f32 v51, v51;
	v46 =	vld.idx.msk [tilespmem:v37+s12+$0x0], $0xffff  }
0x12c: {  	v16 =	vmul.f32 v51, v49;
	v17 =	vld.idx.msk [tilespmem:v37+s13+$0x0], $0xffff;
	v10 =	vadd.f32 v15, v10;
	v13 =	vadd.f32 v14, v13  }
0x12d: {  	v35 =	vmul.f32 v22, v22;
	v4 =	vadd.f32 v48, v4;
	v3 =	vadd.f32 v38, v3;
	v38 =	vld.idx.msk [tilespmem:v28+s12+$0x0], $0xffff  }
0x12e: {  	v51 =	vor.u32 $0x18, v1;
	v5 =	vadd.f32 v50, v5;
	v7 =	vadd.f32 v55, v7;
	v19 =	vld.idx.msk [tilespmem:v47+s13+$0x0], $0xffff  }
0x12f: {  	v37 =	vor.u32 $0x1C, v1;
	v2 =	vadd.f32 v56, v2;
	v14 =	vadd.f32 v60, v40;
	v63 =	vld.idx.msk [tilespmem:v54+s12+$0x0], $0xffff  }
0x130: {  	v9 =	vadd.f32 v43, v9;
	v8 =	vadd.f32 v52, v8;
	v62 =	vmul.f32 v53, v53;
	v30 =	vld.idx.msk [tilespmem:v54+s13+$0x0], $0xffff  }
0x131: {  	v29 =	vmul.f32 v21, v21;
	v31 =	vmul.f32 v21, v53;
	v10 =	vadd.f32 v57, v10;
	v57 =	vld.idx.msk [tilespmem:v47+s12+$0x0], $0xffff  }
0x132: {  	v34 =	vmul.f32 v58, v58;
	v36 =	vmul.f32 v22, v58;
	v5 =	vadd.f32 v35, v5;
	v32 =	vld.idx.msk [tilespmem:v59+s12+$0x0], $0xffff  }
0x133: {  	v50 =	vmul.f32 v41, v41;
	v3 =	vadd.f32 v61, v3;
	v9 =	vadd.f32 v16, v9;
	v18 =	vld.idx.msk [tilespmem:v59+s13+$0x0], $0xffff  }
0x134: {  	v58 =	vor.u32 $0x19, v1;
	v11 =	vadd.f32 v62, v11;
	v6 =	vadd.f32 v29, v6;
	v43 =	vld.idx.msk [tilespmem:v33+s12+$0x0], $0xffff  }
0x135: {  	v13 =	vadd.f32 v31, v13;
	v4 =	vadd.f32 v34, v4;
	v21 =	vld.idx.msk [tilespmem:v33+s13+$0x0], $0xffff;
	v59 =	vmul.f32 v46, v46  }
0x136: {  	v8 =	vadd.f32 v36, v8;
	v53 =	vld.idx.msk [tilespmem:v44+s12+$0x0], $0xffff;
	v60 =	vmul.f32 v17, v17;
	v61 =	vmul.f32 v17, v46  }
0x137: {  	v62 =	vld.idx.msk [tilespmem:v51+s12+$0x0], $0xffff;
	v46 =	vor.u32 $0x1E, v1;
	v49 =	vmul.f32 v38, v38;
	v12 =	vmul.f32 v41, v38  }
0x138: {  	v22 =	vld.idx.msk [tilespmem:v51+s13+$0x0], $0xffff;
	v51 =	vor.u32 $0x1F, v1;
	v33 =	vmul.f32 v19, v19;
	v39 =	vmul.f32 v63, v63  }
0x139: {  	v55 =	vld.idx.msk [tilespmem:v44+s13+$0x0], $0xffff;
	v6 =	vadd.f32 v50, v6;
	v40 =	vmul.f32 v30, v30;
	v16 =	vmul.f32 v30, v63  }
0x13a: {  	v41 =	vor.u32 $0x1D, v1;
	v30 =	vmul.f32 v57, v57;
	v35 =	vmul.f32 v19, v57  }
0x13b: {  	v63 =	vor.u32 $0x1A, v1;
	v42 =	vmul.f32 v32, v32;
	v45 =	vmul.f32 v18, v18  }
0x13c: {  	v48 =	vmul.f32 v18, v32;
	v11 =	vadd.f32 v49, v11;
	v52 =	vmul.f32 v43, v43  }
0x13d: {  	v12 =	vadd.f32 v12, v13;
	v54 =	vmul.f32 v21, v21;
	v56 =	vmul.f32 v21, v43  }
0x13e: {  	v28 =	vmul.f32 v53, v53;
	v29 =	vmul.f32 v55, v55;
	v6 =	vadd.f32 v33, v6  }
0x13f: {  	v31 =	vld.idx.msk [tilespmem:v58+s12+$0x0], $0xffff;
	v18 =	vmul.f32 v55, v53;
	v7 =	vadd.f32 v39, v7;
	v2 =	vadd.f32 v40, v2  }
0x140: {  	v34 =	vld.idx.msk [tilespmem:v58+s13+$0x0], $0xffff;
	v32 =	vor.u32 $0x1B, v1;
	v10 =	vadd.f32 v16, v10;
	v14 =	vadd.f32 v42, v14  }
0x141: {  	v49 =	vld.idx.msk [tilespmem:v37+s12+$0x0], $0xffff;
	v55 =	vor.u32 $0x20, v1;
	v3 =	vadd.f32 v45, v3;
	v9 =	vadd.f32 v48, v9  }
0x142: {  	v21 =	vld.idx.msk [tilespmem:v37+s13+$0x0], $0xffff;
	v38 =	vmul.f32 v62, v62;
	v4 =	vadd.f32 v52, v4;
	v5 =	vadd.f32 v54, v5  }
0x143: {  	v39 =	vmul.f32 v22, v22;
	v58 =	vld.idx.msk [tilespmem:v46+s12+$0x0], $0xffff;
	v8 =	vadd.f32 v56, v8;
	v11 =	vadd.f32 v30, v11  }
0x144: {  	v40 =	vmul.f32 v22, v62;
	v12 =	vadd.f32 v35, v12;
	v30 =	vld.idx.msk [tilespmem:v51+s13+$0x0], $0xffff;
	v7 =	vadd.f32 v59, v7  }
0x145: {  	v2 =	vadd.f32 v60, v2;
	v10 =	vadd.f32 v61, v10;
	v42 =	vmul.f32 v31, v31;
	v53 =	vld.idx.msk [tilespmem:v41+s12+$0x0], $0xffff  }
0x146: {  	v44 =	vmul.f32 v34, v34;
	v47 =	vmul.f32 v34, v31;
	v16 =	vld.idx.msk [tilespmem:v41+s13+$0x0], $0xffff;
	v13 =	vadd.f32 v28, v14  }
0x147: {  	v60 =	vld.idx.msk [tilespmem:v46+s13+$0x0], $0xffff;
	v61 =	vor.u32 $0x21, v1;
	v3 =	vadd.f32 v29, v3;
	v9 =	vadd.f32 v18, v9  }
0x148: {  	v31 =	vor.u32 $0x22, v1;
	v36 =	vld.idx.msk [tilespmem:v63+s12+$0x0], $0xffff;
	v4 =	vadd.f32 v38, v4;
	v5 =	vadd.f32 v39, v5  }
0x149: {  	v17 =	vld.idx.msk [tilespmem:v63+s13+$0x0], $0xffff;
	v8 =	vadd.f32 v40, v8;
	v40 =	vor.u32 $0x24, v1;
	v7 =	vadd.f32 v42, v7  }
0x14a: {  	v63 =	vld.idx.msk [tilespmem:v51+s12+$0x0], $0xffff;
	v2 =	vadd.f32 v44, v2;
	v59 =	vmul.f32 v49, v49;
	v62 =	vmul.f32 v21, v21  }
0x14b: {  	v43 =	vld.idx.msk [tilespmem:v32+s12+$0x0], $0xffff;
	v10 =	vadd.f32 v47, v10;
	v29 =	vmul.f32 v21, v49;
	v37 =	vmul.f32 v58, v58  }
0x14c: {  	v45 =	vld.idx.msk [tilespmem:v32+s13+$0x0], $0xffff;
	v4 =	vadd.f32 v59, v4;
	v44 =	vmul.f32 v30, v30;
	v32 =	vmul.f32 v53, v53  }
0x14d: {  	v26 =	vld.idx.msk [tilespmem:v55+s12+$0x0], $0xffff;
	v5 =	vadd.f32 v62, v5;
	v33 =	vmul.f32 v16, v16;
	v34 =	vmul.f32 v16, v53  }
0x14e: {  	v35 =	vld.idx.msk [tilespmem:v55+s13+$0x0], $0xffff;
	v8 =	vadd.f32 v29, v8;
	v39 =	vmul.f32 v60, v60;
	v41 =	vmul.f32 v60, v58  }
0x14f: {  	v29 =	vor.u32 $0x2B, v1;
	v38 =	vld.idx.msk [tilespmem:v61+s12+$0x0], $0xffff;
	v48 =	vmul.f32 v36, v36;
	v50 =	vmul.f32 v17, v17  }
0x150: {  	v24 =	vld.idx.msk [tilespmem:v61+s13+$0x0], $0xffff;
	v61 =	vor.u32 $0x29, v1;
	v52 =	vmul.f32 v17, v36;
	v42 =	vmul.f32 v63, v63  }
0x151: {  	v36 =	vor.u32 $0x23, v1;
	v54 =	vmul.f32 v43, v43;
	v56 =	vmul.f32 v45, v45  }
0x152: {  	v57 =	vmul.f32 v45, v43;
	v7 =	vadd.f32 v32, v7;
	v2 =	vadd.f32 v33, v2  }
0x153: {  	v10 =	vadd.f32 v34, v10;
	v45 =	vmul.f32 v30, v63;
	v47 =	vmul.f32 v26, v26  }
0x154: {  	v21 =	vld.idx.msk [tilespmem:v31+s13+$0x0], $0xffff;
	v49 =	vmul.f32 v35, v35;
	v16 =	vmul.f32 v35, v26;
	v34 =	vor.u32 $0x2A, v1  }
0x155: {  	v43 =	vld.idx.msk [tilespmem:v31+s12+$0x0], $0xffff;
	v31 =	vor.u32 $0x31, v1;
	v13 =	vadd.f32 v48, v13;
	v3 =	vadd.f32 v50, v3  }
0x156: {  	v25 =	vld.idx.msk [tilespmem:v40+s13+$0x0], $0xffff;
	v32 =	vor.u32 $0x33, v1;
	v9 =	vadd.f32 v52, v9;
	v11 =	vadd.f32 v54, v11  }
0x157: {  	v48 =	vor.u32 $0x26, v1;
	v50 =	vld.idx.msk [tilespmem:v40+s12+$0x0], $0xffff;
	v6 =	vadd.f32 v56, v6;
	v12 =	vadd.f32 v57, v12  }
0x158: {  	v52 =	vor.u32 $0x27, v1;
	v4 =	vadd.f32 v47, v4;
	v5 =	vadd.f32 v49, v5;
	v54 =	vld.idx.msk [tilespmem:v27+s12+$0x0], $0xffff  }
0x159: {  	v8 =	vadd.f32 v16, v8;
	v56 =	vld.idx.msk [tilespmem:v27+s13+$0x0], $0xffff;
	v57 =	vor.u32 $0x28, v1;
	v47 =	vor.u32 $0x2D, v1  }
0x15a: {  	v49 =	vld.idx.msk [tilespmem:v29+s12+$0x0], $0xffff;
	v13 =	vadd.f32 v37, v13;
	v3 =	vadd.f32 v39, v3;
	v51 =	vmul.f32 v38, v38  }
0x15b: {  	v9 =	vadd.f32 v41, v9;
	v53 =	vmul.f32 v24, v24;
	v55 =	vmul.f32 v24, v38;
	v40 =	vld.idx.msk [tilespmem:v61+s12+$0x0], $0xffff  }
0x15c: {  	v59 =	vmul.f32 v21, v21;
	v11 =	vadd.f32 v42, v11;
	v46 =	vld.idx.msk [tilespmem:v36+s12+$0x0], $0xffff;
	v6 =	vadd.f32 v44, v6  }
0x15d: {  	v17 =	vld.idx.msk [tilespmem:v36+s13+$0x0], $0xffff;
	v12 =	vadd.f32 v45, v12;
	v38 =	vmul.f32 v25, v25;
	v42 =	vor.u32 $0x2C, v1  }
0x15e: {  	v7 =	vadd.f32 v51, v7;
	v2 =	vadd.f32 v53, v2;
	v60 =	vmul.f32 v21, v43;
	v21 =	vld.idx.msk [tilespmem:v61+s13+$0x0], $0xffff  }
0x15f: {  	v58 =	vmul.f32 v43, v43;
	v10 =	vadd.f32 v55, v10;
	v3 =	vadd.f32 v59, v3;
	v51 =	vld.idx.msk [tilespmem:v29+s13+$0x0], $0xffff  }
0x160: {  	v63 =	vld.idx.msk [tilespmem:v52+s12+$0x0], $0xffff;
	v36 =	vmul.f32 v50, v50;
	v39 =	vmul.f32 v25, v50;
	v5 =	vadd.f32 v38, v5  }
0x161: {  	v26 =	vld.idx.msk [tilespmem:v52+s13+$0x0], $0xffff;
	v52 =	vor.u32 $0x2E, v1;
	v13 =	vadd.f32 v58, v13;
	v41 =	vmul.f32 v54, v54  }
0x162: {  	v28 =	vld.idx.msk [tilespmem:v48+s12+$0x0], $0xffff;
	v9 =	vadd.f32 v60, v9;
	v43 =	vmul.f32 v56, v56;
	v16 =	vmul.f32 v56, v54  }
0x163: {  	v20 =	vld.idx.msk [tilespmem:v48+s13+$0x0], $0xffff;
	v56 =	vor.u32 $0x2F, v1;
	v60 =	vor.u32 $0x30, v1;
	v4 =	vadd.f32 v36, v4  }
0x164: {  	v37 =	vld.idx.msk [tilespmem:v57+s12+$0x0], $0xffff;
	v8 =	vadd.f32 v39, v8;
	v39 =	vor.u32 $0x32, v1;
	v62 =	vmul.f32 v46, v46  }
0x165: {  	v33 =	vmul.f32 v17, v17;
	v35 =	vmul.f32 v17, v46;
	v7 =	vadd.f32 v41, v7;
	v30 =	vld.idx.msk [tilespmem:v42+s12+$0x0], $0xffff  }
0x166: {  	v2 =	vadd.f32 v43, v2;
	v22 =	vld.idx.msk [tilespmem:v42+s13+$0x0], $0xffff;
	v42 =	vmul.f32 v49, v49;
	v36 =	vmul.f32 v21, v40  }
0x167: {  	v24 =	vld.idx.msk [tilespmem:v57+s13+$0x0], $0xffff;
	v10 =	vadd.f32 v16, v10;
	v43 =	vmul.f32 v51, v51;
	v16 =	vmul.f32 v51, v49  }
0x168: {  	v44 =	vld.idx.msk [tilespmem:v34+s12+$0x0], $0xffff;
	v11 =	vadd.f32 v62, v11;
	v45 =	vmul.f32 v28, v28;
	v48 =	vmul.f32 v20, v20  }
0x169: {  	v27 =	vld.idx.msk [tilespmem:v47+s13+$0x0], $0xffff;
	v6 =	vadd.f32 v33, v6;
	v50 =	vmul.f32 v20, v28;
	v53 =	vmul.f32 v63, v63  }
0x16a: {  	v12 =	vadd.f32 v35, v12;
	v54 =	vmul.f32 v26, v26;
	v55 =	vmul.f32 v26, v63;
	v63 =	vld.idx.msk [tilespmem:v52+s12+$0x0], $0xffff  }
0x16b: {  	v62 =	vmul.f32 v40, v40;
	v35 =	vmul.f32 v21, v21;
	v28 =	vld.idx.msk [tilespmem:v52+s13+$0x0], $0xffff;
	v52 =	vor.u32 $0x36, v1  }
0x16c: {  	v58 =	vld.idx.msk [tilespmem:v47+s12+$0x0], $0xffff;
	v57 =	vmul.f32 v37, v37;
	v59 =	vmul.f32 v24, v24;
	v10 =	vadd.f32 v36, v10  }
0x16d: {  	v46 =	vld.idx.msk [tilespmem:v34+s13+$0x0], $0xffff;
	v61 =	vmul.f32 v24, v37;
	v13 =	vadd.f32 v45, v13;
	v3 =	vadd.f32 v48, v3  }
0x16e: {  	v37 =	vld.idx.msk [tilespmem:v56+s12+$0x0], $0xffff;
	v51 =	vmul.f32 v27, v27;
	v9 =	vadd.f32 v50, v9;
	v11 =	vadd.f32 v53, v11  }
0x16f: {  	v38 =	vld.idx.msk [tilespmem:v56+s13+$0x0], $0xffff;
	v56 =	vor.u32 $0x37, v1;
	v6 =	vadd.f32 v54, v6;
	v12 =	vadd.f32 v55, v12  }
0x170: {  	v41 =	vld.idx.msk [tilespmem:v60+s12+$0x0], $0xffff;
	v36 =	vor.u32 $0x3C, v1;
	v7 =	vadd.f32 v62, v7;
	v14 =	vadd.f32 v35, v2  }
0x171: {  	v29 =	vld.idx.msk [tilespmem:v60+s13+$0x0], $0xffff;
	v2 =	vmul.f32 v44, v44;
	v48 =	vor.u32 $0x35, v1;
	v50 =	vmul.f32 v58, v58  }
0x172: {  	v21 =	vld.idx.msk [tilespmem:v39+s13+$0x0], $0xffff;
	v53 =	vmul.f32 v27, v58;
	v58 =	vor.u32 $0x38, v1;
	v15 =	vadd.f32 v57, v4  }
0x173: {  	v5 =	vadd.f32 v59, v5;
	v40 =	vmul.f32 v46, v46;
	v18 =	vmul.f32 v46, v44;
	v4 =	vld.idx.msk [tilespmem:v39+s12+$0x0], $0xffff  }
0x174: {  	v8 =	vadd.f32 v61, v8;
	v45 =	vmul.f32 v30, v30;
	v47 =	vmul.f32 v22, v30;
	v30 =	vld.idx.msk [tilespmem:v32+s13+$0x0], $0xffff  }
0x175: {  	v46 =	vmul.f32 v22, v22;
	v13 =	vadd.f32 v2, v13;
	v2 =	vld.idx.msk [tilespmem:v31+s12+$0x0], $0xffff;
	v11 =	vadd.f32 v42, v11  }
0x176: {  	v35 =	vor.u32 $0x3B, v1;
	v6 =	vadd.f32 v43, v6;
	v33 =	vadd.f32 v40, v3;
	v3 =	vld.idx.msk [tilespmem:v31+s13+$0x0], $0xffff  }
0x177: {  	v44 =	vor.u32 $0x34, v1;
	v12 =	vadd.f32 v16, v12;
	v49 =	vadd.f32 v46, v5;
	v5 =	vld.idx.msk [tilespmem:v32+s12+$0x0], $0xffff  }
0x178: {  	v61 =	vor.u32 $0x39, v1;
	v7 =	vadd.f32 v50, v7;
	v14 =	vadd.f32 v51, v14;
	v19 =	vld.idx.msk [tilespmem:v52+s12+$0x0], $0xffff  }
0x179: {  	v10 =	vadd.f32 v53, v10;
	v9 =	vadd.f32 v18, v9;
	v54 =	vmul.f32 v63, v63;
	v31 =	vld.idx.msk [tilespmem:v52+s13+$0x0], $0xffff  }
0x17a: {  	v15 =	vadd.f32 v45, v15;
	v55 =	vmul.f32 v28, v28;
	v24 =	vmul.f32 v28, v63;
	v26 =	vld.idx.msk [tilespmem:v56+s13+$0x0], $0xffff  }
0x17b: {  	v8 =	vadd.f32 v47, v8;
	v57 =	vmul.f32 v37, v37;
	v59 =	vmul.f32 v38, v38;
	v25 =	vld.idx.msk [tilespmem:v48+s12+$0x0], $0xffff  }
0x17c: {  	v63 =	vor.u32 $0x3A, v1;
	v17 =	vmul.f32 v38, v37;
	v60 =	vmul.f32 v41, v41;
	v22 =	vld.idx.msk [tilespmem:v48+s13+$0x0], $0xffff  }
0x17d: {  	v62 =	vmul.f32 v29, v29;
	v13 =	vadd.f32 v54, v13;
	v9 =	vadd.f32 v24, v9;
	v24 =	vld.idx.msk [tilespmem:v56+s12+$0x0], $0xffff  }
0x17e: {  	v23 =	vmul.f32 v29, v41;
	v16 =	vadd.f32 v55, v33;
	v34 =	vld.idx.msk [tilespmem:v58+s12+$0x0], $0xffff;
	v11 =	vadd.f32 v57, v11  }
0x17f: {  	v28 =	vld.idx.msk [tilespmem:v58+s13+$0x0], $0xffff;
	v42 =	vmul.f32 v21, v21;
	v6 =	vadd.f32 v59, v6;
	v12 =	vadd.f32 v17, v12  }
0x180: {  	v27 =	vld.idx.msk [tilespmem:v44+s12+$0x0], $0xffff;
	v15 =	vadd.f32 v60, v15;
	v17 =	vadd.f32 v62, v49;
	v41 =	vmul.f32 v4, v4  }
0x181: {  	v18 =	vld.idx.msk [tilespmem:v44+s13+$0x0], $0xffff;
	v8 =	vadd.f32 v23, v8;
	v44 =	vmul.f32 v30, v30;
	v4 =	vmul.f32 v21, v4  }
0x182: {  	v32 =	vld.idx.msk [tilespmem:v61+s12+$0x0], $0xffff;
	v39 =	vmul.f32 v2, v2;
	v16 =	vadd.f32 v42, v16;
	v40 =	vmul.f32 v3, v3  }
0x183: {  	v33 =	vld.idx.msk [tilespmem:v61+s13+$0x0], $0xffff;
	v13 =	vadd.f32 v41, v13;
	v43 =	vmul.f32 v5, v5;
	v6 =	vadd.f32 v44, v6  }
0x184: {  	v42 =	vld.idx.msk [tilespmem:v36+s12+$0x0], $0xffff;
	v48 =	vmul.f32 v19, v19;
	v41 =	vmul.f32 v31, v31;
	v4 =	vadd.f32 v4, v9  }
0x185: {  	v36 =	vld.idx.msk [tilespmem:v36+s13+$0x0], $0xffff;
	v7 =	vadd.f32 v39, v7;
	v39 =	vor.u32 $0x3D, v1;
	v50 =	vmul.f32 v26, v26  }
0x186: {  	v38 =	vld.idx.msk [tilespmem:v63+s12+$0x0], $0xffff;
	v14 =	vadd.f32 v40, v14;
	v11 =	vadd.f32 v43, v11;
	v37 =	vmul.f32 v27, v27  }
0x187: {  	v29 =	vld.idx.msk [tilespmem:v63+s13+$0x0], $0xffff;
	v46 =	vmul.f32 v25, v25;
	v47 =	vmul.f32 v22, v22;
	v40 =	vor.u32 $0x3E, v1  }
0x188: {  	v49 =	vmul.f32 v24, v24;
	v1 =	vor.u32 $0x3F, v1;
	v15 =	vadd.f32 v37, v15;
	v37 =	vld.idx.msk [tilespmem:v35+s12+$0x0], $0xffff  }
0x189: {  	v13 =	vadd.f32 v48, v13;
	v16 =	vadd.f32 v41, v16;
	v51 =	vmul.f32 v34, v34;
	v35 =	vld.idx.msk [tilespmem:v35+s13+$0x0], $0xffff  }
0x18a: {  	v43 =	vmul.f32 v28, v28;
	v45 =	vmul.f32 v18, v18;
	v6 =	vadd.f32 v50, v6;
	v41 =	vld.idx.msk [tilespmem:v39+s12+$0x0], $0xffff  }
0x18b: {  	v52 =	vmul.f32 v32, v32;
	v7 =	vadd.f32 v46, v7;
	v14 =	vadd.f32 v47, v14;
	v39 =	vld.idx.msk [tilespmem:v39+s13+$0x0], $0xffff  }
0x18c: {  	v44 =	vmul.f32 v33, v33;
	v11 =	vadd.f32 v49, v11;
	v17 =	vadd.f32 v45, v17;
	v45 =	vld.idx.msk [tilespmem:v40+s12+$0x0], $0xffff  }
0x18d: {  	v57 =	vmul.f32 v42, v42;
	v53 =	vmul.f32 v38, v38;
	v7 =	vadd.f32 v52, v7;
	v40 =	vld.idx.msk [tilespmem:v40+s13+$0x0], $0xffff  }
0x18e: {  	v54 =	vmul.f32 v29, v29;
	v15 =	vadd.f32 v51, v15;
	v17 =	vadd.f32 v43, v17;
	v43 =	vld.idx.msk [tilespmem:v1+s12+$0x0], $0xffff  }
0x18f: {  	v46 =	vmul.f32 v36, v36;
	v14 =	vadd.f32 v44, v14;
	v13 =	vadd.f32 v53, v13;
	v1 =	vld.idx.msk [tilespmem:v1+s13+$0x0], $0xffff  }
0x190: {  	v16 =	vadd.f32 v54, v16;
	v15 =	vadd.f32 v57, v15;
	v55 =	vmul.f32 v37, v37  }
0x191: {  	v17 =	vadd.f32 v46, v17;
	v56 =	vmul.f32 v35, v35;
	v58 =	vmul.f32 v41, v41  }
0x192: {  	v59 =	vmul.f32 v39, v39;
	v11 =	vadd.f32 v55, v11;
	v60 =	vmul.f32 v45, v45  }
0x193: {  	v6 =	vadd.f32 v56, v6;
	v61 =	vmul.f32 v43, v43;
	v62 =	vmul.f32 v40, v40  }
0x194: {  	v63 =	vmul.f32 v1, v1;
	v7 =	vadd.f32 v58, v7;
	v14 =	vadd.f32 v59, v14  }
0x195: {  	v13 =	vadd.f32 v60, v13;
	v11 =	vadd.f32 v61, v11  }
0x196: {  	v16 =	vadd.f32 v62, v16;
	v6 =	vadd.f32 v63, v6  }
0x197: {  	v2 =	vmul.f32 v3, v2;
	v3 =	vadd.f32 v7, v15;
	v15 =	vadd.f32 v11, v13  }
0x198: {  	v5 =	vmul.f32 v30, v5;
	v17 =	vadd.f32 v14, v17;
	v6 =	vadd.f32 v6, v16  }
0x199: {  	v2 =	vadd.f32 v2, v10;
	v30 =	vmul.f32 v22, v25;
	v3 =	vadd.f32 v15, v3  }
0x19a: {  	v5 =	vadd.f32 v5, v12;
	v48 =	vmul.f32 v26, v24;
	v6 =	vadd.f32 v6, v17  }
0x19b: {  	v20 =	vmul.f32 v18, v27;
	v50 =	vmul.f32 v28, v34;
	v21 =	vshra.s32 v3, $0x1  }
0x19c: {  	v23 =	vmul.f32 $5.000000000e-01, v3;
	v11 =	vshra.s32 v6, $0x1;
	v27 =	vmul.f32 $5.000000000e-01, v6  }
0x19d: {  	v52 =	vmul.f32 v33, v32;
	v9 =	vsub.s32 $0x5F3759DF, v21;
	v11 =	vsub.s32 $0x5F3759DF, v11  }
0x19e: {  	v2 =	vadd.f32 v30, v2;
	v44 =	vmul.f32 v9, v23;
	v47 =	vmul.f32 v11, v27  }
0x19f: {  	v5 =	vadd.f32 v48, v5;
	v53 =	vmul.f32 v29, v38;
	v46 =	vmul.f32 v31, v19  }
0x1a0: {  	v2 =	vadd.f32 v52, v2;
	v15 =	vmul.f32 v9, v44;
	v49 =	vmul.f32 v11, v47  }
0x1a1: {  	v54 =	vmul.f32 v35, v37;
	v4 =	vadd.f32 v46, v4;
	v55 =	vmul.f32 v36, v42  }
0x1a2: {  	v56 =	vmul.f32 v39, v41;
	v51 =	vsub.f32 $1.500000000e+00, v15;
	v12 =	vsub.f32 $1.500000000e+00, v49  }
0x1a3: {  	v5 =	vadd.f32 v54, v5;
	v1 =	vmul.f32 v1, v43;
	v7 =	vadd.f32 v20, v8  }
0x1a4: {  	v4 =	vadd.f32 v53, v4;
	v9 =	vmul.f32 v9, v51;
	v11 =	vmul.f32 v11, v12  }
0x1a5: {  	v57 =	vmul.f32 v40, v45;
	v2 =	vadd.f32 v56, v2;
	v7 =	vadd.f32 v50, v7  }
0x1a6: {  	v1 =	vadd.f32 v1, v5;
	v10 =	vmul.f32 v9, v23;
	v13 =	vmul.f32 v11, v27  }
0x1a7: {  	v4 =	vadd.f32 v57, v4;
	v7 =	vadd.f32 v55, v7  }
0x1a8: {  	v10 =	vmul.f32 v10, v9;
	v58 =	vmul.f32 v13, v11  }
0x1a9: {  	v1 =	vadd.f32 v1, v4;
	v2 =	vadd.f32 v2, v7  }
0x1aa: {  	v59 =	vsub.f32 $1.500000000e+00, v10;
	v8 =	vsub.f32 $1.500000000e+00, v58;
	_ =	sdelay $0x1  }
0x1ab: {  	v1 =	vadd.f32 v1, v2;
	v60 =	vmul.f32 v59, v9;
	v61 =	vmul.f32 v8, v11  }
0x1ac: {  	vm0 =	vge.f32 v3, $1.000000020e-24;
	vm15 =	vge.f32 v6, $1.000000020e-24  }
0x1ad: {  	v1 =	vadd.f32 v1, v1;
	v2 =	vnsel vm0, $0x5368D4A5, v60;
	v62 =	vnsel vm15, $0x5368D4A5, v61  }
0x1ae: {  	v3 =	vmul.f32 v2, v3;
	v5 =	vmul.f32 v62, v6  }
0x1af: {  	v1 =	vmul.f32 v2, v1  }
0x1b0: {  	v3 =	vmul.f32 v3, v2;
	v5 =	vmul.f32 v5, v62;
	_ =	sdelay $0x1  }
0x1b1: {  	v1 =	vmul.f32 v62, v1;
	v2 =	vadd.f32 v5, v3;
	_ =	sdelay $0x1  }
0x1b2: {  	v1 =	vsub.f32 v2, v1;
	_ =	sdelay $0x1  }
0x1b3: {  	v1 =	vmax.f32 v1, $0.0e+00  }
0x1b4: {  	v2 =	vshra.s32 v1, $0x1;
	v3 =	vmul.f32 $5.000000000e-01, v1  }
0x1b5: {  	v2 =	vsub.s32 $0x5F3759DF, v2  }
0x1b6: {  	v63 =	vmul.f32 v2, v3;
	_ =	sdelay $0x1  }
0x1b7: {  	v4 =	vmul.f32 v2, v63;
	_ =	sdelay $0x1  }
0x1b8: {  	v4 =	vsub.f32 $1.500000000e+00, v4;
	_ =	sdelay $0x1  }
0x1b9: {  	v2 =	vmul.f32 v2, v4;
	_ =	sdelay $0x1  }
0x1ba: {  	v3 =	vmul.f32 v2, v3;
	_ =	sdelay $0x1  }
0x1bb: {  	v3 =	vmul.f32 v3, v2;
	_ =	sdelay $0x1  }
0x1bc: {  	v3 =	vsub.f32 $1.500000000e+00, v3;
	_ =	sdelay $0x1  }
0x1bd: {  	v2 =	vmul.f32 v3, v2  }
0x1be: {  	p0 =	sne.s32 s16, $0xF0  }
.Ltmp1:
0x1bf: {  	v1 =	vmul.f32 v2, v1;
	(pc) =	sbr.rel @p0 .LBB2_4-.Ltmp1, $3  }
0x1c0: {  	_ = 	snop  }
0x1c1: {  	v1 =	vsub.f32 $0.0e+00, v1;
	_ =	sdelay $0x1  }
0x1c2: {  	s16 =	sadd.s32 $0x10, s16;
	[tilespmem:s17+$0x0] =	vst v1;
	s17 =	sadd.s32 $0x10, s17  }
0x1c3: {  	_ =	swait.ge [sflag:s30], $0x2000  }
0x1c4: {  	[sflag:s30] =	ssyncset.done $0x0  }
0x1c5: {  	[sflag:s30] =	ssyncadd.s32 $0xFFFFE000  }
0x1c6: {  	_ =	swait.ge [sflag:s31], $0x2000  }
0x1c7: {  	[sflag:s31] =	ssyncset.done $0x0  }
0x1c8: {  	s16 =	simm.s32 $0x100;
	s17 =	simm.s32 $0x10500;
	[sflag:s31] =	ssyncadd.s32 $0xFFFFE000  }
.LBB2_6:
0x1c9: {  	v1 =	vmov s16  }
0x1ca: {  	v1 =	vshll.u32 v1, $0x6  }
0x1cb: {  	v1 =	vor.u32 v0, v1;
	_ =	sdelay $0x1  }
0x1cc: {  	v2 =	vor.u32 $0x1, v1;
	_ =	sdelay $0x1  }
0x1cd: {  	v3 =	vor.u32 $0x2, v1  }
0x1ce: {  	v4 =	vld.idx.msk [tilespmem:v1+s12+$0x0], $0xffff  }
0x1cf: {  	v6 =	vor.u32 $0x3, v1;
	v5 =	vld.idx.msk [tilespmem:v1+s13+$0x0], $0xffff  }
0x1d0: {  	v7 =	vld.idx.msk [tilespmem:v2+s12+$0x0], $0xffff  }
0x1d1: {  	v8 =	vor.u32 $0x4, v1;
	v2 =	vld.idx.msk [tilespmem:v2+s13+$0x0], $0xffff  }
0x1d2: {  	v9 =	vld.idx.msk [tilespmem:v3+s12+$0x0], $0xffff  }
0x1d3: {  	v10 =	vor.u32 $0x5, v1;
	v3 =	vld.idx.msk [tilespmem:v3+s13+$0x0], $0xffff  }
0x1d4: {  	v11 =	vld.idx.msk [tilespmem:v6+s12+$0x0], $0xffff  }
0x1d5: {  	v14 =	vor.u32 $0x6, v1;
	v6 =	vld.idx.msk [tilespmem:v6+s13+$0x0], $0xffff  }
0x1d6: {  	v13 =	vld.idx.msk [tilespmem:v8+s12+$0x0], $0xffff  }
0x1d7: {  	v17 =	vor.u32 $0x7, v1;
	v8 =	vld.idx.msk [tilespmem:v8+s13+$0x0], $0xffff  }
0x1d8: {  	v16 =	vld.idx.msk [tilespmem:v10+s12+$0x0], $0xffff  }
0x1d9: {  	v20 =	vor.u32 $0x8, v1;
	v10 =	vld.idx.msk [tilespmem:v10+s13+$0x0], $0xffff  }
0x1da: {  	v22 =	vld.idx.msk [tilespmem:v14+s12+$0x0], $0xffff  }
0x1db: {  	v52 =	vor.u32 $0x9, v1;
	v14 =	vld.idx.msk [tilespmem:v14+s13+$0x0], $0xffff;
	v12 =	vmul.f32 v5, v4;
	v4 =	vmul.f32 v4, v4  }
0x1dc: {  	v51 =	vld.idx.msk [tilespmem:v17+s12+$0x0], $0xffff;
	v5 =	vmul.f32 v5, v5;
	v15 =	vmul.f32 v2, v7  }
0x1dd: {  	v55 =	vor.u32 $0xA, v1;
	v17 =	vld.idx.msk [tilespmem:v17+s13+$0x0], $0xffff;
	v7 =	vmul.f32 v7, v7;
	v2 =	vmul.f32 v2, v2  }
0x1de: {  	v60 =	vor.u32 $0xB, v1;
	v54 =	vld.idx.msk [tilespmem:v20+s12+$0x0], $0xffff;
	v18 =	vmul.f32 v9, v9;
	v9 =	vmul.f32 v3, v9  }
0x1df: {  	v20 =	vld.idx.msk [tilespmem:v20+s13+$0x0], $0xffff;
	v3 =	vmul.f32 v3, v3;
	v19 =	vmul.f32 v6, v11  }
0x1e0: {  	v28 =	vor.u32 $0xC, v1;
	v59 =	vld.idx.msk [tilespmem:v52+s12+$0x0], $0xffff;
	v11 =	vmul.f32 v11, v11;
	v21 =	vmul.f32 v13, v13  }
0x1e1: {  	v62 =	vld.idx.msk [tilespmem:v52+s13+$0x0], $0xffff;
	v6 =	vmul.f32 v6, v6;
	v23 =	vmul.f32 v8, v8  }
0x1e2: {  	v63 =	vld.idx.msk [tilespmem:v55+s12+$0x0], $0xffff;
	v8 =	vmul.f32 v8, v13;
	v53 =	vmul.f32 v16, v16  }
0x1e3: {  	v31 =	vor.u32 $0xD, v1;
	v32 =	vld.idx.msk [tilespmem:v60+s12+$0x0], $0xffff;
	v24 =	vmul.f32 v10, v10;
	v10 =	vmul.f32 v10, v16  }
0x1e4: {  	v25 =	vor.u32 $0xE, v1;
	v35 =	vld.idx.msk [tilespmem:v60+s13+$0x0], $0xffff;
	v56 =	vmul.f32 v22, v22;
	v57 =	vmul.f32 v14, v14  }
0x1e5: {  	v37 =	vld.idx.msk [tilespmem:v28+s12+$0x0], $0xffff;
	v14 =	vmul.f32 v14, v22;
	v58 =	vmul.f32 v51, v51  }
0x1e6: {  	v39 =	vld.idx.msk [tilespmem:v28+s13+$0x0], $0xffff;
	v61 =	vmul.f32 v17, v17;
	v13 =	vmul.f32 v17, v51  }
0x1e7: {  	v42 =	vor.u32 $0xF, v1;
	v29 =	vmul.f32 v54, v54;
	v30 =	vmul.f32 v20, v20  }
0x1e8: {  	v47 =	vor.u32 $0x10, v1;
	v41 =	vld.idx.msk [tilespmem:v31+s12+$0x0], $0xffff;
	v33 =	vmul.f32 v59, v59;
	v34 =	vmul.f32 v62, v62  }
0x1e9: {  	v27 =	vor.u32 $0x25, v1;
	v49 =	vld.idx.msk [tilespmem:v25+s12+$0x0], $0xffff;
	v36 =	vmul.f32 v63, v63;
	v44 =	vmul.f32 v32, v32  }
0x1ea: {  	v28 =	vor.u32 $0x13, v1;
	v46 =	vmul.f32 v35, v35;
	v48 =	vmul.f32 v37, v37  }
0x1eb: {  	v45 =	vld.idx.msk [tilespmem:v31+s13+$0x0], $0xffff;
	v50 =	vmul.f32 v39, v39;
	v12 =	vadd.f32 $0.0e+00, v12;
	v15 =	vadd.f32 $0.0e+00, v15  }
0x1ec: {  	v52 =	vmul.f32 v39, v37;
	v9 =	vadd.f32 $0.0e+00, v9;
	v19 =	vadd.f32 $0.0e+00, v19  }
0x1ed: {  	v16 =	vld.idx.msk [tilespmem:v55+s13+$0x0], $0xffff;
	v55 =	vmul.f32 v41, v41;
	v4 =	vadd.f32 v21, v4;
	v5 =	vadd.f32 v23, v5  }
0x1ee: {  	v60 =	vmul.f32 v49, v49;
	v7 =	vadd.f32 v53, v7;
	v2 =	vadd.f32 v24, v2  }
0x1ef: {  	v37 =	vor.u32 $0x15, v1;
	v18 =	vadd.f32 v56, v18;
	v3 =	vadd.f32 v57, v3  }
0x1f0: {  	v22 =	vld.idx.msk [tilespmem:v47+s13+$0x0], $0xffff;
	v11 =	vadd.f32 v58, v11;
	v6 =	vadd.f32 v61, v6;
	v56 =	vmul.f32 v45, v45  }
0x1f1: {  	v57 =	vmul.f32 v45, v41;
	v58 =	vld.idx.msk [tilespmem:v47+s12+$0x0], $0xffff;
	v47 =	vor.u32 $0x17, v1;
	v8 =	vadd.f32 v8, v12  }
0x1f2: {  	v12 =	vmul.f32 v20, v54;
	v10 =	vadd.f32 v10, v15;
	v9 =	vadd.f32 v14, v9  }
0x1f3: {  	v51 =	vld.idx.msk [tilespmem:v25+s13+$0x0], $0xffff;
	v54 =	vor.u32 $0x11, v1;
	v13 =	vadd.f32 v13, v19;
	v4 =	vadd.f32 v29, v4  }
0x1f4: {  	v5 =	vadd.f32 v30, v5;
	v15 =	vmul.f32 v62, v59;
	v7 =	vadd.f32 v33, v7  }
0x1f5: {  	v53 =	vld.idx.msk [tilespmem:v42+s12+$0x0], $0xffff;
	v2 =	vadd.f32 v34, v2;
	v40 =	vadd.f32 v36, v18;
	v14 =	vmul.f32 v35, v32  }
0x1f6: {  	v21 =	vld.idx.msk [tilespmem:v42+s13+$0x0], $0xffff;
	v11 =	vadd.f32 v44, v11;
	v6 =	vadd.f32 v46, v6;
	v59 =	vor.u32 $0x12, v1  }
0x1f7: {  	v41 =	vld.idx.msk [tilespmem:v28+s13+$0x0], $0xffff;
	v33 =	vor.u32 $0x14, v1;
	v44 =	vor.u32 $0x16, v1;
	v38 =	vmul.f32 v16, v16  }
0x1f8: {  	v8 =	vadd.f32 v12, v8;
	v43 =	vmul.f32 v16, v63;
	v61 =	vmul.f32 v51, v51;
	v46 =	vld.idx.msk [tilespmem:v37+s12+$0x0], $0xffff  }
0x1f9: {  	v16 =	vmul.f32 v51, v49;
	v17 =	vld.idx.msk [tilespmem:v37+s13+$0x0], $0xffff;
	v10 =	vadd.f32 v15, v10;
	v13 =	vadd.f32 v14, v13  }
0x1fa: {  	v35 =	vmul.f32 v22, v22;
	v4 =	vadd.f32 v48, v4;
	v3 =	vadd.f32 v38, v3;
	v38 =	vld.idx.msk [tilespmem:v28+s12+$0x0], $0xffff  }
0x1fb: {  	v51 =	vor.u32 $0x18, v1;
	v5 =	vadd.f32 v50, v5;
	v7 =	vadd.f32 v55, v7;
	v19 =	vld.idx.msk [tilespmem:v47+s13+$0x0], $0xffff  }
0x1fc: {  	v37 =	vor.u32 $0x1C, v1;
	v2 =	vadd.f32 v56, v2;
	v14 =	vadd.f32 v60, v40;
	v63 =	vld.idx.msk [tilespmem:v54+s12+$0x0], $0xffff  }
0x1fd: {  	v9 =	vadd.f32 v43, v9;
	v8 =	vadd.f32 v52, v8;
	v62 =	vmul.f32 v53, v53;
	v30 =	vld.idx.msk [tilespmem:v54+s13+$0x0], $0xffff  }
0x1fe: {  	v29 =	vmul.f32 v21, v21;
	v31 =	vmul.f32 v21, v53;
	v10 =	vadd.f32 v57, v10;
	v57 =	vld.idx.msk [tilespmem:v47+s12+$0x0], $0xffff  }
0x1ff: {  	v34 =	vmul.f32 v58, v58;
	v36 =	vmul.f32 v22, v58;
	v5 =	vadd.f32 v35, v5;
	v32 =	vld.idx.msk [tilespmem:v59+s12+$0x0], $0xffff  }
0x200: {  	v50 =	vmul.f32 v41, v41;
	v3 =	vadd.f32 v61, v3;
	v9 =	vadd.f32 v16, v9;
	v18 =	vld.idx.msk [tilespmem:v59+s13+$0x0], $0xffff  }
0x201: {  	v58 =	vor.u32 $0x19, v1;
	v11 =	vadd.f32 v62, v11;
	v6 =	vadd.f32 v29, v6;
	v43 =	vld.idx.msk [tilespmem:v33+s12+$0x0], $0xffff  }
0x202: {  	v13 =	vadd.f32 v31, v13;
	v4 =	vadd.f32 v34, v4;
	v21 =	vld.idx.msk [tilespmem:v33+s13+$0x0], $0xffff;
	v59 =	vmul.f32 v46, v46  }
0x203: {  	v8 =	vadd.f32 v36, v8;
	v53 =	vld.idx.msk [tilespmem:v44+s12+$0x0], $0xffff;
	v60 =	vmul.f32 v17, v17;
	v61 =	vmul.f32 v17, v46  }
0x204: {  	v62 =	vld.idx.msk [tilespmem:v51+s12+$0x0], $0xffff;
	v46 =	vor.u32 $0x1E, v1;
	v49 =	vmul.f32 v38, v38;
	v12 =	vmul.f32 v41, v38  }
0x205: {  	v22 =	vld.idx.msk [tilespmem:v51+s13+$0x0], $0xffff;
	v51 =	vor.u32 $0x1F, v1;
	v33 =	vmul.f32 v19, v19;
	v39 =	vmul.f32 v63, v63  }
0x206: {  	v55 =	vld.idx.msk [tilespmem:v44+s13+$0x0], $0xffff;
	v6 =	vadd.f32 v50, v6;
	v40 =	vmul.f32 v30, v30;
	v16 =	vmul.f32 v30, v63  }
0x207: {  	v41 =	vor.u32 $0x1D, v1;
	v30 =	vmul.f32 v57, v57;
	v35 =	vmul.f32 v19, v57  }
0x208: {  	v63 =	vor.u32 $0x1A, v1;
	v42 =	vmul.f32 v32, v32;
	v45 =	vmul.f32 v18, v18  }
0x209: {  	v48 =	vmul.f32 v18, v32;
	v11 =	vadd.f32 v49, v11;
	v52 =	vmul.f32 v43, v43  }
0x20a: {  	v12 =	vadd.f32 v12, v13;
	v54 =	vmul.f32 v21, v21;
	v56 =	vmul.f32 v21, v43  }
0x20b: {  	v28 =	vmul.f32 v53, v53;
	v29 =	vmul.f32 v55, v55;
	v6 =	vadd.f32 v33, v6  }
0x20c: {  	v31 =	vld.idx.msk [tilespmem:v58+s12+$0x0], $0xffff;
	v18 =	vmul.f32 v55, v53;
	v7 =	vadd.f32 v39, v7;
	v2 =	vadd.f32 v40, v2  }
0x20d: {  	v34 =	vld.idx.msk [tilespmem:v58+s13+$0x0], $0xffff;
	v32 =	vor.u32 $0x1B, v1;
	v10 =	vadd.f32 v16, v10;
	v14 =	vadd.f32 v42, v14  }
0x20e: {  	v49 =	vld.idx.msk [tilespmem:v37+s12+$0x0], $0xffff;
	v55 =	vor.u32 $0x20, v1;
	v3 =	vadd.f32 v45, v3;
	v9 =	vadd.f32 v48, v9  }
0x20f: {  	v21 =	vld.idx.msk [tilespmem:v37+s13+$0x0], $0xffff;
	v38 =	vmul.f32 v62, v62;
	v4 =	vadd.f32 v52, v4;
	v5 =	vadd.f32 v54, v5  }
0x210: {  	v39 =	vmul.f32 v22, v22;
	v58 =	vld.idx.msk [tilespmem:v46+s12+$0x0], $0xffff;
	v8 =	vadd.f32 v56, v8;
	v11 =	vadd.f32 v30, v11  }
0x211: {  	v40 =	vmul.f32 v22, v62;
	v12 =	vadd.f32 v35, v12;
	v30 =	vld.idx.msk [tilespmem:v51+s13+$0x0], $0xffff;
	v7 =	vadd.f32 v59, v7  }
0x212: {  	v2 =	vadd.f32 v60, v2;
	v10 =	vadd.f32 v61, v10;
	v42 =	vmul.f32 v31, v31;
	v53 =	vld.idx.msk [tilespmem:v41+s12+$0x0], $0xffff  }
0x213: {  	v44 =	vmul.f32 v34, v34;
	v47 =	vmul.f32 v34, v31;
	v16 =	vld.idx.msk [tilespmem:v41+s13+$0x0], $0xffff;
	v13 =	vadd.f32 v28, v14  }
0x214: {  	v60 =	vld.idx.msk [tilespmem:v46+s13+$0x0], $0xffff;
	v61 =	vor.u32 $0x21, v1;
	v3 =	vadd.f32 v29, v3;
	v9 =	vadd.f32 v18, v9  }
0x215: {  	v31 =	vor.u32 $0x22, v1;
	v36 =	vld.idx.msk [tilespmem:v63+s12+$0x0], $0xffff;
	v4 =	vadd.f32 v38, v4;
	v5 =	vadd.f32 v39, v5  }
0x216: {  	v17 =	vld.idx.msk [tilespmem:v63+s13+$0x0], $0xffff;
	v8 =	vadd.f32 v40, v8;
	v40 =	vor.u32 $0x24, v1;
	v7 =	vadd.f32 v42, v7  }
0x217: {  	v63 =	vld.idx.msk [tilespmem:v51+s12+$0x0], $0xffff;
	v2 =	vadd.f32 v44, v2;
	v59 =	vmul.f32 v49, v49;
	v62 =	vmul.f32 v21, v21  }
0x218: {  	v43 =	vld.idx.msk [tilespmem:v32+s12+$0x0], $0xffff;
	v10 =	vadd.f32 v47, v10;
	v29 =	vmul.f32 v21, v49;
	v37 =	vmul.f32 v58, v58  }
0x219: {  	v45 =	vld.idx.msk [tilespmem:v32+s13+$0x0], $0xffff;
	v4 =	vadd.f32 v59, v4;
	v44 =	vmul.f32 v30, v30;
	v32 =	vmul.f32 v53, v53  }
0x21a: {  	v26 =	vld.idx.msk [tilespmem:v55+s12+$0x0], $0xffff;
	v5 =	vadd.f32 v62, v5;
	v33 =	vmul.f32 v16, v16;
	v34 =	vmul.f32 v16, v53  }
0x21b: {  	v35 =	vld.idx.msk [tilespmem:v55+s13+$0x0], $0xffff;
	v8 =	vadd.f32 v29, v8;
	v39 =	vmul.f32 v60, v60;
	v41 =	vmul.f32 v60, v58  }
0x21c: {  	v29 =	vor.u32 $0x2B, v1;
	v38 =	vld.idx.msk [tilespmem:v61+s12+$0x0], $0xffff;
	v48 =	vmul.f32 v36, v36;
	v50 =	vmul.f32 v17, v17  }
0x21d: {  	v24 =	vld.idx.msk [tilespmem:v61+s13+$0x0], $0xffff;
	v61 =	vor.u32 $0x29, v1;
	v52 =	vmul.f32 v17, v36;
	v42 =	vmul.f32 v63, v63  }
0x21e: {  	v36 =	vor.u32 $0x23, v1;
	v54 =	vmul.f32 v43, v43;
	v56 =	vmul.f32 v45, v45  }
0x21f: {  	v57 =	vmul.f32 v45, v43;
	v7 =	vadd.f32 v32, v7;
	v2 =	vadd.f32 v33, v2  }
0x220: {  	v10 =	vadd.f32 v34, v10;
	v45 =	vmul.f32 v30, v63;
	v47 =	vmul.f32 v26, v26  }
0x221: {  	v21 =	vld.idx.msk [tilespmem:v31+s13+$0x0], $0xffff;
	v49 =	vmul.f32 v35, v35;
	v16 =	vmul.f32 v35, v26;
	v34 =	vor.u32 $0x2A, v1  }
0x222: {  	v43 =	vld.idx.msk [tilespmem:v31+s12+$0x0], $0xffff;
	v31 =	vor.u32 $0x31, v1;
	v13 =	vadd.f32 v48, v13;
	v3 =	vadd.f32 v50, v3  }
0x223: {  	v25 =	vld.idx.msk [tilespmem:v40+s13+$0x0], $0xffff;
	v32 =	vor.u32 $0x33, v1;
	v9 =	vadd.f32 v52, v9;
	v11 =	vadd.f32 v54, v11  }
0x224: {  	v48 =	vor.u32 $0x26, v1;
	v50 =	vld.idx.msk [tilespmem:v40+s12+$0x0], $0xffff;
	v6 =	vadd.f32 v56, v6;
	v12 =	vadd.f32 v57, v12  }
0x225: {  	v52 =	vor.u32 $0x27, v1;
	v4 =	vadd.f32 v47, v4;
	v5 =	vadd.f32 v49, v5;
	v54 =	vld.idx.msk [tilespmem:v27+s12+$0x0], $0xffff  }
0x226: {  	v8 =	vadd.f32 v16, v8;
	v56 =	vld.idx.msk [tilespmem:v27+s13+$0x0], $0xffff;
	v57 =	vor.u32 $0x28, v1;
	v47 =	vor.u32 $0x2D, v1  }
0x227: {  	v49 =	vld.idx.msk [tilespmem:v29+s12+$0x0], $0xffff;
	v13 =	vadd.f32 v37, v13;
	v3 =	vadd.f32 v39, v3;
	v51 =	vmul.f32 v38, v38  }
0x228: {  	v9 =	vadd.f32 v41, v9;
	v53 =	vmul.f32 v24, v24;
	v55 =	vmul.f32 v24, v38;
	v40 =	vld.idx.msk [tilespmem:v61+s12+$0x0], $0xffff  }
0x229: {  	v59 =	vmul.f32 v21, v21;
	v11 =	vadd.f32 v42, v11;
	v46 =	vld.idx.msk [tilespmem:v36+s12+$0x0], $0xffff;
	v6 =	vadd.f32 v44, v6  }
0x22a: {  	v17 =	vld.idx.msk [tilespmem:v36+s13+$0x0], $0xffff;
	v12 =	vadd.f32 v45, v12;
	v38 =	vmul.f32 v25, v25;
	v42 =	vor.u32 $0x2C, v1  }
0x22b: {  	v7 =	vadd.f32 v51, v7;
	v2 =	vadd.f32 v53, v2;
	v60 =	vmul.f32 v21, v43;
	v21 =	vld.idx.msk [tilespmem:v61+s13+$0x0], $0xffff  }
0x22c: {  	v58 =	vmul.f32 v43, v43;
	v10 =	vadd.f32 v55, v10;
	v3 =	vadd.f32 v59, v3;
	v51 =	vld.idx.msk [tilespmem:v29+s13+$0x0], $0xffff  }
0x22d: {  	v63 =	vld.idx.msk [tilespmem:v52+s12+$0x0], $0xffff;
	v36 =	vmul.f32 v50, v50;
	v39 =	vmul.f32 v25, v50;
	v5 =	vadd.f32 v38, v5  }
0x22e: {  	v26 =	vld.idx.msk [tilespmem:v52+s13+$0x0], $0xffff;
	v52 =	vor.u32 $0x2E, v1;
	v13 =	vadd.f32 v58, v13;
	v41 =	vmul.f32 v54, v54  }
0x22f: {  	v28 =	vld.idx.msk [tilespmem:v48+s12+$0x0], $0xffff;
	v9 =	vadd.f32 v60, v9;
	v43 =	vmul.f32 v56, v56;
	v16 =	vmul.f32 v56, v54  }
0x230: {  	v20 =	vld.idx.msk [tilespmem:v48+s13+$0x0], $0xffff;
	v56 =	vor.u32 $0x2F, v1;
	v60 =	vor.u32 $0x30, v1;
	v4 =	vadd.f32 v36, v4  }
0x231: {  	v37 =	vld.idx.msk [tilespmem:v57+s12+$0x0], $0xffff;
	v8 =	vadd.f32 v39, v8;
	v39 =	vor.u32 $0x32, v1;
	v62 =	vmul.f32 v46, v46  }
0x232: {  	v33 =	vmul.f32 v17, v17;
	v35 =	vmul.f32 v17, v46;
	v7 =	vadd.f32 v41, v7;
	v30 =	vld.idx.msk [tilespmem:v42+s12+$0x0], $0xffff  }
0x233: {  	v2 =	vadd.f32 v43, v2;
	v22 =	vld.idx.msk [tilespmem:v42+s13+$0x0], $0xffff;
	v42 =	vmul.f32 v49, v49;
	v36 =	vmul.f32 v21, v40  }
0x234: {  	v24 =	vld.idx.msk [tilespmem:v57+s13+$0x0], $0xffff;
	v10 =	vadd.f32 v16, v10;
	v43 =	vmul.f32 v51, v51;
	v16 =	vmul.f32 v51, v49  }
0x235: {  	v44 =	vld.idx.msk [tilespmem:v34+s12+$0x0], $0xffff;
	v11 =	vadd.f32 v62, v11;
	v45 =	vmul.f32 v28, v28;
	v48 =	vmul.f32 v20, v20  }
0x236: {  	v27 =	vld.idx.msk [tilespmem:v47+s13+$0x0], $0xffff;
	v6 =	vadd.f32 v33, v6;
	v50 =	vmul.f32 v20, v28;
	v53 =	vmul.f32 v63, v63  }
0x237: {  	v12 =	vadd.f32 v35, v12;
	v54 =	vmul.f32 v26, v26;
	v55 =	vmul.f32 v26, v63;
	v63 =	vld.idx.msk [tilespmem:v52+s12+$0x0], $0xffff  }
0x238: {  	v62 =	vmul.f32 v40, v40;
	v35 =	vmul.f32 v21, v21;
	v28 =	vld.idx.msk [tilespmem:v52+s13+$0x0], $0xffff;
	v52 =	vor.u32 $0x36, v1  }
0x239: {  	v58 =	vld.idx.msk [tilespmem:v47+s12+$0x0], $0xffff;
	v57 =	vmul.f32 v37, v37;
	v59 =	vmul.f32 v24, v24;
	v10 =	vadd.f32 v36, v10  }
0x23a: {  	v46 =	vld.idx.msk [tilespmem:v34+s13+$0x0], $0xffff;
	v61 =	vmul.f32 v24, v37;
	v13 =	vadd.f32 v45, v13;
	v3 =	vadd.f32 v48, v3  }
0x23b: {  	v37 =	vld.idx.msk [tilespmem:v56+s12+$0x0], $0xffff;
	v51 =	vmul.f32 v27, v27;
	v9 =	vadd.f32 v50, v9;
	v11 =	vadd.f32 v53, v11  }
0x23c: {  	v38 =	vld.idx.msk [tilespmem:v56+s13+$0x0], $0xffff;
	v56 =	vor.u32 $0x37, v1;
	v6 =	vadd.f32 v54, v6;
	v12 =	vadd.f32 v55, v12  }
0x23d: {  	v41 =	vld.idx.msk [tilespmem:v60+s12+$0x0], $0xffff;
	v36 =	vor.u32 $0x3C, v1;
	v7 =	vadd.f32 v62, v7;
	v14 =	vadd.f32 v35, v2  }
0x23e: {  	v29 =	vld.idx.msk [tilespmem:v60+s13+$0x0], $0xffff;
	v2 =	vmul.f32 v44, v44;
	v48 =	vor.u32 $0x35, v1;
	v50 =	vmul.f32 v58, v58  }
0x23f: {  	v21 =	vld.idx.msk [tilespmem:v39+s13+$0x0], $0xffff;
	v53 =	vmul.f32 v27, v58;
	v58 =	vor.u32 $0x38, v1;
	v15 =	vadd.f32 v57, v4  }
0x240: {  	v5 =	vadd.f32 v59, v5;
	v40 =	vmul.f32 v46, v46;
	v18 =	vmul.f32 v46, v44;
	v4 =	vld.idx.msk [tilespmem:v39+s12+$0x0], $0xffff  }
0x241: {  	v8 =	vadd.f32 v61, v8;
	v45 =	vmul.f32 v30, v30;
	v47 =	vmul.f32 v22, v30;
	v30 =	vld.idx.msk [tilespmem:v32+s13+$0x0], $0xffff  }
0x242: {  	v46 =	vmul.f32 v22, v22;
	v13 =	vadd.f32 v2, v13;
	v2 =	vld.idx.msk [tilespmem:v31+s12+$0x0], $0xffff;
	v11 =	vadd.f32 v42, v11  }
0x243: {  	v35 =	vor.u32 $0x3B, v1;
	v6 =	vadd.f32 v43, v6;
	v33 =	vadd.f32 v40, v3;
	v3 =	vld.idx.msk [tilespmem:v31+s13+$0x0], $0xffff  }
0x244: {  	v44 =	vor.u32 $0x34, v1;
	v12 =	vadd.f32 v16, v12;
	v49 =	vadd.f32 v46, v5;
	v5 =	vld.idx.msk [tilespmem:v32+s12+$0x0], $0xffff  }
0x245: {  	v61 =	vor.u32 $0x39, v1;
	v7 =	vadd.f32 v50, v7;
	v14 =	vadd.f32 v51, v14;
	v19 =	vld.idx.msk [tilespmem:v52+s12+$0x0], $0xffff  }
0x246: {  	v10 =	vadd.f32 v53, v10;
	v9 =	vadd.f32 v18, v9;
	v54 =	vmul.f32 v63, v63;
	v31 =	vld.idx.msk [tilespmem:v52+s13+$0x0], $0xffff  }
0x247: {  	v15 =	vadd.f32 v45, v15;
	v55 =	vmul.f32 v28, v28;
	v24 =	vmul.f32 v28, v63;
	v26 =	vld.idx.msk [tilespmem:v56+s13+$0x0], $0xffff  }
0x248: {  	v8 =	vadd.f32 v47, v8;
	v57 =	vmul.f32 v37, v37;
	v59 =	vmul.f32 v38, v38;
	v25 =	vld.idx.msk [tilespmem:v48+s12+$0x0], $0xffff  }
0x249: {  	v63 =	vor.u32 $0x3A, v1;
	v17 =	vmul.f32 v38, v37;
	v60 =	vmul.f32 v41, v41;
	v22 =	vld.idx.msk [tilespmem:v48+s13+$0x0], $0xffff  }
0x24a: {  	v62 =	vmul.f32 v29, v29;
	v13 =	vadd.f32 v54, v13;
	v9 =	vadd.f32 v24, v9;
	v24 =	vld.idx.msk [tilespmem:v56+s12+$0x0], $0xffff  }
0x24b: {  	v23 =	vmul.f32 v29, v41;
	v16 =	vadd.f32 v55, v33;
	v34 =	vld.idx.msk [tilespmem:v58+s12+$0x0], $0xffff;
	v11 =	vadd.f32 v57, v11  }
0x24c: {  	v28 =	vld.idx.msk [tilespmem:v58+s13+$0x0], $0xffff;
	v42 =	vmul.f32 v21, v21;
	v6 =	vadd.f32 v59, v6;
	v12 =	vadd.f32 v17, v12  }
0x24d: {  	v27 =	vld.idx.msk [tilespmem:v44+s12+$0x0], $0xffff;
	v15 =	vadd.f32 v60, v15;
	v17 =	vadd.f32 v62, v49;
	v41 =	vmul.f32 v4, v4  }
0x24e: {  	v18 =	vld.idx.msk [tilespmem:v44+s13+$0x0], $0xffff;
	v8 =	vadd.f32 v23, v8;
	v44 =	vmul.f32 v30, v30;
	v4 =	vmul.f32 v21, v4  }
0x24f: {  	v32 =	vld.idx.msk [tilespmem:v61+s12+$0x0], $0xffff;
	v39 =	vmul.f32 v2, v2;
	v16 =	vadd.f32 v42, v16;
	v40 =	vmul.f32 v3, v3  }
0x250: {  	v33 =	vld.idx.msk [tilespmem:v61+s13+$0x0], $0xffff;
	v13 =	vadd.f32 v41, v13;
	v43 =	vmul.f32 v5, v5;
	v6 =	vadd.f32 v44, v6  }
0x251: {  	v42 =	vld.idx.msk [tilespmem:v36+s12+$0x0], $0xffff;
	v48 =	vmul.f32 v19, v19;
	v41 =	vmul.f32 v31, v31;
	v4 =	vadd.f32 v4, v9  }
0x252: {  	v36 =	vld.idx.msk [tilespmem:v36+s13+$0x0], $0xffff;
	v7 =	vadd.f32 v39, v7;
	v39 =	vor.u32 $0x3D, v1;
	v50 =	vmul.f32 v26, v26  }
0x253: {  	v38 =	vld.idx.msk [tilespmem:v63+s12+$0x0], $0xffff;
	v14 =	vadd.f32 v40, v14;
	v11 =	vadd.f32 v43, v11;
	v37 =	vmul.f32 v27, v27  }
0x254: {  	v29 =	vld.idx.msk [tilespmem:v63+s13+$0x0], $0xffff;
	v46 =	vmul.f32 v25, v25;
	v47 =	vmul.f32 v22, v22;
	v40 =	vor.u32 $0x3E, v1  }
0x255: {  	v49 =	vmul.f32 v24, v24;
	v1 =	vor.u32 $0x3F, v1;
	v15 =	vadd.f32 v37, v15;
	v37 =	vld.idx.msk [tilespmem:v35+s12+$0x0], $0xffff  }
0x256: {  	v13 =	vadd.f32 v48, v13;
	v16 =	vadd.f32 v41, v16;
	v51 =	vmul.f32 v34, v34;
	v35 =	vld.idx.msk [tilespmem:v35+s13+$0x0], $0xffff  }
0x257: {  	v43 =	vmul.f32 v28, v28;
	v45 =	vmul.f32 v18, v18;
	v6 =	vadd.f32 v50, v6;
	v41 =	vld.idx.msk [tilespmem:v39+s12+$0x0], $0xffff  }
0x258: {  	v52 =	vmul.f32 v32, v32;
	v7 =	vadd.f32 v46, v7;
	v14 =	vadd.f32 v47, v14;
	v39 =	vld.idx.msk [tilespmem:v39+s13+$0x0], $0xffff  }
0x259: {  	v44 =	vmul.f32 v33, v33;
	v11 =	vadd.f32 v49, v11;
	v17 =	vadd.f32 v45, v17;
	v45 =	vld.idx.msk [tilespmem:v40+s12+$0x0], $0xffff  }
0x25a: {  	v57 =	vmul.f32 v42, v42;
	v53 =	vmul.f32 v38, v38;
	v7 =	vadd.f32 v52, v7;
	v40 =	vld.idx.msk [tilespmem:v40+s13+$0x0], $0xffff  }
0x25b: {  	v54 =	vmul.f32 v29, v29;
	v15 =	vadd.f32 v51, v15;
	v17 =	vadd.f32 v43, v17;
	v43 =	vld.idx.msk [tilespmem:v1+s12+$0x0], $0xffff  }
0x25c: {  	v46 =	vmul.f32 v36, v36;
	v14 =	vadd.f32 v44, v14;
	v13 =	vadd.f32 v53, v13;
	v1 =	vld.idx.msk [tilespmem:v1+s13+$0x0], $0xffff  }
0x25d: {  	v16 =	vadd.f32 v54, v16;
	v15 =	vadd.f32 v57, v15;
	v55 =	vmul.f32 v37, v37  }
0x25e: {  	v17 =	vadd.f32 v46, v17;
	v56 =	vmul.f32 v35, v35;
	v58 =	vmul.f32 v41, v41  }
0x25f: {  	v59 =	vmul.f32 v39, v39;
	v11 =	vadd.f32 v55, v11;
	v60 =	vmul.f32 v45, v45  }
0x260: {  	v6 =	vadd.f32 v56, v6;
	v61 =	vmul.f32 v43, v43;
	v62 =	vmul.f32 v40, v40  }
0x261: {  	v63 =	vmul.f32 v1, v1;
	v7 =	vadd.f32 v58, v7;
	v14 =	vadd.f32 v59, v14  }
0x262: {  	v13 =	vadd.f32 v60, v13;
	v11 =	vadd.f32 v61, v11  }
0x263: {  	v16 =	vadd.f32 v62, v16;
	v6 =	vadd.f32 v63, v6  }
0x264: {  	v2 =	vmul.f32 v3, v2;
	v3 =	vadd.f32 v7, v15;
	v15 =	vadd.f32 v11, v13  }
0x265: {  	v5 =	vmul.f32 v30, v5;
	v17 =	vadd.f32 v14, v17;
	v6 =	vadd.f32 v6, v16  }
0x266: {  	v2 =	vadd.f32 v2, v10;
	v30 =	vmul.f32 v22, v25;
	v3 =	vadd.f32 v15, v3  }
0x267: {  	v5 =	vadd.f32 v5, v12;
	v48 =	vmul.f32 v26, v24;
	v6 =	vadd.f32 v6, v17  }
0x268: {  	v20 =	vmul.f32 v18, v27;
	v50 =	vmul.f32 v28, v34;
	v21 =	vshra.s32 v3, $0x1  }
0x269: {  	v23 =	vmul.f32 $5.000000000e-01, v3;
	v11 =	vshra.s32 v6, $0x1;
	v27 =	vmul.f32 $5.000000000e-01, v6  }
0x26a: {  	v52 =	vmul.f32 v33, v32;
	v9 =	vsub.s32 $0x5F3759DF, v21;
	v11 =	vsub.s32 $0x5F3759DF, v11  }
0x26b: {  	v2 =	vadd.f32 v30, v2;
	v44 =	vmul.f32 v9, v23;
	v47 =	vmul.f32 v11, v27  }
0x26c: {  	v5 =	vadd.f32 v48, v5;
	v53 =	vmul.f32 v29, v38;
	v46 =	vmul.f32 v31, v19  }
0x26d: {  	v2 =	vadd.f32 v52, v2;
	v15 =	vmul.f32 v9, v44;
	v49 =	vmul.f32 v11, v47  }
0x26e: {  	v54 =	vmul.f32 v35, v37;
	v4 =	vadd.f32 v46, v4;
	v55 =	vmul.f32 v36, v42  }
0x26f: {  	v56 =	vmul.f32 v39, v41;
	v51 =	vsub.f32 $1.500000000e+00, v15;
	v12 =	vsub.f32 $1.500000000e+00, v49  }
0x270: {  	v5 =	vadd.f32 v54, v5;
	v1 =	vmul.f32 v1, v43;
	v7 =	vadd.f32 v20, v8  }
0x271: {  	v4 =	vadd.f32 v53, v4;
	v9 =	vmul.f32 v9, v51;
	v11 =	vmul.f32 v11, v12  }
0x272: {  	v57 =	vmul.f32 v40, v45;
	v2 =	vadd.f32 v56, v2;
	v7 =	vadd.f32 v50, v7  }
0x273: {  	v1 =	vadd.f32 v1, v5;
	v10 =	vmul.f32 v9, v23;
	v13 =	vmul.f32 v11, v27  }
0x274: {  	v4 =	vadd.f32 v57, v4;
	v7 =	vadd.f32 v55, v7  }
0x275: {  	v10 =	vmul.f32 v10, v9;
	v58 =	vmul.f32 v13, v11  }
0x276: {  	v1 =	vadd.f32 v1, v4;
	v2 =	vadd.f32 v2, v7  }
0x277: {  	v59 =	vsub.f32 $1.500000000e+00, v10;
	v8 =	vsub.f32 $1.500000000e+00, v58;
	_ =	sdelay $0x1  }
0x278: {  	v1 =	vadd.f32 v1, v2;
	v60 =	vmul.f32 v59, v9;
	v61 =	vmul.f32 v8, v11  }
0x279: {  	vm0 =	vge.f32 v3, $1.000000020e-24;
	vm15 =	vge.f32 v6, $1.000000020e-24  }
0x27a: {  	v1 =	vadd.f32 v1, v1;
	v2 =	vnsel vm0, $0x5368D4A5, v60;
	v62 =	vnsel vm15, $0x5368D4A5, v61  }
0x27b: {  	v3 =	vmul.f32 v2, v3;
	v5 =	vmul.f32 v62, v6  }
0x27c: {  	v1 =	vmul.f32 v2, v1  }
0x27d: {  	v3 =	vmul.f32 v3, v2;
	v5 =	vmul.f32 v5, v62;
	_ =	sdelay $0x1  }
0x27e: {  	v1 =	vmul.f32 v62, v1;
	v2 =	vadd.f32 v5, v3;
	_ =	sdelay $0x1  }
0x27f: {  	v1 =	vsub.f32 v2, v1;
	_ =	sdelay $0x1  }
0x280: {  	v1 =	vmax.f32 v1, $0.0e+00  }
0x281: {  	v2 =	vshra.s32 v1, $0x1;
	v3 =	vmul.f32 $5.000000000e-01, v1  }
0x282: {  	v2 =	vsub.s32 $0x5F3759DF, v2  }
0x283: {  	v63 =	vmul.f32 v2, v3;
	_ =	sdelay $0x1  }
0x284: {  	v4 =	vmul.f32 v2, v63;
	_ =	sdelay $0x1  }
0x285: {  	v4 =	vsub.f32 $1.500000000e+00, v4;
	_ =	sdelay $0x1  }
0x286: {  	v2 =	vmul.f32 v2, v4;
	_ =	sdelay $0x1  }
0x287: {  	v3 =	vmul.f32 v2, v3;
	_ =	sdelay $0x1  }
0x288: {  	v3 =	vmul.f32 v3, v2;
	_ =	sdelay $0x1  }
0x289: {  	v3 =	vsub.f32 $1.500000000e+00, v3;
	_ =	sdelay $0x1  }
0x28a: {  	v2 =	vmul.f32 v3, v2  }
0x28b: {  	p0 =	sne.s32 s16, $0x170  }
.Ltmp2:
0x28c: {  	v1 =	vmul.f32 v2, v1;
	(pc) =	sbr.rel @p0 .LBB2_6-.Ltmp2, $3  }
0x28d: {  	_ = 	snop  }
0x28e: {  	v1 =	vsub.f32 $0.0e+00, v1;
	_ =	sdelay $0x1  }
0x28f: {  	s16 =	sadd.s32 $0x10, s16;
	[tilespmem:s17+$0x0] =	vst v1;
	s17 =	sadd.s32 $0x10, s17  }
0x290: {  	_ =	swait.ge [sflag:s0], $0x2000  }
0x291: {  	[sflag:s0] =	ssyncset.done $0x0  }
0x292: {  	[sflag:s0] =	ssyncadd.s32 $0xFFFFE000  }
0x293: {  	_ =	swait.ge [sflag:s2], $0x2000  }
0x294: {  	[sflag:s2] =	ssyncset.done $0x0  }
0x295: {  	s16 =	simm.s32 $0x180;
	s17 =	simm.s32 $0x10580;
	[sflag:s2] =	ssyncadd.s32 $0xFFFFE000  }
.LBB2_8:
0x296: {  	v1 =	vmov s16  }
0x297: {  	v1 =	vshll.u32 v1, $0x6  }
0x298: {  	v1 =	vor.u32 v0, v1;
	_ =	sdelay $0x1  }
0x299: {  	v2 =	vor.u32 $0x1, v1;
	_ =	sdelay $0x1  }
0x29a: {  	v3 =	vor.u32 $0x2, v1  }
0x29b: {  	v4 =	vld.idx.msk [tilespmem:v1+s12+$0x0], $0xffff  }
0x29c: {  	v6 =	vor.u32 $0x3, v1;
	v5 =	vld.idx.msk [tilespmem:v1+s13+$0x0], $0xffff  }
0x29d: {  	v7 =	vld.idx.msk [tilespmem:v2+s12+$0x0], $0xffff  }
0x29e: {  	v8 =	vor.u32 $0x4, v1;
	v2 =	vld.idx.msk [tilespmem:v2+s13+$0x0], $0xffff  }
0x29f: {  	v9 =	vld.idx.msk [tilespmem:v3+s12+$0x0], $0xffff  }
0x2a0: {  	v10 =	vor.u32 $0x5, v1;
	v3 =	vld.idx.msk [tilespmem:v3+s13+$0x0], $0xffff  }
0x2a1: {  	v11 =	vld.idx.msk [tilespmem:v6+s12+$0x0], $0xffff  }
0x2a2: {  	v14 =	vor.u32 $0x6, v1;
	v6 =	vld.idx.msk [tilespmem:v6+s13+$0x0], $0xffff  }
0x2a3: {  	v13 =	vld.idx.msk [tilespmem:v8+s12+$0x0], $0xffff  }
0x2a4: {  	v17 =	vor.u32 $0x7, v1;
	v8 =	vld.idx.msk [tilespmem:v8+s13+$0x0], $0xffff  }
0x2a5: {  	v16 =	vld.idx.msk [tilespmem:v10+s12+$0x0], $0xffff  }
0x2a6: {  	v20 =	vor.u32 $0x8, v1;
	v10 =	vld.idx.msk [tilespmem:v10+s13+$0x0], $0xffff  }
0x2a7: {  	v22 =	vld.idx.msk [tilespmem:v14+s12+$0x0], $0xffff  }
0x2a8: {  	v52 =	vor.u32 $0x9, v1;
	v14 =	vld.idx.msk [tilespmem:v14+s13+$0x0], $0xffff;
	v12 =	vmul.f32 v5, v4;
	v4 =	vmul.f32 v4, v4  }
0x2a9: {  	v51 =	vld.idx.msk [tilespmem:v17+s12+$0x0], $0xffff;
	v5 =	vmul.f32 v5, v5;
	v15 =	vmul.f32 v2, v7  }
0x2aa: {  	v55 =	vor.u32 $0xA, v1;
	v17 =	vld.idx.msk [tilespmem:v17+s13+$0x0], $0xffff;
	v7 =	vmul.f32 v7, v7;
	v2 =	vmul.f32 v2, v2  }
0x2ab: {  	v60 =	vor.u32 $0xB, v1;
	v54 =	vld.idx.msk [tilespmem:v20+s12+$0x0], $0xffff;
	v18 =	vmul.f32 v9, v9;
	v9 =	vmul.f32 v3, v9  }
0x2ac: {  	v20 =	vld.idx.msk [tilespmem:v20+s13+$0x0], $0xffff;
	v3 =	vmul.f32 v3, v3;
	v19 =	vmul.f32 v6, v11  }
0x2ad: {  	v28 =	vor.u32 $0xC, v1;
	v59 =	vld.idx.msk [tilespmem:v52+s12+$0x0], $0xffff;
	v11 =	vmul.f32 v11, v11;
	v21 =	vmul.f32 v13, v13  }
0x2ae: {  	v62 =	vld.idx.msk [tilespmem:v52+s13+$0x0], $0xffff;
	v6 =	vmul.f32 v6, v6;
	v23 =	vmul.f32 v8, v8  }
0x2af: {  	v63 =	vld.idx.msk [tilespmem:v55+s12+$0x0], $0xffff;
	v8 =	vmul.f32 v8, v13;
	v53 =	vmul.f32 v16, v16  }
0x2b0: {  	v31 =	vor.u32 $0xD, v1;
	v32 =	vld.idx.msk [tilespmem:v60+s12+$0x0], $0xffff;
	v24 =	vmul.f32 v10, v10;
	v10 =	vmul.f32 v10, v16  }
0x2b1: {  	v25 =	vor.u32 $0xE, v1;
	v35 =	vld.idx.msk [tilespmem:v60+s13+$0x0], $0xffff;
	v56 =	vmul.f32 v22, v22;
	v57 =	vmul.f32 v14, v14  }
0x2b2: {  	v37 =	vld.idx.msk [tilespmem:v28+s12+$0x0], $0xffff;
	v14 =	vmul.f32 v14, v22;
	v58 =	vmul.f32 v51, v51  }
0x2b3: {  	v39 =	vld.idx.msk [tilespmem:v28+s13+$0x0], $0xffff;
	v61 =	vmul.f32 v17, v17;
	v13 =	vmul.f32 v17, v51  }
0x2b4: {  	v42 =	vor.u32 $0xF, v1;
	v29 =	vmul.f32 v54, v54;
	v30 =	vmul.f32 v20, v20  }
0x2b5: {  	v47 =	vor.u32 $0x10, v1;
	v41 =	vld.idx.msk [tilespmem:v31+s12+$0x0], $0xffff;
	v33 =	vmul.f32 v59, v59;
	v34 =	vmul.f32 v62, v62  }
0x2b6: {  	v27 =	vor.u32 $0x25, v1;
	v49 =	vld.idx.msk [tilespmem:v25+s12+$0x0], $0xffff;
	v36 =	vmul.f32 v63, v63;
	v44 =	vmul.f32 v32, v32  }
0x2b7: {  	v28 =	vor.u32 $0x13, v1;
	v46 =	vmul.f32 v35, v35;
	v48 =	vmul.f32 v37, v37  }
0x2b8: {  	v45 =	vld.idx.msk [tilespmem:v31+s13+$0x0], $0xffff;
	v50 =	vmul.f32 v39, v39;
	v12 =	vadd.f32 $0.0e+00, v12;
	v15 =	vadd.f32 $0.0e+00, v15  }
0x2b9: {  	v52 =	vmul.f32 v39, v37;
	v9 =	vadd.f32 $0.0e+00, v9;
	v19 =	vadd.f32 $0.0e+00, v19  }
0x2ba: {  	v16 =	vld.idx.msk [tilespmem:v55+s13+$0x0], $0xffff;
	v55 =	vmul.f32 v41, v41;
	v4 =	vadd.f32 v21, v4;
	v5 =	vadd.f32 v23, v5  }
0x2bb: {  	v60 =	vmul.f32 v49, v49;
	v7 =	vadd.f32 v53, v7;
	v2 =	vadd.f32 v24, v2  }
0x2bc: {  	v37 =	vor.u32 $0x15, v1;
	v18 =	vadd.f32 v56, v18;
	v3 =	vadd.f32 v57, v3  }
0x2bd: {  	v22 =	vld.idx.msk [tilespmem:v47+s13+$0x0], $0xffff;
	v11 =	vadd.f32 v58, v11;
	v6 =	vadd.f32 v61, v6;
	v56 =	vmul.f32 v45, v45  }
0x2be: {  	v57 =	vmul.f32 v45, v41;
	v58 =	vld.idx.msk [tilespmem:v47+s12+$0x0], $0xffff;
	v47 =	vor.u32 $0x17, v1;
	v8 =	vadd.f32 v8, v12  }
0x2bf: {  	v12 =	vmul.f32 v20, v54;
	v10 =	vadd.f32 v10, v15;
	v9 =	vadd.f32 v14, v9  }
0x2c0: {  	v51 =	vld.idx.msk [tilespmem:v25+s13+$0x0], $0xffff;
	v54 =	vor.u32 $0x11, v1;
	v13 =	vadd.f32 v13, v19;
	v4 =	vadd.f32 v29, v4  }
0x2c1: {  	v5 =	vadd.f32 v30, v5;
	v15 =	vmul.f32 v62, v59;
	v7 =	vadd.f32 v33, v7  }
0x2c2: {  	v53 =	vld.idx.msk [tilespmem:v42+s12+$0x0], $0xffff;
	v2 =	vadd.f32 v34, v2;
	v40 =	vadd.f32 v36, v18;
	v14 =	vmul.f32 v35, v32  }
0x2c3: {  	v21 =	vld.idx.msk [tilespmem:v42+s13+$0x0], $0xffff;
	v11 =	vadd.f32 v44, v11;
	v6 =	vadd.f32 v46, v6;
	v59 =	vor.u32 $0x12, v1  }
0x2c4: {  	v41 =	vld.idx.msk [tilespmem:v28+s13+$0x0], $0xffff;
	v33 =	vor.u32 $0x14, v1;
	v44 =	vor.u32 $0x16, v1;
	v38 =	vmul.f32 v16, v16  }
0x2c5: {  	v8 =	vadd.f32 v12, v8;
	v43 =	vmul.f32 v16, v63;
	v61 =	vmul.f32 v51, v51;
	v46 =	vld.idx.msk [tilespmem:v37+s12+$0x0], $0xffff  }
0x2c6: {  	v16 =	vmul.f32 v51, v49;
	v17 =	vld.idx.msk [tilespmem:v37+s13+$0x0], $0xffff;
	v10 =	vadd.f32 v15, v10;
	v13 =	vadd.f32 v14, v13  }
0x2c7: {  	v35 =	vmul.f32 v22, v22;
	v4 =	vadd.f32 v48, v4;
	v3 =	vadd.f32 v38, v3;
	v38 =	vld.idx.msk [tilespmem:v28+s12+$0x0], $0xffff  }
0x2c8: {  	v51 =	vor.u32 $0x18, v1;
	v5 =	vadd.f32 v50, v5;
	v7 =	vadd.f32 v55, v7;
	v19 =	vld.idx.msk [tilespmem:v47+s13+$0x0], $0xffff  }
0x2c9: {  	v37 =	vor.u32 $0x1C, v1;
	v2 =	vadd.f32 v56, v2;
	v14 =	vadd.f32 v60, v40;
	v63 =	vld.idx.msk [tilespmem:v54+s12+$0x0], $0xffff  }
0x2ca: {  	v9 =	vadd.f32 v43, v9;
	v8 =	vadd.f32 v52, v8;
	v62 =	vmul.f32 v53, v53;
	v30 =	vld.idx.msk [tilespmem:v54+s13+$0x0], $0xffff  }
0x2cb: {  	v29 =	vmul.f32 v21, v21;
	v31 =	vmul.f32 v21, v53;
	v10 =	vadd.f32 v57, v10;
	v57 =	vld.idx.msk [tilespmem:v47+s12+$0x0], $0xffff  }
0x2cc: {  	v34 =	vmul.f32 v58, v58;
	v36 =	vmul.f32 v22, v58;
	v5 =	vadd.f32 v35, v5;
	v32 =	vld.idx.msk [tilespmem:v59+s12+$0x0], $0xffff  }
0x2cd: {  	v50 =	vmul.f32 v41, v41;
	v3 =	vadd.f32 v61, v3;
	v9 =	vadd.f32 v16, v9;
	v18 =	vld.idx.msk [tilespmem:v59+s13+$0x0], $0xffff  }
0x2ce: {  	v58 =	vor.u32 $0x19, v1;
	v11 =	vadd.f32 v62, v11;
	v6 =	vadd.f32 v29, v6;
	v43 =	vld.idx.msk [tilespmem:v33+s12+$0x0], $0xffff  }
0x2cf: {  	v13 =	vadd.f32 v31, v13;
	v4 =	vadd.f32 v34, v4;
	v21 =	vld.idx.msk [tilespmem:v33+s13+$0x0], $0xffff;
	v59 =	vmul.f32 v46, v46  }
0x2d0: {  	v8 =	vadd.f32 v36, v8;
	v53 =	vld.idx.msk [tilespmem:v44+s12+$0x0], $0xffff;
	v60 =	vmul.f32 v17, v17;
	v61 =	vmul.f32 v17, v46  }
0x2d1: {  	v62 =	vld.idx.msk [tilespmem:v51+s12+$0x0], $0xffff;
	v46 =	vor.u32 $0x1E, v1;
	v49 =	vmul.f32 v38, v38;
	v12 =	vmul.f32 v41, v38  }
0x2d2: {  	v22 =	vld.idx.msk [tilespmem:v51+s13+$0x0], $0xffff;
	v51 =	vor.u32 $0x1F, v1;
	v33 =	vmul.f32 v19, v19;
	v39 =	vmul.f32 v63, v63  }
0x2d3: {  	v55 =	vld.idx.msk [tilespmem:v44+s13+$0x0], $0xffff;
	v6 =	vadd.f32 v50, v6;
	v40 =	vmul.f32 v30, v30;
	v16 =	vmul.f32 v30, v63  }
0x2d4: {  	v41 =	vor.u32 $0x1D, v1;
	v30 =	vmul.f32 v57, v57;
	v35 =	vmul.f32 v19, v57  }
0x2d5: {  	v63 =	vor.u32 $0x1A, v1;
	v42 =	vmul.f32 v32, v32;
	v45 =	vmul.f32 v18, v18  }
0x2d6: {  	v48 =	vmul.f32 v18, v32;
	v11 =	vadd.f32 v49, v11;
	v52 =	vmul.f32 v43, v43  }
0x2d7: {  	v12 =	vadd.f32 v12, v13;
	v54 =	vmul.f32 v21, v21;
	v56 =	vmul.f32 v21, v43  }
0x2d8: {  	v28 =	vmul.f32 v53, v53;
	v29 =	vmul.f32 v55, v55;
	v6 =	vadd.f32 v33, v6  }
0x2d9: {  	v31 =	vld.idx.msk [tilespmem:v58+s12+$0x0], $0xffff;
	v18 =	vmul.f32 v55, v53;
	v7 =	vadd.f32 v39, v7;
	v2 =	vadd.f32 v40, v2  }
0x2da: {  	v34 =	vld.idx.msk [tilespmem:v58+s13+$0x0], $0xffff;
	v32 =	vor.u32 $0x1B, v1;
	v10 =	vadd.f32 v16, v10;
	v14 =	vadd.f32 v42, v14  }
0x2db: {  	v49 =	vld.idx.msk [tilespmem:v37+s12+$0x0], $0xffff;
	v55 =	vor.u32 $0x20, v1;
	v3 =	vadd.f32 v45, v3;
	v9 =	vadd.f32 v48, v9  }
0x2dc: {  	v21 =	vld.idx.msk [tilespmem:v37+s13+$0x0], $0xffff;
	v38 =	vmul.f32 v62, v62;
	v4 =	vadd.f32 v52, v4;
	v5 =	vadd.f32 v54, v5  }
0x2dd: {  	v39 =	vmul.f32 v22, v22;
	v58 =	vld.idx.msk [tilespmem:v46+s12+$0x0], $0xffff;
	v8 =	vadd.f32 v56, v8;
	v11 =	vadd.f32 v30, v11  }
0x2de: {  	v40 =	vmul.f32 v22, v62;
	v12 =	vadd.f32 v35, v12;
	v30 =	vld.idx.msk [tilespmem:v51+s13+$0x0], $0xffff;
	v7 =	vadd.f32 v59, v7  }
0x2df: {  	v2 =	vadd.f32 v60, v2;
	v10 =	vadd.f32 v61, v10;
	v42 =	vmul.f32 v31, v31;
	v53 =	vld.idx.msk [tilespmem:v41+s12+$0x0], $0xffff  }
0x2e0: {  	v44 =	vmul.f32 v34, v34;
	v47 =	vmul.f32 v34, v31;
	v16 =	vld.idx.msk [tilespmem:v41+s13+$0x0], $0xffff;
	v13 =	vadd.f32 v28, v14  }
0x2e1: {  	v60 =	vld.idx.msk [tilespmem:v46+s13+$0x0], $0xffff;
	v61 =	vor.u32 $0x21, v1;
	v3 =	vadd.f32 v29, v3;
	v9 =	vadd.f32 v18, v9  }
0x2e2: {  	v31 =	vor.u32 $0x22, v1;
	v36 =	vld.idx.msk [tilespmem:v63+s12+$0x0], $0xffff;
	v4 =	vadd.f32 v38, v4;
	v5 =	vadd.f32 v39, v5  }
0x2e3: {  	v17 =	vld.idx.msk [tilespmem:v63+s13+$0x0], $0xffff;
	v8 =	vadd.f32 v40, v8;
	v40 =	vor.u32 $0x24, v1;
	v7 =	vadd.f32 v42, v7  }
0x2e4: {  	v63 =	vld.idx.msk [tilespmem:v51+s12+$0x0], $0xffff;
	v2 =	vadd.f32 v44, v2;
	v59 =	vmul.f32 v49, v49;
	v62 =	vmul.f32 v21, v21  }
0x2e5: {  	v43 =	vld.idx.msk [tilespmem:v32+s12+$0x0], $0xffff;
	v10 =	vadd.f32 v47, v10;
	v29 =	vmul.f32 v21, v49;
	v37 =	vmul.f32 v58, v58  }
0x2e6: {  	v45 =	vld.idx.msk [tilespmem:v32+s13+$0x0], $0xffff;
	v4 =	vadd.f32 v59, v4;
	v44 =	vmul.f32 v30, v30;
	v32 =	vmul.f32 v53, v53  }
0x2e7: {  	v26 =	vld.idx.msk [tilespmem:v55+s12+$0x0], $0xffff;
	v5 =	vadd.f32 v62, v5;
	v33 =	vmul.f32 v16, v16;
	v34 =	vmul.f32 v16, v53  }
0x2e8: {  	v35 =	vld.idx.msk [tilespmem:v55+s13+$0x0], $0xffff;
	v8 =	vadd.f32 v29, v8;
	v39 =	vmul.f32 v60, v60;
	v41 =	vmul.f32 v60, v58  }
0x2e9: {  	v29 =	vor.u32 $0x2B, v1;
	v38 =	vld.idx.msk [tilespmem:v61+s12+$0x0], $0xffff;
	v48 =	vmul.f32 v36, v36;
	v50 =	vmul.f32 v17, v17  }
0x2ea: {  	v24 =	vld.idx.msk [tilespmem:v61+s13+$0x0], $0xffff;
	v61 =	vor.u32 $0x29, v1;
	v52 =	vmul.f32 v17, v36;
	v42 =	vmul.f32 v63, v63  }
0x2eb: {  	v36 =	vor.u32 $0x23, v1;
	v54 =	vmul.f32 v43, v43;
	v56 =	vmul.f32 v45, v45  }
0x2ec: {  	v57 =	vmul.f32 v45, v43;
	v7 =	vadd.f32 v32, v7;
	v2 =	vadd.f32 v33, v2  }
0x2ed: {  	v10 =	vadd.f32 v34, v10;
	v45 =	vmul.f32 v30, v63;
	v47 =	vmul.f32 v26, v26  }
0x2ee: {  	v21 =	vld.idx.msk [tilespmem:v31+s13+$0x0], $0xffff;
	v49 =	vmul.f32 v35, v35;
	v16 =	vmul.f32 v35, v26;
	v34 =	vor.u32 $0x2A, v1  }
0x2ef: {  	v43 =	vld.idx.msk [tilespmem:v31+s12+$0x0], $0xffff;
	v31 =	vor.u32 $0x31, v1;
	v13 =	vadd.f32 v48, v13;
	v3 =	vadd.f32 v50, v3  }
0x2f0: {  	v25 =	vld.idx.msk [tilespmem:v40+s13+$0x0], $0xffff;
	v32 =	vor.u32 $0x33, v1;
	v9 =	vadd.f32 v52, v9;
	v11 =	vadd.f32 v54, v11  }
0x2f1: {  	v48 =	vor.u32 $0x26, v1;
	v50 =	vld.idx.msk [tilespmem:v40+s12+$0x0], $0xffff;
	v6 =	vadd.f32 v56, v6;
	v12 =	vadd.f32 v57, v12  }
0x2f2: {  	v52 =	vor.u32 $0x27, v1;
	v4 =	vadd.f32 v47, v4;
	v5 =	vadd.f32 v49, v5;
	v54 =	vld.idx.msk [tilespmem:v27+s12+$0x0], $0xffff  }
0x2f3: {  	v8 =	vadd.f32 v16, v8;
	v56 =	vld.idx.msk [tilespmem:v27+s13+$0x0], $0xffff;
	v57 =	vor.u32 $0x28, v1;
	v47 =	vor.u32 $0x2D, v1  }
0x2f4: {  	v49 =	vld.idx.msk [tilespmem:v29+s12+$0x0], $0xffff;
	v13 =	vadd.f32 v37, v13;
	v3 =	vadd.f32 v39, v3;
	v51 =	vmul.f32 v38, v38  }
0x2f5: {  	v9 =	vadd.f32 v41, v9;
	v53 =	vmul.f32 v24, v24;
	v55 =	vmul.f32 v24, v38;
	v40 =	vld.idx.msk [tilespmem:v61+s12+$0x0], $0xffff  }
0x2f6: {  	v59 =	vmul.f32 v21, v21;
	v11 =	vadd.f32 v42, v11;
	v46 =	vld.idx.msk [tilespmem:v36+s12+$0x0], $0xffff;
	v6 =	vadd.f32 v44, v6  }
0x2f7: {  	v17 =	vld.idx.msk [tilespmem:v36+s13+$0x0], $0xffff;
	v12 =	vadd.f32 v45, v12;
	v38 =	vmul.f32 v25, v25;
	v42 =	vor.u32 $0x2C, v1  }
0x2f8: {  	v7 =	vadd.f32 v51, v7;
	v2 =	vadd.f32 v53, v2;
	v60 =	vmul.f32 v21, v43;
	v21 =	vld.idx.msk [tilespmem:v61+s13+$0x0], $0xffff  }
0x2f9: {  	v58 =	vmul.f32 v43, v43;
	v10 =	vadd.f32 v55, v10;
	v3 =	vadd.f32 v59, v3;
	v51 =	vld.idx.msk [tilespmem:v29+s13+$0x0], $0xffff  }
0x2fa: {  	v63 =	vld.idx.msk [tilespmem:v52+s12+$0x0], $0xffff;
	v36 =	vmul.f32 v50, v50;
	v39 =	vmul.f32 v25, v50;
	v5 =	vadd.f32 v38, v5  }
0x2fb: {  	v26 =	vld.idx.msk [tilespmem:v52+s13+$0x0], $0xffff;
	v52 =	vor.u32 $0x2E, v1;
	v13 =	vadd.f32 v58, v13;
	v41 =	vmul.f32 v54, v54  }
0x2fc: {  	v28 =	vld.idx.msk [tilespmem:v48+s12+$0x0], $0xffff;
	v9 =	vadd.f32 v60, v9;
	v43 =	vmul.f32 v56, v56;
	v16 =	vmul.f32 v56, v54  }
0x2fd: {  	v20 =	vld.idx.msk [tilespmem:v48+s13+$0x0], $0xffff;
	v56 =	vor.u32 $0x2F, v1;
	v60 =	vor.u32 $0x30, v1;
	v4 =	vadd.f32 v36, v4  }
0x2fe: {  	v37 =	vld.idx.msk [tilespmem:v57+s12+$0x0], $0xffff;
	v8 =	vadd.f32 v39, v8;
	v39 =	vor.u32 $0x32, v1;
	v62 =	vmul.f32 v46, v46  }
0x2ff: {  	v33 =	vmul.f32 v17, v17;
	v35 =	vmul.f32 v17, v46;
	v7 =	vadd.f32 v41, v7;
	v30 =	vld.idx.msk [tilespmem:v42+s12+$0x0], $0xffff  }
0x300: {  	v2 =	vadd.f32 v43, v2;
	v22 =	vld.idx.msk [tilespmem:v42+s13+$0x0], $0xffff;
	v42 =	vmul.f32 v49, v49;
	v36 =	vmul.f32 v21, v40  }
0x301: {  	v24 =	vld.idx.msk [tilespmem:v57+s13+$0x0], $0xffff;
	v10 =	vadd.f32 v16, v10;
	v43 =	vmul.f32 v51, v51;
	v16 =	vmul.f32 v51, v49  }
0x302: {  	v44 =	vld.idx.msk [tilespmem:v34+s12+$0x0], $0xffff;
	v11 =	vadd.f32 v62, v11;
	v45 =	vmul.f32 v28, v28;
	v48 =	vmul.f32 v20, v20  }
0x303: {  	v27 =	vld.idx.msk [tilespmem:v47+s13+$0x0], $0xffff;
	v6 =	vadd.f32 v33, v6;
	v50 =	vmul.f32 v20, v28;
	v53 =	vmul.f32 v63, v63  }
0x304: {  	v12 =	vadd.f32 v35, v12;
	v54 =	vmul.f32 v26, v26;
	v55 =	vmul.f32 v26, v63;
	v63 =	vld.idx.msk [tilespmem:v52+s12+$0x0], $0xffff  }
0x305: {  	v62 =	vmul.f32 v40, v40;
	v35 =	vmul.f32 v21, v21;
	v28 =	vld.idx.msk [tilespmem:v52+s13+$0x0], $0xffff;
	v52 =	vor.u32 $0x36, v1  }
0x306: {  	v58 =	vld.idx.msk [tilespmem:v47+s12+$0x0], $0xffff;
	v57 =	vmul.f32 v37, v37;
	v59 =	vmul.f32 v24, v24;
	v10 =	vadd.f32 v36, v10  }
0x307: {  	v46 =	vld.idx.msk [tilespmem:v34+s13+$0x0], $0xffff;
	v61 =	vmul.f32 v24, v37;
	v13 =	vadd.f32 v45, v13;
	v3 =	vadd.f32 v48, v3  }
0x308: {  	v37 =	vld.idx.msk [tilespmem:v56+s12+$0x0], $0xffff;
	v51 =	vmul.f32 v27, v27;
	v9 =	vadd.f32 v50, v9;
	v11 =	vadd.f32 v53, v11  }
0x309: {  	v38 =	vld.idx.msk [tilespmem:v56+s13+$0x0], $0xffff;
	v56 =	vor.u32 $0x37, v1;
	v6 =	vadd.f32 v54, v6;
	v12 =	vadd.f32 v55, v12  }
0x30a: {  	v41 =	vld.idx.msk [tilespmem:v60+s12+$0x0], $0xffff;
	v36 =	vor.u32 $0x3C, v1;
	v7 =	vadd.f32 v62, v7;
	v14 =	vadd.f32 v35, v2  }
0x30b: {  	v29 =	vld.idx.msk [tilespmem:v60+s13+$0x0], $0xffff;
	v2 =	vmul.f32 v44, v44;
	v48 =	vor.u32 $0x35, v1;
	v50 =	vmul.f32 v58, v58  }
0x30c: {  	v21 =	vld.idx.msk [tilespmem:v39+s13+$0x0], $0xffff;
	v53 =	vmul.f32 v27, v58;
	v58 =	vor.u32 $0x38, v1;
	v15 =	vadd.f32 v57, v4  }
0x30d: {  	v5 =	vadd.f32 v59, v5;
	v40 =	vmul.f32 v46, v46;
	v18 =	vmul.f32 v46, v44;
	v4 =	vld.idx.msk [tilespmem:v39+s12+$0x0], $0xffff  }
0x30e: {  	v8 =	vadd.f32 v61, v8;
	v45 =	vmul.f32 v30, v30;
	v47 =	vmul.f32 v22, v30;
	v30 =	vld.idx.msk [tilespmem:v32+s13+$0x0], $0xffff  }
0x30f: {  	v46 =	vmul.f32 v22, v22;
	v13 =	vadd.f32 v2, v13;
	v2 =	vld.idx.msk [tilespmem:v31+s12+$0x0], $0xffff;
	v11 =	vadd.f32 v42, v11  }
0x310: {  	v35 =	vor.u32 $0x3B, v1;
	v6 =	vadd.f32 v43, v6;
	v33 =	vadd.f32 v40, v3;
	v3 =	vld.idx.msk [tilespmem:v31+s13+$0x0], $0xffff  }
0x311: {  	v44 =	vor.u32 $0x34, v1;
	v12 =	vadd.f32 v16, v12;
	v49 =	vadd.f32 v46, v5;
	v5 =	vld.idx.msk [tilespmem:v32+s12+$0x0], $0xffff  }
0x312: {  	v61 =	vor.u32 $0x39, v1;
	v7 =	vadd.f32 v50, v7;
	v14 =	vadd.f32 v51, v14;
	v19 =	vld.idx.msk [tilespmem:v52+s12+$0x0], $0xffff  }
0x313: {  	v10 =	vadd.f32 v53, v10;
	v9 =	vadd.f32 v18, v9;
	v54 =	vmul.f32 v63, v63;
	v31 =	vld.idx.msk [tilespmem:v52+s13+$0x0], $0xffff  }
0x314: {  	v15 =	vadd.f32 v45, v15;
	v55 =	vmul.f32 v28, v28;
	v24 =	vmul.f32 v28, v63;
	v26 =	vld.idx.msk [tilespmem:v56+s13+$0x0], $0xffff  }
0x315: {  	v8 =	vadd.f32 v47, v8;
	v57 =	vmul.f32 v37, v37;
	v59 =	vmul.f32 v38, v38;
	v25 =	vld.idx.msk [tilespmem:v48+s12+$0x0], $0xffff  }
0x316: {  	v63 =	vor.u32 $0x3A, v1;
	v17 =	vmul.f32 v38, v37;
	v60 =	vmul.f32 v41, v41;
	v22 =	vld.idx.msk [tilespmem:v48+s13+$0x0], $0xffff  }
0x317: {  	v62 =	vmul.f32 v29, v29;
	v13 =	vadd.f32 v54, v13;
	v9 =	vadd.f32 v24, v9;
	v24 =	vld.idx.msk [tilespmem:v56+s12+$0x0], $0xffff  }
0x318: {  	v23 =	vmul.f32 v29, v41;
	v16 =	vadd.f32 v55, v33;
	v34 =	vld.idx.msk [tilespmem:v58+s12+$0x0], $0xffff;
	v11 =	vadd.f32 v57, v11  }
0x319: {  	v28 =	vld.idx.msk [tilespmem:v58+s13+$0x0], $0xffff;
	v42 =	vmul.f32 v21, v21;
	v6 =	vadd.f32 v59, v6;
	v12 =	vadd.f32 v17, v12  }
0x31a: {  	v27 =	vld.idx.msk [tilespmem:v44+s12+$0x0], $0xffff;
	v15 =	vadd.f32 v60, v15;
	v17 =	vadd.f32 v62, v49;
	v41 =	vmul.f32 v4, v4  }
0x31b: {  	v18 =	vld.idx.msk [tilespmem:v44+s13+$0x0], $0xffff;
	v8 =	vadd.f32 v23, v8;
	v44 =	vmul.f32 v30, v30;
	v4 =	vmul.f32 v21, v4  }
0x31c: {  	v32 =	vld.idx.msk [tilespmem:v61+s12+$0x0], $0xffff;
	v39 =	vmul.f32 v2, v2;
	v16 =	vadd.f32 v42, v16;
	v40 =	vmul.f32 v3, v3  }
0x31d: {  	v33 =	vld.idx.msk [tilespmem:v61+s13+$0x0], $0xffff;
	v13 =	vadd.f32 v41, v13;
	v43 =	vmul.f32 v5, v5;
	v6 =	vadd.f32 v44, v6  }
0x31e: {  	v42 =	vld.idx.msk [tilespmem:v36+s12+$0x0], $0xffff;
	v48 =	vmul.f32 v19, v19;
	v41 =	vmul.f32 v31, v31;
	v4 =	vadd.f32 v4, v9  }
0x31f: {  	v36 =	vld.idx.msk [tilespmem:v36+s13+$0x0], $0xffff;
	v7 =	vadd.f32 v39, v7;
	v39 =	vor.u32 $0x3D, v1;
	v50 =	vmul.f32 v26, v26  }
0x320: {  	v38 =	vld.idx.msk [tilespmem:v63+s12+$0x0], $0xffff;
	v14 =	vadd.f32 v40, v14;
	v11 =	vadd.f32 v43, v11;
	v37 =	vmul.f32 v27, v27  }
0x321: {  	v29 =	vld.idx.msk [tilespmem:v63+s13+$0x0], $0xffff;
	v46 =	vmul.f32 v25, v25;
	v47 =	vmul.f32 v22, v22;
	v40 =	vor.u32 $0x3E, v1  }
0x322: {  	v49 =	vmul.f32 v24, v24;
	v1 =	vor.u32 $0x3F, v1;
	v15 =	vadd.f32 v37, v15;
	v37 =	vld.idx.msk [tilespmem:v35+s12+$0x0], $0xffff  }
0x323: {  	v13 =	vadd.f32 v48, v13;
	v16 =	vadd.f32 v41, v16;
	v51 =	vmul.f32 v34, v34;
	v35 =	vld.idx.msk [tilespmem:v35+s13+$0x0], $0xffff  }
0x324: {  	v43 =	vmul.f32 v28, v28;
	v45 =	vmul.f32 v18, v18;
	v6 =	vadd.f32 v50, v6;
	v41 =	vld.idx.msk [tilespmem:v39+s12+$0x0], $0xffff  }
0x325: {  	v52 =	vmul.f32 v32, v32;
	v7 =	vadd.f32 v46, v7;
	v14 =	vadd.f32 v47, v14;
	v39 =	vld.idx.msk [tilespmem:v39+s13+$0x0], $0xffff  }
0x326: {  	v44 =	vmul.f32 v33, v33;
	v11 =	vadd.f32 v49, v11;
	v17 =	vadd.f32 v45, v17;
	v45 =	vld.idx.msk [tilespmem:v40+s12+$0x0], $0xffff  }
0x327: {  	v57 =	vmul.f32 v42, v42;
	v53 =	vmul.f32 v38, v38;
	v7 =	vadd.f32 v52, v7;
	v40 =	vld.idx.msk [tilespmem:v40+s13+$0x0], $0xffff  }
0x328: {  	v54 =	vmul.f32 v29, v29;
	v15 =	vadd.f32 v51, v15;
	v17 =	vadd.f32 v43, v17;
	v43 =	vld.idx.msk [tilespmem:v1+s12+$0x0], $0xffff  }
0x329: {  	v46 =	vmul.f32 v36, v36;
	v14 =	vadd.f32 v44, v14;
	v13 =	vadd.f32 v53, v13;
	v1 =	vld.idx.msk [tilespmem:v1+s13+$0x0], $0xffff  }
0x32a: {  	v16 =	vadd.f32 v54, v16;
	v15 =	vadd.f32 v57, v15;
	v55 =	vmul.f32 v37, v37  }
0x32b: {  	v17 =	vadd.f32 v46, v17;
	v56 =	vmul.f32 v35, v35;
	v58 =	vmul.f32 v41, v41  }
0x32c: {  	v59 =	vmul.f32 v39, v39;
	v11 =	vadd.f32 v55, v11;
	v60 =	vmul.f32 v45, v45  }
0x32d: {  	v6 =	vadd.f32 v56, v6;
	v61 =	vmul.f32 v43, v43;
	v62 =	vmul.f32 v40, v40  }
0x32e: {  	v63 =	vmul.f32 v1, v1;
	v7 =	vadd.f32 v58, v7;
	v14 =	vadd.f32 v59, v14  }
0x32f: {  	v13 =	vadd.f32 v60, v13;
	v11 =	vadd.f32 v61, v11  }
0x330: {  	v16 =	vadd.f32 v62, v16;
	v6 =	vadd.f32 v63, v6  }
0x331: {  	v2 =	vmul.f32 v3, v2;
	v3 =	vadd.f32 v7, v15;
	v15 =	vadd.f32 v11, v13  }
0x332: {  	v5 =	vmul.f32 v30, v5;
	v17 =	vadd.f32 v14, v17;
	v6 =	vadd.f32 v6, v16  }
0x333: {  	v2 =	vadd.f32 v2, v10;
	v30 =	vmul.f32 v22, v25;
	v3 =	vadd.f32 v15, v3  }
0x334: {  	v5 =	vadd.f32 v5, v12;
	v48 =	vmul.f32 v26, v24;
	v6 =	vadd.f32 v6, v17  }
0x335: {  	v20 =	vmul.f32 v18, v27;
	v50 =	vmul.f32 v28, v34;
	v21 =	vshra.s32 v3, $0x1  }
0x336: {  	v23 =	vmul.f32 $5.000000000e-01, v3;
	v11 =	vshra.s32 v6, $0x1;
	v27 =	vmul.f32 $5.000000000e-01, v6  }
0x337: {  	v52 =	vmul.f32 v33, v32;
	v9 =	vsub.s32 $0x5F3759DF, v21;
	v11 =	vsub.s32 $0x5F3759DF, v11  }
0x338: {  	v2 =	vadd.f32 v30, v2;
	v44 =	vmul.f32 v9, v23;
	v47 =	vmul.f32 v11, v27  }
0x339: {  	v5 =	vadd.f32 v48, v5;
	v53 =	vmul.f32 v29, v38;
	v46 =	vmul.f32 v31, v19  }
0x33a: {  	v2 =	vadd.f32 v52, v2;
	v15 =	vmul.f32 v9, v44;
	v49 =	vmul.f32 v11, v47  }
0x33b: {  	v54 =	vmul.f32 v35, v37;
	v4 =	vadd.f32 v46, v4;
	v55 =	vmul.f32 v36, v42  }
0x33c: {  	v56 =	vmul.f32 v39, v41;
	v51 =	vsub.f32 $1.500000000e+00, v15;
	v12 =	vsub.f32 $1.500000000e+00, v49  }
0x33d: {  	v5 =	vadd.f32 v54, v5;
	v1 =	vmul.f32 v1, v43;
	v7 =	vadd.f32 v20, v8  }
0x33e: {  	v4 =	vadd.f32 v53, v4;
	v9 =	vmul.f32 v9, v51;
	v11 =	vmul.f32 v11, v12  }
0x33f: {  	v57 =	vmul.f32 v40, v45;
	v2 =	vadd.f32 v56, v2;
	v7 =	vadd.f32 v50, v7  }
0x340: {  	v1 =	vadd.f32 v1, v5;
	v10 =	vmul.f32 v9, v23;
	v13 =	vmul.f32 v11, v27  }
0x341: {  	v4 =	vadd.f32 v57, v4;
	v7 =	vadd.f32 v55, v7  }
0x342: {  	v10 =	vmul.f32 v10, v9;
	v58 =	vmul.f32 v13, v11  }
0x343: {  	v1 =	vadd.f32 v1, v4;
	v2 =	vadd.f32 v2, v7  }
0x344: {  	v59 =	vsub.f32 $1.500000000e+00, v10;
	v8 =	vsub.f32 $1.500000000e+00, v58;
	_ =	sdelay $0x1  }
0x345: {  	v1 =	vadd.f32 v1, v2;
	v60 =	vmul.f32 v59, v9;
	v61 =	vmul.f32 v8, v11  }
0x346: {  	vm0 =	vge.f32 v3, $1.000000020e-24;
	vm15 =	vge.f32 v6, $1.000000020e-24  }
0x347: {  	v1 =	vadd.f32 v1, v1;
	v2 =	vnsel vm0, $0x5368D4A5, v60;
	v62 =	vnsel vm15, $0x5368D4A5, v61  }
0x348: {  	v3 =	vmul.f32 v2, v3;
	v5 =	vmul.f32 v62, v6  }
0x349: {  	v1 =	vmul.f32 v2, v1  }
0x34a: {  	v3 =	vmul.f32 v3, v2;
	v5 =	vmul.f32 v5, v62;
	_ =	sdelay $0x1  }
0x34b: {  	v1 =	vmul.f32 v62, v1;
	v2 =	vadd.f32 v5, v3;
	_ =	sdelay $0x1  }
0x34c: {  	v1 =	vsub.f32 v2, v1;
	_ =	sdelay $0x1  }
0x34d: {  	v1 =	vmax.f32 v1, $0.0e+00  }
0x34e: {  	v2 =	vshra.s32 v1, $0x1;
	v3 =	vmul.f32 $5.000000000e-01, v1  }
0x34f: {  	v2 =	vsub.s32 $0x5F3759DF, v2  }
0x350: {  	v63 =	vmul.f32 v2, v3;
	_ =	sdelay $0x1  }
0x351: {  	v4 =	vmul.f32 v2, v63;
	_ =	sdelay $0x1  }
0x352: {  	v4 =	vsub.f32 $1.500000000e+00, v4;
	_ =	sdelay $0x1  }
0x353: {  	v2 =	vmul.f32 v2, v4;
	_ =	sdelay $0x1  }
0x354: {  	v3 =	vmul.f32 v2, v3;
	_ =	sdelay $0x1  }
0x355: {  	v3 =	vmul.f32 v3, v2;
	_ =	sdelay $0x1  }
0x356: {  	v3 =	vsub.f32 $1.500000000e+00, v3;
	_ =	sdelay $0x1  }
0x357: {  	v2 =	vmul.f32 v3, v2  }
0x358: {  	p0 =	sne.s32 s16, $0x1F0  }
.Ltmp3:
0x359: {  	v1 =	vmul.f32 v2, v1;
	(pc) =	sbr.rel @p0 .LBB2_8-.Ltmp3, $3  }
0x35a: {  	_ = 	snop  }
0x35b: {  	v1 =	vsub.f32 $0.0e+00, v1;
	_ =	sdelay $0x1  }
0x35c: {  	s16 =	sadd.s32 $0x10, s16;
	[tilespmem:s17+$0x0] =	vst v1;
	s17 =	sadd.s32 $0x10, s17  }
0x35d: {  	s15 =	sadd.s32 $0x1, s15  }
0x35e: {  	p0 =	sne.s32 s15, s8  }
.Ltmp4:
0x35f: {  	_ = 	snop;
	(pc) =	sbr.rel @p0 .LBB2_1-.Ltmp4, $4  }
0x360: {  	[hbm4b:s7+s1] =	stream.linear.scatter [tilespmem:s14], [sflag:$0x9], $0x200, $0x38;
	[tilespmem:$0x10600] =	vst v63  }
0x361: {  	_ =	swait.ge [sflag:s9], $0x200  }
0x362: {  	[sflag:s9] =	ssyncset.done $0x0  }
0x363: {  	[sflag:s9] =	ssyncadd.s32 $0xFFFFFE00  }
0x364: {  	_ =	sfence.sel $0x180000  }
0x365: {  	[bflag:$0x0] =	sbarrier.arrive $0xFFFF  }
0x366: {  	_ =	strace $0x90000047  }
0x367: {  	s0 =	stileid.u32;
	[bflag:$0x2] =	sbarrier.arrive $0xFFFF  }
0x368: {  	p0 =	sne.s32 s0, $0x0;
	s0 =	rddreg [dreg:$0x4]  }
0x369: {  	s0 =	sadd.s32 @!p0 $0x100000, s0  }
0x36a: {  	[sflag:s0] =	ssyncadd.tile.s32 @!p0 $0x1;
	_ =	shalt  }
.Lfunc_end2:
_tile_overlayer_lowered:
.L_overlay_start_2:
0x36b: {  	(tag) =	ssettag $0x2  }
0x36c: {  	s0 =	rddreg [dreg:$0x0];
	s2 =	stileid.u32  }
0x36d: {  	s1 =	rddreg [dreg:$0x1];
	p0 =	sne.s32 s2, $0x0  }
0x36e: {  	s3 =	rddreg [dreg:$0x2];
	[bflag:$0x3] =	sbarrier.arrive $0xFFFF;
	s2 =	simm.s32 @!p0 $0x1C09  }
0x36f: {  	[timem:s3], [sflag:s2] =	dma.local @!p0 [hbm:s0], s1  }
0x370: {  	s0 =	simm.s32 @!p0 $0x9  }
0x371: {  	_ =	swait.ge @!p0 [sflag:s0], s1  }
0x372: {  	s1 =	ssub.s32 @!p0 $0x0, s1;
	[sflag:s0] =	ssyncset.done @!p0 $0x0  }
0x373: {  	[sflag:s0] =	ssyncadd.s32 @!p0 s1  }
0x374: {  	[bflag:$0x3] =	sbarrier.arrive $0xFFFF  }
0x375: {  	_ =	shalt  }

</sc_bundles>
